<compile_context>
chip_gen: v7x
topology: tpu7x:2x2x1
jax: 0.10.2.dev20260603
libtpu: 0.0.44.dev20260713+nightly
codegen_flags: <defaults>
</compile_context>

<pallas_src>
import functools

import jax
import jax.numpy as jnp
from jax import lax
from jax.experimental import pallas as pl
from jax.experimental.pallas import tpu as pltpu
from jax.experimental.pallas import tpu_sc as plsc

_NC = 2
_NS = 16
_NW = _NC * _NS
_C = 128
_G = 8


def _cdiv(a, b):
    return (a + b - 1) // b


def _sc_segsum(table, src2d, dst2d, zagg, n_pad, ch, rpt, edge_split, grp):
    d = table.shape[2]
    mesh = plsc.VectorSubcoreMesh(core_axis_name="c", subcore_axis_name="s")

    @functools.partial(
        pl.kernel,
        mesh=mesh,
        out_type=jax.ShapeDtypeStruct((_NC * n_pad, d), jnp.float32),
        compiler_params=pltpu.CompilerParams(use_tc_tiling_on_sc=False),
        scratch_types=[
            pltpu.VMEM((grp, _C), jnp.int32),
            pltpu.VMEM((grp, _C), jnp.int32),
            pltpu.VMEM((_C, d), jnp.float32),
            pltpu.VMEM((_C, d), jnp.float32),
            pltpu.VMEM_SHARED((n_pad, d), jnp.float32),
            pltpu.SemaphoreType.DMA,
        ],
    )
    def k(tab_hbm, src_hbm, dst_hbm, zagg_hbm,
          agg_out,
          src_v, dst_v, rows_v, rows_w, agg_sh, sem):
        c = lax.axis_index("c")
        s = lax.axis_index("s")
        r0 = s * rpt
        pltpu.sync_copy(zagg_hbm.at[pl.ds(0, _C)], rows_v)
        for off in range(0, rpt, _C):
            sz = min(_C, rpt - off)
            pltpu.sync_copy(rows_v.at[pl.ds(0, sz)],
                            agg_sh.at[pl.ds(r0 + off, sz)])
        plsc.subcore_barrier()

        if edge_split:
            tile_base = (c * _NS + s) * ch
            tab = tab_hbm.at[0]
        else:
            tile_base = s * ch
            tab = tab_hbm.at[c]

        bufs = [rows_v, rows_w]

        def group(g, carry):
            base = tile_base + g * grp
            pltpu.sync_copy(src_hbm.at[pl.ds(base, grp)], src_v)
            pltpu.sync_copy(dst_hbm.at[pl.ds(base, grp)], dst_v)
            pend = pltpu.async_copy(tab.at[src_v.at[0]], bufs[0], sem)
            for j in range(grp):
                pend.wait()
                if j + 1 < grp:
                    pend = pltpu.async_copy(tab.at[src_v.at[j + 1]],
                                            bufs[(j + 1) % 2], sem)
                pltpu.sync_copy(bufs[j % 2], agg_sh.at[dst_v.at[j]], add=True)
            return carry

        lax.fori_loop(0, ch // grp, group, 0)
        plsc.subcore_barrier()
        o0 = c * n_pad + r0
        for off in range(0, rpt, _C):
            sz = min(_C, rpt - off)
            pltpu.sync_copy(agg_sh.at[pl.ds(r0 + off, sz)],
                            rows_v.at[pl.ds(0, sz)])
            pltpu.sync_copy(rows_v.at[pl.ds(0, sz)],
                            agg_out.at[pl.ds(o0 + off, sz)])

    return k(table, src2d, dst2d, zagg).reshape(_NC, n_pad, d)


def _tc_layer1(x, agg1, W_self, W_neigh, b, blk):
    n, d_in = x.shape
    d_out = W_self.shape[1]
    grid = (n // blk,)

    def body(x_ref, a_ref, ws_ref, wn_ref, b_ref, out_ref, deg_ref):
        a = a_ref[0] + a_ref[1]
        deg = a[:, 128:129]
        inv = 1.0 / jnp.maximum(deg, 1.0)
        hn = a[:, :128] * inv
        h = (jnp.dot(x_ref[...], ws_ref[...], preferred_element_type=jnp.float32)
             + jnp.dot(hn, wn_ref[...], preferred_element_type=jnp.float32)
             + b_ref[...])
        h = jnp.maximum(h, 0.0)
        out_ref[0] = h[:, :128]
        out_ref[1] = h[:, 128:]
        deg_ref[...] = a[:, 128:144]

    return pl.pallas_call(
        body,
        grid=grid,
        in_specs=[
            pl.BlockSpec((blk, d_in), lambda i: (i, 0)),
            pl.BlockSpec((2, blk, 144), lambda i: (0, i, 0)),
            pl.BlockSpec((d_in, d_out), lambda i: (0, 0)),
            pl.BlockSpec((d_in, d_out), lambda i: (0, 0)),
            pl.BlockSpec((1, d_out), lambda i: (0, 0)),
        ],
        out_specs=(
            pl.BlockSpec((2, blk, 128), lambda i: (0, i, 0)),
            pl.BlockSpec((blk, 16), lambda i: (i, 0)),
        ),
        out_shape=(
            jax.ShapeDtypeStruct((2, n, 128), jnp.float32),
            jax.ShapeDtypeStruct((n, 16), jnp.float32),
        ),
    )(x, agg1, W_self, W_neigh, b)


def _tc_layer2(h1h, agg2, deg, W_self, W_neigh, b, blk):
    n = h1h.shape[1]
    d = W_self.shape[0]
    d_out = W_self.shape[1]
    grid = (n // blk,)

    def body(h_ref, a_ref, deg_ref, ws_ref, wn_ref, b_ref, out_ref):
        deg = deg_ref[...][:, 0:1]
        inv = 1.0 / jnp.maximum(deg, 1.0)
        h1 = jnp.concatenate([h_ref[0], h_ref[1]], axis=1)
        hn = jnp.concatenate([a_ref[0], a_ref[1]], axis=1) * inv
        h = (jnp.dot(h1, ws_ref[...], preferred_element_type=jnp.float32)
             + jnp.dot(hn, wn_ref[...], preferred_element_type=jnp.float32)
             + b_ref[...])
        out_ref[...] = jnp.maximum(h, 0.0)

    return pl.pallas_call(
        body,
        grid=grid,
        in_specs=[
            pl.BlockSpec((2, blk, 128), lambda i: (0, i, 0)),
            pl.BlockSpec((2, blk, 128), lambda i: (0, i, 0)),
            pl.BlockSpec((blk, 16), lambda i: (i, 0)),
            pl.BlockSpec((d, d_out), lambda i: (0, 0)),
            pl.BlockSpec((d, d_out), lambda i: (0, 0)),
            pl.BlockSpec((1, d_out), lambda i: (0, 0)),
        ],
        out_specs=pl.BlockSpec((blk, d_out), lambda i: (i, 0)),
        out_shape=jax.ShapeDtypeStruct((n, d_out), jnp.float32),
    )(h1h, agg2, deg, W_self, W_neigh, b)


def kernel(x, edge_index, W_self1, W_neigh1, b1, W_self2, W_neigh2, b2):
    n, d_in = x.shape
    e = edge_index.shape[1]

    ch1 = _cdiv(_cdiv(e, _C * _NW), 8) * 8
    ch_tot = _NW * ch1
    e_pad = ch_tot * _C
    ch2 = ch_tot // _NS
    rpt = _cdiv(_cdiv(n + 1, _NS), 8) * 8
    n_pad = rpt * _NS

    src = edge_index[0].astype(jnp.int32)
    dst = edge_index[1].astype(jnp.int32)
    src2d = jnp.pad(src, (0, e_pad - e)).reshape(ch_tot, _C)
    dst2d = jnp.pad(dst, (0, e_pad - e), constant_values=n).reshape(ch_tot, _C)
    zagg1 = jnp.zeros((n_pad, 144), jnp.float32)
    zagg2 = jnp.zeros((n_pad, 128), jnp.float32)
    x_aug = jnp.concatenate([x, jnp.ones((n, 16), jnp.float32)], axis=1)
    x_aug = x_aug.reshape(1, n, 144)
    b1r = b1.reshape(1, -1)
    b2r = b2.reshape(1, -1)

    agg1 = _sc_segsum(x_aug, src2d, dst2d, zagg1, n_pad, ch1, rpt,
                      edge_split=True, grp=8)
    h1h, deg = _tc_layer1(x, agg1, W_self1, W_neigh1, b1r, blk=1000)
    agg2 = _sc_segsum(h1h, src2d, dst2d, zagg2, n_pad, ch2, rpt,
                      edge_split=False, grp=16)
    h2 = _tc_layer2(h1h, agg2, deg, W_self2, W_neigh2, b2r, blk=1000)
    return h2

# --- scband reference (transcript-rebuilt; emitter-appended) ---
"""Pipeline reference for scband-sage-29566554865945 (READ-ONLY COPY).

The authoritative reference and input builder live on the scoring server;
editing this copy changes nothing except your own understanding.
"""

import jax, jax.numpy as jnp
import numpy as np

N = 10000
E = 320000
D_IN = 128
D_HID = 256

def setup_inputs(seed: int = 0) -> dict:
    key = jax.random.key(seed)
    ks = jax.random.split(key, 10)
    x = jax.random.normal(ks[0], (N, D_IN), dtype=jnp.float32)
    edge_index = jax.random.randint(ks[1], (2, E), 0, N, dtype=jnp.int64)
    s1 = 1.0 / np.sqrt(D_IN)
    s2 = 1.0 / np.sqrt(D_HID)
    W_self1 = jax.random.uniform(ks[2], (D_IN, D_HID), jnp.float32, -s1, s1)
    W_neigh1 = jax.random.uniform(ks[3], (D_IN, D_HID), jnp.float32, -s1, s1)
    b1 = jnp.zeros((D_HID,), jnp.float32)
    W_self2 = jax.random.uniform(ks[4], (D_HID, D_HID), jnp.float32, -s2, s2)
    W_neigh2 = jax.random.uniform(ks[5], (D_HID, D_HID), jnp.float32, -s2, s2)
    b2 = jnp.zeros((D_HID,), jnp.float32)
    return {"x": x, "edge_index": edge_index, "W_self1": W_self1, "W_neigh1": W_neigh1, "b1": b1, "W_self2": W_self2, "W_neigh2": W_neigh2, "b2": b2}


def _sage_layer(h, src, dst, n_nodes, W_self, W_neigh, b):
    # DGL SAGEConv with 'mean' aggregation:
    #   h_neigh = mean over incoming neighbor features
    #   out = h @ W_self + h_neigh @ W_neigh + b
    msgs = jnp.take(h, src, axis=0)
    agg = jax.ops.segment_sum(msgs, dst, num_segments=n_nodes)
    deg = jax.ops.segment_sum(jnp.ones((src.shape[0],), h.dtype), dst, num_segments=n_nodes)
    h_neigh = agg / jnp.clip(deg, 1.0)[:, None]
    return h @ W_self + h_neigh @ W_neigh + b


def reference(x, edge_index, W_self1, W_neigh1, b1, W_self2, W_neigh2, b2):
    n_nodes = x.shape[0]
    src = edge_index[0]
    dst = edge_index[1]
    # layer 1: SAGEConv(in_size, hid_size, 'mean') -> relu -> dropout(p=0.0, identity)
    h = _sage_layer(x, src, dst, n_nodes, W_self1, W_neigh1, b1)
    h = jax.nn.relu(h)
    # layer 2: SAGEConv(hid_size, hid_size, 'mean') -> relu -> dropout(p=0.0, identity)
    h = _sage_layer(h, src, dst, n_nodes, W_self2, W_neigh2, b2)
    h = jax.nn.relu(h)
    return h

if __name__ == "__main__":
    import jax
    _d = setup_inputs()
    print(jax.jit(kernel)(*tuple(_d.values())))

</pallas_src>

<mosaic_0001>
#map = affine_map<(d0, d1) -> (0, 0, 0)>
#map1 = affine_map<(d0, d1) -> (0, 0)>
module attributes {stable_mosaic.version = 14 : i64} {
  func.func @k(%arg0: i32, %arg1: i32, %arg2: memref<2x10000x128xf32, #tpu.memory_space<hbm>>, %arg3: memref<2560x128xi32, #tpu.memory_space<hbm>>, %arg4: memref<2560x128xi32, #tpu.memory_space<hbm>>, %arg5: memref<10112x128xf32, #tpu.memory_space<hbm>>, %arg6: memref<20224x128xf32, #tpu.memory_space<hbm>>, %arg7: memref<16x128xi32, #tpu.memory_space<vmem>>, %arg8: memref<16x128xi32, #tpu.memory_space<vmem>>, %arg9: memref<128x128xf32, #tpu.memory_space<vmem>>, %arg10: memref<128x128xf32, #tpu.memory_space<vmem>>, %arg11: memref<10112x128xf32, #tpu.memory_space<vmem_shared>>, %arg12: memref<!tpu.dma_semaphore, #tpu.memory_space<semaphore_mem>>) attributes {dimension_semantics = [#tpu.dimension_semantics<core_parallel>, #tpu.dimension_semantics<subcore_parallel>], iteration_bounds = array<i64: 2, 16>, scalar_prefetch = 0 : i64, scratch_operands = 6 : i64, tpu.core_type = #tpu.core_type<sc_vector_subcore>, window_params = [{transform_indices = #map}, {transform_indices = #map1}, {transform_indices = #map1}, {transform_indices = #map1}, {transform_indices = #map1}]} {
    %mul3A = arith.constant 632 : i32
    %mul3A_0 = arith.muli %arg1, %mul3A : i32
    "tpu.region"() ({
      %run_scoped3A = tpu.sem_alloc : memref<!tpu.dma_semaphore, #tpu.memory_space<semaphore_mem>>
      %dma_start3A = arith.constant 0 : i32
      %dma_start3A_41 = arith.constant 0 : i32
      %dma_start3A_42 = tpu.memref_slice %arg5[%dma_start3A, %dma_start3A_41] : memref<10112x128xf32, #tpu.memory_space<hbm>> -> memref<128x128xf32, #tpu.memory_space<hbm>>
      %dma_start3A_43 = arith.constant 0 : i32
      %dma_start3A_44 = arith.constant 0 : i32
      %dma_start3A_45 = tpu.memref_slice %arg5[%dma_start3A_43, %dma_start3A_44] : memref<10112x128xf32, #tpu.memory_space<hbm>> -> memref<128x128xf32, #tpu.memory_space<hbm>>
      tpu.enqueue_dma source(%dma_start3A_45 : memref<128x128xf32, #tpu.memory_space<hbm>>) target(%arg9 : memref<128x128xf32, #tpu.memory_space<vmem>>) target_semaphore(%run_scoped3A : memref<!tpu.dma_semaphore, #tpu.memory_space<semaphore_mem>>)
      %dma_wait3A = arith.constant 0 : i32
      %dma_wait3A_46 = arith.constant 0 : i32
      %dma_wait3A_47 = tpu.memref_slice %arg5[%dma_wait3A, %dma_wait3A_46] : memref<10112x128xf32, #tpu.memory_space<hbm>> -> memref<128x128xf32, #tpu.memory_space<hbm>>
      %dma_wait3A_48 = arith.constant 0 : i32
      %dma_wait3A_49 = arith.constant 0 : i32
      %dma_wait3A_50 = tpu.memref_slice %arg5[%dma_wait3A_48, %dma_wait3A_49] : memref<10112x128xf32, #tpu.memory_space<hbm>> -> memref<128x128xf32, #tpu.memory_space<hbm>>
      tpu.wait_dma2 semaphore(%run_scoped3A : memref<!tpu.dma_semaphore, #tpu.memory_space<semaphore_mem>>) src(%dma_wait3A_50 : memref<128x128xf32, #tpu.memory_space<hbm>>) dst(%arg9 : memref<128x128xf32, #tpu.memory_space<vmem>>)
      tpu.yield
    }) : () -> ()
    %add3A = arith.constant 0 : i32
    %add3A_1 = arith.addi %mul3A_0, %add3A : i32
    "tpu.region"() ({
      %run_scoped3A = tpu.sem_alloc : memref<!tpu.dma_semaphore, #tpu.memory_space<semaphore_mem>>
      %dma_start3A = arith.constant 0 : i32
      %dma_start3A_41 = arith.constant 0 : i32
      %dma_start3A_42 = tpu.memref_slice %arg9[%dma_start3A, %dma_start3A_41] : memref<128x128xf32, #tpu.memory_space<vmem>> -> memref<128x128xf32, #tpu.memory_space<vmem>>
      %dma_start3A_43 = arith.constant 0 : i32
      %dma_start3A_44 = tpu.memref_slice %arg11[%add3A_1, %dma_start3A_43] : memref<10112x128xf32, #tpu.memory_space<vmem_shared>> -> memref<128x128xf32, #tpu.memory_space<vmem_shared>>
      %dma_start3A_45 = arith.constant 0 : i32
      %dma_start3A_46 = tpu.memref_slice %arg11[%add3A_1, %dma_start3A_45] : memref<10112x128xf32, #tpu.memory_space<vmem_shared>> -> memref<128x128xf32, #tpu.memory_space<vmem_shared>>
      %dma_start3A_47 = arith.constant 0 : i32
      %dma_start3A_48 = arith.constant 0 : i32
      %dma_start3A_49 = tpu.memref_slice %arg9[%dma_start3A_47, %dma_start3A_48] : memref<128x128xf32, #tpu.memory_space<vmem>> -> memref<128x128xf32, #tpu.memory_space<vmem>>
      tpu.enqueue_dma source(%dma_start3A_49 : memref<128x128xf32, #tpu.memory_space<vmem>>) target(%dma_start3A_46 : memref<128x128xf32, #tpu.memory_space<vmem_shared>>) target_semaphore(%run_scoped3A : memref<!tpu.dma_semaphore, #tpu.memory_space<semaphore_mem>>)
      %dma_wait3A = arith.constant 0 : i32
      %dma_wait3A_50 = arith.constant 0 : i32
      %dma_wait3A_51 = tpu.memref_slice %arg9[%dma_wait3A, %dma_wait3A_50] : memref<128x128xf32, #tpu.memory_space<vmem>> -> memref<128x128xf32, #tpu.memory_space<vmem>>
      %dma_wait3A_52 = arith.constant 0 : i32
      %dma_wait3A_53 = tpu.memref_slice %arg11[%add3A_1, %dma_wait3A_52] : memref<10112x128xf32, #tpu.memory_space<vmem_shared>> -> memref<128x128xf32, #tpu.memory_space<vmem_shared>>
      %dma_wait3A_54 = arith.constant 0 : i32
      %dma_wait3A_55 = tpu.memref_slice %arg11[%add3A_1, %dma_wait3A_54] : memref<10112x128xf32, #tpu.memory_space<vmem_shared>> -> memref<128x128xf32, #tpu.memory_space<vmem_shared>>
      %dma_wait3A_56 = arith.constant 0 : i32
      %dma_wait3A_57 = arith.constant 0 : i32
      %dma_wait3A_58 = tpu.memref_slice %arg9[%dma_wait3A_56, %dma_wait3A_57] : memref<128x128xf32, #tpu.memory_space<vmem>> -> memref<128x128xf32, #tpu.memory_space<vmem>>
      tpu.wait_dma2 semaphore(%run_scoped3A : memref<!tpu.dma_semaphore, #tpu.memory_space<semaphore_mem>>) src(%dma_wait3A_58 : memref<128x128xf32, #tpu.memory_space<vmem>>) dst(%dma_wait3A_55 : memref<128x128xf32, #tpu.memory_space<vmem_shared>>)
      tpu.yield
    }) : () -> ()
    %add3A_2 = arith.constant 128 : i32
    %add3A_3 = arith.addi %mul3A_0, %add3A_2 : i32
    "tpu.region"() ({
      %run_scoped3A = tpu.sem_alloc : memref<!tpu.dma_semaphore, #tpu.memory_space<semaphore_mem>>
      %dma_start3A = arith.constant 0 : i32
      %dma_start3A_41 = arith.constant 0 : i32
      %dma_start3A_42 = tpu.memref_slice %arg9[%dma_start3A, %dma_start3A_41] : memref<128x128xf32, #tpu.memory_space<vmem>> -> memref<128x128xf32, #tpu.memory_space<vmem>>
      %dma_start3A_43 = arith.constant 0 : i32
      %dma_start3A_44 = tpu.memref_slice %arg11[%add3A_3, %dma_start3A_43] : memref<10112x128xf32, #tpu.memory_space<vmem_shared>> -> memref<128x128xf32, #tpu.memory_space<vmem_shared>>
      %dma_start3A_45 = arith.constant 0 : i32
      %dma_start3A_46 = tpu.memref_slice %arg11[%add3A_3, %dma_start3A_45] : memref<10112x128xf32, #tpu.memory_space<vmem_shared>> -> memref<128x128xf32, #tpu.memory_space<vmem_shared>>
      %dma_start3A_47 = arith.constant 0 : i32
      %dma_start3A_48 = arith.constant 0 : i32
      %dma_start3A_49 = tpu.memref_slice %arg9[%dma_start3A_47, %dma_start3A_48] : memref<128x128xf32, #tpu.memory_space<vmem>> -> memref<128x128xf32, #tpu.memory_space<vmem>>
      tpu.enqueue_dma source(%dma_start3A_49 : memref<128x128xf32, #tpu.memory_space<vmem>>) target(%dma_start3A_46 : memref<128x128xf32, #tpu.memory_space<vmem_shared>>) target_semaphore(%run_scoped3A : memref<!tpu.dma_semaphore, #tpu.memory_space<semaphore_mem>>)
      %dma_wait3A = arith.constant 0 : i32
      %dma_wait3A_50 = arith.constant 0 : i32
      %dma_wait3A_51 = tpu.memref_slice %arg9[%dma_wait3A, %dma_wait3A_50] : memref<128x128xf32, #tpu.memory_space<vmem>> -> memref<128x128xf32, #tpu.memory_space<vmem>>
      %dma_wait3A_52 = arith.constant 0 : i32
      %dma_wait3A_53 = tpu.memref_slice %arg11[%add3A_3, %dma_wait3A_52] : memref<10112x128xf32, #tpu.memory_space<vmem_shared>> -> memref<128x128xf32, #tpu.memory_space<vmem_shared>>
      %dma_wait3A_54 = arith.constant 0 : i32
      %dma_wait3A_55 = tpu.memref_slice %arg11[%add3A_3, %dma_wait3A_54] : memref<10112x128xf32, #tpu.memory_space<vmem_shared>> -> memref<128x128xf32, #tpu.memory_space<vmem_shared>>
      %dma_wait3A_56 = arith.constant 0 : i32
      %dma_wait3A_57 = arith.constant 0 : i32
      %dma_wait3A_58 = tpu.memref_slice %arg9[%dma_wait3A_56, %dma_wait3A_57] : memref<128x128xf32, #tpu.memory_space<vmem>> -> memref<128x128xf32, #tpu.memory_space<vmem>>
      tpu.wait_dma2 semaphore(%run_scoped3A : memref<!tpu.dma_semaphore, #tpu.memory_space<semaphore_mem>>) src(%dma_wait3A_58 : memref<128x128xf32, #tpu.memory_space<vmem>>) dst(%dma_wait3A_55 : memref<128x128xf32, #tpu.memory_space<vmem_shared>>)
      tpu.yield
    }) : () -> ()
    %add3A_4 = arith.constant 256 : i32
    %add3A_5 = arith.addi %mul3A_0, %add3A_4 : i32
    "tpu.region"() ({
      %run_scoped3A = tpu.sem_alloc : memref<!tpu.dma_semaphore, #tpu.memory_space<semaphore_mem>>
      %dma_start3A = arith.constant 0 : i32
      %dma_start3A_41 = arith.constant 0 : i32
      %dma_start3A_42 = tpu.memref_slice %arg9[%dma_start3A, %dma_start3A_41] : memref<128x128xf32, #tpu.memory_space<vmem>> -> memref<128x128xf32, #tpu.memory_space<vmem>>
      %dma_start3A_43 = arith.constant 0 : i32
      %dma_start3A_44 = tpu.memref_slice %arg11[%add3A_5, %dma_start3A_43] : memref<10112x128xf32, #tpu.memory_space<vmem_shared>> -> memref<128x128xf32, #tpu.memory_space<vmem_shared>>
      %dma_start3A_45 = arith.constant 0 : i32
      %dma_start3A_46 = tpu.memref_slice %arg11[%add3A_5, %dma_start3A_45] : memref<10112x128xf32, #tpu.memory_space<vmem_shared>> -> memref<128x128xf32, #tpu.memory_space<vmem_shared>>
      %dma_start3A_47 = arith.constant 0 : i32
      %dma_start3A_48 = arith.constant 0 : i32
      %dma_start3A_49 = tpu.memref_slice %arg9[%dma_start3A_47, %dma_start3A_48] : memref<128x128xf32, #tpu.memory_space<vmem>> -> memref<128x128xf32, #tpu.memory_space<vmem>>
      tpu.enqueue_dma source(%dma_start3A_49 : memref<128x128xf32, #tpu.memory_space<vmem>>) target(%dma_start3A_46 : memref<128x128xf32, #tpu.memory_space<vmem_shared>>) target_semaphore(%run_scoped3A : memref<!tpu.dma_semaphore, #tpu.memory_space<semaphore_mem>>)
      %dma_wait3A = arith.constant 0 : i32
      %dma_wait3A_50 = arith.constant 0 : i32
      %dma_wait3A_51 = tpu.memref_slice %arg9[%dma_wait3A, %dma_wait3A_50] : memref<128x128xf32, #tpu.memory_space<vmem>> -> memref<128x128xf32, #tpu.memory_space<vmem>>
      %dma_wait3A_52 = arith.constant 0 : i32
      %dma_wait3A_53 = tpu.memref_slice %arg11[%add3A_5, %dma_wait3A_52] : memref<10112x128xf32, #tpu.memory_space<vmem_shared>> -> memref<128x128xf32, #tpu.memory_space<vmem_shared>>
      %dma_wait3A_54 = arith.constant 0 : i32
      %dma_wait3A_55 = tpu.memref_slice %arg11[%add3A_5, %dma_wait3A_54] : memref<10112x128xf32, #tpu.memory_space<vmem_shared>> -> memref<128x128xf32, #tpu.memory_space<vmem_shared>>
      %dma_wait3A_56 = arith.constant 0 : i32
      %dma_wait3A_57 = arith.constant 0 : i32
      %dma_wait3A_58 = tpu.memref_slice %arg9[%dma_wait3A_56, %dma_wait3A_57] : memref<128x128xf32, #tpu.memory_space<vmem>> -> memref<128x128xf32, #tpu.memory_space<vmem>>
      tpu.wait_dma2 semaphore(%run_scoped3A : memref<!tpu.dma_semaphore, #tpu.memory_space<semaphore_mem>>) src(%dma_wait3A_58 : memref<128x128xf32, #tpu.memory_space<vmem>>) dst(%dma_wait3A_55 : memref<128x128xf32, #tpu.memory_space<vmem_shared>>)
      tpu.yield
    }) : () -> ()
    %add3A_6 = arith.constant 384 : i32
    %add3A_7 = arith.addi %mul3A_0, %add3A_6 : i32
    "tpu.region"() ({
      %run_scoped3A = tpu.sem_alloc : memref<!tpu.dma_semaphore, #tpu.memory_space<semaphore_mem>>
      %dma_start3A = arith.constant 0 : i32
      %dma_start3A_41 = arith.constant 0 : i32
      %dma_start3A_42 = tpu.memref_slice %arg9[%dma_start3A, %dma_start3A_41] : memref<128x128xf32, #tpu.memory_space<vmem>> -> memref<128x128xf32, #tpu.memory_space<vmem>>
      %dma_start3A_43 = arith.constant 0 : i32
      %dma_start3A_44 = tpu.memref_slice %arg11[%add3A_7, %dma_start3A_43] : memref<10112x128xf32, #tpu.memory_space<vmem_shared>> -> memref<128x128xf32, #tpu.memory_space<vmem_shared>>
      %dma_start3A_45 = arith.constant 0 : i32
      %dma_start3A_46 = tpu.memref_slice %arg11[%add3A_7, %dma_start3A_45] : memref<10112x128xf32, #tpu.memory_space<vmem_shared>> -> memref<128x128xf32, #tpu.memory_space<vmem_shared>>
      %dma_start3A_47 = arith.constant 0 : i32
      %dma_start3A_48 = arith.constant 0 : i32
      %dma_start3A_49 = tpu.memref_slice %arg9[%dma_start3A_47, %dma_start3A_48] : memref<128x128xf32, #tpu.memory_space<vmem>> -> memref<128x128xf32, #tpu.memory_space<vmem>>
      tpu.enqueue_dma source(%dma_start3A_49 : memref<128x128xf32, #tpu.memory_space<vmem>>) target(%dma_start3A_46 : memref<128x128xf32, #tpu.memory_space<vmem_shared>>) target_semaphore(%run_scoped3A : memref<!tpu.dma_semaphore, #tpu.memory_space<semaphore_mem>>)
      %dma_wait3A = arith.constant 0 : i32
      %dma_wait3A_50 = arith.constant 0 : i32
      %dma_wait3A_51 = tpu.memref_slice %arg9[%dma_wait3A, %dma_wait3A_50] : memref<128x128xf32, #tpu.memory_space<vmem>> -> memref<128x128xf32, #tpu.memory_space<vmem>>
      %dma_wait3A_52 = arith.constant 0 : i32
      %dma_wait3A_53 = tpu.memref_slice %arg11[%add3A_7, %dma_wait3A_52] : memref<10112x128xf32, #tpu.memory_space<vmem_shared>> -> memref<128x128xf32, #tpu.memory_space<vmem_shared>>
      %dma_wait3A_54 = arith.constant 0 : i32
      %dma_wait3A_55 = tpu.memref_slice %arg11[%add3A_7, %dma_wait3A_54] : memref<10112x128xf32, #tpu.memory_space<vmem_shared>> -> memref<128x128xf32, #tpu.memory_space<vmem_shared>>
      %dma_wait3A_56 = arith.constant 0 : i32
      %dma_wait3A_57 = arith.constant 0 : i32
      %dma_wait3A_58 = tpu.memref_slice %arg9[%dma_wait3A_56, %dma_wait3A_57] : memref<128x128xf32, #tpu.memory_space<vmem>> -> memref<128x128xf32, #tpu.memory_space<vmem>>
      tpu.wait_dma2 semaphore(%run_scoped3A : memref<!tpu.dma_semaphore, #tpu.memory_space<semaphore_mem>>) src(%dma_wait3A_58 : memref<128x128xf32, #tpu.memory_space<vmem>>) dst(%dma_wait3A_55 : memref<128x128xf32, #tpu.memory_space<vmem_shared>>)
      tpu.yield
    }) : () -> ()
    %add3A_8 = arith.constant 512 : i32
    %add3A_9 = arith.addi %mul3A_0, %add3A_8 : i32
    "tpu.region"() ({
      %run_scoped3A = tpu.sem_alloc : memref<!tpu.dma_semaphore, #tpu.memory_space<semaphore_mem>>
      %dma_start3A = arith.constant 0 : i32
      %dma_start3A_41 = arith.constant 0 : i32
      %dma_start3A_42 = tpu.memref_slice %arg9[%dma_start3A, %dma_start3A_41] : memref<128x128xf32, #tpu.memory_space<vmem>> -> memref<120x128xf32, #tpu.memory_space<vmem>>
      %dma_start3A_43 = arith.constant 0 : i32
      %dma_start3A_44 = tpu.memref_slice %arg11[%add3A_9, %dma_start3A_43] : memref<10112x128xf32, #tpu.memory_space<vmem_shared>> -> memref<120x128xf32, #tpu.memory_space<vmem_shared>>
      %dma_start3A_45 = arith.constant 0 : i32
      %dma_start3A_46 = tpu.memref_slice %arg11[%add3A_9, %dma_start3A_45] : memref<10112x128xf32, #tpu.memory_space<vmem_shared>> -> memref<120x128xf32, #tpu.memory_space<vmem_shared>>
      %dma_start3A_47 = arith.constant 0 : i32
      %dma_start3A_48 = arith.constant 0 : i32
      %dma_start3A_49 = tpu.memref_slice %arg9[%dma_start3A_47, %dma_start3A_48] : memref<128x128xf32, #tpu.memory_space<vmem>> -> memref<120x128xf32, #tpu.memory_space<vmem>>
      tpu.enqueue_dma source(%dma_start3A_49 : memref<120x128xf32, #tpu.memory_space<vmem>>) target(%dma_start3A_46 : memref<120x128xf32, #tpu.memory_space<vmem_shared>>) target_semaphore(%run_scoped3A : memref<!tpu.dma_semaphore, #tpu.memory_space<semaphore_mem>>)
      %dma_wait3A = arith.constant 0 : i32
      %dma_wait3A_50 = arith.constant 0 : i32
      %dma_wait3A_51 = tpu.memref_slice %arg9[%dma_wait3A, %dma_wait3A_50] : memref<128x128xf32, #tpu.memory_space<vmem>> -> memref<120x128xf32, #tpu.memory_space<vmem>>
      %dma_wait3A_52 = arith.constant 0 : i32
      %dma_wait3A_53 = tpu.memref_slice %arg11[%add3A_9, %dma_wait3A_52] : memref<10112x128xf32, #tpu.memory_space<vmem_shared>> -> memref<120x128xf32, #tpu.memory_space<vmem_shared>>
      %dma_wait3A_54 = arith.constant 0 : i32
      %dma_wait3A_55 = tpu.memref_slice %arg11[%add3A_9, %dma_wait3A_54] : memref<10112x128xf32, #tpu.memory_space<vmem_shared>> -> memref<120x128xf32, #tpu.memory_space<vmem_shared>>
      %dma_wait3A_56 = arith.constant 0 : i32
      %dma_wait3A_57 = arith.constant 0 : i32
      %dma_wait3A_58 = tpu.memref_slice %arg9[%dma_wait3A_56, %dma_wait3A_57] : memref<128x128xf32, #tpu.memory_space<vmem>> -> memref<120x128xf32, #tpu.memory_space<vmem>>
      tpu.wait_dma2 semaphore(%run_scoped3A : memref<!tpu.dma_semaphore, #tpu.memory_space<semaphore_mem>>) src(%dma_wait3A_58 : memref<120x128xf32, #tpu.memory_space<vmem>>) dst(%dma_wait3A_55 : memref<120x128xf32, #tpu.memory_space<vmem_shared>>)
      tpu.yield
    }) : () -> ()
    %barrier3A = arith.constant 0 : index
    tpu.barrier barrier_id(%barrier3A)
    %mul3A_10 = arith.constant 160 : i32
    %mul3A_11 = arith.muli %arg1, %mul3A_10 : i32
    %scan3A = arith.constant 0 : i32
    %scan3A_12 = arith.constant 0 : i32
    %scan3A_13 = arith.constant 10 : i32
    %scan3A_14 = arith.addi %scan3A_12, %scan3A_13 : i32
    %scan3A_15 = arith.constant 1 : i32
    scf.for %scan3A_41 = %scan3A_12 to %scan3A_14 step %scan3A_15  : i32 {
      %mul3A_42 = arith.constant 16 : i32
      %mul3A_43 = arith.muli %scan3A_41, %mul3A_42 : i32
      %add3A_44 = arith.addi %mul3A_11, %mul3A_43 : i32
      "tpu.region"() ({
        %run_scoped3A_410 = tpu.sem_alloc : memref<!tpu.dma_semaphore, #tpu.memory_space<semaphore_mem>>
        %dma_start3A_411 = arith.constant 0 : i32
        %dma_start3A_412 = tpu.memref_slice %arg3[%add3A_44, %dma_start3A_411] : memref<2560x128xi32, #tpu.memory_space<hbm>> -> memref<16x128xi32, #tpu.memory_space<hbm>>
        %dma_start3A_413 = arith.constant 0 : i32
        %dma_start3A_414 = tpu.memref_slice %arg3[%add3A_44, %dma_start3A_413] : memref<2560x128xi32, #tpu.memory_space<hbm>> -> memref<16x128xi32, #tpu.memory_space<hbm>>
        tpu.enqueue_dma source(%dma_start3A_414 : memref<16x128xi32, #tpu.memory_space<hbm>>) target(%arg7 : memref<16x128xi32, #tpu.memory_space<vmem>>) target_semaphore(%run_scoped3A_410 : memref<!tpu.dma_semaphore, #tpu.memory_space<semaphore_mem>>)
        %dma_wait3A_415 = arith.constant 0 : i32
        %dma_wait3A_416 = tpu.memref_slice %arg3[%add3A_44, %dma_wait3A_415] : memref<2560x128xi32, #tpu.memory_space<hbm>> -> memref<16x128xi32, #tpu.memory_space<hbm>>
        %dma_wait3A_417 = arith.constant 0 : i32
        %dma_wait3A_418 = tpu.memref_slice %arg3[%add3A_44, %dma_wait3A_417] : memref<2560x128xi32, #tpu.memory_space<hbm>> -> memref<16x128xi32, #tpu.memory_space<hbm>>
        tpu.wait_dma2 semaphore(%run_scoped3A_410 : memref<!tpu.dma_semaphore, #tpu.memory_space<semaphore_mem>>) src(%dma_wait3A_418 : memref<16x128xi32, #tpu.memory_space<hbm>>) dst(%arg7 : memref<16x128xi32, #tpu.memory_space<vmem>>)
        tpu.yield
      }) : () -> ()
      "tpu.region"() ({
        %run_scoped3A_410 = tpu.sem_alloc : memref<!tpu.dma_semaphore, #tpu.memory_space<semaphore_mem>>
        %dma_start3A_411 = arith.constant 0 : i32
        %dma_start3A_412 = tpu.memref_slice %arg4[%add3A_44, %dma_start3A_411] : memref<2560x128xi32, #tpu.memory_space<hbm>> -> memref<16x128xi32, #tpu.memory_space<hbm>>
        %dma_start3A_413 = arith.constant 0 : i32
        %dma_start3A_414 = tpu.memref_slice %arg4[%add3A_44, %dma_start3A_413] : memref<2560x128xi32, #tpu.memory_space<hbm>> -> memref<16x128xi32, #tpu.memory_space<hbm>>
        tpu.enqueue_dma source(%dma_start3A_414 : memref<16x128xi32, #tpu.memory_space<hbm>>) target(%arg8 : memref<16x128xi32, #tpu.memory_space<vmem>>) target_semaphore(%run_scoped3A_410 : memref<!tpu.dma_semaphore, #tpu.memory_space<semaphore_mem>>)
        %dma_wait3A_415 = arith.constant 0 : i32
        %dma_wait3A_416 = tpu.memref_slice %arg4[%add3A_44, %dma_wait3A_415] : memref<2560x128xi32, #tpu.memory_space<hbm>> -> memref<16x128xi32, #tpu.memory_space<hbm>>
        %dma_wait3A_417 = arith.constant 0 : i32
        %dma_wait3A_418 = tpu.memref_slice %arg4[%add3A_44, %dma_wait3A_417] : memref<2560x128xi32, #tpu.memory_space<hbm>> -> memref<16x128xi32, #tpu.memory_space<hbm>>
        tpu.wait_dma2 semaphore(%run_scoped3A_410 : memref<!tpu.dma_semaphore, #tpu.memory_space<semaphore_mem>>) src(%dma_wait3A_418 : memref<16x128xi32, #tpu.memory_space<hbm>>) dst(%arg8 : memref<16x128xi32, #tpu.memory_space<vmem>>)
        tpu.yield
      }) : () -> ()
      %dma_start3A = arith.constant 0 : i32
      %dma_start3A_45 = arith.constant 0 : i32
      %dma_start3A_46 = tpu.memref_slice %arg7[%dma_start3A, %dma_start3A_45] : memref<16x128xi32, #tpu.memory_space<vmem>> -> memref<1x128xi32, #tpu.memory_space<vmem>>
      %dma_start3A_47 = tpu.memref_squeeze %dma_start3A_46 : memref<1x128xi32, #tpu.memory_space<vmem>> -> memref<128xi32, #tpu.memory_space<vmem>>
      %dma_start3A_48 = arith.constant 0 : i32
      %dma_start3A_49 = arith.constant 0 : i32
      %dma_start3A_50 = tpu.memref_slice %arg2[%arg0, %dma_start3A_48, %dma_start3A_49] : memref<2x10000x128xf32, #tpu.memory_space<hbm>> -> memref<1x10000x128xf32, #tpu.memory_space<hbm>>
      %dma_start3A_51 = tpu.memref_squeeze %dma_start3A_50 : memref<1x10000x128xf32, #tpu.memory_space<hbm>> -> memref<10000x128xf32, #tpu.memory_space<hbm>>
      %dma_start3A_52 = arith.constant 0 : i32
      %dma_start3A_53 = arith.constant 0 : i32
      %dma_start3A_54 = tpu.memref_slice %dma_start3A_51[%dma_start3A_52, %dma_start3A_53] : memref<10000x128xf32, #tpu.memory_space<hbm>> -> memref<10000x128xf32, #tpu.memory_space<hbm>>
      tpu.enqueue_indirect_dma source(%dma_start3A_54 : memref<10000x128xf32, #tpu.memory_space<hbm>>) target(%arg9 : memref<128x128xf32, #tpu.memory_space<vmem>>) offsets(%dma_start3A_47 : memref<128xi32, #tpu.memory_space<vmem>>) semaphore(%arg12 : memref<!tpu.dma_semaphore, #tpu.memory_space<semaphore_mem>>)
      %dma_wait3A = arith.constant 0 : i32
      %dma_wait3A_55 = arith.constant 0 : i32
      %dma_wait3A_56 = tpu.memref_slice %arg7[%dma_wait3A, %dma_wait3A_55] : memref<16x128xi32, #tpu.memory_space<vmem>> -> memref<1x128xi32, #tpu.memory_space<vmem>>
      %dma_wait3A_57 = tpu.memref_squeeze %dma_wait3A_56 : memref<1x128xi32, #tpu.memory_space<vmem>> -> memref<128xi32, #tpu.memory_space<vmem>>
      %dma_wait3A_58 = arith.constant 0 : i32
      %dma_wait3A_59 = arith.constant 0 : i32
      %dma_wait3A_60 = tpu.memref_slice %arg2[%arg0, %dma_wait3A_58, %dma_wait3A_59] : memref<2x10000x128xf32, #tpu.memory_space<hbm>> -> memref<1x10000x128xf32, #tpu.memory_space<hbm>>
      %dma_wait3A_61 = tpu.memref_squeeze %dma_wait3A_60 : memref<1x10000x128xf32, #tpu.memory_space<hbm>> -> memref<10000x128xf32, #tpu.memory_space<hbm>>
      %dma_wait3A_62 = arith.constant 0 : i32
      %dma_wait3A_63 = arith.constant 0 : i32
      %dma_wait3A_64 = tpu.memref_slice %dma_wait3A_61[%dma_wait3A_62, %dma_wait3A_63] : memref<10000x128xf32, #tpu.memory_space<hbm>> -> memref<10000x128xf32, #tpu.memory_space<hbm>>
      tpu.wait_indirect_dma semaphore(%arg12 : memref<!tpu.dma_semaphore, #tpu.memory_space<semaphore_mem>>) src(%dma_wait3A_64 : memref<10000x128xf32, #tpu.memory_space<hbm>>) dst(%arg9 : memref<128x128xf32, #tpu.memory_space<vmem>>)
      %dma_start3A_65 = arith.constant 1 : i32
      %dma_start3A_66 = arith.constant 0 : i32
      %dma_start3A_67 = tpu.memref_slice %arg7[%dma_start3A_65, %dma_start3A_66] : memref<16x128xi32, #tpu.memory_space<vmem>> -> memref<1x128xi32, #tpu.memory_space<vmem>>
      %dma_start3A_68 = tpu.memref_squeeze %dma_start3A_67 : memref<1x128xi32, #tpu.memory_space<vmem>> -> memref<128xi32, #tpu.memory_space<vmem>>
      %dma_start3A_69 = arith.constant 0 : i32
      %dma_start3A_70 = arith.constant 0 : i32
      %dma_start3A_71 = tpu.memref_slice %arg2[%arg0, %dma_start3A_69, %dma_start3A_70] : memref<2x10000x128xf32, #tpu.memory_space<hbm>> -> memref<1x10000x128xf32, #tpu.memory_space<hbm>>
      %dma_start3A_72 = tpu.memref_squeeze %dma_start3A_71 : memref<1x10000x128xf32, #tpu.memory_space<hbm>> -> memref<10000x128xf32, #tpu.memory_space<hbm>>
      %dma_start3A_73 = arith.constant 0 : i32
      %dma_start3A_74 = arith.constant 0 : i32
      %dma_start3A_75 = tpu.memref_slice %dma_start3A_72[%dma_start3A_73, %dma_start3A_74] : memref<10000x128xf32, #tpu.memory_space<hbm>> -> memref<10000x128xf32, #tpu.memory_space<hbm>>
      tpu.enqueue_indirect_dma source(%dma_start3A_75 : memref<10000x128xf32, #tpu.memory_space<hbm>>) target(%arg10 : memref<128x128xf32, #tpu.memory_space<vmem>>) offsets(%dma_start3A_68 : memref<128xi32, #tpu.memory_space<vmem>>) semaphore(%arg12 : memref<!tpu.dma_semaphore, #tpu.memory_space<semaphore_mem>>)
      %run_scoped3A = arith.constant 0 : i32
      "tpu.region"() ({
        %run_scoped3A_410 = tpu.sem_alloc : memref<!tpu.dma_semaphore, #tpu.memory_space<semaphore_mem>>
        %dma_start3A_411 = arith.constant 0 : i32
        %dma_start3A_412 = tpu.memref_slice %arg8[%run_scoped3A, %dma_start3A_411] : memref<16x128xi32, #tpu.memory_space<vmem>> -> memref<1x128xi32, #tpu.memory_space<vmem>>
        %dma_start3A_413 = tpu.memref_squeeze %dma_start3A_412 : memref<1x128xi32, #tpu.memory_space<vmem>> -> memref<128xi32, #tpu.memory_space<vmem>>
        %dma_start3A_414 = arith.constant 0 : i32
        %dma_start3A_415 = arith.constant 0 : i32
        %dma_start3A_416 = tpu.memref_slice %arg11[%dma_start3A_414, %dma_start3A_415] : memref<10112x128xf32, #tpu.memory_space<vmem_shared>> -> memref<10112x128xf32, #tpu.memory_space<vmem_shared>>
        tpu.enqueue_indirect_dma source(%arg9 : memref<128x128xf32, #tpu.memory_space<vmem>>) target(%dma_start3A_416 : memref<10112x128xf32, #tpu.memory_space<vmem_shared>>) offsets(%dma_start3A_413 : memref<128xi32, #tpu.memory_space<vmem>>) semaphore(%run_scoped3A_410 : memref<!tpu.dma_semaphore, #tpu.memory_space<semaphore_mem>>) {add = true}
        %dma_wait3A_417 = arith.constant 0 : i32
        %dma_wait3A_418 = tpu.memref_slice %arg8[%run_scoped3A, %dma_wait3A_417] : memref<16x128xi32, #tpu.memory_space<vmem>> -> memref<1x128xi32, #tpu.memory_space<vmem>>
        %dma_wait3A_419 = tpu.memref_squeeze %dma_wait3A_418 : memref<1x128xi32, #tpu.memory_space<vmem>> -> memref<128xi32, #tpu.memory_space<vmem>>
        %dma_wait3A_420 = arith.constant 0 : i32
        %dma_wait3A_421 = arith.constant 0 : i32
        %dma_wait3A_422 = tpu.memref_slice %arg11[%dma_wait3A_420, %dma_wait3A_421] : memref<10112x128xf32, #tpu.memory_space<vmem_shared>> -> memref<10112x128xf32, #tpu.memory_space<vmem_shared>>
        tpu.wait_indirect_dma semaphore(%run_scoped3A_410 : memref<!tpu.dma_semaphore, #tpu.memory_space<semaphore_mem>>) src(%arg9 : memref<128x128xf32, #tpu.memory_space<vmem>>) dst(%dma_wait3A_422 : memref<10112x128xf32, #tpu.memory_space<vmem_shared>>)
        tpu.yield
      }) : () -> ()
      %dma_wait3A_76 = arith.constant 1 : i32
      %dma_wait3A_77 = arith.constant 0 : i32
      %dma_wait3A_78 = tpu.memref_slice %arg7[%dma_wait3A_76, %dma_wait3A_77] : memref<16x128xi32, #tpu.memory_space<vmem>> -> memref<1x128xi32, #tpu.memory_space<vmem>>
      %dma_wait3A_79 = tpu.memref_squeeze %dma_wait3A_78 : memref<1x128xi32, #tpu.memory_space<vmem>> -> memref<128xi32, #tpu.memory_space<vmem>>
      %dma_wait3A_80 = arith.constant 0 : i32
      %dma_wait3A_81 = arith.constant 0 : i32
      %dma_wait3A_82 = tpu.memref_slice %arg2[%arg0, %dma_wait3A_80, %dma_wait3A_81] : memref<2x10000x128xf32, #tpu.memory_space<hbm>> -> memref<1x10000x128xf32, #tpu.memory_space<hbm>>
      %dma_wait3A_83 = tpu.memref_squeeze %dma_wait3A_82 : memref<1x10000x128xf32, #tpu.memory_space<hbm>> -> memref<10000x128xf32, #tpu.memory_space<hbm>>
      %dma_wait3A_84 = arith.constant 0 : i32
      %dma_wait3A_85 = arith.constant 0 : i32
      %dma_wait3A_86 = tpu.memref_slice %dma_wait3A_83[%dma_wait3A_84, %dma_wait3A_85] : memref<10000x128xf32, #tpu.memory_space<hbm>> -> memref<10000x128xf32, #tpu.memory_space<hbm>>
      tpu.wait_indirect_dma semaphore(%arg12 : memref<!tpu.dma_semaphore, #tpu.memory_space<semaphore_mem>>) src(%dma_wait3A_86 : memref<10000x128xf32, #tpu.memory_space<hbm>>) dst(%arg10 : memref<128x128xf32, #tpu.memory_space<vmem>>)
      %dma_start3A_87 = arith.constant 2 : i32
      %dma_start3A_88 = arith.constant 0 : i32
      %dma_start3A_89 = tpu.memref_slice %arg7[%dma_start3A_87, %dma_start3A_88] : memref<16x128xi32, #tpu.memory_space<vmem>> -> memref<1x128xi32, #tpu.memory_space<vmem>>
      %dma_start3A_90 = tpu.memref_squeeze %dma_start3A_89 : memref<1x128xi32, #tpu.memory_space<vmem>> -> memref<128xi32, #tpu.memory_space<vmem>>
      %dma_start3A_91 = arith.constant 0 : i32
      %dma_start3A_92 = arith.constant 0 : i32
      %dma_start3A_93 = tpu.memref_slice %arg2[%arg0, %dma_start3A_91, %dma_start3A_92] : memref<2x10000x128xf32, #tpu.memory_space<hbm>> -> memref<1x10000x128xf32, #tpu.memory_space<hbm>>
      %dma_start3A_94 = tpu.memref_squeeze %dma_start3A_93 : memref<1x10000x128xf32, #tpu.memory_space<hbm>> -> memref<10000x128xf32, #tpu.memory_space<hbm>>
      %dma_start3A_95 = arith.constant 0 : i32
      %dma_start3A_96 = arith.constant 0 : i32
      %dma_start3A_97 = tpu.memref_slice %dma_start3A_94[%dma_start3A_95, %dma_start3A_96] : memref<10000x128xf32, #tpu.memory_space<hbm>> -> memref<10000x128xf32, #tpu.memory_space<hbm>>
      tpu.enqueue_indirect_dma source(%dma_start3A_97 : memref<10000x128xf32, #tpu.memory_space<hbm>>) target(%arg9 : memref<128x128xf32, #tpu.memory_space<vmem>>) offsets(%dma_start3A_90 : memref<128xi32, #tpu.memory_space<vmem>>) semaphore(%arg12 : memref<!tpu.dma_semaphore, #tpu.memory_space<semaphore_mem>>)
      %run_scoped3A_98 = arith.constant 1 : i32
      "tpu.region"() ({
        %run_scoped3A_410 = tpu.sem_alloc : memref<!tpu.dma_semaphore, #tpu.memory_space<semaphore_mem>>
        %dma_start3A_411 = arith.constant 0 : i32
        %dma_start3A_412 = tpu.memref_slice %arg8[%run_scoped3A_98, %dma_start3A_411] : memref<16x128xi32, #tpu.memory_space<vmem>> -> memref<1x128xi32, #tpu.memory_space<vmem>>
        %dma_start3A_413 = tpu.memref_squeeze %dma_start3A_412 : memref<1x128xi32, #tpu.memory_space<vmem>> -> memref<128xi32, #tpu.memory_space<vmem>>
        %dma_start3A_414 = arith.constant 0 : i32
        %dma_start3A_415 = arith.constant 0 : i32
        %dma_start3A_416 = tpu.memref_slice %arg11[%dma_start3A_414, %dma_start3A_415] : memref<10112x128xf32, #tpu.memory_space<vmem_shared>> -> memref<10112x128xf32, #tpu.memory_space<vmem_shared>>
        tpu.enqueue_indirect_dma source(%arg10 : memref<128x128xf32, #tpu.memory_space<vmem>>) target(%dma_start3A_416 : memref<10112x128xf32, #tpu.memory_space<vmem_shared>>) offsets(%dma_start3A_413 : memref<128xi32, #tpu.memory_space<vmem>>) semaphore(%run_scoped3A_410 : memref<!tpu.dma_semaphore, #tpu.memory_space<semaphore_mem>>) {add = true}
        %dma_wait3A_417 = arith.constant 0 : i32
        %dma_wait3A_418 = tpu.memref_slice %arg8[%run_scoped3A_98, %dma_wait3A_417] : memref<16x128xi32, #tpu.memory_space<vmem>> -> memref<1x128xi32, #tpu.memory_space<vmem>>
        %dma_wait3A_419 = tpu.memref_squeeze %dma_wait3A_418 : memref<1x128xi32, #tpu.memory_space<vmem>> -> memref<128xi32, #tpu.memory_space<vmem>>
        %dma_wait3A_420 = arith.constant 0 : i32
        %dma_wait3A_421 = arith.constant 0 : i32
        %dma_wait3A_422 = tpu.memref_slice %arg11[%dma_wait3A_420, %dma_wait3A_421] : memref<10112x128xf32, #tpu.memory_space<vmem_shared>> -> memref<10112x128xf32, #tpu.memory_space<vmem_shared>>
        tpu.wait_indirect_dma semaphore(%run_scoped3A_410 : memref<!tpu.dma_semaphore, #tpu.memory_space<semaphore_mem>>) src(%arg10 : memref<128x128xf32, #tpu.memory_space<vmem>>) dst(%dma_wait3A_422 : memref<10112x128xf32, #tpu.memory_space<vmem_shared>>)
        tpu.yield
      }) : () -> ()
      %dma_wait3A_99 = arith.constant 2 : i32
      %dma_wait3A_100 = arith.constant 0 : i32
      %dma_wait3A_101 = tpu.memref_slice %arg7[%dma_wait3A_99, %dma_wait3A_100] : memref<16x128xi32, #tpu.memory_space<vmem>> -> memref<1x128xi32, #tpu.memory_space<vmem>>
      %dma_wait3A_102 = tpu.memref_squeeze %dma_wait3A_101 : memref<1x128xi32, #tpu.memory_space<vmem>> -> memref<128xi32, #tpu.memory_space<vmem>>
      %dma_wait3A_103 = arith.constant 0 : i32
      %dma_wait3A_104 = arith.constant 0 : i32
      %dma_wait3A_105 = tpu.memref_slice %arg2[%arg0, %dma_wait3A_103, %dma_wait3A_104] : memref<2x10000x128xf32, #tpu.memory_space<hbm>> -> memref<1x10000x128xf32, #tpu.memory_space<hbm>>
      %dma_wait3A_106 = tpu.memref_squeeze %dma_wait3A_105 : memref<1x10000x128xf32, #tpu.memory_space<hbm>> -> memref<10000x128xf32, #tpu.memory_space<hbm>>
      %dma_wait3A_107 = arith.constant 0 : i32
      %dma_wait3A_108 = arith.constant 0 : i32
      %dma_wait3A_109 = tpu.memref_slice %dma_wait3A_106[%dma_wait3A_107, %dma_wait3A_108] : memref<10000x128xf32, #tpu.memory_space<hbm>> -> memref<10000x128xf32, #tpu.memory_space<hbm>>
      tpu.wait_indirect_dma semaphore(%arg12 : memref<!tpu.dma_semaphore, #tpu.memory_space<semaphore_mem>>) src(%dma_wait3A_109 : memref<10000x128xf32, #tpu.memory_space<hbm>>) dst(%arg9 : memref<128x128xf32, #tpu.memory_space<vmem>>)
      %dma_start3A_110 = arith.constant 3 : i32
      %dma_start3A_111 = arith.constant 0 : i32
      %dma_start3A_112 = tpu.memref_slice %arg7[%dma_start3A_110, %dma_start3A_111] : memref<16x128xi32, #tpu.memory_space<vmem>> -> memref<1x128xi32, #tpu.memory_space<vmem>>
      %dma_start3A_113 = tpu.memref_squeeze %dma_start3A_112 : memref<1x128xi32, #tpu.memory_space<vmem>> -> memref<128xi32, #tpu.memory_space<vmem>>
      %dma_start3A_114 = arith.constant 0 : i32
      %dma_start3A_115 = arith.constant 0 : i32
      %dma_start3A_116 = tpu.memref_slice %arg2[%arg0, %dma_start3A_114, %dma_start3A_115] : memref<2x10000x128xf32, #tpu.memory_space<hbm>> -> memref<1x10000x128xf32, #tpu.memory_space<hbm>>
      %dma_start3A_117 = tpu.memref_squeeze %dma_start3A_116 : memref<1x10000x128xf32, #tpu.memory_space<hbm>> -> memref<10000x128xf32, #tpu.memory_space<hbm>>
      %dma_start3A_118 = arith.constant 0 : i32
      %dma_start3A_119 = arith.constant 0 : i32
      %dma_start3A_120 = tpu.memref_slice %dma_start3A_117[%dma_start3A_118, %dma_start3A_119] : memref<10000x128xf32, #tpu.memory_space<hbm>> -> memref<10000x128xf32, #tpu.memory_space<hbm>>
      tpu.enqueue_indirect_dma source(%dma_start3A_120 : memref<10000x128xf32, #tpu.memory_space<hbm>>) target(%arg10 : memref<128x128xf32, #tpu.memory_space<vmem>>) offsets(%dma_start3A_113 : memref<128xi32, #tpu.memory_space<vmem>>) semaphore(%arg12 : memref<!tpu.dma_semaphore, #tpu.memory_space<semaphore_mem>>)
      %run_scoped3A_121 = arith.constant 2 : i32
      "tpu.region"() ({
        %run_scoped3A_410 = tpu.sem_alloc : memref<!tpu.dma_semaphore, #tpu.memory_space<semaphore_mem>>
        %dma_start3A_411 = arith.constant 0 : i32
        %dma_start3A_412 = tpu.memref_slice %arg8[%run_scoped3A_121, %dma_start3A_411] : memref<16x128xi32, #tpu.memory_space<vmem>> -> memref<1x128xi32, #tpu.memory_space<vmem>>
        %dma_start3A_413 = tpu.memref_squeeze %dma_start3A_412 : memref<1x128xi32, #tpu.memory_space<vmem>> -> memref<128xi32, #tpu.memory_space<vmem>>
        %dma_start3A_414 = arith.constant 0 : i32
        %dma_start3A_415 = arith.constant 0 : i32
        %dma_start3A_416 = tpu.memref_slice %arg11[%dma_start3A_414, %dma_start3A_415] : memref<10112x128xf32, #tpu.memory_space<vmem_shared>> -> memref<10112x128xf32, #tpu.memory_space<vmem_shared>>
        tpu.enqueue_indirect_dma source(%arg9 : memref<128x128xf32, #tpu.memory_space<vmem>>) target(%dma_start3A_416 : memref<10112x128xf32, #tpu.memory_space<vmem_shared>>) offsets(%dma_start3A_413 : memref<128xi32, #tpu.memory_space<vmem>>) semaphore(%run_scoped3A_410 : memref<!tpu.dma_semaphore, #tpu.memory_space<semaphore_mem>>) {add = true}
        %dma_wait3A_417 = arith.constant 0 : i32
        %dma_wait3A_418 = tpu.memref_slice %arg8[%run_scoped3A_121, %dma_wait3A_417] : memref<16x128xi32, #tpu.memory_space<vmem>> -> memref<1x128xi32, #tpu.memory_space<vmem>>
        %dma_wait3A_419 = tpu.memref_squeeze %dma_wait3A_418 : memref<1x128xi32, #tpu.memory_space<vmem>> -> memref<128xi32, #tpu.memory_space<vmem>>
        %dma_wait3A_420 = arith.constant 0 : i32
        %dma_wait3A_421 = arith.constant 0 : i32
        %dma_wait3A_422 = tpu.memref_slice %arg11[%dma_wait3A_420, %dma_wait3A_421] : memref<10112x128xf32, #tpu.memory_space<vmem_shared>> -> memref<10112x128xf32, #tpu.memory_space<vmem_shared>>
        tpu.wait_indirect_dma semaphore(%run_scoped3A_410 : memref<!tpu.dma_semaphore, #tpu.memory_space<semaphore_mem>>) src(%arg9 : memref<128x128xf32, #tpu.memory_space<vmem>>) dst(%dma_wait3A_422 : memref<10112x128xf32, #tpu.memory_space<vmem_shared>>)
        tpu.yield
      }) : () -> ()
      %dma_wait3A_122 = arith.constant 3 : i32
      %dma_wait3A_123 = arith.constant 0 : i32
      %dma_wait3A_124 = tpu.memref_slice %arg7[%dma_wait3A_122, %dma_wait3A_123] : memref<16x128xi32, #tpu.memory_space<vmem>> -> memref<1x128xi32, #tpu.memory_space<vmem>>
      %dma_wait3A_125 = tpu.memref_squeeze %dma_wait3A_124 : memref<1x128xi32, #tpu.memory_space<vmem>> -> memref<128xi32, #tpu.memory_space<vmem>>
      %dma_wait3A_126 = arith.constant 0 : i32
      %dma_wait3A_127 = arith.constant 0 : i32
      %dma_wait3A_128 = tpu.memref_slice %arg2[%arg0, %dma_wait3A_126, %dma_wait3A_127] : memref<2x10000x128xf32, #tpu.memory_space<hbm>> -> memref<1x10000x128xf32, #tpu.memory_space<hbm>>
      %dma_wait3A_129 = tpu.memref_squeeze %dma_wait3A_128 : memref<1x10000x128xf32, #tpu.memory_space<hbm>> -> memref<10000x128xf32, #tpu.memory_space<hbm>>
      %dma_wait3A_130 = arith.constant 0 : i32
      %dma_wait3A_131 = arith.constant 0 : i32
      %dma_wait3A_132 = tpu.memref_slice %dma_wait3A_129[%dma_wait3A_130, %dma_wait3A_131] : memref<10000x128xf32, #tpu.memory_space<hbm>> -> memref<10000x128xf32, #tpu.memory_space<hbm>>
      tpu.wait_indirect_dma semaphore(%arg12 : memref<!tpu.dma_semaphore, #tpu.memory_space<semaphore_mem>>) src(%dma_wait3A_132 : memref<10000x128xf32, #tpu.memory_space<hbm>>) dst(%arg10 : memref<128x128xf32, #tpu.memory_space<vmem>>)
      %dma_start3A_133 = arith.constant 4 : i32
      %dma_start3A_134 = arith.constant 0 : i32
      %dma_start3A_135 = tpu.memref_slice %arg7[%dma_start3A_133, %dma_start3A_134] : memref<16x128xi32, #tpu.memory_space<vmem>> -> memref<1x128xi32, #tpu.memory_space<vmem>>
      %dma_start3A_136 = tpu.memref_squeeze %dma_start3A_135 : memref<1x128xi32, #tpu.memory_space<vmem>> -> memref<128xi32, #tpu.memory_space<vmem>>
      %dma_start3A_137 = arith.constant 0 : i32
      %dma_start3A_138 = arith.constant 0 : i32
      %dma_start3A_139 = tpu.memref_slice %arg2[%arg0, %dma_start3A_137, %dma_start3A_138] : memref<2x10000x128xf32, #tpu.memory_space<hbm>> -> memref<1x10000x128xf32, #tpu.memory_space<hbm>>
      %dma_start3A_140 = tpu.memref_squeeze %dma_start3A_139 : memref<1x10000x128xf32, #tpu.memory_space<hbm>> -> memref<10000x128xf32, #tpu.memory_space<hbm>>
      %dma_start3A_141 = arith.constant 0 : i32
      %dma_start3A_142 = arith.constant 0 : i32
      %dma_start3A_143 = tpu.memref_slice %dma_start3A_140[%dma_start3A_141, %dma_start3A_142] : memref<10000x128xf32, #tpu.memory_space<hbm>> -> memref<10000x128xf32, #tpu.memory_space<hbm>>
      tpu.enqueue_indirect_dma source(%dma_start3A_143 : memref<10000x128xf32, #tpu.memory_space<hbm>>) target(%arg9 : memref<128x128xf32, #tpu.memory_space<vmem>>) offsets(%dma_start3A_136 : memref<128xi32, #tpu.memory_space<vmem>>) semaphore(%arg12 : memref<!tpu.dma_semaphore, #tpu.memory_space<semaphore_mem>>)
      %run_scoped3A_144 = arith.constant 3 : i32
      "tpu.region"() ({
        %run_scoped3A_410 = tpu.sem_alloc : memref<!tpu.dma_semaphore, #tpu.memory_space<semaphore_mem>>
        %dma_start3A_411 = arith.constant 0 : i32
        %dma_start3A_412 = tpu.memref_slice %arg8[%run_scoped3A_144, %dma_start3A_411] : memref<16x128xi32, #tpu.memory_space<vmem>> -> memref<1x128xi32, #tpu.memory_space<vmem>>
        %dma_start3A_413 = tpu.memref_squeeze %dma_start3A_412 : memref<1x128xi32, #tpu.memory_space<vmem>> -> memref<128xi32, #tpu.memory_space<vmem>>
        %dma_start3A_414 = arith.constant 0 : i32
        %dma_start3A_415 = arith.constant 0 : i32
        %dma_start3A_416 = tpu.memref_slice %arg11[%dma_start3A_414, %dma_start3A_415] : memref<10112x128xf32, #tpu.memory_space<vmem_shared>> -> memref<10112x128xf32, #tpu.memory_space<vmem_shared>>
        tpu.enqueue_indirect_dma source(%arg10 : memref<128x128xf32, #tpu.memory_space<vmem>>) target(%dma_start3A_416 : memref<10112x128xf32, #tpu.memory_space<vmem_shared>>) offsets(%dma_start3A_413 : memref<128xi32, #tpu.memory_space<vmem>>) semaphore(%run_scoped3A_410 : memref<!tpu.dma_semaphore, #tpu.memory_space<semaphore_mem>>) {add = true}
        %dma_wait3A_417 = arith.constant 0 : i32
        %dma_wait3A_418 = tpu.memref_slice %arg8[%run_scoped3A_144, %dma_wait3A_417] : memref<16x128xi32, #tpu.memory_space<vmem>> -> memref<1x128xi32, #tpu.memory_space<vmem>>
        %dma_wait3A_419 = tpu.memref_squeeze %dma_wait3A_418 : memref<1x128xi32, #tpu.memory_space<vmem>> -> memref<128xi32, #tpu.memory_space<vmem>>
        %dma_wait3A_420 = arith.constant 0 : i32
        %dma_wait3A_421 = arith.constant 0 : i32
        %dma_wait3A_422 = tpu.memref_slice %arg11[%dma_wait3A_420, %dma_wait3A_421] : memref<10112x128xf32, #tpu.memory_space<vmem_shared>> -> memref<10112x128xf32, #tpu.memory_space<vmem_shared>>
        tpu.wait_indirect_dma semaphore(%run_scoped3A_410 : memref<!tpu.dma_semaphore, #tpu.memory_space<semaphore_mem>>) src(%arg10 : memref<128x128xf32, #tpu.memory_space<vmem>>) dst(%dma_wait3A_422 : memref<10112x128xf32, #tpu.memory_space<vmem_shared>>)
        tpu.yield
      }) : () -> ()
      %dma_wait3A_145 = arith.constant 4 : i32
      %dma_wait3A_146 = arith.constant 0 : i32
      %dma_wait3A_147 = tpu.memref_slice %arg7[%dma_wait3A_145, %dma_wait3A_146] : memref<16x128xi32, #tpu.memory_space<vmem>> -> memref<1x128xi32, #tpu.memory_space<vmem>>
      %dma_wait3A_148 = tpu.memref_squeeze %dma_wait3A_147 : memref<1x128xi32, #tpu.memory_space<vmem>> -> memref<128xi32, #tpu.memory_space<vmem>>
      %dma_wait3A_149 = arith.constant 0 : i32
      %dma_wait3A_150 = arith.constant 0 : i32
      %dma_wait3A_151 = tpu.memref_slice %arg2[%arg0, %dma_wait3A_149, %dma_wait3A_150] : memref<2x10000x128xf32, #tpu.memory_space<hbm>> -> memref<1x10000x128xf32, #tpu.memory_space<hbm>>
      %dma_wait3A_152 = tpu.memref_squeeze %dma_wait3A_151 : memref<1x10000x128xf32, #tpu.memory_space<hbm>> -> memref<10000x128xf32, #tpu.memory_space<hbm>>
      %dma_wait3A_153 = arith.constant 0 : i32
      %dma_wait3A_154 = arith.constant 0 : i32
      %dma_wait3A_155 = tpu.memref_slice %dma_wait3A_152[%dma_wait3A_153, %dma_wait3A_154] : memref<10000x128xf32, #tpu.memory_space<hbm>> -> memref<10000x128xf32, #tpu.memory_space<hbm>>
      tpu.wait_indirect_dma semaphore(%arg12 : memref<!tpu.dma_semaphore, #tpu.memory_space<semaphore_mem>>) src(%dma_wait3A_155 : memref<10000x128xf32, #tpu.memory_space<hbm>>) dst(%arg9 : memref<128x128xf32, #tpu.memory_space<vmem>>)
      %dma_start3A_156 = arith.constant 5 : i32
      %dma_start3A_157 = arith.constant 0 : i32
      %dma_start3A_158 = tpu.memref_slice %arg7[%dma_start3A_156, %dma_start3A_157] : memref<16x128xi32, #tpu.memory_space<vmem>> -> memref<1x128xi32, #tpu.memory_space<vmem>>
      %dma_start3A_159 = tpu.memref_squeeze %dma_start3A_158 : memref<1x128xi32, #tpu.memory_space<vmem>> -> memref<128xi32, #tpu.memory_space<vmem>>
      %dma_start3A_160 = arith.constant 0 : i32
      %dma_start3A_161 = arith.constant 0 : i32
      %dma_start3A_162 = tpu.memref_slice %arg2[%arg0, %dma_start3A_160, %dma_start3A_161] : memref<2x10000x128xf32, #tpu.memory_space<hbm>> -> memref<1x10000x128xf32, #tpu.memory_space<hbm>>
      %dma_start3A_163 = tpu.memref_squeeze %dma_start3A_162 : memref<1x10000x128xf32, #tpu.memory_space<hbm>> -> memref<10000x128xf32, #tpu.memory_space<hbm>>
      %dma_start3A_164 = arith.constant 0 : i32
      %dma_start3A_165 = arith.constant 0 : i32
      %dma_start3A_166 = tpu.memref_slice %dma_start3A_163[%dma_start3A_164, %dma_start3A_165] : memref<10000x128xf32, #tpu.memory_space<hbm>> -> memref<10000x128xf32, #tpu.memory_space<hbm>>
      tpu.enqueue_indirect_dma source(%dma_start3A_166 : memref<10000x128xf32, #tpu.memory_space<hbm>>) target(%arg10 : memref<128x128xf32, #tpu.memory_space<vmem>>) offsets(%dma_start3A_159 : memref<128xi32, #tpu.memory_space<vmem>>) semaphore(%arg12 : memref<!tpu.dma_semaphore, #tpu.memory_space<semaphore_mem>>)
      %run_scoped3A_167 = arith.constant 4 : i32
      "tpu.region"() ({
        %run_scoped3A_410 = tpu.sem_alloc : memref<!tpu.dma_semaphore, #tpu.memory_space<semaphore_mem>>
        %dma_start3A_411 = arith.constant 0 : i32
        %dma_start3A_412 = tpu.memref_slice %arg8[%run_scoped3A_167, %dma_start3A_411] : memref<16x128xi32, #tpu.memory_space<vmem>> -> memref<1x128xi32, #tpu.memory_space<vmem>>
        %dma_start3A_413 = tpu.memref_squeeze %dma_start3A_412 : memref<1x128xi32, #tpu.memory_space<vmem>> -> memref<128xi32, #tpu.memory_space<vmem>>
        %dma_start3A_414 = arith.constant 0 : i32
        %dma_start3A_415 = arith.constant 0 : i32
        %dma_start3A_416 = tpu.memref_slice %arg11[%dma_start3A_414, %dma_start3A_415] : memref<10112x128xf32, #tpu.memory_space<vmem_shared>> -> memref<10112x128xf32, #tpu.memory_space<vmem_shared>>
        tpu.enqueue_indirect_dma source(%arg9 : memref<128x128xf32, #tpu.memory_space<vmem>>) target(%dma_start3A_416 : memref<10112x128xf32, #tpu.memory_space<vmem_shared>>) offsets(%dma_start3A_413 : memref<128xi32, #tpu.memory_space<vmem>>) semaphore(%run_scoped3A_410 : memref<!tpu.dma_semaphore, #tpu.memory_space<semaphore_mem>>) {add = true}
        %dma_wait3A_417 = arith.constant 0 : i32
        %dma_wait3A_418 = tpu.memref_slice %arg8[%run_scoped3A_167, %dma_wait3A_417] : memref<16x128xi32, #tpu.memory_space<vmem>> -> memref<1x128xi32, #tpu.memory_space<vmem>>
        %dma_wait3A_419 = tpu.memref_squeeze %dma_wait3A_418 : memref<1x128xi32, #tpu.memory_space<vmem>> -> memref<128xi32, #tpu.memory_space<vmem>>
        %dma_wait3A_420 = arith.constant 0 : i32
        %dma_wait3A_421 = arith.constant 0 : i32
        %dma_wait3A_422 = tpu.memref_slice %arg11[%dma_wait3A_420, %dma_wait3A_421] : memref<10112x128xf32, #tpu.memory_space<vmem_shared>> -> memref<10112x128xf32, #tpu.memory_space<vmem_shared>>
        tpu.wait_indirect_dma semaphore(%run_scoped3A_410 : memref<!tpu.dma_semaphore, #tpu.memory_space<semaphore_mem>>) src(%arg9 : memref<128x128xf32, #tpu.memory_space<vmem>>) dst(%dma_wait3A_422 : memref<10112x128xf32, #tpu.memory_space<vmem_shared>>)
        tpu.yield
      }) : () -> ()
      %dma_wait3A_168 = arith.constant 5 : i32
      %dma_wait3A_169 = arith.constant 0 : i32
      %dma_wait3A_170 = tpu.memref_slice %arg7[%dma_wait3A_168, %dma_wait3A_169] : memref<16x128xi32, #tpu.memory_space<vmem>> -> memref<1x128xi32, #tpu.memory_space<vmem>>
      %dma_wait3A_171 = tpu.memref_squeeze %dma_wait3A_170 : memref<1x128xi32, #tpu.memory_space<vmem>> -> memref<128xi32, #tpu.memory_space<vmem>>
      %dma_wait3A_172 = arith.constant 0 : i32
      %dma_wait3A_173 = arith.constant 0 : i32
      %dma_wait3A_174 = tpu.memref_slice %arg2[%arg0, %dma_wait3A_172, %dma_wait3A_173] : memref<2x10000x128xf32, #tpu.memory_space<hbm>> -> memref<1x10000x128xf32, #tpu.memory_space<hbm>>
      %dma_wait3A_175 = tpu.memref_squeeze %dma_wait3A_174 : memref<1x10000x128xf32, #tpu.memory_space<hbm>> -> memref<10000x128xf32, #tpu.memory_space<hbm>>
      %dma_wait3A_176 = arith.constant 0 : i32
      %dma_wait3A_177 = arith.constant 0 : i32
      %dma_wait3A_178 = tpu.memref_slice %dma_wait3A_175[%dma_wait3A_176, %dma_wait3A_177] : memref<10000x128xf32, #tpu.memory_space<hbm>> -> memref<10000x128xf32, #tpu.memory_space<hbm>>
      tpu.wait_indirect_dma semaphore(%arg12 : memref<!tpu.dma_semaphore, #tpu.memory_space<semaphore_mem>>) src(%dma_wait3A_178 : memref<10000x128xf32, #tpu.memory_space<hbm>>) dst(%arg10 : memref<128x128xf32, #tpu.memory_space<vmem>>)
      %dma_start3A_179 = arith.constant 6 : i32
      %dma_start3A_180 = arith.constant 0 : i32
      %dma_start3A_181 = tpu.memref_slice %arg7[%dma_start3A_179, %dma_start3A_180] : memref<16x128xi32, #tpu.memory_space<vmem>> -> memref<1x128xi32, #tpu.memory_space<vmem>>
      %dma_start3A_182 = tpu.memref_squeeze %dma_start3A_181 : memref<1x128xi32, #tpu.memory_space<vmem>> -> memref<128xi32, #tpu.memory_space<vmem>>
      %dma_start3A_183 = arith.constant 0 : i32
      %dma_start3A_184 = arith.constant 0 : i32
      %dma_start3A_185 = tpu.memref_slice %arg2[%arg0, %dma_start3A_183, %dma_start3A_184] : memref<2x10000x128xf32, #tpu.memory_space<hbm>> -> memref<1x10000x128xf32, #tpu.memory_space<hbm>>
      %dma_start3A_186 = tpu.memref_squeeze %dma_start3A_185 : memref<1x10000x128xf32, #tpu.memory_space<hbm>> -> memref<10000x128xf32, #tpu.memory_space<hbm>>
      %dma_start3A_187 = arith.constant 0 : i32
      %dma_start3A_188 = arith.constant 0 : i32
      %dma_start3A_189 = tpu.memref_slice %dma_start3A_186[%dma_start3A_187, %dma_start3A_188] : memref<10000x128xf32, #tpu.memory_space<hbm>> -> memref<10000x128xf32, #tpu.memory_space<hbm>>
      tpu.enqueue_indirect_dma source(%dma_start3A_189 : memref<10000x128xf32, #tpu.memory_space<hbm>>) target(%arg9 : memref<128x128xf32, #tpu.memory_space<vmem>>) offsets(%dma_start3A_182 : memref<128xi32, #tpu.memory_space<vmem>>) semaphore(%arg12 : memref<!tpu.dma_semaphore, #tpu.memory_space<semaphore_mem>>)
      %run_scoped3A_190 = arith.constant 5 : i32
      "tpu.region"() ({
        %run_scoped3A_410 = tpu.sem_alloc : memref<!tpu.dma_semaphore, #tpu.memory_space<semaphore_mem>>
        %dma_start3A_411 = arith.constant 0 : i32
        %dma_start3A_412 = tpu.memref_slice %arg8[%run_scoped3A_190, %dma_start3A_411] : memref<16x128xi32, #tpu.memory_space<vmem>> -> memref<1x128xi32, #tpu.memory_space<vmem>>
        %dma_start3A_413 = tpu.memref_squeeze %dma_start3A_412 : memref<1x128xi32, #tpu.memory_space<vmem>> -> memref<128xi32, #tpu.memory_space<vmem>>
        %dma_start3A_414 = arith.constant 0 : i32
        %dma_start3A_415 = arith.constant 0 : i32
        %dma_start3A_416 = tpu.memref_slice %arg11[%dma_start3A_414, %dma_start3A_415] : memref<10112x128xf32, #tpu.memory_space<vmem_shared>> -> memref<10112x128xf32, #tpu.memory_space<vmem_shared>>
        tpu.enqueue_indirect_dma source(%arg10 : memref<128x128xf32, #tpu.memory_space<vmem>>) target(%dma_start3A_416 : memref<10112x128xf32, #tpu.memory_space<vmem_shared>>) offsets(%dma_start3A_413 : memref<128xi32, #tpu.memory_space<vmem>>) semaphore(%run_scoped3A_410 : memref<!tpu.dma_semaphore, #tpu.memory_space<semaphore_mem>>) {add = true}
        %dma_wait3A_417 = arith.constant 0 : i32
        %dma_wait3A_418 = tpu.memref_slice %arg8[%run_scoped3A_190, %dma_wait3A_417] : memref<16x128xi32, #tpu.memory_space<vmem>> -> memref<1x128xi32, #tpu.memory_space<vmem>>
        %dma_wait3A_419 = tpu.memref_squeeze %dma_wait3A_418 : memref<1x128xi32, #tpu.memory_space<vmem>> -> memref<128xi32, #tpu.memory_space<vmem>>
        %dma_wait3A_420 = arith.constant 0 : i32
        %dma_wait3A_421 = arith.constant 0 : i32
        %dma_wait3A_422 = tpu.memref_slice %arg11[%dma_wait3A_420, %dma_wait3A_421] : memref<10112x128xf32, #tpu.memory_space<vmem_shared>> -> memref<10112x128xf32, #tpu.memory_space<vmem_shared>>
        tpu.wait_indirect_dma semaphore(%run_scoped3A_410 : memref<!tpu.dma_semaphore, #tpu.memory_space<semaphore_mem>>) src(%arg10 : memref<128x128xf32, #tpu.memory_space<vmem>>) dst(%dma_wait3A_422 : memref<10112x128xf32, #tpu.memory_space<vmem_shared>>)
        tpu.yield
      }) : () -> ()
      %dma_wait3A_191 = arith.constant 6 : i32
      %dma_wait3A_192 = arith.constant 0 : i32
      %dma_wait3A_193 = tpu.memref_slice %arg7[%dma_wait3A_191, %dma_wait3A_192] : memref<16x128xi32, #tpu.memory_space<vmem>> -> memref<1x128xi32, #tpu.memory_space<vmem>>
      %dma_wait3A_194 = tpu.memref_squeeze %dma_wait3A_193 : memref<1x128xi32, #tpu.memory_space<vmem>> -> memref<128xi32, #tpu.memory_space<vmem>>
      %dma_wait3A_195 = arith.constant 0 : i32
      %dma_wait3A_196 = arith.constant 0 : i32
      %dma_wait3A_197 = tpu.memref_slice %arg2[%arg0, %dma_wait3A_195, %dma_wait3A_196] : memref<2x10000x128xf32, #tpu.memory_space<hbm>> -> memref<1x10000x128xf32, #tpu.memory_space<hbm>>
      %dma_wait3A_198 = tpu.memref_squeeze %dma_wait3A_197 : memref<1x10000x128xf32, #tpu.memory_space<hbm>> -> memref<10000x128xf32, #tpu.memory_space<hbm>>
      %dma_wait3A_199 = arith.constant 0 : i32
      %dma_wait3A_200 = arith.constant 0 : i32
      %dma_wait3A_201 = tpu.memref_slice %dma_wait3A_198[%dma_wait3A_199, %dma_wait3A_200] : memref<10000x128xf32, #tpu.memory_space<hbm>> -> memref<10000x128xf32, #tpu.memory_space<hbm>>
      tpu.wait_indirect_dma semaphore(%arg12 : memref<!tpu.dma_semaphore, #tpu.memory_space<semaphore_mem>>) src(%dma_wait3A_201 : memref<10000x128xf32, #tpu.memory_space<hbm>>) dst(%arg9 : memref<128x128xf32, #tpu.memory_space<vmem>>)
      %dma_start3A_202 = arith.constant 7 : i32
      %dma_start3A_203 = arith.constant 0 : i32
      %dma_start3A_204 = tpu.memref_slice %arg7[%dma_start3A_202, %dma_start3A_203] : memref<16x128xi32, #tpu.memory_space<vmem>> -> memref<1x128xi32, #tpu.memory_space<vmem>>
      %dma_start3A_205 = tpu.memref_squeeze %dma_start3A_204 : memref<1x128xi32, #tpu.memory_space<vmem>> -> memref<128xi32, #tpu.memory_space<vmem>>
      %dma_start3A_206 = arith.constant 0 : i32
      %dma_start3A_207 = arith.constant 0 : i32
      %dma_start3A_208 = tpu.memref_slice %arg2[%arg0, %dma_start3A_206, %dma_start3A_207] : memref<2x10000x128xf32, #tpu.memory_space<hbm>> -> memref<1x10000x128xf32, #tpu.memory_space<hbm>>
      %dma_start3A_209 = tpu.memref_squeeze %dma_start3A_208 : memref<1x10000x128xf32, #tpu.memory_space<hbm>> -> memref<10000x128xf32, #tpu.memory_space<hbm>>
      %dma_start3A_210 = arith.constant 0 : i32
      %dma_start3A_211 = arith.constant 0 : i32
      %dma_start3A_212 = tpu.memref_slice %dma_start3A_209[%dma_start3A_210, %dma_start3A_211] : memref<10000x128xf32, #tpu.memory_space<hbm>> -> memref<10000x128xf32, #tpu.memory_space<hbm>>
      tpu.enqueue_indirect_dma source(%dma_start3A_212 : memref<10000x128xf32, #tpu.memory_space<hbm>>) target(%arg10 : memref<128x128xf32, #tpu.memory_space<vmem>>) offsets(%dma_start3A_205 : memref<128xi32, #tpu.memory_space<vmem>>) semaphore(%arg12 : memref<!tpu.dma_semaphore, #tpu.memory_space<semaphore_mem>>)
      %run_scoped3A_213 = arith.constant 6 : i32
      "tpu.region"() ({
        %run_scoped3A_410 = tpu.sem_alloc : memref<!tpu.dma_semaphore, #tpu.memory_space<semaphore_mem>>
        %dma_start3A_411 = arith.constant 0 : i32
        %dma_start3A_412 = tpu.memref_slice %arg8[%run_scoped3A_213, %dma_start3A_411] : memref<16x128xi32, #tpu.memory_space<vmem>> -> memref<1x128xi32, #tpu.memory_space<vmem>>
        %dma_start3A_413 = tpu.memref_squeeze %dma_start3A_412 : memref<1x128xi32, #tpu.memory_space<vmem>> -> memref<128xi32, #tpu.memory_space<vmem>>
        %dma_start3A_414 = arith.constant 0 : i32
        %dma_start3A_415 = arith.constant 0 : i32
        %dma_start3A_416 = tpu.memref_slice %arg11[%dma_start3A_414, %dma_start3A_415] : memref<10112x128xf32, #tpu.memory_space<vmem_shared>> -> memref<10112x128xf32, #tpu.memory_space<vmem_shared>>
        tpu.enqueue_indirect_dma source(%arg9 : memref<128x128xf32, #tpu.memory_space<vmem>>) target(%dma_start3A_416 : memref<10112x128xf32, #tpu.memory_space<vmem_shared>>) offsets(%dma_start3A_413 : memref<128xi32, #tpu.memory_space<vmem>>) semaphore(%run_scoped3A_410 : memref<!tpu.dma_semaphore, #tpu.memory_space<semaphore_mem>>) {add = true}
        %dma_wait3A_417 = arith.constant 0 : i32
        %dma_wait3A_418 = tpu.memref_slice %arg8[%run_scoped3A_213, %dma_wait3A_417] : memref<16x128xi32, #tpu.memory_space<vmem>> -> memref<1x128xi32, #tpu.memory_space<vmem>>
        %dma_wait3A_419 = tpu.memref_squeeze %dma_wait3A_418 : memref<1x128xi32, #tpu.memory_space<vmem>> -> memref<128xi32, #tpu.memory_space<vmem>>
        %dma_wait3A_420 = arith.constant 0 : i32
        %dma_wait3A_421 = arith.constant 0 : i32
        %dma_wait3A_422 = tpu.memref_slice %arg11[%dma_wait3A_420, %dma_wait3A_421] : memref<10112x128xf32, #tpu.memory_space<vmem_shared>> -> memref<10112x128xf32, #tpu.memory_space<vmem_shared>>
        tpu.wait_indirect_dma semaphore(%run_scoped3A_410 : memref<!tpu.dma_semaphore, #tpu.memory_space<semaphore_mem>>) src(%arg9 : memref<128x128xf32, #tpu.memory_space<vmem>>) dst(%dma_wait3A_422 : memref<10112x128xf32, #tpu.memory_space<vmem_shared>>)
        tpu.yield
      }) : () -> ()
      %dma_wait3A_214 = arith.constant 7 : i32
      %dma_wait3A_215 = arith.constant 0 : i32
      %dma_wait3A_216 = tpu.memref_slice %arg7[%dma_wait3A_214, %dma_wait3A_215] : memref<16x128xi32, #tpu.memory_space<vmem>> -> memref<1x128xi32, #tpu.memory_space<vmem>>
      %dma_wait3A_217 = tpu.memref_squeeze %dma_wait3A_216 : memref<1x128xi32, #tpu.memory_space<vmem>> -> memref<128xi32, #tpu.memory_space<vmem>>
      %dma_wait3A_218 = arith.constant 0 : i32
      %dma_wait3A_219 = arith.constant 0 : i32
      %dma_wait3A_220 = tpu.memref_slice %arg2[%arg0, %dma_wait3A_218, %dma_wait3A_219] : memref<2x10000x128xf32, #tpu.memory_space<hbm>> -> memref<1x10000x128xf32, #tpu.memory_space<hbm>>
      %dma_wait3A_221 = tpu.memref_squeeze %dma_wait3A_220 : memref<1x10000x128xf32, #tpu.memory_space<hbm>> -> memref<10000x128xf32, #tpu.memory_space<hbm>>
      %dma_wait3A_222 = arith.constant 0 : i32
      %dma_wait3A_223 = arith.constant 0 : i32
      %dma_wait3A_224 = tpu.memref_slice %dma_wait3A_221[%dma_wait3A_222, %dma_wait3A_223] : memref<10000x128xf32, #tpu.memory_space<hbm>> -> memref<10000x128xf32, #tpu.memory_space<hbm>>
      tpu.wait_indirect_dma semaphore(%arg12 : memref<!tpu.dma_semaphore, #tpu.memory_space<semaphore_mem>>) src(%dma_wait3A_224 : memref<10000x128xf32, #tpu.memory_space<hbm>>) dst(%arg10 : memref<128x128xf32, #tpu.memory_space<vmem>>)
      %dma_start3A_225 = arith.constant 8 : i32
      %dma_start3A_226 = arith.constant 0 : i32
      %dma_start3A_227 = tpu.memref_slice %arg7[%dma_start3A_225, %dma_start3A_226] : memref<16x128xi32, #tpu.memory_space<vmem>> -> memref<1x128xi32, #tpu.memory_space<vmem>>
      %dma_start3A_228 = tpu.memref_squeeze %dma_start3A_227 : memref<1x128xi32, #tpu.memory_space<vmem>> -> memref<128xi32, #tpu.memory_space<vmem>>
      %dma_start3A_229 = arith.constant 0 : i32
      %dma_start3A_230 = arith.constant 0 : i32
      %dma_start3A_231 = tpu.memref_slice %arg2[%arg0, %dma_start3A_229, %dma_start3A_230] : memref<2x10000x128xf32, #tpu.memory_space<hbm>> -> memref<1x10000x128xf32, #tpu.memory_space<hbm>>
      %dma_start3A_232 = tpu.memref_squeeze %dma_start3A_231 : memref<1x10000x128xf32, #tpu.memory_space<hbm>> -> memref<10000x128xf32, #tpu.memory_space<hbm>>
      %dma_start3A_233 = arith.constant 0 : i32
      %dma_start3A_234 = arith.constant 0 : i32
      %dma_start3A_235 = tpu.memref_slice %dma_start3A_232[%dma_start3A_233, %dma_start3A_234] : memref<10000x128xf32, #tpu.memory_space<hbm>> -> memref<10000x128xf32, #tpu.memory_space<hbm>>
      tpu.enqueue_indirect_dma source(%dma_start3A_235 : memref<10000x128xf32, #tpu.memory_space<hbm>>) target(%arg9 : memref<128x128xf32, #tpu.memory_space<vmem>>) offsets(%dma_start3A_228 : memref<128xi32, #tpu.memory_space<vmem>>) semaphore(%arg12 : memref<!tpu.dma_semaphore, #tpu.memory_space<semaphore_mem>>)
      %run_scoped3A_236 = arith.constant 7 : i32
      "tpu.region"() ({
        %run_scoped3A_410 = tpu.sem_alloc : memref<!tpu.dma_semaphore, #tpu.memory_space<semaphore_mem>>
        %dma_start3A_411 = arith.constant 0 : i32
        %dma_start3A_412 = tpu.memref_slice %arg8[%run_scoped3A_236, %dma_start3A_411] : memref<16x128xi32, #tpu.memory_space<vmem>> -> memref<1x128xi32, #tpu.memory_space<vmem>>
        %dma_start3A_413 = tpu.memref_squeeze %dma_start3A_412 : memref<1x128xi32, #tpu.memory_space<vmem>> -> memref<128xi32, #tpu.memory_space<vmem>>
        %dma_start3A_414 = arith.constant 0 : i32
        %dma_start3A_415 = arith.constant 0 : i32
        %dma_start3A_416 = tpu.memref_slice %arg11[%dma_start3A_414, %dma_start3A_415] : memref<10112x128xf32, #tpu.memory_space<vmem_shared>> -> memref<10112x128xf32, #tpu.memory_space<vmem_shared>>
        tpu.enqueue_indirect_dma source(%arg10 : memref<128x128xf32, #tpu.memory_space<vmem>>) target(%dma_start3A_416 : memref<10112x128xf32, #tpu.memory_space<vmem_shared>>) offsets(%dma_start3A_413 : memref<128xi32, #tpu.memory_space<vmem>>) semaphore(%run_scoped3A_410 : memref<!tpu.dma_semaphore, #tpu.memory_space<semaphore_mem>>) {add = true}
        %dma_wait3A_417 = arith.constant 0 : i32
        %dma_wait3A_418 = tpu.memref_slice %arg8[%run_scoped3A_236, %dma_wait3A_417] : memref<16x128xi32, #tpu.memory_space<vmem>> -> memref<1x128xi32, #tpu.memory_space<vmem>>
        %dma_wait3A_419 = tpu.memref_squeeze %dma_wait3A_418 : memref<1x128xi32, #tpu.memory_space<vmem>> -> memref<128xi32, #tpu.memory_space<vmem>>
        %dma_wait3A_420 = arith.constant 0 : i32
        %dma_wait3A_421 = arith.constant 0 : i32
        %dma_wait3A_422 = tpu.memref_slice %arg11[%dma_wait3A_420, %dma_wait3A_421] : memref<10112x128xf32, #tpu.memory_space<vmem_shared>> -> memref<10112x128xf32, #tpu.memory_space<vmem_shared>>
        tpu.wait_indirect_dma semaphore(%run_scoped3A_410 : memref<!tpu.dma_semaphore, #tpu.memory_space<semaphore_mem>>) src(%arg10 : memref<128x128xf32, #tpu.memory_space<vmem>>) dst(%dma_wait3A_422 : memref<10112x128xf32, #tpu.memory_space<vmem_shared>>)
        tpu.yield
      }) : () -> ()
      %dma_wait3A_237 = arith.constant 8 : i32
      %dma_wait3A_238 = arith.constant 0 : i32
      %dma_wait3A_239 = tpu.memref_slice %arg7[%dma_wait3A_237, %dma_wait3A_238] : memref<16x128xi32, #tpu.memory_space<vmem>> -> memref<1x128xi32, #tpu.memory_space<vmem>>
      %dma_wait3A_240 = tpu.memref_squeeze %dma_wait3A_239 : memref<1x128xi32, #tpu.memory_space<vmem>> -> memref<128xi32, #tpu.memory_space<vmem>>
      %dma_wait3A_241 = arith.constant 0 : i32
      %dma_wait3A_242 = arith.constant 0 : i32
      %dma_wait3A_243 = tpu.memref_slice %arg2[%arg0, %dma_wait3A_241, %dma_wait3A_242] : memref<2x10000x128xf32, #tpu.memory_space<hbm>> -> memref<1x10000x128xf32, #tpu.memory_space<hbm>>
      %dma_wait3A_244 = tpu.memref_squeeze %dma_wait3A_243 : memref<1x10000x128xf32, #tpu.memory_space<hbm>> -> memref<10000x128xf32, #tpu.memory_space<hbm>>
      %dma_wait3A_245 = arith.constant 0 : i32
      %dma_wait3A_246 = arith.constant 0 : i32
      %dma_wait3A_247 = tpu.memref_slice %dma_wait3A_244[%dma_wait3A_245, %dma_wait3A_246] : memref<10000x128xf32, #tpu.memory_space<hbm>> -> memref<10000x128xf32, #tpu.memory_space<hbm>>
      tpu.wait_indirect_dma semaphore(%arg12 : memref<!tpu.dma_semaphore, #tpu.memory_space<semaphore_mem>>) src(%dma_wait3A_247 : memref<10000x128xf32, #tpu.memory_space<hbm>>) dst(%arg9 : memref<128x128xf32, #tpu.memory_space<vmem>>)
      %dma_start3A_248 = arith.constant 9 : i32
      %dma_start3A_249 = arith.constant 0 : i32
      %dma_start3A_250 = tpu.memref_slice %arg7[%dma_start3A_248, %dma_start3A_249] : memref<16x128xi32, #tpu.memory_space<vmem>> -> memref<1x128xi32, #tpu.memory_space<vmem>>
      %dma_start3A_251 = tpu.memref_squeeze %dma_start3A_250 : memref<1x128xi32, #tpu.memory_space<vmem>> -> memref<128xi32, #tpu.memory_space<vmem>>
      %dma_start3A_252 = arith.constant 0 : i32
      %dma_start3A_253 = arith.constant 0 : i32
      %dma_start3A_254 = tpu.memref_slice %arg2[%arg0, %dma_start3A_252, %dma_start3A_253] : memref<2x10000x128xf32, #tpu.memory_space<hbm>> -> memref<1x10000x128xf32, #tpu.memory_space<hbm>>
      %dma_start3A_255 = tpu.memref_squeeze %dma_start3A_254 : memref<1x10000x128xf32, #tpu.memory_space<hbm>> -> memref<10000x128xf32, #tpu.memory_space<hbm>>
      %dma_start3A_256 = arith.constant 0 : i32
      %dma_start3A_257 = arith.constant 0 : i32
      %dma_start3A_258 = tpu.memref_slice %dma_start3A_255[%dma_start3A_256, %dma_start3A_257] : memref<10000x128xf32, #tpu.memory_space<hbm>> -> memref<10000x128xf32, #tpu.memory_space<hbm>>
      tpu.enqueue_indirect_dma source(%dma_start3A_258 : memref<10000x128xf32, #tpu.memory_space<hbm>>) target(%arg10 : memref<128x128xf32, #tpu.memory_space<vmem>>) offsets(%dma_start3A_251 : memref<128xi32, #tpu.memory_space<vmem>>) semaphore(%arg12 : memref<!tpu.dma_semaphore, #tpu.memory_space<semaphore_mem>>)
      %run_scoped3A_259 = arith.constant 8 : i32
      "tpu.region"() ({
        %run_scoped3A_410 = tpu.sem_alloc : memref<!tpu.dma_semaphore, #tpu.memory_space<semaphore_mem>>
        %dma_start3A_411 = arith.constant 0 : i32
        %dma_start3A_412 = tpu.memref_slice %arg8[%run_scoped3A_259, %dma_start3A_411] : memref<16x128xi32, #tpu.memory_space<vmem>> -> memref<1x128xi32, #tpu.memory_space<vmem>>
        %dma_start3A_413 = tpu.memref_squeeze %dma_start3A_412 : memref<1x128xi32, #tpu.memory_space<vmem>> -> memref<128xi32, #tpu.memory_space<vmem>>
        %dma_start3A_414 = arith.constant 0 : i32
        %dma_start3A_415 = arith.constant 0 : i32
        %dma_start3A_416 = tpu.memref_slice %arg11[%dma_start3A_414, %dma_start3A_415] : memref<10112x128xf32, #tpu.memory_space<vmem_shared>> -> memref<10112x128xf32, #tpu.memory_space<vmem_shared>>
        tpu.enqueue_indirect_dma source(%arg9 : memref<128x128xf32, #tpu.memory_space<vmem>>) target(%dma_start3A_416 : memref<10112x128xf32, #tpu.memory_space<vmem_shared>>) offsets(%dma_start3A_413 : memref<128xi32, #tpu.memory_space<vmem>>) semaphore(%run_scoped3A_410 : memref<!tpu.dma_semaphore, #tpu.memory_space<semaphore_mem>>) {add = true}
        %dma_wait3A_417 = arith.constant 0 : i32
        %dma_wait3A_418 = tpu.memref_slice %arg8[%run_scoped3A_259, %dma_wait3A_417] : memref<16x128xi32, #tpu.memory_space<vmem>> -> memref<1x128xi32, #tpu.memory_space<vmem>>
        %dma_wait3A_419 = tpu.memref_squeeze %dma_wait3A_418 : memref<1x128xi32, #tpu.memory_space<vmem>> -> memref<128xi32, #tpu.memory_space<vmem>>
        %dma_wait3A_420 = arith.constant 0 : i32
        %dma_wait3A_421 = arith.constant 0 : i32
        %dma_wait3A_422 = tpu.memref_slice %arg11[%dma_wait3A_420, %dma_wait3A_421] : memref<10112x128xf32, #tpu.memory_space<vmem_shared>> -> memref<10112x128xf32, #tpu.memory_space<vmem_shared>>
        tpu.wait_indirect_dma semaphore(%run_scoped3A_410 : memref<!tpu.dma_semaphore, #tpu.memory_space<semaphore_mem>>) src(%arg9 : memref<128x128xf32, #tpu.memory_space<vmem>>) dst(%dma_wait3A_422 : memref<10112x128xf32, #tpu.memory_space<vmem_shared>>)
        tpu.yield
      }) : () -> ()
      %dma_wait3A_260 = arith.constant 9 : i32
      %dma_wait3A_261 = arith.constant 0 : i32
      %dma_wait3A_262 = tpu.memref_slice %arg7[%dma_wait3A_260, %dma_wait3A_261] : memref<16x128xi32, #tpu.memory_space<vmem>> -> memref<1x128xi32, #tpu.memory_space<vmem>>
      %dma_wait3A_263 = tpu.memref_squeeze %dma_wait3A_262 : memref<1x128xi32, #tpu.memory_space<vmem>> -> memref<128xi32, #tpu.memory_space<vmem>>
      %dma_wait3A_264 = arith.constant 0 : i32
      %dma_wait3A_265 = arith.constant 0 : i32
      %dma_wait3A_266 = tpu.memref_slice %arg2[%arg0, %dma_wait3A_264, %dma_wait3A_265] : memref<2x10000x128xf32, #tpu.memory_space<hbm>> -> memref<1x10000x128xf32, #tpu.memory_space<hbm>>
      %dma_wait3A_267 = tpu.memref_squeeze %dma_wait3A_266 : memref<1x10000x128xf32, #tpu.memory_space<hbm>> -> memref<10000x128xf32, #tpu.memory_space<hbm>>
      %dma_wait3A_268 = arith.constant 0 : i32
      %dma_wait3A_269 = arith.constant 0 : i32
      %dma_wait3A_270 = tpu.memref_slice %dma_wait3A_267[%dma_wait3A_268, %dma_wait3A_269] : memref<10000x128xf32, #tpu.memory_space<hbm>> -> memref<10000x128xf32, #tpu.memory_space<hbm>>
      tpu.wait_indirect_dma semaphore(%arg12 : memref<!tpu.dma_semaphore, #tpu.memory_space<semaphore_mem>>) src(%dma_wait3A_270 : memref<10000x128xf32, #tpu.memory_space<hbm>>) dst(%arg10 : memref<128x128xf32, #tpu.memory_space<vmem>>)
      %dma_start3A_271 = arith.constant 10 : i32
      %dma_start3A_272 = arith.constant 0 : i32
      %dma_start3A_273 = tpu.memref_slice %arg7[%dma_start3A_271, %dma_start3A_272] : memref<16x128xi32, #tpu.memory_space<vmem>> -> memref<1x128xi32, #tpu.memory_space<vmem>>
      %dma_start3A_274 = tpu.memref_squeeze %dma_start3A_273 : memref<1x128xi32, #tpu.memory_space<vmem>> -> memref<128xi32, #tpu.memory_space<vmem>>
      %dma_start3A_275 = arith.constant 0 : i32
      %dma_start3A_276 = arith.constant 0 : i32
      %dma_start3A_277 = tpu.memref_slice %arg2[%arg0, %dma_start3A_275, %dma_start3A_276] : memref<2x10000x128xf32, #tpu.memory_space<hbm>> -> memref<1x10000x128xf32, #tpu.memory_space<hbm>>
      %dma_start3A_278 = tpu.memref_squeeze %dma_start3A_277 : memref<1x10000x128xf32, #tpu.memory_space<hbm>> -> memref<10000x128xf32, #tpu.memory_space<hbm>>
      %dma_start3A_279 = arith.constant 0 : i32
      %dma_start3A_280 = arith.constant 0 : i32
      %dma_start3A_281 = tpu.memref_slice %dma_start3A_278[%dma_start3A_279, %dma_start3A_280] : memref<10000x128xf32, #tpu.memory_space<hbm>> -> memref<10000x128xf32, #tpu.memory_space<hbm>>
      tpu.enqueue_indirect_dma source(%dma_start3A_281 : memref<10000x128xf32, #tpu.memory_space<hbm>>) target(%arg9 : memref<128x128xf32, #tpu.memory_space<vmem>>) offsets(%dma_start3A_274 : memref<128xi32, #tpu.memory_space<vmem>>) semaphore(%arg12 : memref<!tpu.dma_semaphore, #tpu.memory_space<semaphore_mem>>)
      %run_scoped3A_282 = arith.constant 9 : i32
      "tpu.region"() ({
        %run_scoped3A_410 = tpu.sem_alloc : memref<!tpu.dma_semaphore, #tpu.memory_space<semaphore_mem>>
        %dma_start3A_411 = arith.constant 0 : i32
        %dma_start3A_412 = tpu.memref_slice %arg8[%run_scoped3A_282, %dma_start3A_411] : memref<16x128xi32, #tpu.memory_space<vmem>> -> memref<1x128xi32, #tpu.memory_space<vmem>>
        %dma_start3A_413 = tpu.memref_squeeze %dma_start3A_412 : memref<1x128xi32, #tpu.memory_space<vmem>> -> memref<128xi32, #tpu.memory_space<vmem>>
        %dma_start3A_414 = arith.constant 0 : i32
        %dma_start3A_415 = arith.constant 0 : i32
        %dma_start3A_416 = tpu.memref_slice %arg11[%dma_start3A_414, %dma_start3A_415] : memref<10112x128xf32, #tpu.memory_space<vmem_shared>> -> memref<10112x128xf32, #tpu.memory_space<vmem_shared>>
        tpu.enqueue_indirect_dma source(%arg10 : memref<128x128xf32, #tpu.memory_space<vmem>>) target(%dma_start3A_416 : memref<10112x128xf32, #tpu.memory_space<vmem_shared>>) offsets(%dma_start3A_413 : memref<128xi32, #tpu.memory_space<vmem>>) semaphore(%run_scoped3A_410 : memref<!tpu.dma_semaphore, #tpu.memory_space<semaphore_mem>>) {add = true}
        %dma_wait3A_417 = arith.constant 0 : i32
        %dma_wait3A_418 = tpu.memref_slice %arg8[%run_scoped3A_282, %dma_wait3A_417] : memref<16x128xi32, #tpu.memory_space<vmem>> -> memref<1x128xi32, #tpu.memory_space<vmem>>
        %dma_wait3A_419 = tpu.memref_squeeze %dma_wait3A_418 : memref<1x128xi32, #tpu.memory_space<vmem>> -> memref<128xi32, #tpu.memory_space<vmem>>
        %dma_wait3A_420 = arith.constant 0 : i32
        %dma_wait3A_421 = arith.constant 0 : i32
        %dma_wait3A_422 = tpu.memref_slice %arg11[%dma_wait3A_420, %dma_wait3A_421] : memref<10112x128xf32, #tpu.memory_space<vmem_shared>> -> memref<10112x128xf32, #tpu.memory_space<vmem_shared>>
        tpu.wait_indirect_dma semaphore(%run_scoped3A_410 : memref<!tpu.dma_semaphore, #tpu.memory_space<semaphore_mem>>) src(%arg10 : memref<128x128xf32, #tpu.memory_space<vmem>>) dst(%dma_wait3A_422 : memref<10112x128xf32, #tpu.memory_space<vmem_shared>>)
        tpu.yield
      }) : () -> ()
      %dma_wait3A_283 = arith.constant 10 : i32
      %dma_wait3A_284 = arith.constant 0 : i32
      %dma_wait3A_285 = tpu.memref_slice %arg7[%dma_wait3A_283, %dma_wait3A_284] : memref<16x128xi32, #tpu.memory_space<vmem>> -> memref<1x128xi32, #tpu.memory_space<vmem>>
      %dma_wait3A_286 = tpu.memref_squeeze %dma_wait3A_285 : memref<1x128xi32, #tpu.memory_space<vmem>> -> memref<128xi32, #tpu.memory_space<vmem>>
      %dma_wait3A_287 = arith.constant 0 : i32
      %dma_wait3A_288 = arith.constant 0 : i32
      %dma_wait3A_289 = tpu.memref_slice %arg2[%arg0, %dma_wait3A_287, %dma_wait3A_288] : memref<2x10000x128xf32, #tpu.memory_space<hbm>> -> memref<1x10000x128xf32, #tpu.memory_space<hbm>>
      %dma_wait3A_290 = tpu.memref_squeeze %dma_wait3A_289 : memref<1x10000x128xf32, #tpu.memory_space<hbm>> -> memref<10000x128xf32, #tpu.memory_space<hbm>>
      %dma_wait3A_291 = arith.constant 0 : i32
      %dma_wait3A_292 = arith.constant 0 : i32
      %dma_wait3A_293 = tpu.memref_slice %dma_wait3A_290[%dma_wait3A_291, %dma_wait3A_292] : memref<10000x128xf32, #tpu.memory_space<hbm>> -> memref<10000x128xf32, #tpu.memory_space<hbm>>
      tpu.wait_indirect_dma semaphore(%arg12 : memref<!tpu.dma_semaphore, #tpu.memory_space<semaphore_mem>>) src(%dma_wait3A_293 : memref<10000x128xf32, #tpu.memory_space<hbm>>) dst(%arg9 : memref<128x128xf32, #tpu.memory_space<vmem>>)
      %dma_start3A_294 = arith.constant 11 : i32
      %dma_start3A_295 = arith.constant 0 : i32
      %dma_start3A_296 = tpu.memref_slice %arg7[%dma_start3A_294, %dma_start3A_295] : memref<16x128xi32, #tpu.memory_space<vmem>> -> memref<1x128xi32, #tpu.memory_space<vmem>>
      %dma_start3A_297 = tpu.memref_squeeze %dma_start3A_296 : memref<1x128xi32, #tpu.memory_space<vmem>> -> memref<128xi32, #tpu.memory_space<vmem>>
      %dma_start3A_298 = arith.constant 0 : i32
      %dma_start3A_299 = arith.constant 0 : i32
      %dma_start3A_300 = tpu.memref_slice %arg2[%arg0, %dma_start3A_298, %dma_start3A_299] : memref<2x10000x128xf32, #tpu.memory_space<hbm>> -> memref<1x10000x128xf32, #tpu.memory_space<hbm>>
      %dma_start3A_301 = tpu.memref_squeeze %dma_start3A_300 : memref<1x10000x128xf32, #tpu.memory_space<hbm>> -> memref<10000x128xf32, #tpu.memory_space<hbm>>
      %dma_start3A_302 = arith.constant 0 : i32
      %dma_start3A_303 = arith.constant 0 : i32
      %dma_start3A_304 = tpu.memref_slice %dma_start3A_301[%dma_start3A_302, %dma_start3A_303] : memref<10000x128xf32, #tpu.memory_space<hbm>> -> memref<10000x128xf32, #tpu.memory_space<hbm>>
      tpu.enqueue_indirect_dma source(%dma_start3A_304 : memref<10000x128xf32, #tpu.memory_space<hbm>>) target(%arg10 : memref<128x128xf32, #tpu.memory_space<vmem>>) offsets(%dma_start3A_297 : memref<128xi32, #tpu.memory_space<vmem>>) semaphore(%arg12 : memref<!tpu.dma_semaphore, #tpu.memory_space<semaphore_mem>>)
      %run_scoped3A_305 = arith.constant 10 : i32
      "tpu.region"() ({
        %run_scoped3A_410 = tpu.sem_alloc : memref<!tpu.dma_semaphore, #tpu.memory_space<semaphore_mem>>
        %dma_start3A_411 = arith.constant 0 : i32
        %dma_start3A_412 = tpu.memref_slice %arg8[%run_scoped3A_305, %dma_start3A_411] : memref<16x128xi32, #tpu.memory_space<vmem>> -> memref<1x128xi32, #tpu.memory_space<vmem>>
        %dma_start3A_413 = tpu.memref_squeeze %dma_start3A_412 : memref<1x128xi32, #tpu.memory_space<vmem>> -> memref<128xi32, #tpu.memory_space<vmem>>
        %dma_start3A_414 = arith.constant 0 : i32
        %dma_start3A_415 = arith.constant 0 : i32
        %dma_start3A_416 = tpu.memref_slice %arg11[%dma_start3A_414, %dma_start3A_415] : memref<10112x128xf32, #tpu.memory_space<vmem_shared>> -> memref<10112x128xf32, #tpu.memory_space<vmem_shared>>
        tpu.enqueue_indirect_dma source(%arg9 : memref<128x128xf32, #tpu.memory_space<vmem>>) target(%dma_start3A_416 : memref<10112x128xf32, #tpu.memory_space<vmem_shared>>) offsets(%dma_start3A_413 : memref<128xi32, #tpu.memory_space<vmem>>) semaphore(%run_scoped3A_410 : memref<!tpu.dma_semaphore, #tpu.memory_space<semaphore_mem>>) {add = true}
        %dma_wait3A_417 = arith.constant 0 : i32
        %dma_wait3A_418 = tpu.memref_slice %arg8[%run_scoped3A_305, %dma_wait3A_417] : memref<16x128xi32, #tpu.memory_space<vmem>> -> memref<1x128xi32, #tpu.memory_space<vmem>>
        %dma_wait3A_419 = tpu.memref_squeeze %dma_wait3A_418 : memref<1x128xi32, #tpu.memory_space<vmem>> -> memref<128xi32, #tpu.memory_space<vmem>>
        %dma_wait3A_420 = arith.constant 0 : i32
        %dma_wait3A_421 = arith.constant 0 : i32
        %dma_wait3A_422 = tpu.memref_slice %arg11[%dma_wait3A_420, %dma_wait3A_421] : memref<10112x128xf32, #tpu.memory_space<vmem_shared>> -> memref<10112x128xf32, #tpu.memory_space<vmem_shared>>
        tpu.wait_indirect_dma semaphore(%run_scoped3A_410 : memref<!tpu.dma_semaphore, #tpu.memory_space<semaphore_mem>>) src(%arg9 : memref<128x128xf32, #tpu.memory_space<vmem>>) dst(%dma_wait3A_422 : memref<10112x128xf32, #tpu.memory_space<vmem_shared>>)
        tpu.yield
      }) : () -> ()
      %dma_wait3A_306 = arith.constant 11 : i32
      %dma_wait3A_307 = arith.constant 0 : i32
      %dma_wait3A_308 = tpu.memref_slice %arg7[%dma_wait3A_306, %dma_wait3A_307] : memref<16x128xi32, #tpu.memory_space<vmem>> -> memref<1x128xi32, #tpu.memory_space<vmem>>
      %dma_wait3A_309 = tpu.memref_squeeze %dma_wait3A_308 : memref<1x128xi32, #tpu.memory_space<vmem>> -> memref<128xi32, #tpu.memory_space<vmem>>
      %dma_wait3A_310 = arith.constant 0 : i32
      %dma_wait3A_311 = arith.constant 0 : i32
      %dma_wait3A_312 = tpu.memref_slice %arg2[%arg0, %dma_wait3A_310, %dma_wait3A_311] : memref<2x10000x128xf32, #tpu.memory_space<hbm>> -> memref<1x10000x128xf32, #tpu.memory_space<hbm>>
      %dma_wait3A_313 = tpu.memref_squeeze %dma_wait3A_312 : memref<1x10000x128xf32, #tpu.memory_space<hbm>> -> memref<10000x128xf32, #tpu.memory_space<hbm>>
      %dma_wait3A_314 = arith.constant 0 : i32
      %dma_wait3A_315 = arith.constant 0 : i32
      %dma_wait3A_316 = tpu.memref_slice %dma_wait3A_313[%dma_wait3A_314, %dma_wait3A_315] : memref<10000x128xf32, #tpu.memory_space<hbm>> -> memref<10000x128xf32, #tpu.memory_space<hbm>>
      tpu.wait_indirect_dma semaphore(%arg12 : memref<!tpu.dma_semaphore, #tpu.memory_space<semaphore_mem>>) src(%dma_wait3A_316 : memref<10000x128xf32, #tpu.memory_space<hbm>>) dst(%arg10 : memref<128x128xf32, #tpu.memory_space<vmem>>)
      %dma_start3A_317 = arith.constant 12 : i32
      %dma_start3A_318 = arith.constant 0 : i32
      %dma_start3A_319 = tpu.memref_slice %arg7[%dma_start3A_317, %dma_start3A_318] : memref<16x128xi32, #tpu.memory_space<vmem>> -> memref<1x128xi32, #tpu.memory_space<vmem>>
      %dma_start3A_320 = tpu.memref_squeeze %dma_start3A_319 : memref<1x128xi32, #tpu.memory_space<vmem>> -> memref<128xi32, #tpu.memory_space<vmem>>
      %dma_start3A_321 = arith.constant 0 : i32
      %dma_start3A_322 = arith.constant 0 : i32
      %dma_start3A_323 = tpu.memref_slice %arg2[%arg0, %dma_start3A_321, %dma_start3A_322] : memref<2x10000x128xf32, #tpu.memory_space<hbm>> -> memref<1x10000x128xf32, #tpu.memory_space<hbm>>
      %dma_start3A_324 = tpu.memref_squeeze %dma_start3A_323 : memref<1x10000x128xf32, #tpu.memory_space<hbm>> -> memref<10000x128xf32, #tpu.memory_space<hbm>>
      %dma_start3A_325 = arith.constant 0 : i32
      %dma_start3A_326 = arith.constant 0 : i32
      %dma_start3A_327 = tpu.memref_slice %dma_start3A_324[%dma_start3A_325, %dma_start3A_326] : memref<10000x128xf32, #tpu.memory_space<hbm>> -> memref<10000x128xf32, #tpu.memory_space<hbm>>
      tpu.enqueue_indirect_dma source(%dma_start3A_327 : memref<10000x128xf32, #tpu.memory_space<hbm>>) target(%arg9 : memref<128x128xf32, #tpu.memory_space<vmem>>) offsets(%dma_start3A_320 : memref<128xi32, #tpu.memory_space<vmem>>) semaphore(%arg12 : memref<!tpu.dma_semaphore, #tpu.memory_space<semaphore_mem>>)
      %run_scoped3A_328 = arith.constant 11 : i32
      "tpu.region"() ({
        %run_scoped3A_410 = tpu.sem_alloc : memref<!tpu.dma_semaphore, #tpu.memory_space<semaphore_mem>>
        %dma_start3A_411 = arith.constant 0 : i32
        %dma_start3A_412 = tpu.memref_slice %arg8[%run_scoped3A_328, %dma_start3A_411] : memref<16x128xi32, #tpu.memory_space<vmem>> -> memref<1x128xi32, #tpu.memory_space<vmem>>
        %dma_start3A_413 = tpu.memref_squeeze %dma_start3A_412 : memref<1x128xi32, #tpu.memory_space<vmem>> -> memref<128xi32, #tpu.memory_space<vmem>>
        %dma_start3A_414 = arith.constant 0 : i32
        %dma_start3A_415 = arith.constant 0 : i32
        %dma_start3A_416 = tpu.memref_slice %arg11[%dma_start3A_414, %dma_start3A_415] : memref<10112x128xf32, #tpu.memory_space<vmem_shared>> -> memref<10112x128xf32, #tpu.memory_space<vmem_shared>>
        tpu.enqueue_indirect_dma source(%arg10 : memref<128x128xf32, #tpu.memory_space<vmem>>) target(%dma_start3A_416 : memref<10112x128xf32, #tpu.memory_space<vmem_shared>>) offsets(%dma_start3A_413 : memref<128xi32, #tpu.memory_space<vmem>>) semaphore(%run_scoped3A_410 : memref<!tpu.dma_semaphore, #tpu.memory_space<semaphore_mem>>) {add = true}
        %dma_wait3A_417 = arith.constant 0 : i32
        %dma_wait3A_418 = tpu.memref_slice %arg8[%run_scoped3A_328, %dma_wait3A_417] : memref<16x128xi32, #tpu.memory_space<vmem>> -> memref<1x128xi32, #tpu.memory_space<vmem>>
        %dma_wait3A_419 = tpu.memref_squeeze %dma_wait3A_418 : memref<1x128xi32, #tpu.memory_space<vmem>> -> memref<128xi32, #tpu.memory_space<vmem>>
        %dma_wait3A_420 = arith.constant 0 : i32
        %dma_wait3A_421 = arith.constant 0 : i32
        %dma_wait3A_422 = tpu.memref_slice %arg11[%dma_wait3A_420, %dma_wait3A_421] : memref<10112x128xf32, #tpu.memory_space<vmem_shared>> -> memref<10112x128xf32, #tpu.memory_space<vmem_shared>>
        tpu.wait_indirect_dma semaphore(%run_scoped3A_410 : memref<!tpu.dma_semaphore, #tpu.memory_space<semaphore_mem>>) src(%arg10 : memref<128x128xf32, #tpu.memory_space<vmem>>) dst(%dma_wait3A_422 : memref<10112x128xf32, #tpu.memory_space<vmem_shared>>)
        tpu.yield
      }) : () -> ()
      %dma_wait3A_329 = arith.constant 12 : i32
      %dma_wait3A_330 = arith.constant 0 : i32
      %dma_wait3A_331 = tpu.memref_slice %arg7[%dma_wait3A_329, %dma_wait3A_330] : memref<16x128xi32, #tpu.memory_space<vmem>> -> memref<1x128xi32, #tpu.memory_space<vmem>>
      %dma_wait3A_332 = tpu.memref_squeeze %dma_wait3A_331 : memref<1x128xi32, #tpu.memory_space<vmem>> -> memref<128xi32, #tpu.memory_space<vmem>>
      %dma_wait3A_333 = arith.constant 0 : i32
      %dma_wait3A_334 = arith.constant 0 : i32
      %dma_wait3A_335 = tpu.memref_slice %arg2[%arg0, %dma_wait3A_333, %dma_wait3A_334] : memref<2x10000x128xf32, #tpu.memory_space<hbm>> -> memref<1x10000x128xf32, #tpu.memory_space<hbm>>
      %dma_wait3A_336 = tpu.memref_squeeze %dma_wait3A_335 : memref<1x10000x128xf32, #tpu.memory_space<hbm>> -> memref<10000x128xf32, #tpu.memory_space<hbm>>
      %dma_wait3A_337 = arith.constant 0 : i32
      %dma_wait3A_338 = arith.constant 0 : i32
      %dma_wait3A_339 = tpu.memref_slice %dma_wait3A_336[%dma_wait3A_337, %dma_wait3A_338] : memref<10000x128xf32, #tpu.memory_space<hbm>> -> memref<10000x128xf32, #tpu.memory_space<hbm>>
      tpu.wait_indirect_dma semaphore(%arg12 : memref<!tpu.dma_semaphore, #tpu.memory_space<semaphore_mem>>) src(%dma_wait3A_339 : memref<10000x128xf32, #tpu.memory_space<hbm>>) dst(%arg9 : memref<128x128xf32, #tpu.memory_space<vmem>>)
      %dma_start3A_340 = arith.constant 13 : i32
      %dma_start3A_341 = arith.constant 0 : i32
      %dma_start3A_342 = tpu.memref_slice %arg7[%dma_start3A_340, %dma_start3A_341] : memref<16x128xi32, #tpu.memory_space<vmem>> -> memref<1x128xi32, #tpu.memory_space<vmem>>
      %dma_start3A_343 = tpu.memref_squeeze %dma_start3A_342 : memref<1x128xi32, #tpu.memory_space<vmem>> -> memref<128xi32, #tpu.memory_space<vmem>>
      %dma_start3A_344 = arith.constant 0 : i32
      %dma_start3A_345 = arith.constant 0 : i32
      %dma_start3A_346 = tpu.memref_slice %arg2[%arg0, %dma_start3A_344, %dma_start3A_345] : memref<2x10000x128xf32, #tpu.memory_space<hbm>> -> memref<1x10000x128xf32, #tpu.memory_space<hbm>>
      %dma_start3A_347 = tpu.memref_squeeze %dma_start3A_346 : memref<1x10000x128xf32, #tpu.memory_space<hbm>> -> memref<10000x128xf32, #tpu.memory_space<hbm>>
      %dma_start3A_348 = arith.constant 0 : i32
      %dma_start3A_349 = arith.constant 0 : i32
      %dma_start3A_350 = tpu.memref_slice %dma_start3A_347[%dma_start3A_348, %dma_start3A_349] : memref<10000x128xf32, #tpu.memory_space<hbm>> -> memref<10000x128xf32, #tpu.memory_space<hbm>>
      tpu.enqueue_indirect_dma source(%dma_start3A_350 : memref<10000x128xf32, #tpu.memory_space<hbm>>) target(%arg10 : memref<128x128xf32, #tpu.memory_space<vmem>>) offsets(%dma_start3A_343 : memref<128xi32, #tpu.memory_space<vmem>>) semaphore(%arg12 : memref<!tpu.dma_semaphore, #tpu.memory_space<semaphore_mem>>)
      %run_scoped3A_351 = arith.constant 12 : i32
      "tpu.region"() ({
        %run_scoped3A_410 = tpu.sem_alloc : memref<!tpu.dma_semaphore, #tpu.memory_space<semaphore_mem>>
        %dma_start3A_411 = arith.constant 0 : i32
        %dma_start3A_412 = tpu.memref_slice %arg8[%run_scoped3A_351, %dma_start3A_411] : memref<16x128xi32, #tpu.memory_space<vmem>> -> memref<1x128xi32, #tpu.memory_space<vmem>>
        %dma_start3A_413 = tpu.memref_squeeze %dma_start3A_412 : memref<1x128xi32, #tpu.memory_space<vmem>> -> memref<128xi32, #tpu.memory_space<vmem>>
        %dma_start3A_414 = arith.constant 0 : i32
        %dma_start3A_415 = arith.constant 0 : i32
        %dma_start3A_416 = tpu.memref_slice %arg11[%dma_start3A_414, %dma_start3A_415] : memref<10112x128xf32, #tpu.memory_space<vmem_shared>> -> memref<10112x128xf32, #tpu.memory_space<vmem_shared>>
        tpu.enqueue_indirect_dma source(%arg9 : memref<128x128xf32, #tpu.memory_space<vmem>>) target(%dma_start3A_416 : memref<10112x128xf32, #tpu.memory_space<vmem_shared>>) offsets(%dma_start3A_413 : memref<128xi32, #tpu.memory_space<vmem>>) semaphore(%run_scoped3A_410 : memref<!tpu.dma_semaphore, #tpu.memory_space<semaphore_mem>>) {add = true}
        %dma_wait3A_417 = arith.constant 0 : i32
        %dma_wait3A_418 = tpu.memref_slice %arg8[%run_scoped3A_351, %dma_wait3A_417] : memref<16x128xi32, #tpu.memory_space<vmem>> -> memref<1x128xi32, #tpu.memory_space<vmem>>
        %dma_wait3A_419 = tpu.memref_squeeze %dma_wait3A_418 : memref<1x128xi32, #tpu.memory_space<vmem>> -> memref<128xi32, #tpu.memory_space<vmem>>
        %dma_wait3A_420 = arith.constant 0 : i32
        %dma_wait3A_421 = arith.constant 0 : i32
        %dma_wait3A_422 = tpu.memref_slice %arg11[%dma_wait3A_420, %dma_wait3A_421] : memref<10112x128xf32, #tpu.memory_space<vmem_shared>> -> memref<10112x128xf32, #tpu.memory_space<vmem_shared>>
        tpu.wait_indirect_dma semaphore(%run_scoped3A_410 : memref<!tpu.dma_semaphore, #tpu.memory_space<semaphore_mem>>) src(%arg9 : memref<128x128xf32, #tpu.memory_space<vmem>>) dst(%dma_wait3A_422 : memref<10112x128xf32, #tpu.memory_space<vmem_shared>>)
        tpu.yield
      }) : () -> ()
      %dma_wait3A_352 = arith.constant 13 : i32
      %dma_wait3A_353 = arith.constant 0 : i32
      %dma_wait3A_354 = tpu.memref_slice %arg7[%dma_wait3A_352, %dma_wait3A_353] : memref<16x128xi32, #tpu.memory_space<vmem>> -> memref<1x128xi32, #tpu.memory_space<vmem>>
      %dma_wait3A_355 = tpu.memref_squeeze %dma_wait3A_354 : memref<1x128xi32, #tpu.memory_space<vmem>> -> memref<128xi32, #tpu.memory_space<vmem>>
      %dma_wait3A_356 = arith.constant 0 : i32
      %dma_wait3A_357 = arith.constant 0 : i32
      %dma_wait3A_358 = tpu.memref_slice %arg2[%arg0, %dma_wait3A_356, %dma_wait3A_357] : memref<2x10000x128xf32, #tpu.memory_space<hbm>> -> memref<1x10000x128xf32, #tpu.memory_space<hbm>>
      %dma_wait3A_359 = tpu.memref_squeeze %dma_wait3A_358 : memref<1x10000x128xf32, #tpu.memory_space<hbm>> -> memref<10000x128xf32, #tpu.memory_space<hbm>>
      %dma_wait3A_360 = arith.constant 0 : i32
      %dma_wait3A_361 = arith.constant 0 : i32
      %dma_wait3A_362 = tpu.memref_slice %dma_wait3A_359[%dma_wait3A_360, %dma_wait3A_361] : memref<10000x128xf32, #tpu.memory_space<hbm>> -> memref<10000x128xf32, #tpu.memory_space<hbm>>
      tpu.wait_indirect_dma semaphore(%arg12 : memref<!tpu.dma_semaphore, #tpu.memory_space<semaphore_mem>>) src(%dma_wait3A_362 : memref<10000x128xf32, #tpu.memory_space<hbm>>) dst(%arg10 : memref<128x128xf32, #tpu.memory_space<vmem>>)
      %dma_start3A_363 = arith.constant 14 : i32
      %dma_start3A_364 = arith.constant 0 : i32
      %dma_start3A_365 = tpu.memref_slice %arg7[%dma_start3A_363, %dma_start3A_364] : memref<16x128xi32, #tpu.memory_space<vmem>> -> memref<1x128xi32, #tpu.memory_space<vmem>>
      %dma_start3A_366 = tpu.memref_squeeze %dma_start3A_365 : memref<1x128xi32, #tpu.memory_space<vmem>> -> memref<128xi32, #tpu.memory_space<vmem>>
      %dma_start3A_367 = arith.constant 0 : i32
      %dma_start3A_368 = arith.constant 0 : i32
      %dma_start3A_369 = tpu.memref_slice %arg2[%arg0, %dma_start3A_367, %dma_start3A_368] : memref<2x10000x128xf32, #tpu.memory_space<hbm>> -> memref<1x10000x128xf32, #tpu.memory_space<hbm>>
      %dma_start3A_370 = tpu.memref_squeeze %dma_start3A_369 : memref<1x10000x128xf32, #tpu.memory_space<hbm>> -> memref<10000x128xf32, #tpu.memory_space<hbm>>
      %dma_start3A_371 = arith.constant 0 : i32
      %dma_start3A_372 = arith.constant 0 : i32
      %dma_start3A_373 = tpu.memref_slice %dma_start3A_370[%dma_start3A_371, %dma_start3A_372] : memref<10000x128xf32, #tpu.memory_space<hbm>> -> memref<10000x128xf32, #tpu.memory_space<hbm>>
      tpu.enqueue_indirect_dma source(%dma_start3A_373 : memref<10000x128xf32, #tpu.memory_space<hbm>>) target(%arg9 : memref<128x128xf32, #tpu.memory_space<vmem>>) offsets(%dma_start3A_366 : memref<128xi32, #tpu.memory_space<vmem>>) semaphore(%arg12 : memref<!tpu.dma_semaphore, #tpu.memory_space<semaphore_mem>>)
      %run_scoped3A_374 = arith.constant 13 : i32
      "tpu.region"() ({
        %run_scoped3A_410 = tpu.sem_alloc : memref<!tpu.dma_semaphore, #tpu.memory_space<semaphore_mem>>
        %dma_start3A_411 = arith.constant 0 : i32
        %dma_start3A_412 = tpu.memref_slice %arg8[%run_scoped3A_374, %dma_start3A_411] : memref<16x128xi32, #tpu.memory_space<vmem>> -> memref<1x128xi32, #tpu.memory_space<vmem>>
        %dma_start3A_413 = tpu.memref_squeeze %dma_start3A_412 : memref<1x128xi32, #tpu.memory_space<vmem>> -> memref<128xi32, #tpu.memory_space<vmem>>
        %dma_start3A_414 = arith.constant 0 : i32
        %dma_start3A_415 = arith.constant 0 : i32
        %dma_start3A_416 = tpu.memref_slice %arg11[%dma_start3A_414, %dma_start3A_415] : memref<10112x128xf32, #tpu.memory_space<vmem_shared>> -> memref<10112x128xf32, #tpu.memory_space<vmem_shared>>
        tpu.enqueue_indirect_dma source(%arg10 : memref<128x128xf32, #tpu.memory_space<vmem>>) target(%dma_start3A_416 : memref<10112x128xf32, #tpu.memory_space<vmem_shared>>) offsets(%dma_start3A_413 : memref<128xi32, #tpu.memory_space<vmem>>) semaphore(%run_scoped3A_410 : memref<!tpu.dma_semaphore, #tpu.memory_space<semaphore_mem>>) {add = true}
        %dma_wait3A_417 = arith.constant 0 : i32
        %dma_wait3A_418 = tpu.memref_slice %arg8[%run_scoped3A_374, %dma_wait3A_417] : memref<16x128xi32, #tpu.memory_space<vmem>> -> memref<1x128xi32, #tpu.memory_space<vmem>>
        %dma_wait3A_419 = tpu.memref_squeeze %dma_wait3A_418 : memref<1x128xi32, #tpu.memory_space<vmem>> -> memref<128xi32, #tpu.memory_space<vmem>>
        %dma_wait3A_420 = arith.constant 0 : i32
        %dma_wait3A_421 = arith.constant 0 : i32
        %dma_wait3A_422 = tpu.memref_slice %arg11[%dma_wait3A_420, %dma_wait3A_421] : memref<10112x128xf32, #tpu.memory_space<vmem_shared>> -> memref<10112x128xf32, #tpu.memory_space<vmem_shared>>
        tpu.wait_indirect_dma semaphore(%run_scoped3A_410 : memref<!tpu.dma_semaphore, #tpu.memory_space<semaphore_mem>>) src(%arg10 : memref<128x128xf32, #tpu.memory_space<vmem>>) dst(%dma_wait3A_422 : memref<10112x128xf32, #tpu.memory_space<vmem_shared>>)
        tpu.yield
      }) : () -> ()
      %dma_wait3A_375 = arith.constant 14 : i32
      %dma_wait3A_376 = arith.constant 0 : i32
      %dma_wait3A_377 = tpu.memref_slice %arg7[%dma_wait3A_375, %dma_wait3A_376] : memref<16x128xi32, #tpu.memory_space<vmem>> -> memref<1x128xi32, #tpu.memory_space<vmem>>
      %dma_wait3A_378 = tpu.memref_squeeze %dma_wait3A_377 : memref<1x128xi32, #tpu.memory_space<vmem>> -> memref<128xi32, #tpu.memory_space<vmem>>
      %dma_wait3A_379 = arith.constant 0 : i32
      %dma_wait3A_380 = arith.constant 0 : i32
      %dma_wait3A_381 = tpu.memref_slice %arg2[%arg0, %dma_wait3A_379, %dma_wait3A_380] : memref<2x10000x128xf32, #tpu.memory_space<hbm>> -> memref<1x10000x128xf32, #tpu.memory_space<hbm>>
      %dma_wait3A_382 = tpu.memref_squeeze %dma_wait3A_381 : memref<1x10000x128xf32, #tpu.memory_space<hbm>> -> memref<10000x128xf32, #tpu.memory_space<hbm>>
      %dma_wait3A_383 = arith.constant 0 : i32
      %dma_wait3A_384 = arith.constant 0 : i32
      %dma_wait3A_385 = tpu.memref_slice %dma_wait3A_382[%dma_wait3A_383, %dma_wait3A_384] : memref<10000x128xf32, #tpu.memory_space<hbm>> -> memref<10000x128xf32, #tpu.memory_space<hbm>>
      tpu.wait_indirect_dma semaphore(%arg12 : memref<!tpu.dma_semaphore, #tpu.memory_space<semaphore_mem>>) src(%dma_wait3A_385 : memref<10000x128xf32, #tpu.memory_space<hbm>>) dst(%arg9 : memref<128x128xf32, #tpu.memory_space<vmem>>)
      %dma_start3A_386 = arith.constant 15 : i32
      %dma_start3A_387 = arith.constant 0 : i32
      %dma_start3A_388 = tpu.memref_slice %arg7[%dma_start3A_386, %dma_start3A_387] : memref<16x128xi32, #tpu.memory_space<vmem>> -> memref<1x128xi32, #tpu.memory_space<vmem>>
      %dma_start3A_389 = tpu.memref_squeeze %dma_start3A_388 : memref<1x128xi32, #tpu.memory_space<vmem>> -> memref<128xi32, #tpu.memory_space<vmem>>
      %dma_start3A_390 = arith.constant 0 : i32
      %dma_start3A_391 = arith.constant 0 : i32
      %dma_start3A_392 = tpu.memref_slice %arg2[%arg0, %dma_start3A_390, %dma_start3A_391] : memref<2x10000x128xf32, #tpu.memory_space<hbm>> -> memref<1x10000x128xf32, #tpu.memory_space<hbm>>
      %dma_start3A_393 = tpu.memref_squeeze %dma_start3A_392 : memref<1x10000x128xf32, #tpu.memory_space<hbm>> -> memref<10000x128xf32, #tpu.memory_space<hbm>>
      %dma_start3A_394 = arith.constant 0 : i32
      %dma_start3A_395 = arith.constant 0 : i32
      %dma_start3A_396 = tpu.memref_slice %dma_start3A_393[%dma_start3A_394, %dma_start3A_395] : memref<10000x128xf32, #tpu.memory_space<hbm>> -> memref<10000x128xf32, #tpu.memory_space<hbm>>
      tpu.enqueue_indirect_dma source(%dma_start3A_396 : memref<10000x128xf32, #tpu.memory_space<hbm>>) target(%arg10 : memref<128x128xf32, #tpu.memory_space<vmem>>) offsets(%dma_start3A_389 : memref<128xi32, #tpu.memory_space<vmem>>) semaphore(%arg12 : memref<!tpu.dma_semaphore, #tpu.memory_space<semaphore_mem>>)
      %run_scoped3A_397 = arith.constant 14 : i32
      "tpu.region"() ({
        %run_scoped3A_410 = tpu.sem_alloc : memref<!tpu.dma_semaphore, #tpu.memory_space<semaphore_mem>>
        %dma_start3A_411 = arith.constant 0 : i32
        %dma_start3A_412 = tpu.memref_slice %arg8[%run_scoped3A_397, %dma_start3A_411] : memref<16x128xi32, #tpu.memory_space<vmem>> -> memref<1x128xi32, #tpu.memory_space<vmem>>
        %dma_start3A_413 = tpu.memref_squeeze %dma_start3A_412 : memref<1x128xi32, #tpu.memory_space<vmem>> -> memref<128xi32, #tpu.memory_space<vmem>>
        %dma_start3A_414 = arith.constant 0 : i32
        %dma_start3A_415 = arith.constant 0 : i32
        %dma_start3A_416 = tpu.memref_slice %arg11[%dma_start3A_414, %dma_start3A_415] : memref<10112x128xf32, #tpu.memory_space<vmem_shared>> -> memref<10112x128xf32, #tpu.memory_space<vmem_shared>>
        tpu.enqueue_indirect_dma source(%arg9 : memref<128x128xf32, #tpu.memory_space<vmem>>) target(%dma_start3A_416 : memref<10112x128xf32, #tpu.memory_space<vmem_shared>>) offsets(%dma_start3A_413 : memref<128xi32, #tpu.memory_space<vmem>>) semaphore(%run_scoped3A_410 : memref<!tpu.dma_semaphore, #tpu.memory_space<semaphore_mem>>) {add = true}
        %dma_wait3A_417 = arith.constant 0 : i32
        %dma_wait3A_418 = tpu.memref_slice %arg8[%run_scoped3A_397, %dma_wait3A_417] : memref<16x128xi32, #tpu.memory_space<vmem>> -> memref<1x128xi32, #tpu.memory_space<vmem>>
        %dma_wait3A_419 = tpu.memref_squeeze %dma_wait3A_418 : memref<1x128xi32, #tpu.memory_space<vmem>> -> memref<128xi32, #tpu.memory_space<vmem>>
        %dma_wait3A_420 = arith.constant 0 : i32
        %dma_wait3A_421 = arith.constant 0 : i32
        %dma_wait3A_422 = tpu.memref_slice %arg11[%dma_wait3A_420, %dma_wait3A_421] : memref<10112x128xf32, #tpu.memory_space<vmem_shared>> -> memref<10112x128xf32, #tpu.memory_space<vmem_shared>>
        tpu.wait_indirect_dma semaphore(%run_scoped3A_410 : memref<!tpu.dma_semaphore, #tpu.memory_space<semaphore_mem>>) src(%arg9 : memref<128x128xf32, #tpu.memory_space<vmem>>) dst(%dma_wait3A_422 : memref<10112x128xf32, #tpu.memory_space<vmem_shared>>)
        tpu.yield
      }) : () -> ()
      %dma_wait3A_398 = arith.constant 15 : i32
      %dma_wait3A_399 = arith.constant 0 : i32
      %dma_wait3A_400 = tpu.memref_slice %arg7[%dma_wait3A_398, %dma_wait3A_399] : memref<16x128xi32, #tpu.memory_space<vmem>> -> memref<1x128xi32, #tpu.memory_space<vmem>>
      %dma_wait3A_401 = tpu.memref_squeeze %dma_wait3A_400 : memref<1x128xi32, #tpu.memory_space<vmem>> -> memref<128xi32, #tpu.memory_space<vmem>>
      %dma_wait3A_402 = arith.constant 0 : i32
      %dma_wait3A_403 = arith.constant 0 : i32
      %dma_wait3A_404 = tpu.memref_slice %arg2[%arg0, %dma_wait3A_402, %dma_wait3A_403] : memref<2x10000x128xf32, #tpu.memory_space<hbm>> -> memref<1x10000x128xf32, #tpu.memory_space<hbm>>
      %dma_wait3A_405 = tpu.memref_squeeze %dma_wait3A_404 : memref<1x10000x128xf32, #tpu.memory_space<hbm>> -> memref<10000x128xf32, #tpu.memory_space<hbm>>
      %dma_wait3A_406 = arith.constant 0 : i32
      %dma_wait3A_407 = arith.constant 0 : i32
      %dma_wait3A_408 = tpu.memref_slice %dma_wait3A_405[%dma_wait3A_406, %dma_wait3A_407] : memref<10000x128xf32, #tpu.memory_space<hbm>> -> memref<10000x128xf32, #tpu.memory_space<hbm>>
      tpu.wait_indirect_dma semaphore(%arg12 : memref<!tpu.dma_semaphore, #tpu.memory_space<semaphore_mem>>) src(%dma_wait3A_408 : memref<10000x128xf32, #tpu.memory_space<hbm>>) dst(%arg10 : memref<128x128xf32, #tpu.memory_space<vmem>>)
      %run_scoped3A_409 = arith.constant 15 : i32
      "tpu.region"() ({
        %run_scoped3A_410 = tpu.sem_alloc : memref<!tpu.dma_semaphore, #tpu.memory_space<semaphore_mem>>
        %dma_start3A_411 = arith.constant 0 : i32
        %dma_start3A_412 = tpu.memref_slice %arg8[%run_scoped3A_409, %dma_start3A_411] : memref<16x128xi32, #tpu.memory_space<vmem>> -> memref<1x128xi32, #tpu.memory_space<vmem>>
        %dma_start3A_413 = tpu.memref_squeeze %dma_start3A_412 : memref<1x128xi32, #tpu.memory_space<vmem>> -> memref<128xi32, #tpu.memory_space<vmem>>
        %dma_start3A_414 = arith.constant 0 : i32
        %dma_start3A_415 = arith.constant 0 : i32
        %dma_start3A_416 = tpu.memref_slice %arg11[%dma_start3A_414, %dma_start3A_415] : memref<10112x128xf32, #tpu.memory_space<vmem_shared>> -> memref<10112x128xf32, #tpu.memory_space<vmem_shared>>
        tpu.enqueue_indirect_dma source(%arg10 : memref<128x128xf32, #tpu.memory_space<vmem>>) target(%dma_start3A_416 : memref<10112x128xf32, #tpu.memory_space<vmem_shared>>) offsets(%dma_start3A_413 : memref<128xi32, #tpu.memory_space<vmem>>) semaphore(%run_scoped3A_410 : memref<!tpu.dma_semaphore, #tpu.memory_space<semaphore_mem>>) {add = true}
        %dma_wait3A_417 = arith.constant 0 : i32
        %dma_wait3A_418 = tpu.memref_slice %arg8[%run_scoped3A_409, %dma_wait3A_417] : memref<16x128xi32, #tpu.memory_space<vmem>> -> memref<1x128xi32, #tpu.memory_space<vmem>>
        %dma_wait3A_419 = tpu.memref_squeeze %dma_wait3A_418 : memref<1x128xi32, #tpu.memory_space<vmem>> -> memref<128xi32, #tpu.memory_space<vmem>>
        %dma_wait3A_420 = arith.constant 0 : i32
        %dma_wait3A_421 = arith.constant 0 : i32
        %dma_wait3A_422 = tpu.memref_slice %arg11[%dma_wait3A_420, %dma_wait3A_421] : memref<10112x128xf32, #tpu.memory_space<vmem_shared>> -> memref<10112x128xf32, #tpu.memory_space<vmem_shared>>
        tpu.wait_indirect_dma semaphore(%run_scoped3A_410 : memref<!tpu.dma_semaphore, #tpu.memory_space<semaphore_mem>>) src(%arg10 : memref<128x128xf32, #tpu.memory_space<vmem>>) dst(%dma_wait3A_422 : memref<10112x128xf32, #tpu.memory_space<vmem_shared>>)
        tpu.yield
      }) : () -> ()
    }
    %scan3A_16 = arith.constant 10 : i32
    %barrier3A_17 = arith.constant 0 : index
    tpu.barrier barrier_id(%barrier3A_17)
    %mul3A_18 = arith.constant 10112 : i32
    %mul3A_19 = arith.muli %arg0, %mul3A_18 : i32
    %add3A_20 = arith.addi %mul3A_19, %mul3A_0 : i32
    %add3A_21 = arith.constant 0 : i32
    %add3A_22 = arith.addi %mul3A_0, %add3A_21 : i32
    "tpu.region"() ({
      %run_scoped3A = tpu.sem_alloc : memref<!tpu.dma_semaphore, #tpu.memory_space<semaphore_mem>>
      %dma_start3A = arith.constant 0 : i32
      %dma_start3A_41 = arith.constant 0 : i32
      %dma_start3A_42 = tpu.memref_slice %arg9[%dma_start3A, %dma_start3A_41] : memref<128x128xf32, #tpu.memory_space<vmem>> -> memref<128x128xf32, #tpu.memory_space<vmem>>
      %dma_start3A_43 = arith.constant 0 : i32
      %dma_start3A_44 = tpu.memref_slice %arg11[%add3A_22, %dma_start3A_43] : memref<10112x128xf32, #tpu.memory_space<vmem_shared>> -> memref<128x128xf32, #tpu.memory_space<vmem_shared>>
      %dma_start3A_45 = arith.constant 0 : i32
      %dma_start3A_46 = arith.constant 0 : i32
      %dma_start3A_47 = tpu.memref_slice %arg9[%dma_start3A_45, %dma_start3A_46] : memref<128x128xf32, #tpu.memory_space<vmem>> -> memref<128x128xf32, #tpu.memory_space<vmem>>
      %dma_start3A_48 = arith.constant 0 : i32
      %dma_start3A_49 = tpu.memref_slice %arg11[%add3A_22, %dma_start3A_48] : memref<10112x128xf32, #tpu.memory_space<vmem_shared>> -> memref<128x128xf32, #tpu.memory_space<vmem_shared>>
      tpu.enqueue_dma source(%dma_start3A_49 : memref<128x128xf32, #tpu.memory_space<vmem_shared>>) target(%dma_start3A_47 : memref<128x128xf32, #tpu.memory_space<vmem>>) target_semaphore(%run_scoped3A : memref<!tpu.dma_semaphore, #tpu.memory_space<semaphore_mem>>)
      %dma_wait3A = arith.constant 0 : i32
      %dma_wait3A_50 = arith.constant 0 : i32
      %dma_wait3A_51 = tpu.memref_slice %arg9[%dma_wait3A, %dma_wait3A_50] : memref<128x128xf32, #tpu.memory_space<vmem>> -> memref<128x128xf32, #tpu.memory_space<vmem>>
      %dma_wait3A_52 = arith.constant 0 : i32
      %dma_wait3A_53 = tpu.memref_slice %arg11[%add3A_22, %dma_wait3A_52] : memref<10112x128xf32, #tpu.memory_space<vmem_shared>> -> memref<128x128xf32, #tpu.memory_space<vmem_shared>>
      %dma_wait3A_54 = arith.constant 0 : i32
      %dma_wait3A_55 = arith.constant 0 : i32
      %dma_wait3A_56 = tpu.memref_slice %arg9[%dma_wait3A_54, %dma_wait3A_55] : memref<128x128xf32, #tpu.memory_space<vmem>> -> memref<128x128xf32, #tpu.memory_space<vmem>>
      %dma_wait3A_57 = arith.constant 0 : i32
      %dma_wait3A_58 = tpu.memref_slice %arg11[%add3A_22, %dma_wait3A_57] : memref<10112x128xf32, #tpu.memory_space<vmem_shared>> -> memref<128x128xf32, #tpu.memory_space<vmem_shared>>
      tpu.wait_dma2 semaphore(%run_scoped3A : memref<!tpu.dma_semaphore, #tpu.memory_space<semaphore_mem>>) src(%dma_wait3A_58 : memref<128x128xf32, #tpu.memory_space<vmem_shared>>) dst(%dma_wait3A_56 : memref<128x128xf32, #tpu.memory_space<vmem>>)
      tpu.yield
    }) : () -> ()
    %add3A_23 = arith.constant 0 : i32
    %add3A_24 = arith.addi %add3A_20, %add3A_23 : i32
    "tpu.region"() ({
      %run_scoped3A = tpu.sem_alloc : memref<!tpu.dma_semaphore, #tpu.memory_space<semaphore_mem>>
      %dma_start3A = arith.constant 0 : i32
      %dma_start3A_41 = arith.constant 0 : i32
      %dma_start3A_42 = tpu.memref_slice %arg9[%dma_start3A, %dma_start3A_41] : memref<128x128xf32, #tpu.memory_space<vmem>> -> memref<128x128xf32, #tpu.memory_space<vmem>>
      %dma_start3A_43 = arith.constant 0 : i32
      %dma_start3A_44 = tpu.memref_slice %arg6[%add3A_24, %dma_start3A_43] : memref<20224x128xf32, #tpu.memory_space<hbm>> -> memref<128x128xf32, #tpu.memory_space<hbm>>
      %dma_start3A_45 = arith.constant 0 : i32
      %dma_start3A_46 = tpu.memref_slice %arg6[%add3A_24, %dma_start3A_45] : memref<20224x128xf32, #tpu.memory_space<hbm>> -> memref<128x128xf32, #tpu.memory_space<hbm>>
      %dma_start3A_47 = arith.constant 0 : i32
      %dma_start3A_48 = arith.constant 0 : i32
      %dma_start3A_49 = tpu.memref_slice %arg9[%dma_start3A_47, %dma_start3A_48] : memref<128x128xf32, #tpu.memory_space<vmem>> -> memref<128x128xf32, #tpu.memory_space<vmem>>
      tpu.enqueue_dma source(%dma_start3A_49 : memref<128x128xf32, #tpu.memory_space<vmem>>) target(%dma_start3A_46 : memref<128x128xf32, #tpu.memory_space<hbm>>) target_semaphore(%run_scoped3A : memref<!tpu.dma_semaphore, #tpu.memory_space<semaphore_mem>>)
      %dma_wait3A = arith.constant 0 : i32
      %dma_wait3A_50 = arith.constant 0 : i32
      %dma_wait3A_51 = tpu.memref_slice %arg9[%dma_wait3A, %dma_wait3A_50] : memref<128x128xf32, #tpu.memory_space<vmem>> -> memref<128x128xf32, #tpu.memory_space<vmem>>
      %dma_wait3A_52 = arith.constant 0 : i32
      %dma_wait3A_53 = tpu.memref_slice %arg6[%add3A_24, %dma_wait3A_52] : memref<20224x128xf32, #tpu.memory_space<hbm>> -> memref<128x128xf32, #tpu.memory_space<hbm>>
      %dma_wait3A_54 = arith.constant 0 : i32
      %dma_wait3A_55 = tpu.memref_slice %arg6[%add3A_24, %dma_wait3A_54] : memref<20224x128xf32, #tpu.memory_space<hbm>> -> memref<128x128xf32, #tpu.memory_space<hbm>>
      %dma_wait3A_56 = arith.constant 0 : i32
      %dma_wait3A_57 = arith.constant 0 : i32
      %dma_wait3A_58 = tpu.memref_slice %arg9[%dma_wait3A_56, %dma_wait3A_57] : memref<128x128xf32, #tpu.memory_space<vmem>> -> memref<128x128xf32, #tpu.memory_space<vmem>>
      tpu.wait_dma2 semaphore(%run_scoped3A : memref<!tpu.dma_semaphore, #tpu.memory_space<semaphore_mem>>) src(%dma_wait3A_58 : memref<128x128xf32, #tpu.memory_space<vmem>>) dst(%dma_wait3A_55 : memref<128x128xf32, #tpu.memory_space<hbm>>)
      tpu.yield
    }) : () -> ()
    %add3A_25 = arith.constant 128 : i32
    %add3A_26 = arith.addi %mul3A_0, %add3A_25 : i32
    "tpu.region"() ({
      %run_scoped3A = tpu.sem_alloc : memref<!tpu.dma_semaphore, #tpu.memory_space<semaphore_mem>>
      %dma_start3A = arith.constant 0 : i32
      %dma_start3A_41 = arith.constant 0 : i32
      %dma_start3A_42 = tpu.memref_slice %arg9[%dma_start3A, %dma_start3A_41] : memref<128x128xf32, #tpu.memory_space<vmem>> -> memref<128x128xf32, #tpu.memory_space<vmem>>
      %dma_start3A_43 = arith.constant 0 : i32
      %dma_start3A_44 = tpu.memref_slice %arg11[%add3A_26, %dma_start3A_43] : memref<10112x128xf32, #tpu.memory_space<vmem_shared>> -> memref<128x128xf32, #tpu.memory_space<vmem_shared>>
      %dma_start3A_45 = arith.constant 0 : i32
      %dma_start3A_46 = arith.constant 0 : i32
      %dma_start3A_47 = tpu.memref_slice %arg9[%dma_start3A_45, %dma_start3A_46] : memref<128x128xf32, #tpu.memory_space<vmem>> -> memref<128x128xf32, #tpu.memory_space<vmem>>
      %dma_start3A_48 = arith.constant 0 : i32
      %dma_start3A_49 = tpu.memref_slice %arg11[%add3A_26, %dma_start3A_48] : memref<10112x128xf32, #tpu.memory_space<vmem_shared>> -> memref<128x128xf32, #tpu.memory_space<vmem_shared>>
      tpu.enqueue_dma source(%dma_start3A_49 : memref<128x128xf32, #tpu.memory_space<vmem_shared>>) target(%dma_start3A_47 : memref<128x128xf32, #tpu.memory_space<vmem>>) target_semaphore(%run_scoped3A : memref<!tpu.dma_semaphore, #tpu.memory_space<semaphore_mem>>)
      %dma_wait3A = arith.constant 0 : i32
      %dma_wait3A_50 = arith.constant 0 : i32
      %dma_wait3A_51 = tpu.memref_slice %arg9[%dma_wait3A, %dma_wait3A_50] : memref<128x128xf32, #tpu.memory_space<vmem>> -> memref<128x128xf32, #tpu.memory_space<vmem>>
      %dma_wait3A_52 = arith.constant 0 : i32
      %dma_wait3A_53 = tpu.memref_slice %arg11[%add3A_26, %dma_wait3A_52] : memref<10112x128xf32, #tpu.memory_space<vmem_shared>> -> memref<128x128xf32, #tpu.memory_space<vmem_shared>>
      %dma_wait3A_54 = arith.constant 0 : i32
      %dma_wait3A_55 = arith.constant 0 : i32
      %dma_wait3A_56 = tpu.memref_slice %arg9[%dma_wait3A_54, %dma_wait3A_55] : memref<128x128xf32, #tpu.memory_space<vmem>> -> memref<128x128xf32, #tpu.memory_space<vmem>>
      %dma_wait3A_57 = arith.constant 0 : i32
      %dma_wait3A_58 = tpu.memref_slice %arg11[%add3A_26, %dma_wait3A_57] : memref<10112x128xf32, #tpu.memory_space<vmem_shared>> -> memref<128x128xf32, #tpu.memory_space<vmem_shared>>
      tpu.wait_dma2 semaphore(%run_scoped3A : memref<!tpu.dma_semaphore, #tpu.memory_space<semaphore_mem>>) src(%dma_wait3A_58 : memref<128x128xf32, #tpu.memory_space<vmem_shared>>) dst(%dma_wait3A_56 : memref<128x128xf32, #tpu.memory_space<vmem>>)
      tpu.yield
    }) : () -> ()
    %add3A_27 = arith.constant 128 : i32
    %add3A_28 = arith.addi %add3A_20, %add3A_27 : i32
    "tpu.region"() ({
      %run_scoped3A = tpu.sem_alloc : memref<!tpu.dma_semaphore, #tpu.memory_space<semaphore_mem>>
      %dma_start3A = arith.constant 0 : i32
      %dma_start3A_41 = arith.constant 0 : i32
      %dma_start3A_42 = tpu.memref_slice %arg9[%dma_start3A, %dma_start3A_41] : memref<128x128xf32, #tpu.memory_space<vmem>> -> memref<128x128xf32, #tpu.memory_space<vmem>>
      %dma_start3A_43 = arith.constant 0 : i32
      %dma_start3A_44 = tpu.memref_slice %arg6[%add3A_28, %dma_start3A_43] : memref<20224x128xf32, #tpu.memory_space<hbm>> -> memref<128x128xf32, #tpu.memory_space<hbm>>
      %dma_start3A_45 = arith.constant 0 : i32
      %dma_start3A_46 = tpu.memref_slice %arg6[%add3A_28, %dma_start3A_45] : memref<20224x128xf32, #tpu.memory_space<hbm>> -> memref<128x128xf32, #tpu.memory_space<hbm>>
      %dma_start3A_47 = arith.constant 0 : i32
      %dma_start3A_48 = arith.constant 0 : i32
      %dma_start3A_49 = tpu.memref_slice %arg9[%dma_start3A_47, %dma_start3A_48] : memref<128x128xf32, #tpu.memory_space<vmem>> -> memref<128x128xf32, #tpu.memory_space<vmem>>
      tpu.enqueue_dma source(%dma_start3A_49 : memref<128x128xf32, #tpu.memory_space<vmem>>) target(%dma_start3A_46 : memref<128x128xf32, #tpu.memory_space<hbm>>) target_semaphore(%run_scoped3A : memref<!tpu.dma_semaphore, #tpu.memory_space<semaphore_mem>>)
      %dma_wait3A = arith.constant 0 : i32
      %dma_wait3A_50 = arith.constant 0 : i32
      %dma_wait3A_51 = tpu.memref_slice %arg9[%dma_wait3A, %dma_wait3A_50] : memref<128x128xf32, #tpu.memory_space<vmem>> -> memref<128x128xf32, #tpu.memory_space<vmem>>
      %dma_wait3A_52 = arith.constant 0 : i32
      %dma_wait3A_53 = tpu.memref_slice %arg6[%add3A_28, %dma_wait3A_52] : memref<20224x128xf32, #tpu.memory_space<hbm>> -> memref<128x128xf32, #tpu.memory_space<hbm>>
      %dma_wait3A_54 = arith.constant 0 : i32
      %dma_wait3A_55 = tpu.memref_slice %arg6[%add3A_28, %dma_wait3A_54] : memref<20224x128xf32, #tpu.memory_space<hbm>> -> memref<128x128xf32, #tpu.memory_space<hbm>>
      %dma_wait3A_56 = arith.constant 0 : i32
      %dma_wait3A_57 = arith.constant 0 : i32
      %dma_wait3A_58 = tpu.memref_slice %arg9[%dma_wait3A_56, %dma_wait3A_57] : memref<128x128xf32, #tpu.memory_space<vmem>> -> memref<128x128xf32, #tpu.memory_space<vmem>>
      tpu.wait_dma2 semaphore(%run_scoped3A : memref<!tpu.dma_semaphore, #tpu.memory_space<semaphore_mem>>) src(%dma_wait3A_58 : memref<128x128xf32, #tpu.memory_space<vmem>>) dst(%dma_wait3A_55 : memref<128x128xf32, #tpu.memory_space<hbm>>)
      tpu.yield
    }) : () -> ()
    %add3A_29 = arith.constant 256 : i32
    %add3A_30 = arith.addi %mul3A_0, %add3A_29 : i32
    "tpu.region"() ({
      %run_scoped3A = tpu.sem_alloc : memref<!tpu.dma_semaphore, #tpu.memory_space<semaphore_mem>>
      %dma_start3A = arith.constant 0 : i32
      %dma_start3A_41 = arith.constant 0 : i32
      %dma_start3A_42 = tpu.memref_slice %arg9[%dma_start3A, %dma_start3A_41] : memref<128x128xf32, #tpu.memory_space<vmem>> -> memref<128x128xf32, #tpu.memory_space<vmem>>
      %dma_start3A_43 = arith.constant 0 : i32
      %dma_start3A_44 = tpu.memref_slice %arg11[%add3A_30, %dma_start3A_43] : memref<10112x128xf32, #tpu.memory_space<vmem_shared>> -> memref<128x128xf32, #tpu.memory_space<vmem_shared>>
      %dma_start3A_45 = arith.constant 0 : i32
      %dma_start3A_46 = arith.constant 0 : i32
      %dma_start3A_47 = tpu.memref_slice %arg9[%dma_start3A_45, %dma_start3A_46] : memref<128x128xf32, #tpu.memory_space<vmem>> -> memref<128x128xf32, #tpu.memory_space<vmem>>
      %dma_start3A_48 = arith.constant 0 : i32
      %dma_start3A_49 = tpu.memref_slice %arg11[%add3A_30, %dma_start3A_48] : memref<10112x128xf32, #tpu.memory_space<vmem_shared>> -> memref<128x128xf32, #tpu.memory_space<vmem_shared>>
      tpu.enqueue_dma source(%dma_start3A_49 : memref<128x128xf32, #tpu.memory_space<vmem_shared>>) target(%dma_start3A_47 : memref<128x128xf32, #tpu.memory_space<vmem>>) target_semaphore(%run_scoped3A : memref<!tpu.dma_semaphore, #tpu.memory_space<semaphore_mem>>)
      %dma_wait3A = arith.constant 0 : i32
      %dma_wait3A_50 = arith.constant 0 : i32
      %dma_wait3A_51 = tpu.memref_slice %arg9[%dma_wait3A, %dma_wait3A_50] : memref<128x128xf32, #tpu.memory_space<vmem>> -> memref<128x128xf32, #tpu.memory_space<vmem>>
      %dma_wait3A_52 = arith.constant 0 : i32
      %dma_wait3A_53 = tpu.memref_slice %arg11[%add3A_30, %dma_wait3A_52] : memref<10112x128xf32, #tpu.memory_space<vmem_shared>> -> memref<128x128xf32, #tpu.memory_space<vmem_shared>>
      %dma_wait3A_54 = arith.constant 0 : i32
      %dma_wait3A_55 = arith.constant 0 : i32
      %dma_wait3A_56 = tpu.memref_slice %arg9[%dma_wait3A_54, %dma_wait3A_55] : memref<128x128xf32, #tpu.memory_space<vmem>> -> memref<128x128xf32, #tpu.memory_space<vmem>>
      %dma_wait3A_57 = arith.constant 0 : i32
      %dma_wait3A_58 = tpu.memref_slice %arg11[%add3A_30, %dma_wait3A_57] : memref<10112x128xf32, #tpu.memory_space<vmem_shared>> -> memref<128x128xf32, #tpu.memory_space<vmem_shared>>
      tpu.wait_dma2 semaphore(%run_scoped3A : memref<!tpu.dma_semaphore, #tpu.memory_space<semaphore_mem>>) src(%dma_wait3A_58 : memref<128x128xf32, #tpu.memory_space<vmem_shared>>) dst(%dma_wait3A_56 : memref<128x128xf32, #tpu.memory_space<vmem>>)
      tpu.yield
    }) : () -> ()
    %add3A_31 = arith.constant 256 : i32
    %add3A_32 = arith.addi %add3A_20, %add3A_31 : i32
    "tpu.region"() ({
      %run_scoped3A = tpu.sem_alloc : memref<!tpu.dma_semaphore, #tpu.memory_space<semaphore_mem>>
      %dma_start3A = arith.constant 0 : i32
      %dma_start3A_41 = arith.constant 0 : i32
      %dma_start3A_42 = tpu.memref_slice %arg9[%dma_start3A, %dma_start3A_41] : memref<128x128xf32, #tpu.memory_space<vmem>> -> memref<128x128xf32, #tpu.memory_space<vmem>>
      %dma_start3A_43 = arith.constant 0 : i32
      %dma_start3A_44 = tpu.memref_slice %arg6[%add3A_32, %dma_start3A_43] : memref<20224x128xf32, #tpu.memory_space<hbm>> -> memref<128x128xf32, #tpu.memory_space<hbm>>
      %dma_start3A_45 = arith.constant 0 : i32
      %dma_start3A_46 = tpu.memref_slice %arg6[%add3A_32, %dma_start3A_45] : memref<20224x128xf32, #tpu.memory_space<hbm>> -> memref<128x128xf32, #tpu.memory_space<hbm>>
      %dma_start3A_47 = arith.constant 0 : i32
      %dma_start3A_48 = arith.constant 0 : i32
      %dma_start3A_49 = tpu.memref_slice %arg9[%dma_start3A_47, %dma_start3A_48] : memref<128x128xf32, #tpu.memory_space<vmem>> -> memref<128x128xf32, #tpu.memory_space<vmem>>
      tpu.enqueue_dma source(%dma_start3A_49 : memref<128x128xf32, #tpu.memory_space<vmem>>) target(%dma_start3A_46 : memref<128x128xf32, #tpu.memory_space<hbm>>) target_semaphore(%run_scoped3A : memref<!tpu.dma_semaphore, #tpu.memory_space<semaphore_mem>>)
      %dma_wait3A = arith.constant 0 : i32
      %dma_wait3A_50 = arith.constant 0 : i32
      %dma_wait3A_51 = tpu.memref_slice %arg9[%dma_wait3A, %dma_wait3A_50] : memref<128x128xf32, #tpu.memory_space<vmem>> -> memref<128x128xf32, #tpu.memory_space<vmem>>
      %dma_wait3A_52 = arith.constant 0 : i32
      %dma_wait3A_53 = tpu.memref_slice %arg6[%add3A_32, %dma_wait3A_52] : memref<20224x128xf32, #tpu.memory_space<hbm>> -> memref<128x128xf32, #tpu.memory_space<hbm>>
      %dma_wait3A_54 = arith.constant 0 : i32
      %dma_wait3A_55 = tpu.memref_slice %arg6[%add3A_32, %dma_wait3A_54] : memref<20224x128xf32, #tpu.memory_space<hbm>> -> memref<128x128xf32, #tpu.memory_space<hbm>>
      %dma_wait3A_56 = arith.constant 0 : i32
      %dma_wait3A_57 = arith.constant 0 : i32
      %dma_wait3A_58 = tpu.memref_slice %arg9[%dma_wait3A_56, %dma_wait3A_57] : memref<128x128xf32, #tpu.memory_space<vmem>> -> memref<128x128xf32, #tpu.memory_space<vmem>>
      tpu.wait_dma2 semaphore(%run_scoped3A : memref<!tpu.dma_semaphore, #tpu.memory_space<semaphore_mem>>) src(%dma_wait3A_58 : memref<128x128xf32, #tpu.memory_space<vmem>>) dst(%dma_wait3A_55 : memref<128x128xf32, #tpu.memory_space<hbm>>)
      tpu.yield
    }) : () -> ()
    %add3A_33 = arith.constant 384 : i32
    %add3A_34 = arith.addi %mul3A_0, %add3A_33 : i32
    "tpu.region"() ({
      %run_scoped3A = tpu.sem_alloc : memref<!tpu.dma_semaphore, #tpu.memory_space<semaphore_mem>>
      %dma_start3A = arith.constant 0 : i32
      %dma_start3A_41 = arith.constant 0 : i32
      %dma_start3A_42 = tpu.memref_slice %arg9[%dma_start3A, %dma_start3A_41] : memref<128x128xf32, #tpu.memory_space<vmem>> -> memref<128x128xf32, #tpu.memory_space<vmem>>
      %dma_start3A_43 = arith.constant 0 : i32
      %dma_start3A_44 = tpu.memref_slice %arg11[%add3A_34, %dma_start3A_43] : memref<10112x128xf32, #tpu.memory_space<vmem_shared>> -> memref<128x128xf32, #tpu.memory_space<vmem_shared>>
      %dma_start3A_45 = arith.constant 0 : i32
      %dma_start3A_46 = arith.constant 0 : i32
      %dma_start3A_47 = tpu.memref_slice %arg9[%dma_start3A_45, %dma_start3A_46] : memref<128x128xf32, #tpu.memory_space<vmem>> -> memref<128x128xf32, #tpu.memory_space<vmem>>
      %dma_start3A_48 = arith.constant 0 : i32
      %dma_start3A_49 = tpu.memref_slice %arg11[%add3A_34, %dma_start3A_48] : memref<10112x128xf32, #tpu.memory_space<vmem_shared>> -> memref<128x128xf32, #tpu.memory_space<vmem_shared>>
      tpu.enqueue_dma source(%dma_start3A_49 : memref<128x128xf32, #tpu.memory_space<vmem_shared>>) target(%dma_start3A_47 : memref<128x128xf32, #tpu.memory_space<vmem>>) target_semaphore(%run_scoped3A : memref<!tpu.dma_semaphore, #tpu.memory_space<semaphore_mem>>)
      %dma_wait3A = arith.constant 0 : i32
      %dma_wait3A_50 = arith.constant 0 : i32
      %dma_wait3A_51 = tpu.memref_slice %arg9[%dma_wait3A, %dma_wait3A_50] : memref<128x128xf32, #tpu.memory_space<vmem>> -> memref<128x128xf32, #tpu.memory_space<vmem>>
      %dma_wait3A_52 = arith.constant 0 : i32
      %dma_wait3A_53 = tpu.memref_slice %arg11[%add3A_34, %dma_wait3A_52] : memref<10112x128xf32, #tpu.memory_space<vmem_shared>> -> memref<128x128xf32, #tpu.memory_space<vmem_shared>>
      %dma_wait3A_54 = arith.constant 0 : i32
      %dma_wait3A_55 = arith.constant 0 : i32
      %dma_wait3A_56 = tpu.memref_slice %arg9[%dma_wait3A_54, %dma_wait3A_55] : memref<128x128xf32, #tpu.memory_space<vmem>> -> memref<128x128xf32, #tpu.memory_space<vmem>>
      %dma_wait3A_57 = arith.constant 0 : i32
      %dma_wait3A_58 = tpu.memref_slice %arg11[%add3A_34, %dma_wait3A_57] : memref<10112x128xf32, #tpu.memory_space<vmem_shared>> -> memref<128x128xf32, #tpu.memory_space<vmem_shared>>
      tpu.wait_dma2 semaphore(%run_scoped3A : memref<!tpu.dma_semaphore, #tpu.memory_space<semaphore_mem>>) src(%dma_wait3A_58 : memref<128x128xf32, #tpu.memory_space<vmem_shared>>) dst(%dma_wait3A_56 : memref<128x128xf32, #tpu.memory_space<vmem>>)
      tpu.yield
    }) : () -> ()
    %add3A_35 = arith.constant 384 : i32
    %add3A_36 = arith.addi %add3A_20, %add3A_35 : i32
    "tpu.region"() ({
      %run_scoped3A = tpu.sem_alloc : memref<!tpu.dma_semaphore, #tpu.memory_space<semaphore_mem>>
      %dma_start3A = arith.constant 0 : i32
      %dma_start3A_41 = arith.constant 0 : i32
      %dma_start3A_42 = tpu.memref_slice %arg9[%dma_start3A, %dma_start3A_41] : memref<128x128xf32, #tpu.memory_space<vmem>> -> memref<128x128xf32, #tpu.memory_space<vmem>>
      %dma_start3A_43 = arith.constant 0 : i32
      %dma_start3A_44 = tpu.memref_slice %arg6[%add3A_36, %dma_start3A_43] : memref<20224x128xf32, #tpu.memory_space<hbm>> -> memref<128x128xf32, #tpu.memory_space<hbm>>
      %dma_start3A_45 = arith.constant 0 : i32
      %dma_start3A_46 = tpu.memref_slice %arg6[%add3A_36, %dma_start3A_45] : memref<20224x128xf32, #tpu.memory_space<hbm>> -> memref<128x128xf32, #tpu.memory_space<hbm>>
      %dma_start3A_47 = arith.constant 0 : i32
      %dma_start3A_48 = arith.constant 0 : i32
      %dma_start3A_49 = tpu.memref_slice %arg9[%dma_start3A_47, %dma_start3A_48] : memref<128x128xf32, #tpu.memory_space<vmem>> -> memref<128x128xf32, #tpu.memory_space<vmem>>
      tpu.enqueue_dma source(%dma_start3A_49 : memref<128x128xf32, #tpu.memory_space<vmem>>) target(%dma_start3A_46 : memref<128x128xf32, #tpu.memory_space<hbm>>) target_semaphore(%run_scoped3A : memref<!tpu.dma_semaphore, #tpu.memory_space<semaphore_mem>>)
      %dma_wait3A = arith.constant 0 : i32
      %dma_wait3A_50 = arith.constant 0 : i32
      %dma_wait3A_51 = tpu.memref_slice %arg9[%dma_wait3A, %dma_wait3A_50] : memref<128x128xf32, #tpu.memory_space<vmem>> -> memref<128x128xf32, #tpu.memory_space<vmem>>
      %dma_wait3A_52 = arith.constant 0 : i32
      %dma_wait3A_53 = tpu.memref_slice %arg6[%add3A_36, %dma_wait3A_52] : memref<20224x128xf32, #tpu.memory_space<hbm>> -> memref<128x128xf32, #tpu.memory_space<hbm>>
      %dma_wait3A_54 = arith.constant 0 : i32
      %dma_wait3A_55 = tpu.memref_slice %arg6[%add3A_36, %dma_wait3A_54] : memref<20224x128xf32, #tpu.memory_space<hbm>> -> memref<128x128xf32, #tpu.memory_space<hbm>>
      %dma_wait3A_56 = arith.constant 0 : i32
      %dma_wait3A_57 = arith.constant 0 : i32
      %dma_wait3A_58 = tpu.memref_slice %arg9[%dma_wait3A_56, %dma_wait3A_57] : memref<128x128xf32, #tpu.memory_space<vmem>> -> memref<128x128xf32, #tpu.memory_space<vmem>>
      tpu.wait_dma2 semaphore(%run_scoped3A : memref<!tpu.dma_semaphore, #tpu.memory_space<semaphore_mem>>) src(%dma_wait3A_58 : memref<128x128xf32, #tpu.memory_space<vmem>>) dst(%dma_wait3A_55 : memref<128x128xf32, #tpu.memory_space<hbm>>)
      tpu.yield
    }) : () -> ()
    %add3A_37 = arith.constant 512 : i32
    %add3A_38 = arith.addi %mul3A_0, %add3A_37 : i32
    "tpu.region"() ({
      %run_scoped3A = tpu.sem_alloc : memref<!tpu.dma_semaphore, #tpu.memory_space<semaphore_mem>>
      %dma_start3A = arith.constant 0 : i32
      %dma_start3A_41 = arith.constant 0 : i32
      %dma_start3A_42 = tpu.memref_slice %arg9[%dma_start3A, %dma_start3A_41] : memref<128x128xf32, #tpu.memory_space<vmem>> -> memref<120x128xf32, #tpu.memory_space<vmem>>
      %dma_start3A_43 = arith.constant 0 : i32
      %dma_start3A_44 = tpu.memref_slice %arg11[%add3A_38, %dma_start3A_43] : memref<10112x128xf32, #tpu.memory_space<vmem_shared>> -> memref<120x128xf32, #tpu.memory_space<vmem_shared>>
      %dma_start3A_45 = arith.constant 0 : i32
      %dma_start3A_46 = arith.constant 0 : i32
      %dma_start3A_47 = tpu.memref_slice %arg9[%dma_start3A_45, %dma_start3A_46] : memref<128x128xf32, #tpu.memory_space<vmem>> -> memref<120x128xf32, #tpu.memory_space<vmem>>
      %dma_start3A_48 = arith.constant 0 : i32
      %dma_start3A_49 = tpu.memref_slice %arg11[%add3A_38, %dma_start3A_48] : memref<10112x128xf32, #tpu.memory_space<vmem_shared>> -> memref<120x128xf32, #tpu.memory_space<vmem_shared>>
      tpu.enqueue_dma source(%dma_start3A_49 : memref<120x128xf32, #tpu.memory_space<vmem_shared>>) target(%dma_start3A_47 : memref<120x128xf32, #tpu.memory_space<vmem>>) target_semaphore(%run_scoped3A : memref<!tpu.dma_semaphore, #tpu.memory_space<semaphore_mem>>)
      %dma_wait3A = arith.constant 0 : i32
      %dma_wait3A_50 = arith.constant 0 : i32
      %dma_wait3A_51 = tpu.memref_slice %arg9[%dma_wait3A, %dma_wait3A_50] : memref<128x128xf32, #tpu.memory_space<vmem>> -> memref<120x128xf32, #tpu.memory_space<vmem>>
      %dma_wait3A_52 = arith.constant 0 : i32
      %dma_wait3A_53 = tpu.memref_slice %arg11[%add3A_38, %dma_wait3A_52] : memref<10112x128xf32, #tpu.memory_space<vmem_shared>> -> memref<120x128xf32, #tpu.memory_space<vmem_shared>>
      %dma_wait3A_54 = arith.constant 0 : i32
      %dma_wait3A_55 = arith.constant 0 : i32
      %dma_wait3A_56 = tpu.memref_slice %arg9[%dma_wait3A_54, %dma_wait3A_55] : memref<128x128xf32, #tpu.memory_space<vmem>> -> memref<120x128xf32, #tpu.memory_space<vmem>>
      %dma_wait3A_57 = arith.constant 0 : i32
      %dma_wait3A_58 = tpu.memref_slice %arg11[%add3A_38, %dma_wait3A_57] : memref<10112x128xf32, #tpu.memory_space<vmem_shared>> -> memref<120x128xf32, #tpu.memory_space<vmem_shared>>
      tpu.wait_dma2 semaphore(%run_scoped3A : memref<!tpu.dma_semaphore, #tpu.memory_space<semaphore_mem>>) src(%dma_wait3A_58 : memref<120x128xf32, #tpu.memory_space<vmem_shared>>) dst(%dma_wait3A_56 : memref<120x128xf32, #tpu.memory_space<vmem>>)
      tpu.yield
    }) : () -> ()
    %add3A_39 = arith.constant 512 : i32
    %add3A_40 = arith.addi %add3A_20, %add3A_39 : i32
    "tpu.region"() ({
      %run_scoped3A = tpu.sem_alloc : memref<!tpu.dma_semaphore, #tpu.memory_space<semaphore_mem>>
      %dma_start3A = arith.constant 0 : i32
      %dma_start3A_41 = arith.constant 0 : i32
      %dma_start3A_42 = tpu.memref_slice %arg9[%dma_start3A, %dma_start3A_41] : memref<128x128xf32, #tpu.memory_space<vmem>> -> memref<120x128xf32, #tpu.memory_space<vmem>>
      %dma_start3A_43 = arith.constant 0 : i32
      %dma_start3A_44 = tpu.memref_slice %arg6[%add3A_40, %dma_start3A_43] : memref<20224x128xf32, #tpu.memory_space<hbm>> -> memref<120x128xf32, #tpu.memory_space<hbm>>
      %dma_start3A_45 = arith.constant 0 : i32
      %dma_start3A_46 = tpu.memref_slice %arg6[%add3A_40, %dma_start3A_45] : memref<20224x128xf32, #tpu.memory_space<hbm>> -> memref<120x128xf32, #tpu.memory_space<hbm>>
      %dma_start3A_47 = arith.constant 0 : i32
      %dma_start3A_48 = arith.constant 0 : i32
      %dma_start3A_49 = tpu.memref_slice %arg9[%dma_start3A_47, %dma_start3A_48] : memref<128x128xf32, #tpu.memory_space<vmem>> -> memref<120x128xf32, #tpu.memory_space<vmem>>
      tpu.enqueue_dma source(%dma_start3A_49 : memref<120x128xf32, #tpu.memory_space<vmem>>) target(%dma_start3A_46 : memref<120x128xf32, #tpu.memory_space<hbm>>) target_semaphore(%run_scoped3A : memref<!tpu.dma_semaphore, #tpu.memory_space<semaphore_mem>>)
      %dma_wait3A = arith.constant 0 : i32
      %dma_wait3A_50 = arith.constant 0 : i32
      %dma_wait3A_51 = tpu.memref_slice %arg9[%dma_wait3A, %dma_wait3A_50] : memref<128x128xf32, #tpu.memory_space<vmem>> -> memref<120x128xf32, #tpu.memory_space<vmem>>
      %dma_wait3A_52 = arith.constant 0 : i32
      %dma_wait3A_53 = tpu.memref_slice %arg6[%add3A_40, %dma_wait3A_52] : memref<20224x128xf32, #tpu.memory_space<hbm>> -> memref<120x128xf32, #tpu.memory_space<hbm>>
      %dma_wait3A_54 = arith.constant 0 : i32
      %dma_wait3A_55 = tpu.memref_slice %arg6[%add3A_40, %dma_wait3A_54] : memref<20224x128xf32, #tpu.memory_space<hbm>> -> memref<120x128xf32, #tpu.memory_space<hbm>>
      %dma_wait3A_56 = arith.constant 0 : i32
      %dma_wait3A_57 = arith.constant 0 : i32
      %dma_wait3A_58 = tpu.memref_slice %arg9[%dma_wait3A_56, %dma_wait3A_57] : memref<128x128xf32, #tpu.memory_space<vmem>> -> memref<120x128xf32, #tpu.memory_space<vmem>>
      tpu.wait_dma2 semaphore(%run_scoped3A : memref<!tpu.dma_semaphore, #tpu.memory_space<semaphore_mem>>) src(%dma_wait3A_58 : memref<120x128xf32, #tpu.memory_space<vmem>>) dst(%dma_wait3A_55 : memref<120x128xf32, #tpu.memory_space<hbm>>)
      tpu.yield
    }) : () -> ()
    return
  }
}

#map = affine_map<(d0, d1) -> (0, 0, 0)>
#map1 = affine_map<(d0, d1) -> (0, 0)>
module attributes {stable_mosaic.version = 14 : i64} {
  func.func @k(%arg0: i32, %arg1: i32, %arg2: memref<1x10000x144xf32, #tpu.memory_space<hbm>>, %arg3: memref<2560x128xi32, #tpu.memory_space<hbm>>, %arg4: memref<2560x128xi32, #tpu.memory_space<hbm>>, %arg5: memref<10112x144xf32, #tpu.memory_space<hbm>>, %arg6: memref<20224x144xf32, #tpu.memory_space<hbm>>, %arg7: memref<8x128xi32, #tpu.memory_space<vmem>>, %arg8: memref<8x128xi32, #tpu.memory_space<vmem>>, %arg9: memref<128x144xf32, #tpu.memory_space<vmem>>, %arg10: memref<128x144xf32, #tpu.memory_space<vmem>>, %arg11: memref<10112x144xf32, #tpu.memory_space<vmem_shared>>, %arg12: memref<!tpu.dma_semaphore, #tpu.memory_space<semaphore_mem>>) attributes {dimension_semantics = [#tpu.dimension_semantics<core_parallel>, #tpu.dimension_semantics<subcore_parallel>], iteration_bounds = array<i64: 2, 16>, scalar_prefetch = 0 : i64, scratch_operands = 6 : i64, tpu.core_type = #tpu.core_type<sc_vector_subcore>, window_params = [{transform_indices = #map}, {transform_indices = #map1}, {transform_indices = #map1}, {transform_indices = #map1}, {transform_indices = #map1}]} {
    %mul3A = arith.constant 632 : i32
    %mul3A_0 = arith.muli %arg1, %mul3A : i32
    "tpu.region"() ({
      %run_scoped3A = tpu.sem_alloc : memref<!tpu.dma_semaphore, #tpu.memory_space<semaphore_mem>>
      %dma_start3A = arith.constant 0 : i32
      %dma_start3A_45 = arith.constant 0 : i32
      %dma_start3A_46 = tpu.memref_slice %arg5[%dma_start3A, %dma_start3A_45] : memref<10112x144xf32, #tpu.memory_space<hbm>> -> memref<128x144xf32, #tpu.memory_space<hbm>>
      %dma_start3A_47 = arith.constant 0 : i32
      %dma_start3A_48 = arith.constant 0 : i32
      %dma_start3A_49 = tpu.memref_slice %arg5[%dma_start3A_47, %dma_start3A_48] : memref<10112x144xf32, #tpu.memory_space<hbm>> -> memref<128x144xf32, #tpu.memory_space<hbm>>
      tpu.enqueue_dma source(%dma_start3A_49 : memref<128x144xf32, #tpu.memory_space<hbm>>) target(%arg9 : memref<128x144xf32, #tpu.memory_space<vmem>>) target_semaphore(%run_scoped3A : memref<!tpu.dma_semaphore, #tpu.memory_space<semaphore_mem>>)
      %dma_wait3A = arith.constant 0 : i32
      %dma_wait3A_50 = arith.constant 0 : i32
      %dma_wait3A_51 = tpu.memref_slice %arg5[%dma_wait3A, %dma_wait3A_50] : memref<10112x144xf32, #tpu.memory_space<hbm>> -> memref<128x144xf32, #tpu.memory_space<hbm>>
      %dma_wait3A_52 = arith.constant 0 : i32
      %dma_wait3A_53 = arith.constant 0 : i32
      %dma_wait3A_54 = tpu.memref_slice %arg5[%dma_wait3A_52, %dma_wait3A_53] : memref<10112x144xf32, #tpu.memory_space<hbm>> -> memref<128x144xf32, #tpu.memory_space<hbm>>
      tpu.wait_dma2 semaphore(%run_scoped3A : memref<!tpu.dma_semaphore, #tpu.memory_space<semaphore_mem>>) src(%dma_wait3A_54 : memref<128x144xf32, #tpu.memory_space<hbm>>) dst(%arg9 : memref<128x144xf32, #tpu.memory_space<vmem>>)
      tpu.yield
    }) : () -> ()
    %add3A = arith.constant 0 : i32
    %add3A_1 = arith.addi %mul3A_0, %add3A : i32
    "tpu.region"() ({
      %run_scoped3A = tpu.sem_alloc : memref<!tpu.dma_semaphore, #tpu.memory_space<semaphore_mem>>
      %dma_start3A = arith.constant 0 : i32
      %dma_start3A_45 = arith.constant 0 : i32
      %dma_start3A_46 = tpu.memref_slice %arg9[%dma_start3A, %dma_start3A_45] : memref<128x144xf32, #tpu.memory_space<vmem>> -> memref<128x144xf32, #tpu.memory_space<vmem>>
      %dma_start3A_47 = arith.constant 0 : i32
      %dma_start3A_48 = tpu.memref_slice %arg11[%add3A_1, %dma_start3A_47] : memref<10112x144xf32, #tpu.memory_space<vmem_shared>> -> memref<128x144xf32, #tpu.memory_space<vmem_shared>>
      %dma_start3A_49 = arith.constant 0 : i32
      %dma_start3A_50 = tpu.memref_slice %arg11[%add3A_1, %dma_start3A_49] : memref<10112x144xf32, #tpu.memory_space<vmem_shared>> -> memref<128x144xf32, #tpu.memory_space<vmem_shared>>
      %dma_start3A_51 = arith.constant 0 : i32
      %dma_start3A_52 = arith.constant 0 : i32
      %dma_start3A_53 = tpu.memref_slice %arg9[%dma_start3A_51, %dma_start3A_52] : memref<128x144xf32, #tpu.memory_space<vmem>> -> memref<128x144xf32, #tpu.memory_space<vmem>>
      tpu.enqueue_dma source(%dma_start3A_53 : memref<128x144xf32, #tpu.memory_space<vmem>>) target(%dma_start3A_50 : memref<128x144xf32, #tpu.memory_space<vmem_shared>>) target_semaphore(%run_scoped3A : memref<!tpu.dma_semaphore, #tpu.memory_space<semaphore_mem>>)
      %dma_wait3A = arith.constant 0 : i32
      %dma_wait3A_54 = arith.constant 0 : i32
      %dma_wait3A_55 = tpu.memref_slice %arg9[%dma_wait3A, %dma_wait3A_54] : memref<128x144xf32, #tpu.memory_space<vmem>> -> memref<128x144xf32, #tpu.memory_space<vmem>>
      %dma_wait3A_56 = arith.constant 0 : i32
      %dma_wait3A_57 = tpu.memref_slice %arg11[%add3A_1, %dma_wait3A_56] : memref<10112x144xf32, #tpu.memory_space<vmem_shared>> -> memref<128x144xf32, #tpu.memory_space<vmem_shared>>
      %dma_wait3A_58 = arith.constant 0 : i32
      %dma_wait3A_59 = tpu.memref_slice %arg11[%add3A_1, %dma_wait3A_58] : memref<10112x144xf32, #tpu.memory_space<vmem_shared>> -> memref<128x144xf32, #tpu.memory_space<vmem_shared>>
      %dma_wait3A_60 = arith.constant 0 : i32
      %dma_wait3A_61 = arith.constant 0 : i32
      %dma_wait3A_62 = tpu.memref_slice %arg9[%dma_wait3A_60, %dma_wait3A_61] : memref<128x144xf32, #tpu.memory_space<vmem>> -> memref<128x144xf32, #tpu.memory_space<vmem>>
      tpu.wait_dma2 semaphore(%run_scoped3A : memref<!tpu.dma_semaphore, #tpu.memory_space<semaphore_mem>>) src(%dma_wait3A_62 : memref<128x144xf32, #tpu.memory_space<vmem>>) dst(%dma_wait3A_59 : memref<128x144xf32, #tpu.memory_space<vmem_shared>>)
      tpu.yield
    }) : () -> ()
    %add3A_2 = arith.constant 128 : i32
    %add3A_3 = arith.addi %mul3A_0, %add3A_2 : i32
    "tpu.region"() ({
      %run_scoped3A = tpu.sem_alloc : memref<!tpu.dma_semaphore, #tpu.memory_space<semaphore_mem>>
      %dma_start3A = arith.constant 0 : i32
      %dma_start3A_45 = arith.constant 0 : i32
      %dma_start3A_46 = tpu.memref_slice %arg9[%dma_start3A, %dma_start3A_45] : memref<128x144xf32, #tpu.memory_space<vmem>> -> memref<128x144xf32, #tpu.memory_space<vmem>>
      %dma_start3A_47 = arith.constant 0 : i32
      %dma_start3A_48 = tpu.memref_slice %arg11[%add3A_3, %dma_start3A_47] : memref<10112x144xf32, #tpu.memory_space<vmem_shared>> -> memref<128x144xf32, #tpu.memory_space<vmem_shared>>
      %dma_start3A_49 = arith.constant 0 : i32
      %dma_start3A_50 = tpu.memref_slice %arg11[%add3A_3, %dma_start3A_49] : memref<10112x144xf32, #tpu.memory_space<vmem_shared>> -> memref<128x144xf32, #tpu.memory_space<vmem_shared>>
      %dma_start3A_51 = arith.constant 0 : i32
      %dma_start3A_52 = arith.constant 0 : i32
      %dma_start3A_53 = tpu.memref_slice %arg9[%dma_start3A_51, %dma_start3A_52] : memref<128x144xf32, #tpu.memory_space<vmem>> -> memref<128x144xf32, #tpu.memory_space<vmem>>
      tpu.enqueue_dma source(%dma_start3A_53 : memref<128x144xf32, #tpu.memory_space<vmem>>) target(%dma_start3A_50 : memref<128x144xf32, #tpu.memory_space<vmem_shared>>) target_semaphore(%run_scoped3A : memref<!tpu.dma_semaphore, #tpu.memory_space<semaphore_mem>>)
      %dma_wait3A = arith.constant 0 : i32
      %dma_wait3A_54 = arith.constant 0 : i32
      %dma_wait3A_55 = tpu.memref_slice %arg9[%dma_wait3A, %dma_wait3A_54] : memref<128x144xf32, #tpu.memory_space<vmem>> -> memref<128x144xf32, #tpu.memory_space<vmem>>
      %dma_wait3A_56 = arith.constant 0 : i32
      %dma_wait3A_57 = tpu.memref_slice %arg11[%add3A_3, %dma_wait3A_56] : memref<10112x144xf32, #tpu.memory_space<vmem_shared>> -> memref<128x144xf32, #tpu.memory_space<vmem_shared>>
      %dma_wait3A_58 = arith.constant 0 : i32
      %dma_wait3A_59 = tpu.memref_slice %arg11[%add3A_3, %dma_wait3A_58] : memref<10112x144xf32, #tpu.memory_space<vmem_shared>> -> memref<128x144xf32, #tpu.memory_space<vmem_shared>>
      %dma_wait3A_60 = arith.constant 0 : i32
      %dma_wait3A_61 = arith.constant 0 : i32
      %dma_wait3A_62 = tpu.memref_slice %arg9[%dma_wait3A_60, %dma_wait3A_61] : memref<128x144xf32, #tpu.memory_space<vmem>> -> memref<128x144xf32, #tpu.memory_space<vmem>>
      tpu.wait_dma2 semaphore(%run_scoped3A : memref<!tpu.dma_semaphore, #tpu.memory_space<semaphore_mem>>) src(%dma_wait3A_62 : memref<128x144xf32, #tpu.memory_space<vmem>>) dst(%dma_wait3A_59 : memref<128x144xf32, #tpu.memory_space<vmem_shared>>)
      tpu.yield
    }) : () -> ()
    %add3A_4 = arith.constant 256 : i32
    %add3A_5 = arith.addi %mul3A_0, %add3A_4 : i32
    "tpu.region"() ({
      %run_scoped3A = tpu.sem_alloc : memref<!tpu.dma_semaphore, #tpu.memory_space<semaphore_mem>>
      %dma_start3A = arith.constant 0 : i32
      %dma_start3A_45 = arith.constant 0 : i32
      %dma_start3A_46 = tpu.memref_slice %arg9[%dma_start3A, %dma_start3A_45] : memref<128x144xf32, #tpu.memory_space<vmem>> -> memref<128x144xf32, #tpu.memory_space<vmem>>
      %dma_start3A_47 = arith.constant 0 : i32
      %dma_start3A_48 = tpu.memref_slice %arg11[%add3A_5, %dma_start3A_47] : memref<10112x144xf32, #tpu.memory_space<vmem_shared>> -> memref<128x144xf32, #tpu.memory_space<vmem_shared>>
      %dma_start3A_49 = arith.constant 0 : i32
      %dma_start3A_50 = tpu.memref_slice %arg11[%add3A_5, %dma_start3A_49] : memref<10112x144xf32, #tpu.memory_space<vmem_shared>> -> memref<128x144xf32, #tpu.memory_space<vmem_shared>>
      %dma_start3A_51 = arith.constant 0 : i32
      %dma_start3A_52 = arith.constant 0 : i32
      %dma_start3A_53 = tpu.memref_slice %arg9[%dma_start3A_51, %dma_start3A_52] : memref<128x144xf32, #tpu.memory_space<vmem>> -> memref<128x144xf32, #tpu.memory_space<vmem>>
      tpu.enqueue_dma source(%dma_start3A_53 : memref<128x144xf32, #tpu.memory_space<vmem>>) target(%dma_start3A_50 : memref<128x144xf32, #tpu.memory_space<vmem_shared>>) target_semaphore(%run_scoped3A : memref<!tpu.dma_semaphore, #tpu.memory_space<semaphore_mem>>)
      %dma_wait3A = arith.constant 0 : i32
      %dma_wait3A_54 = arith.constant 0 : i32
      %dma_wait3A_55 = tpu.memref_slice %arg9[%dma_wait3A, %dma_wait3A_54] : memref<128x144xf32, #tpu.memory_space<vmem>> -> memref<128x144xf32, #tpu.memory_space<vmem>>
      %dma_wait3A_56 = arith.constant 0 : i32
      %dma_wait3A_57 = tpu.memref_slice %arg11[%add3A_5, %dma_wait3A_56] : memref<10112x144xf32, #tpu.memory_space<vmem_shared>> -> memref<128x144xf32, #tpu.memory_space<vmem_shared>>
      %dma_wait3A_58 = arith.constant 0 : i32
      %dma_wait3A_59 = tpu.memref_slice %arg11[%add3A_5, %dma_wait3A_58] : memref<10112x144xf32, #tpu.memory_space<vmem_shared>> -> memref<128x144xf32, #tpu.memory_space<vmem_shared>>
      %dma_wait3A_60 = arith.constant 0 : i32
      %dma_wait3A_61 = arith.constant 0 : i32
      %dma_wait3A_62 = tpu.memref_slice %arg9[%dma_wait3A_60, %dma_wait3A_61] : memref<128x144xf32, #tpu.memory_space<vmem>> -> memref<128x144xf32, #tpu.memory_space<vmem>>
      tpu.wait_dma2 semaphore(%run_scoped3A : memref<!tpu.dma_semaphore, #tpu.memory_space<semaphore_mem>>) src(%dma_wait3A_62 : memref<128x144xf32, #tpu.memory_space<vmem>>) dst(%dma_wait3A_59 : memref<128x144xf32, #tpu.memory_space<vmem_shared>>)
      tpu.yield
    }) : () -> ()
    %add3A_6 = arith.constant 384 : i32
    %add3A_7 = arith.addi %mul3A_0, %add3A_6 : i32
    "tpu.region"() ({
      %run_scoped3A = tpu.sem_alloc : memref<!tpu.dma_semaphore, #tpu.memory_space<semaphore_mem>>
      %dma_start3A = arith.constant 0 : i32
      %dma_start3A_45 = arith.constant 0 : i32
      %dma_start3A_46 = tpu.memref_slice %arg9[%dma_start3A, %dma_start3A_45] : memref<128x144xf32, #tpu.memory_space<vmem>> -> memref<128x144xf32, #tpu.memory_space<vmem>>
      %dma_start3A_47 = arith.constant 0 : i32
      %dma_start3A_48 = tpu.memref_slice %arg11[%add3A_7, %dma_start3A_47] : memref<10112x144xf32, #tpu.memory_space<vmem_shared>> -> memref<128x144xf32, #tpu.memory_space<vmem_shared>>
      %dma_start3A_49 = arith.constant 0 : i32
      %dma_start3A_50 = tpu.memref_slice %arg11[%add3A_7, %dma_start3A_49] : memref<10112x144xf32, #tpu.memory_space<vmem_shared>> -> memref<128x144xf32, #tpu.memory_space<vmem_shared>>
      %dma_start3A_51 = arith.constant 0 : i32
      %dma_start3A_52 = arith.constant 0 : i32
      %dma_start3A_53 = tpu.memref_slice %arg9[%dma_start3A_51, %dma_start3A_52] : memref<128x144xf32, #tpu.memory_space<vmem>> -> memref<128x144xf32, #tpu.memory_space<vmem>>
      tpu.enqueue_dma source(%dma_start3A_53 : memref<128x144xf32, #tpu.memory_space<vmem>>) target(%dma_start3A_50 : memref<128x144xf32, #tpu.memory_space<vmem_shared>>) target_semaphore(%run_scoped3A : memref<!tpu.dma_semaphore, #tpu.memory_space<semaphore_mem>>)
      %dma_wait3A = arith.constant 0 : i32
      %dma_wait3A_54 = arith.constant 0 : i32
      %dma_wait3A_55 = tpu.memref_slice %arg9[%dma_wait3A, %dma_wait3A_54] : memref<128x144xf32, #tpu.memory_space<vmem>> -> memref<128x144xf32, #tpu.memory_space<vmem>>
      %dma_wait3A_56 = arith.constant 0 : i32
      %dma_wait3A_57 = tpu.memref_slice %arg11[%add3A_7, %dma_wait3A_56] : memref<10112x144xf32, #tpu.memory_space<vmem_shared>> -> memref<128x144xf32, #tpu.memory_space<vmem_shared>>
      %dma_wait3A_58 = arith.constant 0 : i32
      %dma_wait3A_59 = tpu.memref_slice %arg11[%add3A_7, %dma_wait3A_58] : memref<10112x144xf32, #tpu.memory_space<vmem_shared>> -> memref<128x144xf32, #tpu.memory_space<vmem_shared>>
      %dma_wait3A_60 = arith.constant 0 : i32
      %dma_wait3A_61 = arith.constant 0 : i32
      %dma_wait3A_62 = tpu.memref_slice %arg9[%dma_wait3A_60, %dma_wait3A_61] : memref<128x144xf32, #tpu.memory_space<vmem>> -> memref<128x144xf32, #tpu.memory_space<vmem>>
      tpu.wait_dma2 semaphore(%run_scoped3A : memref<!tpu.dma_semaphore, #tpu.memory_space<semaphore_mem>>) src(%dma_wait3A_62 : memref<128x144xf32, #tpu.memory_space<vmem>>) dst(%dma_wait3A_59 : memref<128x144xf32, #tpu.memory_space<vmem_shared>>)
      tpu.yield
    }) : () -> ()
    %add3A_8 = arith.constant 512 : i32
    %add3A_9 = arith.addi %mul3A_0, %add3A_8 : i32
    "tpu.region"() ({
      %run_scoped3A = tpu.sem_alloc : memref<!tpu.dma_semaphore, #tpu.memory_space<semaphore_mem>>
      %dma_start3A = arith.constant 0 : i32
      %dma_start3A_45 = arith.constant 0 : i32
      %dma_start3A_46 = tpu.memref_slice %arg9[%dma_start3A, %dma_start3A_45] : memref<128x144xf32, #tpu.memory_space<vmem>> -> memref<120x144xf32, #tpu.memory_space<vmem>>
      %dma_start3A_47 = arith.constant 0 : i32
      %dma_start3A_48 = tpu.memref_slice %arg11[%add3A_9, %dma_start3A_47] : memref<10112x144xf32, #tpu.memory_space<vmem_shared>> -> memref<120x144xf32, #tpu.memory_space<vmem_shared>>
      %dma_start3A_49 = arith.constant 0 : i32
      %dma_start3A_50 = tpu.memref_slice %arg11[%add3A_9, %dma_start3A_49] : memref<10112x144xf32, #tpu.memory_space<vmem_shared>> -> memref<120x144xf32, #tpu.memory_space<vmem_shared>>
      %dma_start3A_51 = arith.constant 0 : i32
      %dma_start3A_52 = arith.constant 0 : i32
      %dma_start3A_53 = tpu.memref_slice %arg9[%dma_start3A_51, %dma_start3A_52] : memref<128x144xf32, #tpu.memory_space<vmem>> -> memref<120x144xf32, #tpu.memory_space<vmem>>
      tpu.enqueue_dma source(%dma_start3A_53 : memref<120x144xf32, #tpu.memory_space<vmem>>) target(%dma_start3A_50 : memref<120x144xf32, #tpu.memory_space<vmem_shared>>) target_semaphore(%run_scoped3A : memref<!tpu.dma_semaphore, #tpu.memory_space<semaphore_mem>>)
      %dma_wait3A = arith.constant 0 : i32
      %dma_wait3A_54 = arith.constant 0 : i32
      %dma_wait3A_55 = tpu.memref_slice %arg9[%dma_wait3A, %dma_wait3A_54] : memref<128x144xf32, #tpu.memory_space<vmem>> -> memref<120x144xf32, #tpu.memory_space<vmem>>
      %dma_wait3A_56 = arith.constant 0 : i32
      %dma_wait3A_57 = tpu.memref_slice %arg11[%add3A_9, %dma_wait3A_56] : memref<10112x144xf32, #tpu.memory_space<vmem_shared>> -> memref<120x144xf32, #tpu.memory_space<vmem_shared>>
      %dma_wait3A_58 = arith.constant 0 : i32
      %dma_wait3A_59 = tpu.memref_slice %arg11[%add3A_9, %dma_wait3A_58] : memref<10112x144xf32, #tpu.memory_space<vmem_shared>> -> memref<120x144xf32, #tpu.memory_space<vmem_shared>>
      %dma_wait3A_60 = arith.constant 0 : i32
      %dma_wait3A_61 = arith.constant 0 : i32
      %dma_wait3A_62 = tpu.memref_slice %arg9[%dma_wait3A_60, %dma_wait3A_61] : memref<128x144xf32, #tpu.memory_space<vmem>> -> memref<120x144xf32, #tpu.memory_space<vmem>>
      tpu.wait_dma2 semaphore(%run_scoped3A : memref<!tpu.dma_semaphore, #tpu.memory_space<semaphore_mem>>) src(%dma_wait3A_62 : memref<120x144xf32, #tpu.memory_space<vmem>>) dst(%dma_wait3A_59 : memref<120x144xf32, #tpu.memory_space<vmem_shared>>)
      tpu.yield
    }) : () -> ()
    %barrier3A = arith.constant 0 : index
    tpu.barrier barrier_id(%barrier3A)
    %mul3A_10 = arith.constant 16 : i32
    %mul3A_11 = arith.muli %arg0, %mul3A_10 : i32
    %add3A_12 = arith.addi %mul3A_11, %arg1 : i32
    %mul3A_13 = arith.constant 80 : i32
    %mul3A_14 = arith.muli %add3A_12, %mul3A_13 : i32
    %scan3A = arith.constant 0 : i32
    %scan3A_15 = arith.constant 0 : i32
    %scan3A_16 = arith.constant 0 : i32
    %scan3A_17 = arith.constant 10 : i32
    %scan3A_18 = arith.addi %scan3A_16, %scan3A_17 : i32
    %scan3A_19 = arith.constant 1 : i32
    scf.for %scan3A_45 = %scan3A_16 to %scan3A_18 step %scan3A_19  : i32 {
      %mul3A_46 = arith.constant 8 : i32
      %mul3A_47 = arith.muli %scan3A_45, %mul3A_46 : i32
      %add3A_48 = arith.addi %mul3A_14, %mul3A_47 : i32
      "tpu.region"() ({
        %run_scoped3A_230 = tpu.sem_alloc : memref<!tpu.dma_semaphore, #tpu.memory_space<semaphore_mem>>
        %dma_start3A_231 = arith.constant 0 : i32
        %dma_start3A_232 = tpu.memref_slice %arg3[%add3A_48, %dma_start3A_231] : memref<2560x128xi32, #tpu.memory_space<hbm>> -> memref<8x128xi32, #tpu.memory_space<hbm>>
        %dma_start3A_233 = arith.constant 0 : i32
        %dma_start3A_234 = tpu.memref_slice %arg3[%add3A_48, %dma_start3A_233] : memref<2560x128xi32, #tpu.memory_space<hbm>> -> memref<8x128xi32, #tpu.memory_space<hbm>>
        tpu.enqueue_dma source(%dma_start3A_234 : memref<8x128xi32, #tpu.memory_space<hbm>>) target(%arg7 : memref<8x128xi32, #tpu.memory_space<vmem>>) target_semaphore(%run_scoped3A_230 : memref<!tpu.dma_semaphore, #tpu.memory_space<semaphore_mem>>)
        %dma_wait3A_235 = arith.constant 0 : i32
        %dma_wait3A_236 = tpu.memref_slice %arg3[%add3A_48, %dma_wait3A_235] : memref<2560x128xi32, #tpu.memory_space<hbm>> -> memref<8x128xi32, #tpu.memory_space<hbm>>
        %dma_wait3A_237 = arith.constant 0 : i32
        %dma_wait3A_238 = tpu.memref_slice %arg3[%add3A_48, %dma_wait3A_237] : memref<2560x128xi32, #tpu.memory_space<hbm>> -> memref<8x128xi32, #tpu.memory_space<hbm>>
        tpu.wait_dma2 semaphore(%run_scoped3A_230 : memref<!tpu.dma_semaphore, #tpu.memory_space<semaphore_mem>>) src(%dma_wait3A_238 : memref<8x128xi32, #tpu.memory_space<hbm>>) dst(%arg7 : memref<8x128xi32, #tpu.memory_space<vmem>>)
        tpu.yield
      }) : () -> ()
      "tpu.region"() ({
        %run_scoped3A_230 = tpu.sem_alloc : memref<!tpu.dma_semaphore, #tpu.memory_space<semaphore_mem>>
        %dma_start3A_231 = arith.constant 0 : i32
        %dma_start3A_232 = tpu.memref_slice %arg4[%add3A_48, %dma_start3A_231] : memref<2560x128xi32, #tpu.memory_space<hbm>> -> memref<8x128xi32, #tpu.memory_space<hbm>>
        %dma_start3A_233 = arith.constant 0 : i32
        %dma_start3A_234 = tpu.memref_slice %arg4[%add3A_48, %dma_start3A_233] : memref<2560x128xi32, #tpu.memory_space<hbm>> -> memref<8x128xi32, #tpu.memory_space<hbm>>
        tpu.enqueue_dma source(%dma_start3A_234 : memref<8x128xi32, #tpu.memory_space<hbm>>) target(%arg8 : memref<8x128xi32, #tpu.memory_space<vmem>>) target_semaphore(%run_scoped3A_230 : memref<!tpu.dma_semaphore, #tpu.memory_space<semaphore_mem>>)
        %dma_wait3A_235 = arith.constant 0 : i32
        %dma_wait3A_236 = tpu.memref_slice %arg4[%add3A_48, %dma_wait3A_235] : memref<2560x128xi32, #tpu.memory_space<hbm>> -> memref<8x128xi32, #tpu.memory_space<hbm>>
        %dma_wait3A_237 = arith.constant 0 : i32
        %dma_wait3A_238 = tpu.memref_slice %arg4[%add3A_48, %dma_wait3A_237] : memref<2560x128xi32, #tpu.memory_space<hbm>> -> memref<8x128xi32, #tpu.memory_space<hbm>>
        tpu.wait_dma2 semaphore(%run_scoped3A_230 : memref<!tpu.dma_semaphore, #tpu.memory_space<semaphore_mem>>) src(%dma_wait3A_238 : memref<8x128xi32, #tpu.memory_space<hbm>>) dst(%arg8 : memref<8x128xi32, #tpu.memory_space<vmem>>)
        tpu.yield
      }) : () -> ()
      %dma_start3A = arith.constant 0 : i32
      %dma_start3A_49 = arith.constant 0 : i32
      %dma_start3A_50 = tpu.memref_slice %arg7[%dma_start3A, %dma_start3A_49] : memref<8x128xi32, #tpu.memory_space<vmem>> -> memref<1x128xi32, #tpu.memory_space<vmem>>
      %dma_start3A_51 = tpu.memref_squeeze %dma_start3A_50 : memref<1x128xi32, #tpu.memory_space<vmem>> -> memref<128xi32, #tpu.memory_space<vmem>>
      %dma_start3A_52 = arith.constant 0 : i32
      %dma_start3A_53 = arith.constant 0 : i32
      %dma_start3A_54 = tpu.memref_slice %arg2[%scan3A_15, %dma_start3A_52, %dma_start3A_53] : memref<1x10000x144xf32, #tpu.memory_space<hbm>> -> memref<1x10000x144xf32, #tpu.memory_space<hbm>>
      %dma_start3A_55 = tpu.memref_squeeze %dma_start3A_54 : memref<1x10000x144xf32, #tpu.memory_space<hbm>> -> memref<10000x144xf32, #tpu.memory_space<hbm>>
      %dma_start3A_56 = arith.constant 0 : i32
      %dma_start3A_57 = arith.constant 0 : i32
      %dma_start3A_58 = tpu.memref_slice %dma_start3A_55[%dma_start3A_56, %dma_start3A_57] : memref<10000x144xf32, #tpu.memory_space<hbm>> -> memref<10000x144xf32, #tpu.memory_space<hbm>>
      tpu.enqueue_indirect_dma source(%dma_start3A_58 : memref<10000x144xf32, #tpu.memory_space<hbm>>) target(%arg9 : memref<128x144xf32, #tpu.memory_space<vmem>>) offsets(%dma_start3A_51 : memref<128xi32, #tpu.memory_space<vmem>>) semaphore(%arg12 : memref<!tpu.dma_semaphore, #tpu.memory_space<semaphore_mem>>)
      %dma_wait3A = arith.constant 0 : i32
      %dma_wait3A_59 = arith.constant 0 : i32
      %dma_wait3A_60 = tpu.memref_slice %arg7[%dma_wait3A, %dma_wait3A_59] : memref<8x128xi32, #tpu.memory_space<vmem>> -> memref<1x128xi32, #tpu.memory_space<vmem>>
      %dma_wait3A_61 = tpu.memref_squeeze %dma_wait3A_60 : memref<1x128xi32, #tpu.memory_space<vmem>> -> memref<128xi32, #tpu.memory_space<vmem>>
      %dma_wait3A_62 = arith.constant 0 : i32
      %dma_wait3A_63 = arith.constant 0 : i32
      %dma_wait3A_64 = tpu.memref_slice %arg2[%scan3A_15, %dma_wait3A_62, %dma_wait3A_63] : memref<1x10000x144xf32, #tpu.memory_space<hbm>> -> memref<1x10000x144xf32, #tpu.memory_space<hbm>>
      %dma_wait3A_65 = tpu.memref_squeeze %dma_wait3A_64 : memref<1x10000x144xf32, #tpu.memory_space<hbm>> -> memref<10000x144xf32, #tpu.memory_space<hbm>>
      %dma_wait3A_66 = arith.constant 0 : i32
      %dma_wait3A_67 = arith.constant 0 : i32
      %dma_wait3A_68 = tpu.memref_slice %dma_wait3A_65[%dma_wait3A_66, %dma_wait3A_67] : memref<10000x144xf32, #tpu.memory_space<hbm>> -> memref<10000x144xf32, #tpu.memory_space<hbm>>
      tpu.wait_indirect_dma semaphore(%arg12 : memref<!tpu.dma_semaphore, #tpu.memory_space<semaphore_mem>>) src(%dma_wait3A_68 : memref<10000x144xf32, #tpu.memory_space<hbm>>) dst(%arg9 : memref<128x144xf32, #tpu.memory_space<vmem>>)
      %dma_start3A_69 = arith.constant 1 : i32
      %dma_start3A_70 = arith.constant 0 : i32
      %dma_start3A_71 = tpu.memref_slice %arg7[%dma_start3A_69, %dma_start3A_70] : memref<8x128xi32, #tpu.memory_space<vmem>> -> memref<1x128xi32, #tpu.memory_space<vmem>>
      %dma_start3A_72 = tpu.memref_squeeze %dma_start3A_71 : memref<1x128xi32, #tpu.memory_space<vmem>> -> memref<128xi32, #tpu.memory_space<vmem>>
      %dma_start3A_73 = arith.constant 0 : i32
      %dma_start3A_74 = arith.constant 0 : i32
      %dma_start3A_75 = tpu.memref_slice %arg2[%scan3A_15, %dma_start3A_73, %dma_start3A_74] : memref<1x10000x144xf32, #tpu.memory_space<hbm>> -> memref<1x10000x144xf32, #tpu.memory_space<hbm>>
      %dma_start3A_76 = tpu.memref_squeeze %dma_start3A_75 : memref<1x10000x144xf32, #tpu.memory_space<hbm>> -> memref<10000x144xf32, #tpu.memory_space<hbm>>
      %dma_start3A_77 = arith.constant 0 : i32
      %dma_start3A_78 = arith.constant 0 : i32
      %dma_start3A_79 = tpu.memref_slice %dma_start3A_76[%dma_start3A_77, %dma_start3A_78] : memref<10000x144xf32, #tpu.memory_space<hbm>> -> memref<10000x144xf32, #tpu.memory_space<hbm>>
      tpu.enqueue_indirect_dma source(%dma_start3A_79 : memref<10000x144xf32, #tpu.memory_space<hbm>>) target(%arg10 : memref<128x144xf32, #tpu.memory_space<vmem>>) offsets(%dma_start3A_72 : memref<128xi32, #tpu.memory_space<vmem>>) semaphore(%arg12 : memref<!tpu.dma_semaphore, #tpu.memory_space<semaphore_mem>>)
      %run_scoped3A = arith.constant 0 : i32
      "tpu.region"() ({
        %run_scoped3A_230 = tpu.sem_alloc : memref<!tpu.dma_semaphore, #tpu.memory_space<semaphore_mem>>
        %dma_start3A_231 = arith.constant 0 : i32
        %dma_start3A_232 = tpu.memref_slice %arg8[%run_scoped3A, %dma_start3A_231] : memref<8x128xi32, #tpu.memory_space<vmem>> -> memref<1x128xi32, #tpu.memory_space<vmem>>
        %dma_start3A_233 = tpu.memref_squeeze %dma_start3A_232 : memref<1x128xi32, #tpu.memory_space<vmem>> -> memref<128xi32, #tpu.memory_space<vmem>>
        %dma_start3A_234 = arith.constant 0 : i32
        %dma_start3A_235 = arith.constant 0 : i32
        %dma_start3A_236 = tpu.memref_slice %arg11[%dma_start3A_234, %dma_start3A_235] : memref<10112x144xf32, #tpu.memory_space<vmem_shared>> -> memref<10112x144xf32, #tpu.memory_space<vmem_shared>>
        tpu.enqueue_indirect_dma source(%arg9 : memref<128x144xf32, #tpu.memory_space<vmem>>) target(%dma_start3A_236 : memref<10112x144xf32, #tpu.memory_space<vmem_shared>>) offsets(%dma_start3A_233 : memref<128xi32, #tpu.memory_space<vmem>>) semaphore(%run_scoped3A_230 : memref<!tpu.dma_semaphore, #tpu.memory_space<semaphore_mem>>) {add = true}
        %dma_wait3A_237 = arith.constant 0 : i32
        %dma_wait3A_238 = tpu.memref_slice %arg8[%run_scoped3A, %dma_wait3A_237] : memref<8x128xi32, #tpu.memory_space<vmem>> -> memref<1x128xi32, #tpu.memory_space<vmem>>
        %dma_wait3A_239 = tpu.memref_squeeze %dma_wait3A_238 : memref<1x128xi32, #tpu.memory_space<vmem>> -> memref<128xi32, #tpu.memory_space<vmem>>
        %dma_wait3A_240 = arith.constant 0 : i32
        %dma_wait3A_241 = arith.constant 0 : i32
        %dma_wait3A_242 = tpu.memref_slice %arg11[%dma_wait3A_240, %dma_wait3A_241] : memref<10112x144xf32, #tpu.memory_space<vmem_shared>> -> memref<10112x144xf32, #tpu.memory_space<vmem_shared>>
        tpu.wait_indirect_dma semaphore(%run_scoped3A_230 : memref<!tpu.dma_semaphore, #tpu.memory_space<semaphore_mem>>) src(%arg9 : memref<128x144xf32, #tpu.memory_space<vmem>>) dst(%dma_wait3A_242 : memref<10112x144xf32, #tpu.memory_space<vmem_shared>>)
        tpu.yield
      }) : () -> ()
      %dma_wait3A_80 = arith.constant 1 : i32
      %dma_wait3A_81 = arith.constant 0 : i32
      %dma_wait3A_82 = tpu.memref_slice %arg7[%dma_wait3A_80, %dma_wait3A_81] : memref<8x128xi32, #tpu.memory_space<vmem>> -> memref<1x128xi32, #tpu.memory_space<vmem>>
      %dma_wait3A_83 = tpu.memref_squeeze %dma_wait3A_82 : memref<1x128xi32, #tpu.memory_space<vmem>> -> memref<128xi32, #tpu.memory_space<vmem>>
      %dma_wait3A_84 = arith.constant 0 : i32
      %dma_wait3A_85 = arith.constant 0 : i32
      %dma_wait3A_86 = tpu.memref_slice %arg2[%scan3A_15, %dma_wait3A_84, %dma_wait3A_85] : memref<1x10000x144xf32, #tpu.memory_space<hbm>> -> memref<1x10000x144xf32, #tpu.memory_space<hbm>>
      %dma_wait3A_87 = tpu.memref_squeeze %dma_wait3A_86 : memref<1x10000x144xf32, #tpu.memory_space<hbm>> -> memref<10000x144xf32, #tpu.memory_space<hbm>>
      %dma_wait3A_88 = arith.constant 0 : i32
      %dma_wait3A_89 = arith.constant 0 : i32
      %dma_wait3A_90 = tpu.memref_slice %dma_wait3A_87[%dma_wait3A_88, %dma_wait3A_89] : memref<10000x144xf32, #tpu.memory_space<hbm>> -> memref<10000x144xf32, #tpu.memory_space<hbm>>
      tpu.wait_indirect_dma semaphore(%arg12 : memref<!tpu.dma_semaphore, #tpu.memory_space<semaphore_mem>>) src(%dma_wait3A_90 : memref<10000x144xf32, #tpu.memory_space<hbm>>) dst(%arg10 : memref<128x144xf32, #tpu.memory_space<vmem>>)
      %dma_start3A_91 = arith.constant 2 : i32
      %dma_start3A_92 = arith.constant 0 : i32
      %dma_start3A_93 = tpu.memref_slice %arg7[%dma_start3A_91, %dma_start3A_92] : memref<8x128xi32, #tpu.memory_space<vmem>> -> memref<1x128xi32, #tpu.memory_space<vmem>>
      %dma_start3A_94 = tpu.memref_squeeze %dma_start3A_93 : memref<1x128xi32, #tpu.memory_space<vmem>> -> memref<128xi32, #tpu.memory_space<vmem>>
      %dma_start3A_95 = arith.constant 0 : i32
      %dma_start3A_96 = arith.constant 0 : i32
      %dma_start3A_97 = tpu.memref_slice %arg2[%scan3A_15, %dma_start3A_95, %dma_start3A_96] : memref<1x10000x144xf32, #tpu.memory_space<hbm>> -> memref<1x10000x144xf32, #tpu.memory_space<hbm>>
      %dma_start3A_98 = tpu.memref_squeeze %dma_start3A_97 : memref<1x10000x144xf32, #tpu.memory_space<hbm>> -> memref<10000x144xf32, #tpu.memory_space<hbm>>
      %dma_start3A_99 = arith.constant 0 : i32
      %dma_start3A_100 = arith.constant 0 : i32
      %dma_start3A_101 = tpu.memref_slice %dma_start3A_98[%dma_start3A_99, %dma_start3A_100] : memref<10000x144xf32, #tpu.memory_space<hbm>> -> memref<10000x144xf32, #tpu.memory_space<hbm>>
      tpu.enqueue_indirect_dma source(%dma_start3A_101 : memref<10000x144xf32, #tpu.memory_space<hbm>>) target(%arg9 : memref<128x144xf32, #tpu.memory_space<vmem>>) offsets(%dma_start3A_94 : memref<128xi32, #tpu.memory_space<vmem>>) semaphore(%arg12 : memref<!tpu.dma_semaphore, #tpu.memory_space<semaphore_mem>>)
      %run_scoped3A_102 = arith.constant 1 : i32
      "tpu.region"() ({
        %run_scoped3A_230 = tpu.sem_alloc : memref<!tpu.dma_semaphore, #tpu.memory_space<semaphore_mem>>
        %dma_start3A_231 = arith.constant 0 : i32
        %dma_start3A_232 = tpu.memref_slice %arg8[%run_scoped3A_102, %dma_start3A_231] : memref<8x128xi32, #tpu.memory_space<vmem>> -> memref<1x128xi32, #tpu.memory_space<vmem>>
        %dma_start3A_233 = tpu.memref_squeeze %dma_start3A_232 : memref<1x128xi32, #tpu.memory_space<vmem>> -> memref<128xi32, #tpu.memory_space<vmem>>
        %dma_start3A_234 = arith.constant 0 : i32
        %dma_start3A_235 = arith.constant 0 : i32
        %dma_start3A_236 = tpu.memref_slice %arg11[%dma_start3A_234, %dma_start3A_235] : memref<10112x144xf32, #tpu.memory_space<vmem_shared>> -> memref<10112x144xf32, #tpu.memory_space<vmem_shared>>
        tpu.enqueue_indirect_dma source(%arg10 : memref<128x144xf32, #tpu.memory_space<vmem>>) target(%dma_start3A_236 : memref<10112x144xf32, #tpu.memory_space<vmem_shared>>) offsets(%dma_start3A_233 : memref<128xi32, #tpu.memory_space<vmem>>) semaphore(%run_scoped3A_230 : memref<!tpu.dma_semaphore, #tpu.memory_space<semaphore_mem>>) {add = true}
        %dma_wait3A_237 = arith.constant 0 : i32
        %dma_wait3A_238 = tpu.memref_slice %arg8[%run_scoped3A_102, %dma_wait3A_237] : memref<8x128xi32, #tpu.memory_space<vmem>> -> memref<1x128xi32, #tpu.memory_space<vmem>>
        %dma_wait3A_239 = tpu.memref_squeeze %dma_wait3A_238 : memref<1x128xi32, #tpu.memory_space<vmem>> -> memref<128xi32, #tpu.memory_space<vmem>>
        %dma_wait3A_240 = arith.constant 0 : i32
        %dma_wait3A_241 = arith.constant 0 : i32
        %dma_wait3A_242 = tpu.memref_slice %arg11[%dma_wait3A_240, %dma_wait3A_241] : memref<10112x144xf32, #tpu.memory_space<vmem_shared>> -> memref<10112x144xf32, #tpu.memory_space<vmem_shared>>
        tpu.wait_indirect_dma semaphore(%run_scoped3A_230 : memref<!tpu.dma_semaphore, #tpu.memory_space<semaphore_mem>>) src(%arg10 : memref<128x144xf32, #tpu.memory_space<vmem>>) dst(%dma_wait3A_242 : memref<10112x144xf32, #tpu.memory_space<vmem_shared>>)
        tpu.yield
      }) : () -> ()
      %dma_wait3A_103 = arith.constant 2 : i32
      %dma_wait3A_104 = arith.constant 0 : i32
      %dma_wait3A_105 = tpu.memref_slice %arg7[%dma_wait3A_103, %dma_wait3A_104] : memref<8x128xi32, #tpu.memory_space<vmem>> -> memref<1x128xi32, #tpu.memory_space<vmem>>
      %dma_wait3A_106 = tpu.memref_squeeze %dma_wait3A_105 : memref<1x128xi32, #tpu.memory_space<vmem>> -> memref<128xi32, #tpu.memory_space<vmem>>
      %dma_wait3A_107 = arith.constant 0 : i32
      %dma_wait3A_108 = arith.constant 0 : i32
      %dma_wait3A_109 = tpu.memref_slice %arg2[%scan3A_15, %dma_wait3A_107, %dma_wait3A_108] : memref<1x10000x144xf32, #tpu.memory_space<hbm>> -> memref<1x10000x144xf32, #tpu.memory_space<hbm>>
      %dma_wait3A_110 = tpu.memref_squeeze %dma_wait3A_109 : memref<1x10000x144xf32, #tpu.memory_space<hbm>> -> memref<10000x144xf32, #tpu.memory_space<hbm>>
      %dma_wait3A_111 = arith.constant 0 : i32
      %dma_wait3A_112 = arith.constant 0 : i32
      %dma_wait3A_113 = tpu.memref_slice %dma_wait3A_110[%dma_wait3A_111, %dma_wait3A_112] : memref<10000x144xf32, #tpu.memory_space<hbm>> -> memref<10000x144xf32, #tpu.memory_space<hbm>>
      tpu.wait_indirect_dma semaphore(%arg12 : memref<!tpu.dma_semaphore, #tpu.memory_space<semaphore_mem>>) src(%dma_wait3A_113 : memref<10000x144xf32, #tpu.memory_space<hbm>>) dst(%arg9 : memref<128x144xf32, #tpu.memory_space<vmem>>)
      %dma_start3A_114 = arith.constant 3 : i32
      %dma_start3A_115 = arith.constant 0 : i32
      %dma_start3A_116 = tpu.memref_slice %arg7[%dma_start3A_114, %dma_start3A_115] : memref<8x128xi32, #tpu.memory_space<vmem>> -> memref<1x128xi32, #tpu.memory_space<vmem>>
      %dma_start3A_117 = tpu.memref_squeeze %dma_start3A_116 : memref<1x128xi32, #tpu.memory_space<vmem>> -> memref<128xi32, #tpu.memory_space<vmem>>
      %dma_start3A_118 = arith.constant 0 : i32
      %dma_start3A_119 = arith.constant 0 : i32
      %dma_start3A_120 = tpu.memref_slice %arg2[%scan3A_15, %dma_start3A_118, %dma_start3A_119] : memref<1x10000x144xf32, #tpu.memory_space<hbm>> -> memref<1x10000x144xf32, #tpu.memory_space<hbm>>
      %dma_start3A_121 = tpu.memref_squeeze %dma_start3A_120 : memref<1x10000x144xf32, #tpu.memory_space<hbm>> -> memref<10000x144xf32, #tpu.memory_space<hbm>>
      %dma_start3A_122 = arith.constant 0 : i32
      %dma_start3A_123 = arith.constant 0 : i32
      %dma_start3A_124 = tpu.memref_slice %dma_start3A_121[%dma_start3A_122, %dma_start3A_123] : memref<10000x144xf32, #tpu.memory_space<hbm>> -> memref<10000x144xf32, #tpu.memory_space<hbm>>
      tpu.enqueue_indirect_dma source(%dma_start3A_124 : memref<10000x144xf32, #tpu.memory_space<hbm>>) target(%arg10 : memref<128x144xf32, #tpu.memory_space<vmem>>) offsets(%dma_start3A_117 : memref<128xi32, #tpu.memory_space<vmem>>) semaphore(%arg12 : memref<!tpu.dma_semaphore, #tpu.memory_space<semaphore_mem>>)
      %run_scoped3A_125 = arith.constant 2 : i32
      "tpu.region"() ({
        %run_scoped3A_230 = tpu.sem_alloc : memref<!tpu.dma_semaphore, #tpu.memory_space<semaphore_mem>>
        %dma_start3A_231 = arith.constant 0 : i32
        %dma_start3A_232 = tpu.memref_slice %arg8[%run_scoped3A_125, %dma_start3A_231] : memref<8x128xi32, #tpu.memory_space<vmem>> -> memref<1x128xi32, #tpu.memory_space<vmem>>
        %dma_start3A_233 = tpu.memref_squeeze %dma_start3A_232 : memref<1x128xi32, #tpu.memory_space<vmem>> -> memref<128xi32, #tpu.memory_space<vmem>>
        %dma_start3A_234 = arith.constant 0 : i32
        %dma_start3A_235 = arith.constant 0 : i32
        %dma_start3A_236 = tpu.memref_slice %arg11[%dma_start3A_234, %dma_start3A_235] : memref<10112x144xf32, #tpu.memory_space<vmem_shared>> -> memref<10112x144xf32, #tpu.memory_space<vmem_shared>>
        tpu.enqueue_indirect_dma source(%arg9 : memref<128x144xf32, #tpu.memory_space<vmem>>) target(%dma_start3A_236 : memref<10112x144xf32, #tpu.memory_space<vmem_shared>>) offsets(%dma_start3A_233 : memref<128xi32, #tpu.memory_space<vmem>>) semaphore(%run_scoped3A_230 : memref<!tpu.dma_semaphore, #tpu.memory_space<semaphore_mem>>) {add = true}
        %dma_wait3A_237 = arith.constant 0 : i32
        %dma_wait3A_238 = tpu.memref_slice %arg8[%run_scoped3A_125, %dma_wait3A_237] : memref<8x128xi32, #tpu.memory_space<vmem>> -> memref<1x128xi32, #tpu.memory_space<vmem>>
        %dma_wait3A_239 = tpu.memref_squeeze %dma_wait3A_238 : memref<1x128xi32, #tpu.memory_space<vmem>> -> memref<128xi32, #tpu.memory_space<vmem>>
        %dma_wait3A_240 = arith.constant 0 : i32
        %dma_wait3A_241 = arith.constant 0 : i32
        %dma_wait3A_242 = tpu.memref_slice %arg11[%dma_wait3A_240, %dma_wait3A_241] : memref<10112x144xf32, #tpu.memory_space<vmem_shared>> -> memref<10112x144xf32, #tpu.memory_space<vmem_shared>>
        tpu.wait_indirect_dma semaphore(%run_scoped3A_230 : memref<!tpu.dma_semaphore, #tpu.memory_space<semaphore_mem>>) src(%arg9 : memref<128x144xf32, #tpu.memory_space<vmem>>) dst(%dma_wait3A_242 : memref<10112x144xf32, #tpu.memory_space<vmem_shared>>)
        tpu.yield
      }) : () -> ()
      %dma_wait3A_126 = arith.constant 3 : i32
      %dma_wait3A_127 = arith.constant 0 : i32
      %dma_wait3A_128 = tpu.memref_slice %arg7[%dma_wait3A_126, %dma_wait3A_127] : memref<8x128xi32, #tpu.memory_space<vmem>> -> memref<1x128xi32, #tpu.memory_space<vmem>>
      %dma_wait3A_129 = tpu.memref_squeeze %dma_wait3A_128 : memref<1x128xi32, #tpu.memory_space<vmem>> -> memref<128xi32, #tpu.memory_space<vmem>>
      %dma_wait3A_130 = arith.constant 0 : i32
      %dma_wait3A_131 = arith.constant 0 : i32
      %dma_wait3A_132 = tpu.memref_slice %arg2[%scan3A_15, %dma_wait3A_130, %dma_wait3A_131] : memref<1x10000x144xf32, #tpu.memory_space<hbm>> -> memref<1x10000x144xf32, #tpu.memory_space<hbm>>
      %dma_wait3A_133 = tpu.memref_squeeze %dma_wait3A_132 : memref<1x10000x144xf32, #tpu.memory_space<hbm>> -> memref<10000x144xf32, #tpu.memory_space<hbm>>
      %dma_wait3A_134 = arith.constant 0 : i32
      %dma_wait3A_135 = arith.constant 0 : i32
      %dma_wait3A_136 = tpu.memref_slice %dma_wait3A_133[%dma_wait3A_134, %dma_wait3A_135] : memref<10000x144xf32, #tpu.memory_space<hbm>> -> memref<10000x144xf32, #tpu.memory_space<hbm>>
      tpu.wait_indirect_dma semaphore(%arg12 : memref<!tpu.dma_semaphore, #tpu.memory_space<semaphore_mem>>) src(%dma_wait3A_136 : memref<10000x144xf32, #tpu.memory_space<hbm>>) dst(%arg10 : memref<128x144xf32, #tpu.memory_space<vmem>>)
      %dma_start3A_137 = arith.constant 4 : i32
      %dma_start3A_138 = arith.constant 0 : i32
      %dma_start3A_139 = tpu.memref_slice %arg7[%dma_start3A_137, %dma_start3A_138] : memref<8x128xi32, #tpu.memory_space<vmem>> -> memref<1x128xi32, #tpu.memory_space<vmem>>
      %dma_start3A_140 = tpu.memref_squeeze %dma_start3A_139 : memref<1x128xi32, #tpu.memory_space<vmem>> -> memref<128xi32, #tpu.memory_space<vmem>>
      %dma_start3A_141 = arith.constant 0 : i32
      %dma_start3A_142 = arith.constant 0 : i32
      %dma_start3A_143 = tpu.memref_slice %arg2[%scan3A_15, %dma_start3A_141, %dma_start3A_142] : memref<1x10000x144xf32, #tpu.memory_space<hbm>> -> memref<1x10000x144xf32, #tpu.memory_space<hbm>>
      %dma_start3A_144 = tpu.memref_squeeze %dma_start3A_143 : memref<1x10000x144xf32, #tpu.memory_space<hbm>> -> memref<10000x144xf32, #tpu.memory_space<hbm>>
      %dma_start3A_145 = arith.constant 0 : i32
      %dma_start3A_146 = arith.constant 0 : i32
      %dma_start3A_147 = tpu.memref_slice %dma_start3A_144[%dma_start3A_145, %dma_start3A_146] : memref<10000x144xf32, #tpu.memory_space<hbm>> -> memref<10000x144xf32, #tpu.memory_space<hbm>>
      tpu.enqueue_indirect_dma source(%dma_start3A_147 : memref<10000x144xf32, #tpu.memory_space<hbm>>) target(%arg9 : memref<128x144xf32, #tpu.memory_space<vmem>>) offsets(%dma_start3A_140 : memref<128xi32, #tpu.memory_space<vmem>>) semaphore(%arg12 : memref<!tpu.dma_semaphore, #tpu.memory_space<semaphore_mem>>)
      %run_scoped3A_148 = arith.constant 3 : i32
      "tpu.region"() ({
        %run_scoped3A_230 = tpu.sem_alloc : memref<!tpu.dma_semaphore, #tpu.memory_space<semaphore_mem>>
        %dma_start3A_231 = arith.constant 0 : i32
        %dma_start3A_232 = tpu.memref_slice %arg8[%run_scoped3A_148, %dma_start3A_231] : memref<8x128xi32, #tpu.memory_space<vmem>> -> memref<1x128xi32, #tpu.memory_space<vmem>>
        %dma_start3A_233 = tpu.memref_squeeze %dma_start3A_232 : memref<1x128xi32, #tpu.memory_space<vmem>> -> memref<128xi32, #tpu.memory_space<vmem>>
        %dma_start3A_234 = arith.constant 0 : i32
        %dma_start3A_235 = arith.constant 0 : i32
        %dma_start3A_236 = tpu.memref_slice %arg11[%dma_start3A_234, %dma_start3A_235] : memref<10112x144xf32, #tpu.memory_space<vmem_shared>> -> memref<10112x144xf32, #tpu.memory_space<vmem_shared>>
        tpu.enqueue_indirect_dma source(%arg10 : memref<128x144xf32, #tpu.memory_space<vmem>>) target(%dma_start3A_236 : memref<10112x144xf32, #tpu.memory_space<vmem_shared>>) offsets(%dma_start3A_233 : memref<128xi32, #tpu.memory_space<vmem>>) semaphore(%run_scoped3A_230 : memref<!tpu.dma_semaphore, #tpu.memory_space<semaphore_mem>>) {add = true}
        %dma_wait3A_237 = arith.constant 0 : i32
        %dma_wait3A_238 = tpu.memref_slice %arg8[%run_scoped3A_148, %dma_wait3A_237] : memref<8x128xi32, #tpu.memory_space<vmem>> -> memref<1x128xi32, #tpu.memory_space<vmem>>
        %dma_wait3A_239 = tpu.memref_squeeze %dma_wait3A_238 : memref<1x128xi32, #tpu.memory_space<vmem>> -> memref<128xi32, #tpu.memory_space<vmem>>
        %dma_wait3A_240 = arith.constant 0 : i32
        %dma_wait3A_241 = arith.constant 0 : i32
        %dma_wait3A_242 = tpu.memref_slice %arg11[%dma_wait3A_240, %dma_wait3A_241] : memref<10112x144xf32, #tpu.memory_space<vmem_shared>> -> memref<10112x144xf32, #tpu.memory_space<vmem_shared>>
        tpu.wait_indirect_dma semaphore(%run_scoped3A_230 : memref<!tpu.dma_semaphore, #tpu.memory_space<semaphore_mem>>) src(%arg10 : memref<128x144xf32, #tpu.memory_space<vmem>>) dst(%dma_wait3A_242 : memref<10112x144xf32, #tpu.memory_space<vmem_shared>>)
        tpu.yield
      }) : () -> ()
      %dma_wait3A_149 = arith.constant 4 : i32
      %dma_wait3A_150 = arith.constant 0 : i32
      %dma_wait3A_151 = tpu.memref_slice %arg7[%dma_wait3A_149, %dma_wait3A_150] : memref<8x128xi32, #tpu.memory_space<vmem>> -> memref<1x128xi32, #tpu.memory_space<vmem>>
      %dma_wait3A_152 = tpu.memref_squeeze %dma_wait3A_151 : memref<1x128xi32, #tpu.memory_space<vmem>> -> memref<128xi32, #tpu.memory_space<vmem>>
      %dma_wait3A_153 = arith.constant 0 : i32
      %dma_wait3A_154 = arith.constant 0 : i32
      %dma_wait3A_155 = tpu.memref_slice %arg2[%scan3A_15, %dma_wait3A_153, %dma_wait3A_154] : memref<1x10000x144xf32, #tpu.memory_space<hbm>> -> memref<1x10000x144xf32, #tpu.memory_space<hbm>>
      %dma_wait3A_156 = tpu.memref_squeeze %dma_wait3A_155 : memref<1x10000x144xf32, #tpu.memory_space<hbm>> -> memref<10000x144xf32, #tpu.memory_space<hbm>>
      %dma_wait3A_157 = arith.constant 0 : i32
      %dma_wait3A_158 = arith.constant 0 : i32
      %dma_wait3A_159 = tpu.memref_slice %dma_wait3A_156[%dma_wait3A_157, %dma_wait3A_158] : memref<10000x144xf32, #tpu.memory_space<hbm>> -> memref<10000x144xf32, #tpu.memory_space<hbm>>
      tpu.wait_indirect_dma semaphore(%arg12 : memref<!tpu.dma_semaphore, #tpu.memory_space<semaphore_mem>>) src(%dma_wait3A_159 : memref<10000x144xf32, #tpu.memory_space<hbm>>) dst(%arg9 : memref<128x144xf32, #tpu.memory_space<vmem>>)
      %dma_start3A_160 = arith.constant 5 : i32
      %dma_start3A_161 = arith.constant 0 : i32
      %dma_start3A_162 = tpu.memref_slice %arg7[%dma_start3A_160, %dma_start3A_161] : memref<8x128xi32, #tpu.memory_space<vmem>> -> memref<1x128xi32, #tpu.memory_space<vmem>>
      %dma_start3A_163 = tpu.memref_squeeze %dma_start3A_162 : memref<1x128xi32, #tpu.memory_space<vmem>> -> memref<128xi32, #tpu.memory_space<vmem>>
      %dma_start3A_164 = arith.constant 0 : i32
      %dma_start3A_165 = arith.constant 0 : i32
      %dma_start3A_166 = tpu.memref_slice %arg2[%scan3A_15, %dma_start3A_164, %dma_start3A_165] : memref<1x10000x144xf32, #tpu.memory_space<hbm>> -> memref<1x10000x144xf32, #tpu.memory_space<hbm>>
      %dma_start3A_167 = tpu.memref_squeeze %dma_start3A_166 : memref<1x10000x144xf32, #tpu.memory_space<hbm>> -> memref<10000x144xf32, #tpu.memory_space<hbm>>
      %dma_start3A_168 = arith.constant 0 : i32
      %dma_start3A_169 = arith.constant 0 : i32
      %dma_start3A_170 = tpu.memref_slice %dma_start3A_167[%dma_start3A_168, %dma_start3A_169] : memref<10000x144xf32, #tpu.memory_space<hbm>> -> memref<10000x144xf32, #tpu.memory_space<hbm>>
      tpu.enqueue_indirect_dma source(%dma_start3A_170 : memref<10000x144xf32, #tpu.memory_space<hbm>>) target(%arg10 : memref<128x144xf32, #tpu.memory_space<vmem>>) offsets(%dma_start3A_163 : memref<128xi32, #tpu.memory_space<vmem>>) semaphore(%arg12 : memref<!tpu.dma_semaphore, #tpu.memory_space<semaphore_mem>>)
      %run_scoped3A_171 = arith.constant 4 : i32
      "tpu.region"() ({
        %run_scoped3A_230 = tpu.sem_alloc : memref<!tpu.dma_semaphore, #tpu.memory_space<semaphore_mem>>
        %dma_start3A_231 = arith.constant 0 : i32
        %dma_start3A_232 = tpu.memref_slice %arg8[%run_scoped3A_171, %dma_start3A_231] : memref<8x128xi32, #tpu.memory_space<vmem>> -> memref<1x128xi32, #tpu.memory_space<vmem>>
        %dma_start3A_233 = tpu.memref_squeeze %dma_start3A_232 : memref<1x128xi32, #tpu.memory_space<vmem>> -> memref<128xi32, #tpu.memory_space<vmem>>
        %dma_start3A_234 = arith.constant 0 : i32
        %dma_start3A_235 = arith.constant 0 : i32
        %dma_start3A_236 = tpu.memref_slice %arg11[%dma_start3A_234, %dma_start3A_235] : memref<10112x144xf32, #tpu.memory_space<vmem_shared>> -> memref<10112x144xf32, #tpu.memory_space<vmem_shared>>
        tpu.enqueue_indirect_dma source(%arg9 : memref<128x144xf32, #tpu.memory_space<vmem>>) target(%dma_start3A_236 : memref<10112x144xf32, #tpu.memory_space<vmem_shared>>) offsets(%dma_start3A_233 : memref<128xi32, #tpu.memory_space<vmem>>) semaphore(%run_scoped3A_230 : memref<!tpu.dma_semaphore, #tpu.memory_space<semaphore_mem>>) {add = true}
        %dma_wait3A_237 = arith.constant 0 : i32
        %dma_wait3A_238 = tpu.memref_slice %arg8[%run_scoped3A_171, %dma_wait3A_237] : memref<8x128xi32, #tpu.memory_space<vmem>> -> memref<1x128xi32, #tpu.memory_space<vmem>>
        %dma_wait3A_239 = tpu.memref_squeeze %dma_wait3A_238 : memref<1x128xi32, #tpu.memory_space<vmem>> -> memref<128xi32, #tpu.memory_space<vmem>>
        %dma_wait3A_240 = arith.constant 0 : i32
        %dma_wait3A_241 = arith.constant 0 : i32
        %dma_wait3A_242 = tpu.memref_slice %arg11[%dma_wait3A_240, %dma_wait3A_241] : memref<10112x144xf32, #tpu.memory_space<vmem_shared>> -> memref<10112x144xf32, #tpu.memory_space<vmem_shared>>
        tpu.wait_indirect_dma semaphore(%run_scoped3A_230 : memref<!tpu.dma_semaphore, #tpu.memory_space<semaphore_mem>>) src(%arg9 : memref<128x144xf32, #tpu.memory_space<vmem>>) dst(%dma_wait3A_242 : memref<10112x144xf32, #tpu.memory_space<vmem_shared>>)
        tpu.yield
      }) : () -> ()
      %dma_wait3A_172 = arith.constant 5 : i32
      %dma_wait3A_173 = arith.constant 0 : i32
      %dma_wait3A_174 = tpu.memref_slice %arg7[%dma_wait3A_172, %dma_wait3A_173] : memref<8x128xi32, #tpu.memory_space<vmem>> -> memref<1x128xi32, #tpu.memory_space<vmem>>
      %dma_wait3A_175 = tpu.memref_squeeze %dma_wait3A_174 : memref<1x128xi32, #tpu.memory_space<vmem>> -> memref<128xi32, #tpu.memory_space<vmem>>
      %dma_wait3A_176 = arith.constant 0 : i32
      %dma_wait3A_177 = arith.constant 0 : i32
      %dma_wait3A_178 = tpu.memref_slice %arg2[%scan3A_15, %dma_wait3A_176, %dma_wait3A_177] : memref<1x10000x144xf32, #tpu.memory_space<hbm>> -> memref<1x10000x144xf32, #tpu.memory_space<hbm>>
      %dma_wait3A_179 = tpu.memref_squeeze %dma_wait3A_178 : memref<1x10000x144xf32, #tpu.memory_space<hbm>> -> memref<10000x144xf32, #tpu.memory_space<hbm>>
      %dma_wait3A_180 = arith.constant 0 : i32
      %dma_wait3A_181 = arith.constant 0 : i32
      %dma_wait3A_182 = tpu.memref_slice %dma_wait3A_179[%dma_wait3A_180, %dma_wait3A_181] : memref<10000x144xf32, #tpu.memory_space<hbm>> -> memref<10000x144xf32, #tpu.memory_space<hbm>>
      tpu.wait_indirect_dma semaphore(%arg12 : memref<!tpu.dma_semaphore, #tpu.memory_space<semaphore_mem>>) src(%dma_wait3A_182 : memref<10000x144xf32, #tpu.memory_space<hbm>>) dst(%arg10 : memref<128x144xf32, #tpu.memory_space<vmem>>)
      %dma_start3A_183 = arith.constant 6 : i32
      %dma_start3A_184 = arith.constant 0 : i32
      %dma_start3A_185 = tpu.memref_slice %arg7[%dma_start3A_183, %dma_start3A_184] : memref<8x128xi32, #tpu.memory_space<vmem>> -> memref<1x128xi32, #tpu.memory_space<vmem>>
      %dma_start3A_186 = tpu.memref_squeeze %dma_start3A_185 : memref<1x128xi32, #tpu.memory_space<vmem>> -> memref<128xi32, #tpu.memory_space<vmem>>
      %dma_start3A_187 = arith.constant 0 : i32
      %dma_start3A_188 = arith.constant 0 : i32
      %dma_start3A_189 = tpu.memref_slice %arg2[%scan3A_15, %dma_start3A_187, %dma_start3A_188] : memref<1x10000x144xf32, #tpu.memory_space<hbm>> -> memref<1x10000x144xf32, #tpu.memory_space<hbm>>
      %dma_start3A_190 = tpu.memref_squeeze %dma_start3A_189 : memref<1x10000x144xf32, #tpu.memory_space<hbm>> -> memref<10000x144xf32, #tpu.memory_space<hbm>>
      %dma_start3A_191 = arith.constant 0 : i32
      %dma_start3A_192 = arith.constant 0 : i32
      %dma_start3A_193 = tpu.memref_slice %dma_start3A_190[%dma_start3A_191, %dma_start3A_192] : memref<10000x144xf32, #tpu.memory_space<hbm>> -> memref<10000x144xf32, #tpu.memory_space<hbm>>
      tpu.enqueue_indirect_dma source(%dma_start3A_193 : memref<10000x144xf32, #tpu.memory_space<hbm>>) target(%arg9 : memref<128x144xf32, #tpu.memory_space<vmem>>) offsets(%dma_start3A_186 : memref<128xi32, #tpu.memory_space<vmem>>) semaphore(%arg12 : memref<!tpu.dma_semaphore, #tpu.memory_space<semaphore_mem>>)
      %run_scoped3A_194 = arith.constant 5 : i32
      "tpu.region"() ({
        %run_scoped3A_230 = tpu.sem_alloc : memref<!tpu.dma_semaphore, #tpu.memory_space<semaphore_mem>>
        %dma_start3A_231 = arith.constant 0 : i32
        %dma_start3A_232 = tpu.memref_slice %arg8[%run_scoped3A_194, %dma_start3A_231] : memref<8x128xi32, #tpu.memory_space<vmem>> -> memref<1x128xi32, #tpu.memory_space<vmem>>
        %dma_start3A_233 = tpu.memref_squeeze %dma_start3A_232 : memref<1x128xi32, #tpu.memory_space<vmem>> -> memref<128xi32, #tpu.memory_space<vmem>>
        %dma_start3A_234 = arith.constant 0 : i32
        %dma_start3A_235 = arith.constant 0 : i32
        %dma_start3A_236 = tpu.memref_slice %arg11[%dma_start3A_234, %dma_start3A_235] : memref<10112x144xf32, #tpu.memory_space<vmem_shared>> -> memref<10112x144xf32, #tpu.memory_space<vmem_shared>>
        tpu.enqueue_indirect_dma source(%arg10 : memref<128x144xf32, #tpu.memory_space<vmem>>) target(%dma_start3A_236 : memref<10112x144xf32, #tpu.memory_space<vmem_shared>>) offsets(%dma_start3A_233 : memref<128xi32, #tpu.memory_space<vmem>>) semaphore(%run_scoped3A_230 : memref<!tpu.dma_semaphore, #tpu.memory_space<semaphore_mem>>) {add = true}
        %dma_wait3A_237 = arith.constant 0 : i32
        %dma_wait3A_238 = tpu.memref_slice %arg8[%run_scoped3A_194, %dma_wait3A_237] : memref<8x128xi32, #tpu.memory_space<vmem>> -> memref<1x128xi32, #tpu.memory_space<vmem>>
        %dma_wait3A_239 = tpu.memref_squeeze %dma_wait3A_238 : memref<1x128xi32, #tpu.memory_space<vmem>> -> memref<128xi32, #tpu.memory_space<vmem>>
        %dma_wait3A_240 = arith.constant 0 : i32
        %dma_wait3A_241 = arith.constant 0 : i32
        %dma_wait3A_242 = tpu.memref_slice %arg11[%dma_wait3A_240, %dma_wait3A_241] : memref<10112x144xf32, #tpu.memory_space<vmem_shared>> -> memref<10112x144xf32, #tpu.memory_space<vmem_shared>>
        tpu.wait_indirect_dma semaphore(%run_scoped3A_230 : memref<!tpu.dma_semaphore, #tpu.memory_space<semaphore_mem>>) src(%arg10 : memref<128x144xf32, #tpu.memory_space<vmem>>) dst(%dma_wait3A_242 : memref<10112x144xf32, #tpu.memory_space<vmem_shared>>)
        tpu.yield
      }) : () -> ()
      %dma_wait3A_195 = arith.constant 6 : i32
      %dma_wait3A_196 = arith.constant 0 : i32
      %dma_wait3A_197 = tpu.memref_slice %arg7[%dma_wait3A_195, %dma_wait3A_196] : memref<8x128xi32, #tpu.memory_space<vmem>> -> memref<1x128xi32, #tpu.memory_space<vmem>>
      %dma_wait3A_198 = tpu.memref_squeeze %dma_wait3A_197 : memref<1x128xi32, #tpu.memory_space<vmem>> -> memref<128xi32, #tpu.memory_space<vmem>>
      %dma_wait3A_199 = arith.constant 0 : i32
      %dma_wait3A_200 = arith.constant 0 : i32
      %dma_wait3A_201 = tpu.memref_slice %arg2[%scan3A_15, %dma_wait3A_199, %dma_wait3A_200] : memref<1x10000x144xf32, #tpu.memory_space<hbm>> -> memref<1x10000x144xf32, #tpu.memory_space<hbm>>
      %dma_wait3A_202 = tpu.memref_squeeze %dma_wait3A_201 : memref<1x10000x144xf32, #tpu.memory_space<hbm>> -> memref<10000x144xf32, #tpu.memory_space<hbm>>
      %dma_wait3A_203 = arith.constant 0 : i32
      %dma_wait3A_204 = arith.constant 0 : i32
      %dma_wait3A_205 = tpu.memref_slice %dma_wait3A_202[%dma_wait3A_203, %dma_wait3A_204] : memref<10000x144xf32, #tpu.memory_space<hbm>> -> memref<10000x144xf32, #tpu.memory_space<hbm>>
      tpu.wait_indirect_dma semaphore(%arg12 : memref<!tpu.dma_semaphore, #tpu.memory_space<semaphore_mem>>) src(%dma_wait3A_205 : memref<10000x144xf32, #tpu.memory_space<hbm>>) dst(%arg9 : memref<128x144xf32, #tpu.memory_space<vmem>>)
      %dma_start3A_206 = arith.constant 7 : i32
      %dma_start3A_207 = arith.constant 0 : i32
      %dma_start3A_208 = tpu.memref_slice %arg7[%dma_start3A_206, %dma_start3A_207] : memref<8x128xi32, #tpu.memory_space<vmem>> -> memref<1x128xi32, #tpu.memory_space<vmem>>
      %dma_start3A_209 = tpu.memref_squeeze %dma_start3A_208 : memref<1x128xi32, #tpu.memory_space<vmem>> -> memref<128xi32, #tpu.memory_space<vmem>>
      %dma_start3A_210 = arith.constant 0 : i32
      %dma_start3A_211 = arith.constant 0 : i32
      %dma_start3A_212 = tpu.memref_slice %arg2[%scan3A_15, %dma_start3A_210, %dma_start3A_211] : memref<1x10000x144xf32, #tpu.memory_space<hbm>> -> memref<1x10000x144xf32, #tpu.memory_space<hbm>>
      %dma_start3A_213 = tpu.memref_squeeze %dma_start3A_212 : memref<1x10000x144xf32, #tpu.memory_space<hbm>> -> memref<10000x144xf32, #tpu.memory_space<hbm>>
      %dma_start3A_214 = arith.constant 0 : i32
      %dma_start3A_215 = arith.constant 0 : i32
      %dma_start3A_216 = tpu.memref_slice %dma_start3A_213[%dma_start3A_214, %dma_start3A_215] : memref<10000x144xf32, #tpu.memory_space<hbm>> -> memref<10000x144xf32, #tpu.memory_space<hbm>>
      tpu.enqueue_indirect_dma source(%dma_start3A_216 : memref<10000x144xf32, #tpu.memory_space<hbm>>) target(%arg10 : memref<128x144xf32, #tpu.memory_space<vmem>>) offsets(%dma_start3A_209 : memref<128xi32, #tpu.memory_space<vmem>>) semaphore(%arg12 : memref<!tpu.dma_semaphore, #tpu.memory_space<semaphore_mem>>)
      %run_scoped3A_217 = arith.constant 6 : i32
      "tpu.region"() ({
        %run_scoped3A_230 = tpu.sem_alloc : memref<!tpu.dma_semaphore, #tpu.memory_space<semaphore_mem>>
        %dma_start3A_231 = arith.constant 0 : i32
        %dma_start3A_232 = tpu.memref_slice %arg8[%run_scoped3A_217, %dma_start3A_231] : memref<8x128xi32, #tpu.memory_space<vmem>> -> memref<1x128xi32, #tpu.memory_space<vmem>>
        %dma_start3A_233 = tpu.memref_squeeze %dma_start3A_232 : memref<1x128xi32, #tpu.memory_space<vmem>> -> memref<128xi32, #tpu.memory_space<vmem>>
        %dma_start3A_234 = arith.constant 0 : i32
        %dma_start3A_235 = arith.constant 0 : i32
        %dma_start3A_236 = tpu.memref_slice %arg11[%dma_start3A_234, %dma_start3A_235] : memref<10112x144xf32, #tpu.memory_space<vmem_shared>> -> memref<10112x144xf32, #tpu.memory_space<vmem_shared>>
        tpu.enqueue_indirect_dma source(%arg9 : memref<128x144xf32, #tpu.memory_space<vmem>>) target(%dma_start3A_236 : memref<10112x144xf32, #tpu.memory_space<vmem_shared>>) offsets(%dma_start3A_233 : memref<128xi32, #tpu.memory_space<vmem>>) semaphore(%run_scoped3A_230 : memref<!tpu.dma_semaphore, #tpu.memory_space<semaphore_mem>>) {add = true}
        %dma_wait3A_237 = arith.constant 0 : i32
        %dma_wait3A_238 = tpu.memref_slice %arg8[%run_scoped3A_217, %dma_wait3A_237] : memref<8x128xi32, #tpu.memory_space<vmem>> -> memref<1x128xi32, #tpu.memory_space<vmem>>
        %dma_wait3A_239 = tpu.memref_squeeze %dma_wait3A_238 : memref<1x128xi32, #tpu.memory_space<vmem>> -> memref<128xi32, #tpu.memory_space<vmem>>
        %dma_wait3A_240 = arith.constant 0 : i32
        %dma_wait3A_241 = arith.constant 0 : i32
        %dma_wait3A_242 = tpu.memref_slice %arg11[%dma_wait3A_240, %dma_wait3A_241] : memref<10112x144xf32, #tpu.memory_space<vmem_shared>> -> memref<10112x144xf32, #tpu.memory_space<vmem_shared>>
        tpu.wait_indirect_dma semaphore(%run_scoped3A_230 : memref<!tpu.dma_semaphore, #tpu.memory_space<semaphore_mem>>) src(%arg9 : memref<128x144xf32, #tpu.memory_space<vmem>>) dst(%dma_wait3A_242 : memref<10112x144xf32, #tpu.memory_space<vmem_shared>>)
        tpu.yield
      }) : () -> ()
      %dma_wait3A_218 = arith.constant 7 : i32
      %dma_wait3A_219 = arith.constant 0 : i32
      %dma_wait3A_220 = tpu.memref_slice %arg7[%dma_wait3A_218, %dma_wait3A_219] : memref<8x128xi32, #tpu.memory_space<vmem>> -> memref<1x128xi32, #tpu.memory_space<vmem>>
      %dma_wait3A_221 = tpu.memref_squeeze %dma_wait3A_220 : memref<1x128xi32, #tpu.memory_space<vmem>> -> memref<128xi32, #tpu.memory_space<vmem>>
      %dma_wait3A_222 = arith.constant 0 : i32
      %dma_wait3A_223 = arith.constant 0 : i32
      %dma_wait3A_224 = tpu.memref_slice %arg2[%scan3A_15, %dma_wait3A_222, %dma_wait3A_223] : memref<1x10000x144xf32, #tpu.memory_space<hbm>> -> memref<1x10000x144xf32, #tpu.memory_space<hbm>>
      %dma_wait3A_225 = tpu.memref_squeeze %dma_wait3A_224 : memref<1x10000x144xf32, #tpu.memory_space<hbm>> -> memref<10000x144xf32, #tpu.memory_space<hbm>>
      %dma_wait3A_226 = arith.constant 0 : i32
      %dma_wait3A_227 = arith.constant 0 : i32
      %dma_wait3A_228 = tpu.memref_slice %dma_wait3A_225[%dma_wait3A_226, %dma_wait3A_227] : memref<10000x144xf32, #tpu.memory_space<hbm>> -> memref<10000x144xf32, #tpu.memory_space<hbm>>
      tpu.wait_indirect_dma semaphore(%arg12 : memref<!tpu.dma_semaphore, #tpu.memory_space<semaphore_mem>>) src(%dma_wait3A_228 : memref<10000x144xf32, #tpu.memory_space<hbm>>) dst(%arg10 : memref<128x144xf32, #tpu.memory_space<vmem>>)
      %run_scoped3A_229 = arith.constant 7 : i32
      "tpu.region"() ({
        %run_scoped3A_230 = tpu.sem_alloc : memref<!tpu.dma_semaphore, #tpu.memory_space<semaphore_mem>>
        %dma_start3A_231 = arith.constant 0 : i32
        %dma_start3A_232 = tpu.memref_slice %arg8[%run_scoped3A_229, %dma_start3A_231] : memref<8x128xi32, #tpu.memory_space<vmem>> -> memref<1x128xi32, #tpu.memory_space<vmem>>
        %dma_start3A_233 = tpu.memref_squeeze %dma_start3A_232 : memref<1x128xi32, #tpu.memory_space<vmem>> -> memref<128xi32, #tpu.memory_space<vmem>>
        %dma_start3A_234 = arith.constant 0 : i32
        %dma_start3A_235 = arith.constant 0 : i32
        %dma_start3A_236 = tpu.memref_slice %arg11[%dma_start3A_234, %dma_start3A_235] : memref<10112x144xf32, #tpu.memory_space<vmem_shared>> -> memref<10112x144xf32, #tpu.memory_space<vmem_shared>>
        tpu.enqueue_indirect_dma source(%arg10 : memref<128x144xf32, #tpu.memory_space<vmem>>) target(%dma_start3A_236 : memref<10112x144xf32, #tpu.memory_space<vmem_shared>>) offsets(%dma_start3A_233 : memref<128xi32, #tpu.memory_space<vmem>>) semaphore(%run_scoped3A_230 : memref<!tpu.dma_semaphore, #tpu.memory_space<semaphore_mem>>) {add = true}
        %dma_wait3A_237 = arith.constant 0 : i32
        %dma_wait3A_238 = tpu.memref_slice %arg8[%run_scoped3A_229, %dma_wait3A_237] : memref<8x128xi32, #tpu.memory_space<vmem>> -> memref<1x128xi32, #tpu.memory_space<vmem>>
        %dma_wait3A_239 = tpu.memref_squeeze %dma_wait3A_238 : memref<1x128xi32, #tpu.memory_space<vmem>> -> memref<128xi32, #tpu.memory_space<vmem>>
        %dma_wait3A_240 = arith.constant 0 : i32
        %dma_wait3A_241 = arith.constant 0 : i32
        %dma_wait3A_242 = tpu.memref_slice %arg11[%dma_wait3A_240, %dma_wait3A_241] : memref<10112x144xf32, #tpu.memory_space<vmem_shared>> -> memref<10112x144xf32, #tpu.memory_space<vmem_shared>>
        tpu.wait_indirect_dma semaphore(%run_scoped3A_230 : memref<!tpu.dma_semaphore, #tpu.memory_space<semaphore_mem>>) src(%arg10 : memref<128x144xf32, #tpu.memory_space<vmem>>) dst(%dma_wait3A_242 : memref<10112x144xf32, #tpu.memory_space<vmem_shared>>)
        tpu.yield
      }) : () -> ()
    }
    %scan3A_20 = arith.constant 10 : i32
    %barrier3A_21 = arith.constant 0 : index
    tpu.barrier barrier_id(%barrier3A_21)
    %mul3A_22 = arith.constant 10112 : i32
    %mul3A_23 = arith.muli %arg0, %mul3A_22 : i32
    %add3A_24 = arith.addi %mul3A_23, %mul3A_0 : i32
    %add3A_25 = arith.constant 0 : i32
    %add3A_26 = arith.addi %mul3A_0, %add3A_25 : i32
    "tpu.region"() ({
      %run_scoped3A = tpu.sem_alloc : memref<!tpu.dma_semaphore, #tpu.memory_space<semaphore_mem>>
      %dma_start3A = arith.constant 0 : i32
      %dma_start3A_45 = arith.constant 0 : i32
      %dma_start3A_46 = tpu.memref_slice %arg9[%dma_start3A, %dma_start3A_45] : memref<128x144xf32, #tpu.memory_space<vmem>> -> memref<128x144xf32, #tpu.memory_space<vmem>>
      %dma_start3A_47 = arith.constant 0 : i32
      %dma_start3A_48 = tpu.memref_slice %arg11[%add3A_26, %dma_start3A_47] : memref<10112x144xf32, #tpu.memory_space<vmem_shared>> -> memref<128x144xf32, #tpu.memory_space<vmem_shared>>
      %dma_start3A_49 = arith.constant 0 : i32
      %dma_start3A_50 = arith.constant 0 : i32
      %dma_start3A_51 = tpu.memref_slice %arg9[%dma_start3A_49, %dma_start3A_50] : memref<128x144xf32, #tpu.memory_space<vmem>> -> memref<128x144xf32, #tpu.memory_space<vmem>>
      %dma_start3A_52 = arith.constant 0 : i32
      %dma_start3A_53 = tpu.memref_slice %arg11[%add3A_26, %dma_start3A_52] : memref<10112x144xf32, #tpu.memory_space<vmem_shared>> -> memref<128x144xf32, #tpu.memory_space<vmem_shared>>
      tpu.enqueue_dma source(%dma_start3A_53 : memref<128x144xf32, #tpu.memory_space<vmem_shared>>) target(%dma_start3A_51 : memref<128x144xf32, #tpu.memory_space<vmem>>) target_semaphore(%run_scoped3A : memref<!tpu.dma_semaphore, #tpu.memory_space<semaphore_mem>>)
      %dma_wait3A = arith.constant 0 : i32
      %dma_wait3A_54 = arith.constant 0 : i32
      %dma_wait3A_55 = tpu.memref_slice %arg9[%dma_wait3A, %dma_wait3A_54] : memref<128x144xf32, #tpu.memory_space<vmem>> -> memref<128x144xf32, #tpu.memory_space<vmem>>
      %dma_wait3A_56 = arith.constant 0 : i32
      %dma_wait3A_57 = tpu.memref_slice %arg11[%add3A_26, %dma_wait3A_56] : memref<10112x144xf32, #tpu.memory_space<vmem_shared>> -> memref<128x144xf32, #tpu.memory_space<vmem_shared>>
      %dma_wait3A_58 = arith.constant 0 : i32
      %dma_wait3A_59 = arith.constant 0 : i32
      %dma_wait3A_60 = tpu.memref_slice %arg9[%dma_wait3A_58, %dma_wait3A_59] : memref<128x144xf32, #tpu.memory_space<vmem>> -> memref<128x144xf32, #tpu.memory_space<vmem>>
      %dma_wait3A_61 = arith.constant 0 : i32
      %dma_wait3A_62 = tpu.memref_slice %arg11[%add3A_26, %dma_wait3A_61] : memref<10112x144xf32, #tpu.memory_space<vmem_shared>> -> memref<128x144xf32, #tpu.memory_space<vmem_shared>>
      tpu.wait_dma2 semaphore(%run_scoped3A : memref<!tpu.dma_semaphore, #tpu.memory_space<semaphore_mem>>) src(%dma_wait3A_62 : memref<128x144xf32, #tpu.memory_space<vmem_shared>>) dst(%dma_wait3A_60 : memref<128x144xf32, #tpu.memory_space<vmem>>)
      tpu.yield
    }) : () -> ()
    %add3A_27 = arith.constant 0 : i32
    %add3A_28 = arith.addi %add3A_24, %add3A_27 : i32
    "tpu.region"() ({
      %run_scoped3A = tpu.sem_alloc : memref<!tpu.dma_semaphore, #tpu.memory_space<semaphore_mem>>
      %dma_start3A = arith.constant 0 : i32
      %dma_start3A_45 = arith.constant 0 : i32
      %dma_start3A_46 = tpu.memref_slice %arg9[%dma_start3A, %dma_start3A_45] : memref<128x144xf32, #tpu.memory_space<vmem>> -> memref<128x144xf32, #tpu.memory_space<vmem>>
      %dma_start3A_47 = arith.constant 0 : i32
      %dma_start3A_48 = tpu.memref_slice %arg6[%add3A_28, %dma_start3A_47] : memref<20224x144xf32, #tpu.memory_space<hbm>> -> memref<128x144xf32, #tpu.memory_space<hbm>>
      %dma_start3A_49 = arith.constant 0 : i32
      %dma_start3A_50 = tpu.memref_slice %arg6[%add3A_28, %dma_start3A_49] : memref<20224x144xf32, #tpu.memory_space<hbm>> -> memref<128x144xf32, #tpu.memory_space<hbm>>
      %dma_start3A_51 = arith.constant 0 : i32
      %dma_start3A_52 = arith.constant 0 : i32
      %dma_start3A_53 = tpu.memref_slice %arg9[%dma_start3A_51, %dma_start3A_52] : memref<128x144xf32, #tpu.memory_space<vmem>> -> memref<128x144xf32, #tpu.memory_space<vmem>>
      tpu.enqueue_dma source(%dma_start3A_53 : memref<128x144xf32, #tpu.memory_space<vmem>>) target(%dma_start3A_50 : memref<128x144xf32, #tpu.memory_space<hbm>>) target_semaphore(%run_scoped3A : memref<!tpu.dma_semaphore, #tpu.memory_space<semaphore_mem>>)
      %dma_wait3A = arith.constant 0 : i32
      %dma_wait3A_54 = arith.constant 0 : i32
      %dma_wait3A_55 = tpu.memref_slice %arg9[%dma_wait3A, %dma_wait3A_54] : memref<128x144xf32, #tpu.memory_space<vmem>> -> memref<128x144xf32, #tpu.memory_space<vmem>>
      %dma_wait3A_56 = arith.constant 0 : i32
      %dma_wait3A_57 = tpu.memref_slice %arg6[%add3A_28, %dma_wait3A_56] : memref<20224x144xf32, #tpu.memory_space<hbm>> -> memref<128x144xf32, #tpu.memory_space<hbm>>
      %dma_wait3A_58 = arith.constant 0 : i32
      %dma_wait3A_59 = tpu.memref_slice %arg6[%add3A_28, %dma_wait3A_58] : memref<20224x144xf32, #tpu.memory_space<hbm>> -> memref<128x144xf32, #tpu.memory_space<hbm>>
      %dma_wait3A_60 = arith.constant 0 : i32
      %dma_wait3A_61 = arith.constant 0 : i32
      %dma_wait3A_62 = tpu.memref_slice %arg9[%dma_wait3A_60, %dma_wait3A_61] : memref<128x144xf32, #tpu.memory_space<vmem>> -> memref<128x144xf32, #tpu.memory_space<vmem>>
      tpu.wait_dma2 semaphore(%run_scoped3A : memref<!tpu.dma_semaphore, #tpu.memory_space<semaphore_mem>>) src(%dma_wait3A_62 : memref<128x144xf32, #tpu.memory_space<vmem>>) dst(%dma_wait3A_59 : memref<128x144xf32, #tpu.memory_space<hbm>>)
      tpu.yield
    }) : () -> ()
    %add3A_29 = arith.constant 128 : i32
    %add3A_30 = arith.addi %mul3A_0, %add3A_29 : i32
    "tpu.region"() ({
      %run_scoped3A = tpu.sem_alloc : memref<!tpu.dma_semaphore, #tpu.memory_space<semaphore_mem>>
      %dma_start3A = arith.constant 0 : i32
      %dma_start3A_45 = arith.constant 0 : i32
      %dma_start3A_46 = tpu.memref_slice %arg9[%dma_start3A, %dma_start3A_45] : memref<128x144xf32, #tpu.memory_space<vmem>> -> memref<128x144xf32, #tpu.memory_space<vmem>>
      %dma_start3A_47 = arith.constant 0 : i32
      %dma_start3A_48 = tpu.memref_slice %arg11[%add3A_30, %dma_start3A_47] : memref<10112x144xf32, #tpu.memory_space<vmem_shared>> -> memref<128x144xf32, #tpu.memory_space<vmem_shared>>
      %dma_start3A_49 = arith.constant 0 : i32
      %dma_start3A_50 = arith.constant 0 : i32
      %dma_start3A_51 = tpu.memref_slice %arg9[%dma_start3A_49, %dma_start3A_50] : memref<128x144xf32, #tpu.memory_space<vmem>> -> memref<128x144xf32, #tpu.memory_space<vmem>>
      %dma_start3A_52 = arith.constant 0 : i32
      %dma_start3A_53 = tpu.memref_slice %arg11[%add3A_30, %dma_start3A_52] : memref<10112x144xf32, #tpu.memory_space<vmem_shared>> -> memref<128x144xf32, #tpu.memory_space<vmem_shared>>
      tpu.enqueue_dma source(%dma_start3A_53 : memref<128x144xf32, #tpu.memory_space<vmem_shared>>) target(%dma_start3A_51 : memref<128x144xf32, #tpu.memory_space<vmem>>) target_semaphore(%run_scoped3A : memref<!tpu.dma_semaphore, #tpu.memory_space<semaphore_mem>>)
      %dma_wait3A = arith.constant 0 : i32
      %dma_wait3A_54 = arith.constant 0 : i32
      %dma_wait3A_55 = tpu.memref_slice %arg9[%dma_wait3A, %dma_wait3A_54] : memref<128x144xf32, #tpu.memory_space<vmem>> -> memref<128x144xf32, #tpu.memory_space<vmem>>
      %dma_wait3A_56 = arith.constant 0 : i32
      %dma_wait3A_57 = tpu.memref_slice %arg11[%add3A_30, %dma_wait3A_56] : memref<10112x144xf32, #tpu.memory_space<vmem_shared>> -> memref<128x144xf32, #tpu.memory_space<vmem_shared>>
      %dma_wait3A_58 = arith.constant 0 : i32
      %dma_wait3A_59 = arith.constant 0 : i32
      %dma_wait3A_60 = tpu.memref_slice %arg9[%dma_wait3A_58, %dma_wait3A_59] : memref<128x144xf32, #tpu.memory_space<vmem>> -> memref<128x144xf32, #tpu.memory_space<vmem>>
      %dma_wait3A_61 = arith.constant 0 : i32
      %dma_wait3A_62 = tpu.memref_slice %arg11[%add3A_30, %dma_wait3A_61] : memref<10112x144xf32, #tpu.memory_space<vmem_shared>> -> memref<128x144xf32, #tpu.memory_space<vmem_shared>>
      tpu.wait_dma2 semaphore(%run_scoped3A : memref<!tpu.dma_semaphore, #tpu.memory_space<semaphore_mem>>) src(%dma_wait3A_62 : memref<128x144xf32, #tpu.memory_space<vmem_shared>>) dst(%dma_wait3A_60 : memref<128x144xf32, #tpu.memory_space<vmem>>)
      tpu.yield
    }) : () -> ()
    %add3A_31 = arith.constant 128 : i32
    %add3A_32 = arith.addi %add3A_24, %add3A_31 : i32
    "tpu.region"() ({
      %run_scoped3A = tpu.sem_alloc : memref<!tpu.dma_semaphore, #tpu.memory_space<semaphore_mem>>
      %dma_start3A = arith.constant 0 : i32
      %dma_start3A_45 = arith.constant 0 : i32
      %dma_start3A_46 = tpu.memref_slice %arg9[%dma_start3A, %dma_start3A_45] : memref<128x144xf32, #tpu.memory_space<vmem>> -> memref<128x144xf32, #tpu.memory_space<vmem>>
      %dma_start3A_47 = arith.constant 0 : i32
      %dma_start3A_48 = tpu.memref_slice %arg6[%add3A_32, %dma_start3A_47] : memref<20224x144xf32, #tpu.memory_space<hbm>> -> memref<128x144xf32, #tpu.memory_space<hbm>>
      %dma_start3A_49 = arith.constant 0 : i32
      %dma_start3A_50 = tpu.memref_slice %arg6[%add3A_32, %dma_start3A_49] : memref<20224x144xf32, #tpu.memory_space<hbm>> -> memref<128x144xf32, #tpu.memory_space<hbm>>
      %dma_start3A_51 = arith.constant 0 : i32
      %dma_start3A_52 = arith.constant 0 : i32
      %dma_start3A_53 = tpu.memref_slice %arg9[%dma_start3A_51, %dma_start3A_52] : memref<128x144xf32, #tpu.memory_space<vmem>> -> memref<128x144xf32, #tpu.memory_space<vmem>>
      tpu.enqueue_dma source(%dma_start3A_53 : memref<128x144xf32, #tpu.memory_space<vmem>>) target(%dma_start3A_50 : memref<128x144xf32, #tpu.memory_space<hbm>>) target_semaphore(%run_scoped3A : memref<!tpu.dma_semaphore, #tpu.memory_space<semaphore_mem>>)
      %dma_wait3A = arith.constant 0 : i32
      %dma_wait3A_54 = arith.constant 0 : i32
      %dma_wait3A_55 = tpu.memref_slice %arg9[%dma_wait3A, %dma_wait3A_54] : memref<128x144xf32, #tpu.memory_space<vmem>> -> memref<128x144xf32, #tpu.memory_space<vmem>>
      %dma_wait3A_56 = arith.constant 0 : i32
      %dma_wait3A_57 = tpu.memref_slice %arg6[%add3A_32, %dma_wait3A_56] : memref<20224x144xf32, #tpu.memory_space<hbm>> -> memref<128x144xf32, #tpu.memory_space<hbm>>
      %dma_wait3A_58 = arith.constant 0 : i32
      %dma_wait3A_59 = tpu.memref_slice %arg6[%add3A_32, %dma_wait3A_58] : memref<20224x144xf32, #tpu.memory_space<hbm>> -> memref<128x144xf32, #tpu.memory_space<hbm>>
      %dma_wait3A_60 = arith.constant 0 : i32
      %dma_wait3A_61 = arith.constant 0 : i32
      %dma_wait3A_62 = tpu.memref_slice %arg9[%dma_wait3A_60, %dma_wait3A_61] : memref<128x144xf32, #tpu.memory_space<vmem>> -> memref<128x144xf32, #tpu.memory_space<vmem>>
      tpu.wait_dma2 semaphore(%run_scoped3A : memref<!tpu.dma_semaphore, #tpu.memory_space<semaphore_mem>>) src(%dma_wait3A_62 : memref<128x144xf32, #tpu.memory_space<vmem>>) dst(%dma_wait3A_59 : memref<128x144xf32, #tpu.memory_space<hbm>>)
      tpu.yield
    }) : () -> ()
    %add3A_33 = arith.constant 256 : i32
    %add3A_34 = arith.addi %mul3A_0, %add3A_33 : i32
    "tpu.region"() ({
      %run_scoped3A = tpu.sem_alloc : memref<!tpu.dma_semaphore, #tpu.memory_space<semaphore_mem>>
      %dma_start3A = arith.constant 0 : i32
      %dma_start3A_45 = arith.constant 0 : i32
      %dma_start3A_46 = tpu.memref_slice %arg9[%dma_start3A, %dma_start3A_45] : memref<128x144xf32, #tpu.memory_space<vmem>> -> memref<128x144xf32, #tpu.memory_space<vmem>>
      %dma_start3A_47 = arith.constant 0 : i32
      %dma_start3A_48 = tpu.memref_slice %arg11[%add3A_34, %dma_start3A_47] : memref<10112x144xf32, #tpu.memory_space<vmem_shared>> -> memref<128x144xf32, #tpu.memory_space<vmem_shared>>
      %dma_start3A_49 = arith.constant 0 : i32
      %dma_start3A_50 = arith.constant 0 : i32
      %dma_start3A_51 = tpu.memref_slice %arg9[%dma_start3A_49, %dma_start3A_50] : memref<128x144xf32, #tpu.memory_space<vmem>> -> memref<128x144xf32, #tpu.memory_space<vmem>>
      %dma_start3A_52 = arith.constant 0 : i32
      %dma_start3A_53 = tpu.memref_slice %arg11[%add3A_34, %dma_start3A_52] : memref<10112x144xf32, #tpu.memory_space<vmem_shared>> -> memref<128x144xf32, #tpu.memory_space<vmem_shared>>
      tpu.enqueue_dma source(%dma_start3A_53 : memref<128x144xf32, #tpu.memory_space<vmem_shared>>) target(%dma_start3A_51 : memref<128x144xf32, #tpu.memory_space<vmem>>) target_semaphore(%run_scoped3A : memref<!tpu.dma_semaphore, #tpu.memory_space<semaphore_mem>>)
      %dma_wait3A = arith.constant 0 : i32
      %dma_wait3A_54 = arith.constant 0 : i32
      %dma_wait3A_55 = tpu.memref_slice %arg9[%dma_wait3A, %dma_wait3A_54] : memref<128x144xf32, #tpu.memory_space<vmem>> -> memref<128x144xf32, #tpu.memory_space<vmem>>
      %dma_wait3A_56 = arith.constant 0 : i32
      %dma_wait3A_57 = tpu.memref_slice %arg11[%add3A_34, %dma_wait3A_56] : memref<10112x144xf32, #tpu.memory_space<vmem_shared>> -> memref<128x144xf32, #tpu.memory_space<vmem_shared>>
      %dma_wait3A_58 = arith.constant 0 : i32
      %dma_wait3A_59 = arith.constant 0 : i32
      %dma_wait3A_60 = tpu.memref_slice %arg9[%dma_wait3A_58, %dma_wait3A_59] : memref<128x144xf32, #tpu.memory_space<vmem>> -> memref<128x144xf32, #tpu.memory_space<vmem>>
      %dma_wait3A_61 = arith.constant 0 : i32
      %dma_wait3A_62 = tpu.memref_slice %arg11[%add3A_34, %dma_wait3A_61] : memref<10112x144xf32, #tpu.memory_space<vmem_shared>> -> memref<128x144xf32, #tpu.memory_space<vmem_shared>>
      tpu.wait_dma2 semaphore(%run_scoped3A : memref<!tpu.dma_semaphore, #tpu.memory_space<semaphore_mem>>) src(%dma_wait3A_62 : memref<128x144xf32, #tpu.memory_space<vmem_shared>>) dst(%dma_wait3A_60 : memref<128x144xf32, #tpu.memory_space<vmem>>)
      tpu.yield
    }) : () -> ()
    %add3A_35 = arith.constant 256 : i32
    %add3A_36 = arith.addi %add3A_24, %add3A_35 : i32
    "tpu.region"() ({
      %run_scoped3A = tpu.sem_alloc : memref<!tpu.dma_semaphore, #tpu.memory_space<semaphore_mem>>
      %dma_start3A = arith.constant 0 : i32
      %dma_start3A_45 = arith.constant 0 : i32
      %dma_start3A_46 = tpu.memref_slice %arg9[%dma_start3A, %dma_start3A_45] : memref<128x144xf32, #tpu.memory_space<vmem>> -> memref<128x144xf32, #tpu.memory_space<vmem>>
      %dma_start3A_47 = arith.constant 0 : i32
      %dma_start3A_48 = tpu.memref_slice %arg6[%add3A_36, %dma_start3A_47] : memref<20224x144xf32, #tpu.memory_space<hbm>> -> memref<128x144xf32, #tpu.memory_space<hbm>>
      %dma_start3A_49 = arith.constant 0 : i32
      %dma_start3A_50 = tpu.memref_slice %arg6[%add3A_36, %dma_start3A_49] : memref<20224x144xf32, #tpu.memory_space<hbm>> -> memref<128x144xf32, #tpu.memory_space<hbm>>
      %dma_start3A_51 = arith.constant 0 : i32
      %dma_start3A_52 = arith.constant 0 : i32
      %dma_start3A_53 = tpu.memref_slice %arg9[%dma_start3A_51, %dma_start3A_52] : memref<128x144xf32, #tpu.memory_space<vmem>> -> memref<128x144xf32, #tpu.memory_space<vmem>>
      tpu.enqueue_dma source(%dma_start3A_53 : memref<128x144xf32, #tpu.memory_space<vmem>>) target(%dma_start3A_50 : memref<128x144xf32, #tpu.memory_space<hbm>>) target_semaphore(%run_scoped3A : memref<!tpu.dma_semaphore, #tpu.memory_space<semaphore_mem>>)
      %dma_wait3A = arith.constant 0 : i32
      %dma_wait3A_54 = arith.constant 0 : i32
      %dma_wait3A_55 = tpu.memref_slice %arg9[%dma_wait3A, %dma_wait3A_54] : memref<128x144xf32, #tpu.memory_space<vmem>> -> memref<128x144xf32, #tpu.memory_space<vmem>>
      %dma_wait3A_56 = arith.constant 0 : i32
      %dma_wait3A_57 = tpu.memref_slice %arg6[%add3A_36, %dma_wait3A_56] : memref<20224x144xf32, #tpu.memory_space<hbm>> -> memref<128x144xf32, #tpu.memory_space<hbm>>
      %dma_wait3A_58 = arith.constant 0 : i32
      %dma_wait3A_59 = tpu.memref_slice %arg6[%add3A_36, %dma_wait3A_58] : memref<20224x144xf32, #tpu.memory_space<hbm>> -> memref<128x144xf32, #tpu.memory_space<hbm>>
      %dma_wait3A_60 = arith.constant 0 : i32
      %dma_wait3A_61 = arith.constant 0 : i32
      %dma_wait3A_62 = tpu.memref_slice %arg9[%dma_wait3A_60, %dma_wait3A_61] : memref<128x144xf32, #tpu.memory_space<vmem>> -> memref<128x144xf32, #tpu.memory_space<vmem>>
      tpu.wait_dma2 semaphore(%run_scoped3A : memref<!tpu.dma_semaphore, #tpu.memory_space<semaphore_mem>>) src(%dma_wait3A_62 : memref<128x144xf32, #tpu.memory_space<vmem>>) dst(%dma_wait3A_59 : memref<128x144xf32, #tpu.memory_space<hbm>>)
      tpu.yield
    }) : () -> ()
    %add3A_37 = arith.constant 384 : i32
    %add3A_38 = arith.addi %mul3A_0, %add3A_37 : i32
    "tpu.region"() ({
      %run_scoped3A = tpu.sem_alloc : memref<!tpu.dma_semaphore, #tpu.memory_space<semaphore_mem>>
      %dma_start3A = arith.constant 0 : i32
      %dma_start3A_45 = arith.constant 0 : i32
      %dma_start3A_46 = tpu.memref_slice %arg9[%dma_start3A, %dma_start3A_45] : memref<128x144xf32, #tpu.memory_space<vmem>> -> memref<128x144xf32, #tpu.memory_space<vmem>>
      %dma_start3A_47 = arith.constant 0 : i32
      %dma_start3A_48 = tpu.memref_slice %arg11[%add3A_38, %dma_start3A_47] : memref<10112x144xf32, #tpu.memory_space<vmem_shared>> -> memref<128x144xf32, #tpu.memory_space<vmem_shared>>
      %dma_start3A_49 = arith.constant 0 : i32
      %dma_start3A_50 = arith.constant 0 : i32
      %dma_start3A_51 = tpu.memref_slice %arg9[%dma_start3A_49, %dma_start3A_50] : memref<128x144xf32, #tpu.memory_space<vmem>> -> memref<128x144xf32, #tpu.memory_space<vmem>>
      %dma_start3A_52 = arith.constant 0 : i32
      %dma_start3A_53 = tpu.memref_slice %arg11[%add3A_38, %dma_start3A_52] : memref<10112x144xf32, #tpu.memory_space<vmem_shared>> -> memref<128x144xf32, #tpu.memory_space<vmem_shared>>
      tpu.enqueue_dma source(%dma_start3A_53 : memref<128x144xf32, #tpu.memory_space<vmem_shared>>) target(%dma_start3A_51 : memref<128x144xf32, #tpu.memory_space<vmem>>) target_semaphore(%run_scoped3A : memref<!tpu.dma_semaphore, #tpu.memory_space<semaphore_mem>>)
      %dma_wait3A = arith.constant 0 : i32
      %dma_wait3A_54 = arith.constant 0 : i32
      %dma_wait3A_55 = tpu.memref_slice %arg9[%dma_wait3A, %dma_wait3A_54] : memref<128x144xf32, #tpu.memory_space<vmem>> -> memref<128x144xf32, #tpu.memory_space<vmem>>
      %dma_wait3A_56 = arith.constant 0 : i32
      %dma_wait3A_57 = tpu.memref_slice %arg11[%add3A_38, %dma_wait3A_56] : memref<10112x144xf32, #tpu.memory_space<vmem_shared>> -> memref<128x144xf32, #tpu.memory_space<vmem_shared>>
      %dma_wait3A_58 = arith.constant 0 : i32
      %dma_wait3A_59 = arith.constant 0 : i32
      %dma_wait3A_60 = tpu.memref_slice %arg9[%dma_wait3A_58, %dma_wait3A_59] : memref<128x144xf32, #tpu.memory_space<vmem>> -> memref<128x144xf32, #tpu.memory_space<vmem>>
      %dma_wait3A_61 = arith.constant 0 : i32
      %dma_wait3A_62 = tpu.memref_slice %arg11[%add3A_38, %dma_wait3A_61] : memref<10112x144xf32, #tpu.memory_space<vmem_shared>> -> memref<128x144xf32, #tpu.memory_space<vmem_shared>>
      tpu.wait_dma2 semaphore(%run_scoped3A : memref<!tpu.dma_semaphore, #tpu.memory_space<semaphore_mem>>) src(%dma_wait3A_62 : memref<128x144xf32, #tpu.memory_space<vmem_shared>>) dst(%dma_wait3A_60 : memref<128x144xf32, #tpu.memory_space<vmem>>)
      tpu.yield
    }) : () -> ()
    %add3A_39 = arith.constant 384 : i32
    %add3A_40 = arith.addi %add3A_24, %add3A_39 : i32
    "tpu.region"() ({
      %run_scoped3A = tpu.sem_alloc : memref<!tpu.dma_semaphore, #tpu.memory_space<semaphore_mem>>
      %dma_start3A = arith.constant 0 : i32
      %dma_start3A_45 = arith.constant 0 : i32
      %dma_start3A_46 = tpu.memref_slice %arg9[%dma_start3A, %dma_start3A_45] : memref<128x144xf32, #tpu.memory_space<vmem>> -> memref<128x144xf32, #tpu.memory_space<vmem>>
      %dma_start3A_47 = arith.constant 0 : i32
      %dma_start3A_48 = tpu.memref_slice %arg6[%add3A_40, %dma_start3A_47] : memref<20224x144xf32, #tpu.memory_space<hbm>> -> memref<128x144xf32, #tpu.memory_space<hbm>>
      %dma_start3A_49 = arith.constant 0 : i32
      %dma_start3A_50 = tpu.memref_slice %arg6[%add3A_40, %dma_start3A_49] : memref<20224x144xf32, #tpu.memory_space<hbm>> -> memref<128x144xf32, #tpu.memory_space<hbm>>
      %dma_start3A_51 = arith.constant 0 : i32
      %dma_start3A_52 = arith.constant 0 : i32
      %dma_start3A_53 = tpu.memref_slice %arg9[%dma_start3A_51, %dma_start3A_52] : memref<128x144xf32, #tpu.memory_space<vmem>> -> memref<128x144xf32, #tpu.memory_space<vmem>>
      tpu.enqueue_dma source(%dma_start3A_53 : memref<128x144xf32, #tpu.memory_space<vmem>>) target(%dma_start3A_50 : memref<128x144xf32, #tpu.memory_space<hbm>>) target_semaphore(%run_scoped3A : memref<!tpu.dma_semaphore, #tpu.memory_space<semaphore_mem>>)
      %dma_wait3A = arith.constant 0 : i32
      %dma_wait3A_54 = arith.constant 0 : i32
      %dma_wait3A_55 = tpu.memref_slice %arg9[%dma_wait3A, %dma_wait3A_54] : memref<128x144xf32, #tpu.memory_space<vmem>> -> memref<128x144xf32, #tpu.memory_space<vmem>>
      %dma_wait3A_56 = arith.constant 0 : i32
      %dma_wait3A_57 = tpu.memref_slice %arg6[%add3A_40, %dma_wait3A_56] : memref<20224x144xf32, #tpu.memory_space<hbm>> -> memref<128x144xf32, #tpu.memory_space<hbm>>
      %dma_wait3A_58 = arith.constant 0 : i32
      %dma_wait3A_59 = tpu.memref_slice %arg6[%add3A_40, %dma_wait3A_58] : memref<20224x144xf32, #tpu.memory_space<hbm>> -> memref<128x144xf32, #tpu.memory_space<hbm>>
      %dma_wait3A_60 = arith.constant 0 : i32
      %dma_wait3A_61 = arith.constant 0 : i32
      %dma_wait3A_62 = tpu.memref_slice %arg9[%dma_wait3A_60, %dma_wait3A_61] : memref<128x144xf32, #tpu.memory_space<vmem>> -> memref<128x144xf32, #tpu.memory_space<vmem>>
      tpu.wait_dma2 semaphore(%run_scoped3A : memref<!tpu.dma_semaphore, #tpu.memory_space<semaphore_mem>>) src(%dma_wait3A_62 : memref<128x144xf32, #tpu.memory_space<vmem>>) dst(%dma_wait3A_59 : memref<128x144xf32, #tpu.memory_space<hbm>>)
      tpu.yield
    }) : () -> ()
    %add3A_41 = arith.constant 512 : i32
    %add3A_42 = arith.addi %mul3A_0, %add3A_41 : i32
    "tpu.region"() ({
      %run_scoped3A = tpu.sem_alloc : memref<!tpu.dma_semaphore, #tpu.memory_space<semaphore_mem>>
      %dma_start3A = arith.constant 0 : i32
      %dma_start3A_45 = arith.constant 0 : i32
      %dma_start3A_46 = tpu.memref_slice %arg9[%dma_start3A, %dma_start3A_45] : memref<128x144xf32, #tpu.memory_space<vmem>> -> memref<120x144xf32, #tpu.memory_space<vmem>>
      %dma_start3A_47 = arith.constant 0 : i32
      %dma_start3A_48 = tpu.memref_slice %arg11[%add3A_42, %dma_start3A_47] : memref<10112x144xf32, #tpu.memory_space<vmem_shared>> -> memref<120x144xf32, #tpu.memory_space<vmem_shared>>
      %dma_start3A_49 = arith.constant 0 : i32
      %dma_start3A_50 = arith.constant 0 : i32
      %dma_start3A_51 = tpu.memref_slice %arg9[%dma_start3A_49, %dma_start3A_50] : memref<128x144xf32, #tpu.memory_space<vmem>> -> memref<120x144xf32, #tpu.memory_space<vmem>>
      %dma_start3A_52 = arith.constant 0 : i32
      %dma_start3A_53 = tpu.memref_slice %arg11[%add3A_42, %dma_start3A_52] : memref<10112x144xf32, #tpu.memory_space<vmem_shared>> -> memref<120x144xf32, #tpu.memory_space<vmem_shared>>
      tpu.enqueue_dma source(%dma_start3A_53 : memref<120x144xf32, #tpu.memory_space<vmem_shared>>) target(%dma_start3A_51 : memref<120x144xf32, #tpu.memory_space<vmem>>) target_semaphore(%run_scoped3A : memref<!tpu.dma_semaphore, #tpu.memory_space<semaphore_mem>>)
      %dma_wait3A = arith.constant 0 : i32
      %dma_wait3A_54 = arith.constant 0 : i32
      %dma_wait3A_55 = tpu.memref_slice %arg9[%dma_wait3A, %dma_wait3A_54] : memref<128x144xf32, #tpu.memory_space<vmem>> -> memref<120x144xf32, #tpu.memory_space<vmem>>
      %dma_wait3A_56 = arith.constant 0 : i32
      %dma_wait3A_57 = tpu.memref_slice %arg11[%add3A_42, %dma_wait3A_56] : memref<10112x144xf32, #tpu.memory_space<vmem_shared>> -> memref<120x144xf32, #tpu.memory_space<vmem_shared>>
      %dma_wait3A_58 = arith.constant 0 : i32
      %dma_wait3A_59 = arith.constant 0 : i32
      %dma_wait3A_60 = tpu.memref_slice %arg9[%dma_wait3A_58, %dma_wait3A_59] : memref<128x144xf32, #tpu.memory_space<vmem>> -> memref<120x144xf32, #tpu.memory_space<vmem>>
      %dma_wait3A_61 = arith.constant 0 : i32
      %dma_wait3A_62 = tpu.memref_slice %arg11[%add3A_42, %dma_wait3A_61] : memref<10112x144xf32, #tpu.memory_space<vmem_shared>> -> memref<120x144xf32, #tpu.memory_space<vmem_shared>>
      tpu.wait_dma2 semaphore(%run_scoped3A : memref<!tpu.dma_semaphore, #tpu.memory_space<semaphore_mem>>) src(%dma_wait3A_62 : memref<120x144xf32, #tpu.memory_space<vmem_shared>>) dst(%dma_wait3A_60 : memref<120x144xf32, #tpu.memory_space<vmem>>)
      tpu.yield
    }) : () -> ()
    %add3A_43 = arith.constant 512 : i32
    %add3A_44 = arith.addi %add3A_24, %add3A_43 : i32
    "tpu.region"() ({
      %run_scoped3A = tpu.sem_alloc : memref<!tpu.dma_semaphore, #tpu.memory_space<semaphore_mem>>
      %dma_start3A = arith.constant 0 : i32
      %dma_start3A_45 = arith.constant 0 : i32
      %dma_start3A_46 = tpu.memref_slice %arg9[%dma_start3A, %dma_start3A_45] : memref<128x144xf32, #tpu.memory_space<vmem>> -> memref<120x144xf32, #tpu.memory_space<vmem>>
      %dma_start3A_47 = arith.constant 0 : i32
      %dma_start3A_48 = tpu.memref_slice %arg6[%add3A_44, %dma_start3A_47] : memref<20224x144xf32, #tpu.memory_space<hbm>> -> memref<120x144xf32, #tpu.memory_space<hbm>>
      %dma_start3A_49 = arith.constant 0 : i32
      %dma_start3A_50 = tpu.memref_slice %arg6[%add3A_44, %dma_start3A_49] : memref<20224x144xf32, #tpu.memory_space<hbm>> -> memref<120x144xf32, #tpu.memory_space<hbm>>
      %dma_start3A_51 = arith.constant 0 : i32
      %dma_start3A_52 = arith.constant 0 : i32
      %dma_start3A_53 = tpu.memref_slice %arg9[%dma_start3A_51, %dma_start3A_52] : memref<128x144xf32, #tpu.memory_space<vmem>> -> memref<120x144xf32, #tpu.memory_space<vmem>>
      tpu.enqueue_dma source(%dma_start3A_53 : memref<120x144xf32, #tpu.memory_space<vmem>>) target(%dma_start3A_50 : memref<120x144xf32, #tpu.memory_space<hbm>>) target_semaphore(%run_scoped3A : memref<!tpu.dma_semaphore, #tpu.memory_space<semaphore_mem>>)
      %dma_wait3A = arith.constant 0 : i32
      %dma_wait3A_54 = arith.constant 0 : i32
      %dma_wait3A_55 = tpu.memref_slice %arg9[%dma_wait3A, %dma_wait3A_54] : memref<128x144xf32, #tpu.memory_space<vmem>> -> memref<120x144xf32, #tpu.memory_space<vmem>>
      %dma_wait3A_56 = arith.constant 0 : i32
      %dma_wait3A_57 = tpu.memref_slice %arg6[%add3A_44, %dma_wait3A_56] : memref<20224x144xf32, #tpu.memory_space<hbm>> -> memref<120x144xf32, #tpu.memory_space<hbm>>
      %dma_wait3A_58 = arith.constant 0 : i32
      %dma_wait3A_59 = tpu.memref_slice %arg6[%add3A_44, %dma_wait3A_58] : memref<20224x144xf32, #tpu.memory_space<hbm>> -> memref<120x144xf32, #tpu.memory_space<hbm>>
      %dma_wait3A_60 = arith.constant 0 : i32
      %dma_wait3A_61 = arith.constant 0 : i32
      %dma_wait3A_62 = tpu.memref_slice %arg9[%dma_wait3A_60, %dma_wait3A_61] : memref<128x144xf32, #tpu.memory_space<vmem>> -> memref<120x144xf32, #tpu.memory_space<vmem>>
      tpu.wait_dma2 semaphore(%run_scoped3A : memref<!tpu.dma_semaphore, #tpu.memory_space<semaphore_mem>>) src(%dma_wait3A_62 : memref<120x144xf32, #tpu.memory_space<vmem>>) dst(%dma_wait3A_59 : memref<120x144xf32, #tpu.memory_space<hbm>>)
      tpu.yield
    }) : () -> ()
    return
  }
}

module attributes {stable_mosaic.version = 14 : i64} {
  func.func @body(%arg0: i32, %arg1: memref<1000x128xf32, #tpu.memory_space<vmem>>, %arg2: memref<2x1000x144xf32, #tpu.memory_space<vmem>>, %arg3: memref<128x256xf32, #tpu.memory_space<vmem>>, %arg4: memref<128x256xf32, #tpu.memory_space<vmem>>, %arg5: memref<1x256xf32, #tpu.memory_space<vmem>>, %arg6: memref<2x1000x128xf32, #tpu.memory_space<vmem>>, %arg7: memref<1000x16xf32, #tpu.memory_space<vmem>>) attributes {dimension_semantics = [#tpu.dimension_semantics<arbitrary>], iteration_bounds = array<i64: 10>, scalar_prefetch = 0 : i64, scratch_operands = 0 : i64, tpu.core_type = #tpu.core_type<tc>, window_params = [{transform_indices = @transform_0, window_bounds = array<i64: 1000, 128>}, {transform_indices = @transform_1, window_bounds = array<i64: 2, 1000, 144>}, {pipeline_mode = #tpu.pipeline_mode<synchronous>, transform_indices = @transform_2, window_bounds = array<i64: 128, 256>}, {pipeline_mode = #tpu.pipeline_mode<synchronous>, transform_indices = @transform_3, window_bounds = array<i64: 128, 256>}, {pipeline_mode = #tpu.pipeline_mode<synchronous>, transform_indices = @transform_4, window_bounds = array<i64: 1, 256>}, {transform_indices = @transform_5, window_bounds = array<i64: 2, 1000, 128>}, {transform_indices = @transform_6, window_bounds = array<i64: 1000, 16>}]} {
    %get3A = arith.constant 0 : index
    %get3A_0 = arith.constant 0 : index
    %get3A_1 = arith.constant 0 : index
    %get3A_2 = vector.load %arg2[%get3A, %get3A_0, %get3A_1] : memref<2x1000x144xf32, #tpu.memory_space<vmem>>, vector<1x1000x144xf32>
    %get3A_3 = vector.shape_cast %get3A_2 : vector<1x1000x144xf32> to vector<1000x144xf32>
    %get3A_4 = arith.constant 1 : index
    %get3A_5 = arith.constant 0 : index
    %get3A_6 = arith.constant 0 : index
    %get3A_7 = vector.load %arg2[%get3A_4, %get3A_5, %get3A_6] : memref<2x1000x144xf32, #tpu.memory_space<vmem>>, vector<1x1000x144xf32>
    %get3A_8 = vector.shape_cast %get3A_7 : vector<1x1000x144xf32> to vector<1000x144xf32>
    %add3A = arith.addf %get3A_3, %get3A_8 : vector<1000x144xf32>
    %slice3A = vector.extract_strided_slice %add3A {offsets = [0, 128], sizes = [1000, 1], strides = [1, 1]} : vector<1000x144xf32> to vector<1000x1xf32>
    %max3A = arith.constant 1.000000e+00 : f32
    %max3A_9 = vector.broadcast %max3A : f32 to vector<1000x1xf32>
    %max3A_10 = arith.maximumf %slice3A, %max3A_9 : vector<1000x1xf32>
    %div3A = arith.constant 1.000000e+00 : f32
    %div3A_11 = vector.broadcast %div3A : f32 to vector<1000x1xf32>
    %div3A_12 = arith.divf %div3A_11, %max3A_10 : vector<1000x1xf32>
    %slice3A_13 = vector.extract_strided_slice %add3A {offsets = [0, 0], sizes = [1000, 128], strides = [1, 1]} : vector<1000x144xf32> to vector<1000x128xf32>
    %mul3A = vector.broadcast %div3A_12 : vector<1000x1xf32> to vector<1000x128xf32>
    %mul3A_14 = arith.mulf %slice3A_13, %mul3A : vector<1000x128xf32>
    %get3A_15 = arith.constant 0 : index
    %get3A_16 = arith.constant 0 : index
    %get3A_17 = vector.load %arg1[%get3A_15, %get3A_16] : memref<1000x128xf32, #tpu.memory_space<vmem>>, vector<1000x128xf32>
    %get3A_18 = arith.constant 0 : index
    %get3A_19 = arith.constant 0 : index
    %get3A_20 = vector.load %arg3[%get3A_18, %get3A_19] : memref<128x256xf32, #tpu.memory_space<vmem>>, vector<128x256xf32>
    %dot_general3A = arith.constant dense<0.000000e+00> : vector<1000x256xf32>
    %dot_general3A_21 = tpu.matmul %get3A_17, %get3A_20, %dot_general3A {dimension_numbers = #tpu.dot_dimension_numbers<[1], [0], [0], [1], [0, 0, 1, 1], [], []>, transpose_lhs_hint = false} : vector<1000x128xf32>, vector<128x256xf32>, vector<1000x256xf32> -> vector<1000x256xf32>
    %get3A_22 = arith.constant 0 : index
    %get3A_23 = arith.constant 0 : index
    %get3A_24 = vector.load %arg4[%get3A_22, %get3A_23] : memref<128x256xf32, #tpu.memory_space<vmem>>, vector<128x256xf32>
    %dot_general3A_25 = arith.constant dense<0.000000e+00> : vector<1000x256xf32>
    %dot_general3A_26 = tpu.matmul %mul3A_14, %get3A_24, %dot_general3A_25 {dimension_numbers = #tpu.dot_dimension_numbers<[1], [0], [0], [1], [0, 0, 1, 1], [], []>, transpose_lhs_hint = false} : vector<1000x128xf32>, vector<128x256xf32>, vector<1000x256xf32> -> vector<1000x256xf32>
    %add3A_27 = arith.addf %dot_general3A_21, %dot_general3A_26 : vector<1000x256xf32>
    %get3A_28 = arith.constant 0 : index
    %get3A_29 = arith.constant 0 : index
    %get3A_30 = vector.load %arg5[%get3A_28, %get3A_29] : memref<1x256xf32, #tpu.memory_space<vmem>>, vector<1x256xf32>
    %add3A_31 = vector.broadcast %get3A_30 : vector<1x256xf32> to vector<1000x256xf32>
    %add3A_32 = arith.addf %add3A_27, %add3A_31 : vector<1000x256xf32>
    %max3A_33 = arith.constant 0.000000e+00 : f32
    %max3A_34 = vector.broadcast %max3A_33 : f32 to vector<1000x256xf32>
    %max3A_35 = arith.maximumf %add3A_32, %max3A_34 : vector<1000x256xf32>
    %slice3A_36 = vector.extract_strided_slice %max3A_35 {offsets = [0, 0], sizes = [1000, 128], strides = [1, 1]} : vector<1000x256xf32> to vector<1000x128xf32>
    %swap3A = arith.constant 0 : index
    %swap3A_37 = arith.constant 0 : index
    %swap3A_38 = arith.constant 0 : index
    %swap3A_39 = vector.load %arg6[%swap3A, %swap3A_37, %swap3A_38] : memref<2x1000x128xf32, #tpu.memory_space<vmem>>, vector<1x1000x128xf32>
    %swap3A_40 = vector.shape_cast %swap3A_39 : vector<1x1000x128xf32> to vector<1000x128xf32>
    %swap3A_41 = vector.shape_cast %slice3A_36 : vector<1000x128xf32> to vector<1x1000x128xf32>
    tpu.vector_store %arg6[%swap3A, %swap3A_37, %swap3A_38], %swap3A_41 {strides = array<i32>} : memref<2x1000x128xf32, #tpu.memory_space<vmem>>, vector<1x1000x128xf32>,
    %slice3A_42 = vector.extract_strided_slice %max3A_35 {offsets = [0, 128], sizes = [1000, 128], strides = [1, 1]} : vector<1000x256xf32> to vector<1000x128xf32>
    %swap3A_43 = arith.constant 1 : index
    %swap3A_44 = arith.constant 0 : index
    %swap3A_45 = arith.constant 0 : index
    %swap3A_46 = vector.load %arg6[%swap3A_43, %swap3A_44, %swap3A_45] : memref<2x1000x128xf32, #tpu.memory_space<vmem>>, vector<1x1000x128xf32>
    %swap3A_47 = vector.shape_cast %swap3A_46 : vector<1x1000x128xf32> to vector<1000x128xf32>
    %swap3A_48 = vector.shape_cast %slice3A_42 : vector<1000x128xf32> to vector<1x1000x128xf32>
    tpu.vector_store %arg6[%swap3A_43, %swap3A_44, %swap3A_45], %swap3A_48 {strides = array<i32>} : memref<2x1000x128xf32, #tpu.memory_space<vmem>>, vector<1x1000x128xf32>,
    %slice3A_49 = vector.extract_strided_slice %add3A {offsets = [0, 128], sizes = [1000, 16], strides = [1, 1]} : vector<1000x144xf32> to vector<1000x16xf32>
    %swap3A_50 = arith.constant 0 : index
    %swap3A_51 = arith.constant 0 : index
    %swap3A_52 = vector.load %arg7[%swap3A_50, %swap3A_51] : memref<1000x16xf32, #tpu.memory_space<vmem>>, vector<1000x16xf32>
    tpu.vector_store %arg7[%swap3A_50, %swap3A_51], %slice3A_49 {strides = array<i32>} : memref<1000x16xf32, #tpu.memory_space<vmem>>, vector<1000x16xf32>,
    return
  }
  func.func @transform_0(%arg0: i32) -> (i32, i32) {
    %c0_i32 = arith.constant 0 : i32
    %c0_i32_0 = arith.constant 0 : i32
    return %arg0, %c0_i32 : i32, i32
  }
  func.func @transform_1(%arg0: i32) -> (i32, i32, i32) {
    %c0_i32 = arith.constant 0 : i32
    %c0_i32_0 = arith.constant 0 : i32
    %c0_i32_1 = arith.constant 0 : i32
    return %c0_i32, %arg0, %c0_i32_0 : i32, i32, i32
  }
  func.func @transform_2(%arg0: i32) -> (i32, i32) {
    %c0_i32 = arith.constant 0 : i32
    %c0_i32_0 = arith.constant 0 : i32
    %c0_i32_1 = arith.constant 0 : i32
    return %c0_i32, %c0_i32_0 : i32, i32
  }
  func.func @transform_3(%arg0: i32) -> (i32, i32) {
    %c0_i32 = arith.constant 0 : i32
    %c0_i32_0 = arith.constant 0 : i32
    %c0_i32_1 = arith.constant 0 : i32
    return %c0_i32, %c0_i32_0 : i32, i32
  }
  func.func @transform_4(%arg0: i32) -> (i32, i32) {
    %c0_i32 = arith.constant 0 : i32
    %c0_i32_0 = arith.constant 0 : i32
    %c0_i32_1 = arith.constant 0 : i32
    return %c0_i32, %c0_i32_0 : i32, i32
  }
  func.func @transform_5(%arg0: i32) -> (i32, i32, i32) {
    %c0_i32 = arith.constant 0 : i32
    %c0_i32_0 = arith.constant 0 : i32
    %c0_i32_1 = arith.constant 0 : i32
    return %c0_i32, %arg0, %c0_i32_0 : i32, i32, i32
  }
  func.func @transform_6(%arg0: i32) -> (i32, i32) {
    %c0_i32 = arith.constant 0 : i32
    %c0_i32_0 = arith.constant 0 : i32
    return %arg0, %c0_i32 : i32, i32
  }
}

module attributes {stable_mosaic.version = 14 : i64} {
  func.func @body(%arg0: i32, %arg1: memref<2x1000x128xf32, #tpu.memory_space<vmem>>, %arg2: memref<2x1000x128xf32, #tpu.memory_space<vmem>>, %arg3: memref<1000x16xf32, #tpu.memory_space<vmem>>, %arg4: memref<256x256xf32, #tpu.memory_space<vmem>>, %arg5: memref<256x256xf32, #tpu.memory_space<vmem>>, %arg6: memref<1x256xf32, #tpu.memory_space<vmem>>, %arg7: memref<1000x256xf32, #tpu.memory_space<vmem>>) attributes {dimension_semantics = [#tpu.dimension_semantics<arbitrary>], iteration_bounds = array<i64: 10>, scalar_prefetch = 0 : i64, scratch_operands = 0 : i64, tpu.core_type = #tpu.core_type<tc>, window_params = [{transform_indices = @transform_0, window_bounds = array<i64: 2, 1000, 128>}, {transform_indices = @transform_1, window_bounds = array<i64: 2, 1000, 128>}, {transform_indices = @transform_2, window_bounds = array<i64: 1000, 16>}, {pipeline_mode = #tpu.pipeline_mode<synchronous>, transform_indices = @transform_3, window_bounds = array<i64: 256, 256>}, {pipeline_mode = #tpu.pipeline_mode<synchronous>, transform_indices = @transform_4, window_bounds = array<i64: 256, 256>}, {pipeline_mode = #tpu.pipeline_mode<synchronous>, transform_indices = @transform_5, window_bounds = array<i64: 1, 256>}, {transform_indices = @transform_6, window_bounds = array<i64: 1000, 256>}]} {
    %get3A = arith.constant 0 : index
    %get3A_0 = arith.constant 0 : index
    %get3A_1 = vector.load %arg3[%get3A, %get3A_0] : memref<1000x16xf32, #tpu.memory_space<vmem>>, vector<1000x16xf32>
    %slice3A = vector.extract_strided_slice %get3A_1 {offsets = [0, 0], sizes = [1000, 1], strides = [1, 1]} : vector<1000x16xf32> to vector<1000x1xf32>
    %max3A = arith.constant 1.000000e+00 : f32
    %max3A_2 = vector.broadcast %max3A : f32 to vector<1000x1xf32>
    %max3A_3 = arith.maximumf %slice3A, %max3A_2 : vector<1000x1xf32>
    %div3A = arith.constant 1.000000e+00 : f32
    %div3A_4 = vector.broadcast %div3A : f32 to vector<1000x1xf32>
    %div3A_5 = arith.divf %div3A_4, %max3A_3 : vector<1000x1xf32>
    %get3A_6 = arith.constant 0 : index
    %get3A_7 = arith.constant 0 : index
    %get3A_8 = arith.constant 0 : index
    %get3A_9 = vector.load %arg1[%get3A_6, %get3A_7, %get3A_8] : memref<2x1000x128xf32, #tpu.memory_space<vmem>>, vector<1x1000x128xf32>
    %get3A_10 = vector.shape_cast %get3A_9 : vector<1x1000x128xf32> to vector<1000x128xf32>
    %get3A_11 = arith.constant 1 : index
    %get3A_12 = arith.constant 0 : index
    %get3A_13 = arith.constant 0 : index
    %get3A_14 = vector.load %arg1[%get3A_11, %get3A_12, %get3A_13] : memref<2x1000x128xf32, #tpu.memory_space<vmem>>, vector<1x1000x128xf32>
    %get3A_15 = vector.shape_cast %get3A_14 : vector<1x1000x128xf32> to vector<1000x128xf32>
    %concatenate3A = tpu.concatenate %get3A_10, %get3A_15 in 1 : vector<1000x128xf32>, vector<1000x128xf32> -> vector<1000x256xf32>
    %get3A_16 = arith.constant 0 : index
    %get3A_17 = arith.constant 0 : index
    %get3A_18 = arith.constant 0 : index
    %get3A_19 = vector.load %arg2[%get3A_16, %get3A_17, %get3A_18] : memref<2x1000x128xf32, #tpu.memory_space<vmem>>, vector<1x1000x128xf32>
    %get3A_20 = vector.shape_cast %get3A_19 : vector<1x1000x128xf32> to vector<1000x128xf32>
    %get3A_21 = arith.constant 1 : index
    %get3A_22 = arith.constant 0 : index
    %get3A_23 = arith.constant 0 : index
    %get3A_24 = vector.load %arg2[%get3A_21, %get3A_22, %get3A_23] : memref<2x1000x128xf32, #tpu.memory_space<vmem>>, vector<1x1000x128xf32>
    %get3A_25 = vector.shape_cast %get3A_24 : vector<1x1000x128xf32> to vector<1000x128xf32>
    %concatenate3A_26 = tpu.concatenate %get3A_20, %get3A_25 in 1 : vector<1000x128xf32>, vector<1000x128xf32> -> vector<1000x256xf32>
    %mul3A = vector.broadcast %div3A_5 : vector<1000x1xf32> to vector<1000x256xf32>
    %mul3A_27 = arith.mulf %concatenate3A_26, %mul3A : vector<1000x256xf32>
    %get3A_28 = arith.constant 0 : index
    %get3A_29 = arith.constant 0 : index
    %get3A_30 = vector.load %arg4[%get3A_28, %get3A_29] : memref<256x256xf32, #tpu.memory_space<vmem>>, vector<256x256xf32>
    %dot_general3A = arith.constant dense<0.000000e+00> : vector<1000x256xf32>
    %dot_general3A_31 = tpu.matmul %concatenate3A, %get3A_30, %dot_general3A {dimension_numbers = #tpu.dot_dimension_numbers<[1], [0], [0], [1], [0, 0, 1, 1], [], []>, transpose_lhs_hint = false} : vector<1000x256xf32>, vector<256x256xf32>, vector<1000x256xf32> -> vector<1000x256xf32>
    %get3A_32 = arith.constant 0 : index
    %get3A_33 = arith.constant 0 : index
    %get3A_34 = vector.load %arg5[%get3A_32, %get3A_33] : memref<256x256xf32, #tpu.memory_space<vmem>>, vector<256x256xf32>
    %dot_general3A_35 = arith.constant dense<0.000000e+00> : vector<1000x256xf32>
    %dot_general3A_36 = tpu.matmul %mul3A_27, %get3A_34, %dot_general3A_35 {dimension_numbers = #tpu.dot_dimension_numbers<[1], [0], [0], [1], [0, 0, 1, 1], [], []>, transpose_lhs_hint = false} : vector<1000x256xf32>, vector<256x256xf32>, vector<1000x256xf32> -> vector<1000x256xf32>
    %add3A = arith.addf %dot_general3A_31, %dot_general3A_36 : vector<1000x256xf32>
    %get3A_37 = arith.constant 0 : index
    %get3A_38 = arith.constant 0 : index
    %get3A_39 = vector.load %arg6[%get3A_37, %get3A_38] : memref<1x256xf32, #tpu.memory_space<vmem>>, vector<1x256xf32>
    %add3A_40 = vector.broadcast %get3A_39 : vector<1x256xf32> to vector<1000x256xf32>
    %add3A_41 = arith.addf %add3A, %add3A_40 : vector<1000x256xf32>
    %max3A_42 = arith.constant 0.000000e+00 : f32
    %max3A_43 = vector.broadcast %max3A_42 : f32 to vector<1000x256xf32>
    %max3A_44 = arith.maximumf %add3A_41, %max3A_43 : vector<1000x256xf32>
    %swap3A = arith.constant 0 : index
    %swap3A_45 = arith.constant 0 : index
    %swap3A_46 = vector.load %arg7[%swap3A, %swap3A_45] : memref<1000x256xf32, #tpu.memory_space<vmem>>, vector<1000x256xf32>
    tpu.vector_store %arg7[%swap3A, %swap3A_45], %max3A_44 {strides = array<i32>} : memref<1000x256xf32, #tpu.memory_space<vmem>>, vector<1000x256xf32>,
    return
  }
  func.func @transform_0(%arg0: i32) -> (i32, i32, i32) {
    %c0_i32 = arith.constant 0 : i32
    %c0_i32_0 = arith.constant 0 : i32
    %c0_i32_1 = arith.constant 0 : i32
    return %c0_i32, %arg0, %c0_i32_0 : i32, i32, i32
  }
  func.func @transform_1(%arg0: i32) -> (i32, i32, i32) {
    %c0_i32 = arith.constant 0 : i32
    %c0_i32_0 = arith.constant 0 : i32
    %c0_i32_1 = arith.constant 0 : i32
    return %c0_i32, %arg0, %c0_i32_0 : i32, i32, i32
  }
  func.func @transform_2(%arg0: i32) -> (i32, i32) {
    %c0_i32 = arith.constant 0 : i32
    %c0_i32_0 = arith.constant 0 : i32
    return %arg0, %c0_i32 : i32, i32
  }
  func.func @transform_3(%arg0: i32) -> (i32, i32) {
    %c0_i32 = arith.constant 0 : i32
    %c0_i32_0 = arith.constant 0 : i32
    %c0_i32_1 = arith.constant 0 : i32
    return %c0_i32, %c0_i32_0 : i32, i32
  }
  func.func @transform_4(%arg0: i32) -> (i32, i32) {
    %c0_i32 = arith.constant 0 : i32
    %c0_i32_0 = arith.constant 0 : i32
    %c0_i32_1 = arith.constant 0 : i32
    return %c0_i32, %c0_i32_0 : i32, i32
  }
  func.func @transform_5(%arg0: i32) -> (i32, i32) {
    %c0_i32 = arith.constant 0 : i32
    %c0_i32_0 = arith.constant 0 : i32
    %c0_i32_1 = arith.constant 0 : i32
    return %c0_i32, %c0_i32_0 : i32, i32
  }
  func.func @transform_6(%arg0: i32) -> (i32, i32) {
    %c0_i32 = arith.constant 0 : i32
    %c0_i32_0 = arith.constant 0 : i32
    return %arg0, %c0_i32 : i32, i32
  }
}

</mosaic_0001>

<sc_bundles>
// kernel: kernel.6.cloned.1.call-start
scs
__scs_entry_jumppad:
0x0: {  	(pc) =	sbr.rel $0x88, $3  }
0x1: {  	(tag) =	ssettag $0x0;
	lr =	simm.s32 $0x1  }
0x2: {  	[smem:$0x3F99] =	sst lr;
	_ =	strace $0xD0000000  }
0x3: {  	_ = 	snop  }
0x4: {  	_ = 	snop  }
0x5: {  	_ = 	snop  }
0x6: {  	_ = 	snop  }
0x7: {  	_ = 	snop  }
__scs_overlays_trampoline_lowered:
0x8: {  	[smem:$0x3FA8] =	sst s0  }
0x9: {  	[smem:$0x3FA9] =	sst s1  }
0xa: {  	[smem:$0x3FAA] =	sst s2  }
0xb: {  	[smem:$0x3FAB] =	sst s3  }
0xc: {  	[smem:$0x3FAC] =	sst s4  }
0xd: {  	[smem:$0x3FAD] =	sst s5  }
0xe: {  	[smem:$0x3FAE] =	sst s6  }
0xf: {  	[smem:$0x3FAF] =	sst s7  }
0x10: {  	[smem:$0x3FB0] =	sst s8  }
0x11: {  	[smem:$0x3FB1] =	sst s9;
	s0 =	simm.s32 @!p0 $0x0  }
0x12: {  	s1 =	sld [smem:$0x3F97];
	s0 =	simm.s32 @p0 $0x1  }
0x13: {  	[smem:$0x3FB2] =	sst s0;
	s0 =	simm.s32 @!p1 $0x0  }
0x14: {  	s2 =	sld [smem:$0x3F96];
	s0 =	simm.s32 @p1 $0x1  }
0x15: {  	[smem:$0x3FB3] =	sst s0;
	s0 =	simm.s32 @!p2 $0x0  }
0x16: {  	s3 =	sld [smem:$0x3FDB];
	s0 =	simm.s32 @p2 $0x1  }
0x17: {  	s4 =	simm.s32 $0x1BF5;
	[smem:$0x3FB5] =	sst s0  }
0x18: {  	s0 =	sld [smem:$0x3F98];
	_ =	swait.ge [sflag:s4], $0x0  }
0x19: {  	s7 =	sld [smem:$0x3F99]  }
0x1a: {  	s8 =	sadd.s32 $0xFFFFE003, lr  }
0x1b: {  	s9 =	sadd.s32 $0xFFFFFEF7, lr;
	s5 =	simm.s32 $0xFFFFFFFF;
	p2 =	slt.u32 s8, $0xFFFFF086  }
0x1c: {  	p1 =	slt.u32 s9, $0xF7A;
	s5 =	simm.s32 @!p2 $0x0  }
0x1d: {  	s5 =	simm.s32 @p1 $0x1;
	p0 =	seq.s32 s7, s2  }
0x1e: {  	s7 =	smul.u32 @!p0 $0xF7A, s2;
	p2 =	seq.s32 @!p0 s5, $0x0  }
0x1f: {  	s9 =	smul.u32 $0xF7A, s1;
	s8 =	simm.s32 @!p0 $0x1BF5;
	p2 =	por !p2, p0  }
0x20: {  	[sflag:s8] =	ssyncset.s32 @!p0 $0xFFFFF086;
	s6 =	sadd.s32 @!p0 s3, s7;
	s7 =	simm.s32 @!p0 $0x108  }
0x21: {  	s3 =	sadd.s32 s3, s9;
	s6 =	sadd.s32 @!p0 $0x88, s6;
	s7 =	simm.s32 @p2 $0x1082  }
0x22: {  	[simem:s7], [sflag:s8] =	dma.local @!p0 [hbm:s6], $0xF7A  }
0x23: {  	s9 =	sor.u32 $0xD0000000, s2;
	s6 =	simm.s32 $0x108;
	_ =	swait.ge @!p0 [sflag:s8], $0x0  }
0x24: {  	s3 =	sadd.s32 $0x88, s3;
	s6 =	simm.s32 @!p1 $0x1082;
	[sflag:s4] =	ssyncset.s32 $0xFFFFF086  }
0x25: {  	[simem:s6], [sflag:s4] =	dma.local [hbm:s3], $0xF7A  }
0x26: {  	[smem:$0x3F99] =	sst s1;
	(tag) =	ssettag s2;
	_ =	strace s9  }
0x27: {  	s1 =	sld [smem:$0x3FA9]  }
0x28: {  	s2 =	sld [smem:$0x3FAA]  }
0x29: {  	s4 =	sld [smem:$0x3FAC]  }
0x2a: {  	p0 =	seq.s32 s5, $0x0;
	s5 =	sld [smem:$0x3FAD]  }
0x2b: {  	s6 =	sld [smem:$0x3FAE]  }
0x2c: {  	s7 =	sld [smem:$0x3FAF]  }
0x2d: {  	s3 =	simm.s32 $0x108;
	s8 =	sld [smem:$0x3FB0]  }
0x2e: {  	s3 =	simm.s32 @!p0 $0x1082;
	s9 =	sld [smem:$0x3FB1]  }
0x2f: {  	lr =	sadd.s32 s0, s3;
	s0 =	sld [smem:$0x3FA8]  }
0x30: {  	s3 =	sld [smem:$0x3FAB]  }
0x31: {  	[smem:$0x3FB4] =	sst s10  }
0x32: {  	s10 =	sld [smem:$0x3FB2];
	_ =	sdelay $0x3  }
0x33: {  	p0 =	seq.s32 s10, $0x1;
	s10 =	sld [smem:$0x3FB4];
	_ =	sdelay $0x3  }
0x34: {  	[smem:$0x3FB4] =	sst s10  }
0x35: {  	s10 =	sld [smem:$0x3FB3];
	_ =	sdelay $0x3  }
0x36: {  	p1 =	seq.s32 s10, $0x1;
	s10 =	sld [smem:$0x3FB4];
	_ =	sdelay $0x3  }
0x37: {  	[smem:$0x3FB4] =	sst s10  }
0x38: {  	s10 =	sld [smem:$0x3FB5]  }
0x39: {  	_ = 	snop;
	(pc) =	sbr.ind lr, $3  }
0x3a: {  	_ = 	snop  }
0x3b: {  	_ = 	snop  }
0x3c: {  	p2 =	seq.s32 s10, $0x1;
	s10 =	sld [smem:$0x3FB4]  }
0x3d: {  	_ =	shalt  }
0x3e: {  	_ =	shalt  }
0x3f: {  	_ =	shalt  }
0x40: {  	_ =	shalt  }
0x41: {  	_ =	shalt  }
0x42: {  	_ =	shalt  }
0x43: {  	_ =	shalt  }
0x44: {  	_ =	shalt  }
0x45: {  	_ =	shalt  }
0x46: {  	_ =	shalt  }
0x47: {  	_ =	shalt  }
0x48: {  	_ =	shalt  }
0x49: {  	_ =	shalt  }
0x4a: {  	_ =	shalt  }
0x4b: {  	_ =	shalt  }
0x4c: {  	_ =	shalt  }
0x4d: {  	_ =	shalt  }
0x4e: {  	_ =	shalt  }
0x4f: {  	_ =	shalt  }
0x50: {  	_ =	shalt  }
0x51: {  	_ =	shalt  }
0x52: {  	_ =	shalt  }
0x53: {  	_ =	shalt  }
0x54: {  	_ =	shalt  }
0x55: {  	_ =	shalt  }
0x56: {  	_ =	shalt  }
0x57: {  	_ =	shalt  }
0x58: {  	_ =	shalt  }
0x59: {  	_ =	shalt  }
0x5a: {  	_ =	shalt  }
0x5b: {  	_ =	shalt  }
0x5c: {  	_ =	shalt  }
0x5d: {  	_ =	shalt  }
0x5e: {  	_ =	shalt  }
0x5f: {  	_ =	shalt  }
0x60: {  	_ =	shalt  }
0x61: {  	_ =	shalt  }
0x62: {  	_ =	shalt  }
0x63: {  	_ =	shalt  }
0x64: {  	_ =	shalt  }
0x65: {  	_ =	shalt  }
0x66: {  	_ =	shalt  }
0x67: {  	_ =	shalt  }
0x68: {  	_ =	shalt  }
0x69: {  	_ =	shalt  }
0x6a: {  	_ =	shalt  }
0x6b: {  	_ =	shalt  }
0x6c: {  	_ =	shalt  }
0x6d: {  	_ =	shalt  }
0x6e: {  	_ =	shalt  }
0x6f: {  	_ =	shalt  }
0x70: {  	_ =	shalt  }
0x71: {  	_ =	shalt  }
0x72: {  	_ =	shalt  }
0x73: {  	_ =	shalt  }
0x74: {  	_ =	shalt  }
0x75: {  	_ =	shalt  }
0x76: {  	_ =	shalt  }
0x77: {  	_ =	shalt  }
0x78: {  	_ =	shalt  }
0x79: {  	_ =	shalt  }
0x7a: {  	_ =	shalt  }
0x7b: {  	_ =	shalt  }
0x7c: {  	_ =	shalt  }
0x7d: {  	_ =	shalt  }
0x7e: {  	_ =	shalt  }
0x7f: {  	_ =	shalt  }
0x80: {  	_ =	shalt  }
0x81: {  	_ =	shalt  }
0x82: {  	_ =	shalt  }
0x83: {  	_ =	shalt  }
0x84: {  	_ =	shalt  }
0x85: {  	_ =	shalt  }
0x86: {  	_ =	shalt  }
0x87: {  	_ =	shalt  }
.Lfunc_end0:
.L_simem_size_0:
called_computation_lowered:
.L_overlay_start_0:
0x88: {  	s2 =	sld [smem:$0x3FD9]  }
0x89: {  	s3 =	sld [smem:$0x3FFE];
	_ =	sdelay $0x1  }
0x8a: {  	s1 =	srdreg.scid  }
0x8b: {  	s0 =	sand.u32 $0x1, s1  }
0x8c: {  	s17 =	sshll.u32 s0, $0xA;
	s2 =	sadd.s32 s3, s2  }
0x8d: {  	s2 =	sadd.s32 s2, s17  }
0x8e: {  	[smem:$0x3FC0] =	sst s2  }
0x8f: {  	_ = 	snop  }
0x90: {  	s2 =	sld [smem:$0x3FD0];
	(tm) =	ssettm $0x1  }
0x91: {  	s18 =	sld [smem:$0x3FFB];
	_ =	sdelay $0x3  }
0x92: {  	_ =	strace s18  }
0x93: {  	s3 =	sld [smem:$0x3FFC];
	_ =	sdelay $0x3  }
0x94: {  	_ =	strace s3  }
0x95: {  	s3 =	sld [smem:$0x3FFD];
	_ =	sdelay $0x3  }
0x96: {  	_ =	strace s3  }
0x97: {  	_ =	strace $0x8FFFFFFF  }
0x98: {  	s19 =	sld [smem:$0x3FDB];
	_ =	sdelay $0x1  }
0x99: {  	s4 =	simm.s32 $_scs_section_size  }
0x9a: {  	s5 =	simm.s32 $_size__tile_overlayer_lowered;
	s6 =	simm.s32 $_tile_overlayer_lowered  }
0x9b: {  	s22 =	simm.s32 $0x1BFF;
	s21 =	sshll.u32 s6, $0x1;
	s3 =	sadd.s32 s4, s19  }
0x9c: {  	s7 =	simm.s32 $0x0;
	s20 =	sshll.u32 s5, $0x1;
	s5 =	sadd.s32 s21, s3  }
0x9d: {  	[timem:s7], [sflag:s22] =	dma.local [hbm:s5], s20  }
0x9e: {  	_ =	swait.ge [sflag:s22], s20  }
0x9f: {  	s4 =	ssub.s32 $0x0, s20;
	[sflag:s22] =	ssyncset.done $0x0  }
0xa0: {  	[sflag:s22] =	ssyncadd.s32 s4;
	_ =	sdelay $0x1  }
0xa1: {  	s23 =	simm.s32 $0x1B8B  }
0xa2: {  	_ =	swait.ge [sflag:s23], $0x1  }
0xa3: {  	[sflag:s23] =	ssyncset.done $0x0  }
0xa4: {  	s25 =	simm.s32 $0x1B8E;
	s24 =	sld [smem:$0x3FFE];
	[sflag:s23] =	ssyncadd.s32 $0xFFFFFFFF  }
0xa5: {  	s26 =	simm.s32 $execute0_lowered;
	[smem:$0x3FD2] =	sst s25  }
0xa6: {  	s5 =	sshll.u32 s26, $0x1;
	_ =	strace $0x80000046;
	[dreg:$0x1] =	wrdreg $0xFFFFFFFF  }
0xa7: {  	s28 =	simm.s32 $_size_execute0_lowered;
	s3 =	sadd.s32 s3, s5;
	[dreg:$0x0] =	wrdreg $0x0  }
0xa8: {  	s5 =	sshll.u32 s28, $0x1;
	[dreg:$0x2] =	wrdreg s3  }
0xa9: {  	[dreg:$0x3] =	wrdreg s5  }
0xaa: {  	[dreg:$0x4] =	wrdreg $0xC0  }
0xab: {  	_ =	task [dreg:s7], $0x5FFFF  }
0xac: {  	[dreg:$0x1] =	wrdreg $0xFFFFFFFF  }
0xad: {  	[dreg:$0x0] =	wrdreg $0x60  }
0xae: {  	[dreg:$0x2] =	wrdreg s24  }
0xaf: {  	[dreg:$0x3] =	wrdreg s2  }
0xb0: {  	[dreg:$0x4] =	wrdreg $0x98000  }
0xb1: {  	[dreg:$0x5] =	wrdreg $0x9  }
0xb2: {  	_ =	task.clear_ibuf [dreg:s7], $0x6FFFF;
	_ =	strace $0x90000046  }
0xb3: {  	s29 =	simm.s32 $0x9;
	_ =	strace $0x80000048  }
0xb4: {  	_ =	swait.ge [sflag:s29], $0x1  }
0xb5: {  	[sflag:s29] =	ssyncadd.s32 $0xFFFFFFFF  }
0xb6: {  	_ =	strace $0x90000048  }
0xb7: {  	_ =	sfence  }
0xb8: {  	s30 =	sld [smem:$0x0];
	_ =	sdelay $0x2  }
0xb9: {  	s31 =	sshll.u32 s1, $0xD;
	s1 =	sshrl.u32 s1, $0x2  }
0xba: {  	s3 =	sand.u32 $0x4000, s31;
	s1 =	sadd.s32 s1, s30  }
0xbb: {  	s0 =	sor.u32 s3, s0;
	s1 =	sshll.u32 s1, $0x11  }
0xbc: {  	s0 =	sor.u32 s1, s0  }
0xbd: {  	s0 =	sadd.s32 $0x8F2B, s0  }
0xbe: {  	[sflag:s0] =	ssyncadd.remote.s32 $0x1  }
0xbf: {  	_ =	sfence.sel $0xFFFF  }
0xc0: {  	[dreg:$0x0] =	wrdreg $0xFFFFFFFF;
	(pc) =	sbr.abs _section_cstart, $3  }
0xc1: {  	[dreg:$0x1] =	wrdreg $0xFFFFFFFF  }
0xc2: {  	_ =	task.clear_ibuf [dreg:s7], $0x2FFFF;
	_ =	strace $0x9FFFFFFF  }
0xc3: {  	(tm) =	ssettm $0x7FFFFFFF  }
tec
execute0_lowered:
.L_overlay_start_1:
0x0: {  	(tag) =	ssettag $0x1  }
0x1: {  	s0 =	rddreg [dreg:$0x0]  }
0x2: {  	s1 =	srdreg.scid;
	s7 =	stileid.u32  }
0x3: {  	s3 =	rddreg [dreg:$0x2];
	s4 =	simm.s32 $0x0;
	s19 =	simm.s32 $0x800  }
0x4: {  	s20 =	simm.s32 $0x2;
	s21 =	simm.s32 $0x400;
	s22 =	simm.s32 $0x80  }
0x5: {  	s28 =	simm.s32 $0x180;
	s29 =	simm.s32 $0x500;
	s30 =	simm.s32 $0x200  }
0x6: {  	s31 =	simm.s32 $0x580;
	s12 =	simm.s32 $0x380;
	s5 =	smul.u32 $0x2800, s7  }
0x7: {  	s13 =	simm.s32 $0x700;
	s14 =	simm.s32 $0x780;
	s6 =	smul.u32 $0x278, s7  }
0x8: {  	s1 =	sand.u32 $0x1, s1;
	[smem:$0x7FF] =	sst s4;
	s7 =	smul.u32 $0x58E00, s7  }
0x9: {  	s15 =	simm.s32 $0x0;
	s2 =	smul.u32 $0x28000, s1;
	_ =	strace $0x80000047  }
0xa: {  	s8 =	smul.u32 $0x2780, s1;
	s1 =	ssub.s32 $0x2, s1;
	s7 =	sshrl.u32 s7, $0x2  }
0xb: {  	s9 =	sshrl.u32 s1, $0x1;
	s2 =	sadd.s32 s5, s2;
	s5 =	sadd.s32 $0x1E00, s0  }
0xc: {  	s8 =	sadd.s32 s6, s8;
	s10 =	sadd.s32 s7, s3;
	s1 =	ssub.s32 s1, s9  }
0xd: {  	s2 =	sshrl.u32 s2, $0x3;
	s23 =	smul.u32 $0x90, s8;
	s9 =	sadd.s32 $0x4800, s10  }
0xe: {  	s8 =	smul.u32 $0x12, s8;
	s26 =	smax.u32 s1, $0x1;
	[dreg:$0x8] =	wrdreg s10  }
0xf: {  	s16 =	sadd.s32 $0x9000, s10;
	s11 =	sadd.s32 $0xD800, s10;
	[dreg:$0xe] =	wrdreg s26  }
0x10: {  	s6 =	sadd.s32 $0x12000, s10;
	s1 =	simm.s32 $0x280;
	[dreg:$0x4] =	wrdreg s9  }
0x11: {  	s2 =	sadd.s32 s2, s0;
	s0 =	sadd.s32 $0x41E00, s0;
	[dreg:$0x5] =	wrdreg s16  }
0x12: {  	[dreg:$0x7] =	wrdreg s6;
	s7 =	sshrl.u32 s23, $0x3;
	s8 =	sadd.s32 s0, s8  }
0x13: {  	[dreg:$0x9] =	wrdreg s8;
	s8 =	smov.u32 s11;
	s0 =	sadd.s32 s0, s7  }
0x14: {  	s26 =	simm.s32 $0x480;
	s7 =	sadd.s32 $0x900, s0;
	[dreg:$0x6] =	wrdreg s8  }
0x15: {  	s17 =	sadd.s32 $0x2DE00, s2;
	s24 =	sadd.s32 $0x1200, s0;
	[dreg:$0xa] =	wrdreg s7  }
0x16: {  	s18 =	sadd.s32 $0x37E00, s2;
	s25 =	sadd.s32 $0x1B00, s0;
	[dreg:$0xb] =	wrdreg s24  }
0x17: {  	s23 =	simm.s32 $0x1;
	s0 =	sadd.s32 $0x2400, s0;
	[dreg:$0xc] =	wrdreg s25  }
0x18: {  	s2 =	simm.s32 $0x300;
	s11 =	simm.s32 $0x680;
	[dreg:$0xd] =	wrdreg s0  }
0x19: {  	s24 =	simm.s32 $0x5000;
	s25 =	simm.s32 $0x100;
	s0 =	simm.s32 $0x600  }
.LBB2_1:
0x1a: {  	s7 =	rddreg [dreg:$0x1]  }
0x1b: {  	[tilespmem:s19], [sflag:$0x2] =	stream.linear.gather [hbm4b:s7+s4], $0x4800, $0x38;
	[tilespmem:$0x1FB80] =	vst v63  }
0x1c: {  	_ =	swait.ge [sflag:s20], $0x4800  }
0x1d: {  	[sflag:s20] =	ssyncset.done $0x0  }
0x1e: {  	[sflag:s20] =	ssyncadd.s32 $0xFFFFB800  }
0x1f: {  	[spmem:s10] =	stream.linear.scatter [tilespmem:s19], [sflag:$0x2], $0x4800, $0x38;
	[tilespmem:$0x1FB80] =	vst v63  }
0x20: {  	_ =	swait.ge [sflag:s20], $0x4800  }
0x21: {  	[sflag:s20] =	ssyncset.done $0x0  }
0x22: {  	[sflag:s20] =	ssyncadd.s32 $0xFFFFB800  }
0x23: {  	[spmem:s9] =	stream.linear.scatter [tilespmem:s19], [sflag:$0x2], $0x4800, $0x38;
	[tilespmem:$0x1FB80] =	vst v63  }
0x24: {  	_ =	swait.ge [sflag:s20], $0x4800  }
0x25: {  	[sflag:s20] =	ssyncset.done $0x0  }
0x26: {  	[sflag:s20] =	ssyncadd.s32 $0xFFFFB800  }
0x27: {  	[spmem:s16] =	stream.linear.scatter [tilespmem:s19], [sflag:$0x2], $0x4800, $0x38;
	[tilespmem:$0x1FB80] =	vst v63  }
0x28: {  	_ =	swait.ge [sflag:s20], $0x4800  }
0x29: {  	[sflag:s20] =	ssyncset.done $0x0  }
0x2a: {  	[sflag:s20] =	ssyncadd.s32 $0xFFFFB800  }
0x2b: {  	[spmem:s8] =	stream.linear.scatter [tilespmem:s19], [sflag:$0x2], $0x4800, $0x38;
	[tilespmem:$0x1FB80] =	vst v63  }
0x2c: {  	_ =	swait.ge [sflag:s20], $0x4800  }
0x2d: {  	[sflag:s20] =	ssyncset.done $0x0  }
0x2e: {  	[sflag:s20] =	ssyncadd.s32 $0xFFFFB800  }
0x2f: {  	[spmem:s6] =	stream.linear.scatter [tilespmem:s19], [sflag:$0x2], $0x4380, $0x38;
	[tilespmem:$0x1FB80] =	vst v63  }
0x30: {  	_ =	swait.ge [sflag:s20], $0x4380  }
0x31: {  	[sflag:s20] =	ssyncset.done $0x0  }
0x32: {  	[sflag:s20] =	ssyncadd.s32 $0xFFFFBC80  }
0x33: {  	s10 =	sadd.s32 $0x0, s18;
	[bflag:$0x0] =	sbarrier.arrive $0xFFFF  }
0x34: {  	[tilespmem:s4], [sflag:$0x2] =	stream.linear.gather [hbm4b:s10+s4], $0x400, $0x38;
	[tilespmem:$0x1FB80] =	vst v63  }
0x35: {  	_ =	swait.ge [sflag:s20], $0x400  }
0x36: {  	[sflag:s20] =	ssyncset.done $0x0  }
0x37: {  	s16 =	sadd.s32 $0x0, s17;
	[sflag:s20] =	ssyncadd.s32 $0xFFFFFC00  }
0x38: {  	[tilespmem:s21], [sflag:$0x2] =	stream.linear.gather [hbm4b:s16+s4], $0x400, $0x38;
	[tilespmem:$0x1FB80] =	vst v63  }
0x39: {  	_ =	swait.ge [sflag:s20], $0x400  }
0x3a: {  	[sflag:s20] =	ssyncset.done $0x0  }
0x3b: {  	[sflag:s20] =	ssyncadd.s32 $0xFFFFFC00  }
0x3c: {  	[tilespmem:s19], [sflag:$0x1] =	stream.indirect.gather [hbm4b:s5+s22], $0x90, s4, s22, $0xb8;
	[tilespmem:$0x1FB80] =	vst v63  }
0x3d: {  	_ =	swait.ge [sflag:s23], $0x4800  }
0x3e: {  	[sflag:s23] =	ssyncset.done $0x0  }
0x3f: {  	[sflag:s23] =	ssyncadd.s32 $0xFFFFB800  }
0x40: {  	[tilespmem:s24], [sflag:$0x1] =	stream.indirect.gather [hbm4b:s5+s22], $0x90, s22, s22, $0xb8;
	[tilespmem:$0x1FB80] =	vst v63  }
0x41: {  	_ = 	snop  }
0x42: {  	[spmem:s3] =	stream.indirect.scatter.add.f32 [tilespmem:s19], [sflag:$0x2], $0x90, s21, s22, $0xb8;
	[tilespmem:$0x1FB80] =	vst v63  }
0x43: {  	_ =	swait.ge [sflag:s20], $0x4800  }
0x44: {  	[sflag:s20] =	ssyncset.done $0x0  }
0x45: {  	[sflag:s20] =	ssyncadd.s32 $0xFFFFB800  }
0x46: {  	_ =	swait.ge [sflag:s23], $0x4800  }
0x47: {  	[sflag:s23] =	ssyncset.done $0x0  }
0x48: {  	[sflag:s23] =	ssyncadd.s32 $0xFFFFB800  }
0x49: {  	[tilespmem:s19], [sflag:$0x1] =	stream.indirect.gather [hbm4b:s5+s22], $0x90, s25, s22, $0xb8;
	[tilespmem:$0x1FB80] =	vst v63  }
0x4a: {  	_ = 	snop  }
0x4b: {  	[spmem:s3] =	stream.indirect.scatter.add.f32 [tilespmem:s24], [sflag:$0x2], $0x90, s26, s22, $0xb8;
	[tilespmem:$0x1FB80] =	vst v63  }
0x4c: {  	_ =	swait.ge [sflag:s20], $0x4800  }
0x4d: {  	[sflag:s20] =	ssyncset.done $0x0  }
0x4e: {  	[sflag:s20] =	ssyncadd.s32 $0xFFFFB800  }
0x4f: {  	_ =	swait.ge [sflag:s23], $0x4800  }
0x50: {  	[sflag:s23] =	ssyncset.done $0x0  }
0x51: {  	[sflag:s23] =	ssyncadd.s32 $0xFFFFB800  }
0x52: {  	[tilespmem:s24], [sflag:$0x1] =	stream.indirect.gather [hbm4b:s5+s22], $0x90, s28, s22, $0xb8;
	[tilespmem:$0x1FB80] =	vst v63  }
0x53: {  	_ = 	snop  }
0x54: {  	[spmem:s3] =	stream.indirect.scatter.add.f32 [tilespmem:s19], [sflag:$0x2], $0x90, s29, s22, $0xb8;
	[tilespmem:$0x1FB80] =	vst v63  }
0x55: {  	_ =	swait.ge [sflag:s20], $0x4800  }
0x56: {  	[sflag:s20] =	ssyncset.done $0x0  }
0x57: {  	[sflag:s20] =	ssyncadd.s32 $0xFFFFB800  }
0x58: {  	_ =	swait.ge [sflag:s23], $0x4800  }
0x59: {  	[sflag:s23] =	ssyncset.done $0x0  }
0x5a: {  	[sflag:s23] =	ssyncadd.s32 $0xFFFFB800  }
0x5b: {  	[tilespmem:s19], [sflag:$0x1] =	stream.indirect.gather [hbm4b:s5+s22], $0x90, s30, s22, $0xb8;
	[tilespmem:$0x1FB80] =	vst v63  }
0x5c: {  	_ = 	snop  }
0x5d: {  	[spmem:s3] =	stream.indirect.scatter.add.f32 [tilespmem:s24], [sflag:$0x2], $0x90, s31, s22, $0xb8;
	[tilespmem:$0x1FB80] =	vst v63  }
0x5e: {  	_ =	swait.ge [sflag:s20], $0x4800  }
0x5f: {  	[sflag:s20] =	ssyncset.done $0x0  }
0x60: {  	[sflag:s20] =	ssyncadd.s32 $0xFFFFB800  }
0x61: {  	_ =	swait.ge [sflag:s23], $0x4800  }
0x62: {  	[sflag:s23] =	ssyncset.done $0x0  }
0x63: {  	[sflag:s23] =	ssyncadd.s32 $0xFFFFB800  }
0x64: {  	[tilespmem:s24], [sflag:$0x1] =	stream.indirect.gather [hbm4b:s5+s22], $0x90, s1, s22, $0xb8;
	[tilespmem:$0x1FB80] =	vst v63  }
0x65: {  	_ = 	snop  }
0x66: {  	[spmem:s3] =	stream.indirect.scatter.add.f32 [tilespmem:s19], [sflag:$0x2], $0x90, s0, s22, $0xb8;
	[tilespmem:$0x1FB80] =	vst v63  }
0x67: {  	_ =	swait.ge [sflag:s20], $0x4800  }
0x68: {  	[sflag:s20] =	ssyncset.done $0x0  }
0x69: {  	[sflag:s20] =	ssyncadd.s32 $0xFFFFB800  }
0x6a: {  	_ =	swait.ge [sflag:s23], $0x4800  }
0x6b: {  	[sflag:s23] =	ssyncset.done $0x0  }
0x6c: {  	[sflag:s23] =	ssyncadd.s32 $0xFFFFB800  }
0x6d: {  	[tilespmem:s19], [sflag:$0x1] =	stream.indirect.gather [hbm4b:s5+s22], $0x90, s2, s22, $0xb8;
	[tilespmem:$0x1FB80] =	vst v63  }
0x6e: {  	_ = 	snop  }
0x6f: {  	[spmem:s3] =	stream.indirect.scatter.add.f32 [tilespmem:s24], [sflag:$0x2], $0x90, s11, s22, $0xb8;
	[tilespmem:$0x1FB80] =	vst v63  }
0x70: {  	_ =	swait.ge [sflag:s20], $0x4800  }
0x71: {  	[sflag:s20] =	ssyncset.done $0x0  }
0x72: {  	[sflag:s20] =	ssyncadd.s32 $0xFFFFB800  }
0x73: {  	_ =	swait.ge [sflag:s23], $0x4800  }
0x74: {  	[sflag:s23] =	ssyncset.done $0x0  }
0x75: {  	[sflag:s23] =	ssyncadd.s32 $0xFFFFB800  }
0x76: {  	[tilespmem:s24], [sflag:$0x1] =	stream.indirect.gather [hbm4b:s5+s22], $0x90, s12, s22, $0xb8;
	[tilespmem:$0x1FB80] =	vst v63  }
0x77: {  	_ = 	snop  }
0x78: {  	[spmem:s3] =	stream.indirect.scatter.add.f32 [tilespmem:s19], [sflag:$0x2], $0x90, s13, s22, $0xb8;
	[tilespmem:$0x1FB80] =	vst v63  }
0x79: {  	_ =	swait.ge [sflag:s20], $0x4800  }
0x7a: {  	[sflag:s20] =	ssyncset.done $0x0  }
0x7b: {  	[sflag:s20] =	ssyncadd.s32 $0xFFFFB800  }
0x7c: {  	_ =	swait.ge [sflag:s23], $0x4800  }
0x7d: {  	[sflag:s23] =	ssyncset.done $0x0  }
0x7e: {  	[sflag:s23] =	ssyncadd.s32 $0xFFFFB800  }
0x7f: {  	[spmem:s3] =	stream.indirect.scatter.add.f32 [tilespmem:s24], [sflag:$0x2], $0x90, s14, s22, $0xb8;
	[tilespmem:$0x1FB80] =	vst v63  }
0x80: {  	_ =	swait.ge [sflag:s20], $0x4800  }
0x81: {  	s7 =	simm.s32 $0x100;
	s16 =	simm.s32 $0x80;
	[sflag:s20] =	ssyncset.done $0x0  }
.LBB2_2:
0x82: {  	s9 =	sadd.s32 s16, s18  }
0x83: {  	[sflag:s20] =	ssyncadd.s32 $0xFFFFB800;
	s10 =	smov.u32 s7;
	s8 =	sadd.s32 $0x80, s7  }
0x84: {  	[tilespmem:s4], [sflag:$0x2] =	stream.linear.gather [hbm4b:s9+s4], $0x400, $0x38;
	[tilespmem:$0x1FB80] =	vst v63  }
0x85: {  	p0 =	sne.s32 s7, $0x480;
	_ =	swait.ge [sflag:s20], $0x400  }
0x86: {  	[sflag:s20] =	ssyncset.done $0x0  }
0x87: {  	s7 =	sadd.s32 s16, s17;
	s16 =	smov.u32 s10;
	[sflag:s20] =	ssyncadd.s32 $0xFFFFFC00  }
0x88: {  	[tilespmem:s21], [sflag:$0x2] =	stream.linear.gather [hbm4b:s7+s4], $0x400, $0x38;
	[tilespmem:$0x1FB80] =	vst v63  }
0x89: {  	_ =	swait.ge [sflag:s20], $0x400  }
0x8a: {  	[sflag:s20] =	ssyncset.done $0x0  }
0x8b: {  	[sflag:s20] =	ssyncadd.s32 $0xFFFFFC00  }
0x8c: {  	[tilespmem:s19], [sflag:$0x1] =	stream.indirect.gather [hbm4b:s5+s22], $0x90, s4, s22, $0xb8;
	[tilespmem:$0x1FB80] =	vst v63  }
0x8d: {  	_ =	swait.ge [sflag:s23], $0x4800  }
0x8e: {  	[sflag:s23] =	ssyncset.done $0x0  }
0x8f: {  	[sflag:s23] =	ssyncadd.s32 $0xFFFFB800  }
0x90: {  	[tilespmem:s24], [sflag:$0x1] =	stream.indirect.gather [hbm4b:s5+s22], $0x90, s22, s22, $0xb8;
	[tilespmem:$0x1FB80] =	vst v63  }
0x91: {  	_ = 	snop  }
0x92: {  	[spmem:s3] =	stream.indirect.scatter.add.f32 [tilespmem:s19], [sflag:$0x2], $0x90, s21, s22, $0xb8;
	[tilespmem:$0x1FB80] =	vst v63  }
0x93: {  	_ =	swait.ge [sflag:s20], $0x4800  }
0x94: {  	[sflag:s20] =	ssyncset.done $0x0  }
0x95: {  	[sflag:s20] =	ssyncadd.s32 $0xFFFFB800  }
0x96: {  	_ =	swait.ge [sflag:s23], $0x4800  }
0x97: {  	[sflag:s23] =	ssyncset.done $0x0  }
0x98: {  	[sflag:s23] =	ssyncadd.s32 $0xFFFFB800  }
0x99: {  	[tilespmem:s19], [sflag:$0x1] =	stream.indirect.gather [hbm4b:s5+s22], $0x90, s25, s22, $0xb8;
	[tilespmem:$0x1FB80] =	vst v63  }
0x9a: {  	_ = 	snop  }
0x9b: {  	[spmem:s3] =	stream.indirect.scatter.add.f32 [tilespmem:s24], [sflag:$0x2], $0x90, s26, s22, $0xb8;
	[tilespmem:$0x1FB80] =	vst v63  }
0x9c: {  	_ =	swait.ge [sflag:s20], $0x4800  }
0x9d: {  	[sflag:s20] =	ssyncset.done $0x0  }
0x9e: {  	[sflag:s20] =	ssyncadd.s32 $0xFFFFB800  }
0x9f: {  	_ =	swait.ge [sflag:s23], $0x4800  }
0xa0: {  	[sflag:s23] =	ssyncset.done $0x0  }
0xa1: {  	[sflag:s23] =	ssyncadd.s32 $0xFFFFB800  }
0xa2: {  	[tilespmem:s24], [sflag:$0x1] =	stream.indirect.gather [hbm4b:s5+s22], $0x90, s28, s22, $0xb8;
	[tilespmem:$0x1FB80] =	vst v63  }
0xa3: {  	_ = 	snop  }
0xa4: {  	[spmem:s3] =	stream.indirect.scatter.add.f32 [tilespmem:s19], [sflag:$0x2], $0x90, s29, s22, $0xb8;
	[tilespmem:$0x1FB80] =	vst v63  }
0xa5: {  	_ =	swait.ge [sflag:s20], $0x4800  }
0xa6: {  	[sflag:s20] =	ssyncset.done $0x0  }
0xa7: {  	[sflag:s20] =	ssyncadd.s32 $0xFFFFB800  }
0xa8: {  	_ =	swait.ge [sflag:s23], $0x4800  }
0xa9: {  	[sflag:s23] =	ssyncset.done $0x0  }
0xaa: {  	[sflag:s23] =	ssyncadd.s32 $0xFFFFB800  }
0xab: {  	[tilespmem:s19], [sflag:$0x1] =	stream.indirect.gather [hbm4b:s5+s22], $0x90, s30, s22, $0xb8;
	[tilespmem:$0x1FB80] =	vst v63  }
0xac: {  	_ = 	snop  }
0xad: {  	[spmem:s3] =	stream.indirect.scatter.add.f32 [tilespmem:s24], [sflag:$0x2], $0x90, s31, s22, $0xb8;
	[tilespmem:$0x1FB80] =	vst v63  }
0xae: {  	_ =	swait.ge [sflag:s20], $0x4800  }
0xaf: {  	[sflag:s20] =	ssyncset.done $0x0  }
0xb0: {  	[sflag:s20] =	ssyncadd.s32 $0xFFFFB800  }
0xb1: {  	_ =	swait.ge [sflag:s23], $0x4800  }
0xb2: {  	[sflag:s23] =	ssyncset.done $0x0  }
0xb3: {  	[sflag:s23] =	ssyncadd.s32 $0xFFFFB800  }
0xb4: {  	[tilespmem:s24], [sflag:$0x1] =	stream.indirect.gather [hbm4b:s5+s22], $0x90, s1, s22, $0xb8;
	[tilespmem:$0x1FB80] =	vst v63  }
0xb5: {  	_ = 	snop  }
0xb6: {  	[spmem:s3] =	stream.indirect.scatter.add.f32 [tilespmem:s19], [sflag:$0x2], $0x90, s0, s22, $0xb8;
	[tilespmem:$0x1FB80] =	vst v63  }
0xb7: {  	_ =	swait.ge [sflag:s20], $0x4800  }
0xb8: {  	[sflag:s20] =	ssyncset.done $0x0  }
0xb9: {  	[sflag:s20] =	ssyncadd.s32 $0xFFFFB800  }
0xba: {  	_ =	swait.ge [sflag:s23], $0x4800  }
0xbb: {  	[sflag:s23] =	ssyncset.done $0x0  }
0xbc: {  	[sflag:s23] =	ssyncadd.s32 $0xFFFFB800  }
0xbd: {  	[tilespmem:s19], [sflag:$0x1] =	stream.indirect.gather [hbm4b:s5+s22], $0x90, s2, s22, $0xb8;
	[tilespmem:$0x1FB80] =	vst v63  }
0xbe: {  	_ = 	snop  }
0xbf: {  	[spmem:s3] =	stream.indirect.scatter.add.f32 [tilespmem:s24], [sflag:$0x2], $0x90, s11, s22, $0xb8;
	[tilespmem:$0x1FB80] =	vst v63  }
0xc0: {  	_ =	swait.ge [sflag:s20], $0x4800  }
0xc1: {  	[sflag:s20] =	ssyncset.done $0x0  }
0xc2: {  	[sflag:s20] =	ssyncadd.s32 $0xFFFFB800  }
0xc3: {  	_ =	swait.ge [sflag:s23], $0x4800  }
0xc4: {  	[sflag:s23] =	ssyncset.done $0x0  }
0xc5: {  	[sflag:s23] =	ssyncadd.s32 $0xFFFFB800  }
0xc6: {  	[tilespmem:s24], [sflag:$0x1] =	stream.indirect.gather [hbm4b:s5+s22], $0x90, s12, s22, $0xb8;
	[tilespmem:$0x1FB80] =	vst v63  }
0xc7: {  	_ = 	snop  }
0xc8: {  	[spmem:s3] =	stream.indirect.scatter.add.f32 [tilespmem:s19], [sflag:$0x2], $0x90, s13, s22, $0xb8;
	[tilespmem:$0x1FB80] =	vst v63  }
0xc9: {  	_ =	swait.ge [sflag:s20], $0x4800  }
0xca: {  	[sflag:s20] =	ssyncset.done $0x0  }
0xcb: {  	[sflag:s20] =	ssyncadd.s32 $0xFFFFB800  }
0xcc: {  	_ =	swait.ge [sflag:s23], $0x4800  }
.Ltmp0:
0xcd: {  	[sflag:s23] =	ssyncset.done $0x0;
	(pc) =	sbr.rel @p0 .LBB2_2-.Ltmp0, $4  }
0xce: {  	[sflag:s23] =	ssyncadd.s32 $0xFFFFB800  }
0xcf: {  	[spmem:s3] =	stream.indirect.scatter.add.f32 [tilespmem:s24], [sflag:$0x2], $0x90, s14, s22, $0xb8;
	[tilespmem:$0x1FB80] =	vst v63  }
0xd0: {  	_ =	swait.ge [sflag:s20], $0x4800  }
0xd1: {  	s7 =	smov.u32 s8;
	[sflag:s20] =	ssyncset.done $0x0  }
0xd2: {  	s7 =	sadd.s32 s16, s18;
	[sflag:s20] =	ssyncadd.s32 $0xFFFFB800  }
0xd3: {  	[tilespmem:s4], [sflag:$0x2] =	stream.linear.gather [hbm4b:s7+s4], $0x400, $0x38;
	[tilespmem:$0x1FB80] =	vst v63  }
0xd4: {  	_ =	swait.ge [sflag:s20], $0x400  }
0xd5: {  	[sflag:s20] =	ssyncset.done $0x0  }
0xd6: {  	s6 =	sadd.s32 s16, s17;
	[sflag:s20] =	ssyncadd.s32 $0xFFFFFC00  }
0xd7: {  	[tilespmem:s21], [sflag:$0x2] =	stream.linear.gather [hbm4b:s6+s4], $0x400, $0x38;
	[tilespmem:$0x1FB80] =	vst v63  }
0xd8: {  	_ =	swait.ge [sflag:s20], $0x400  }
0xd9: {  	[sflag:s20] =	ssyncset.done $0x0  }
0xda: {  	[sflag:s20] =	ssyncadd.s32 $0xFFFFFC00  }
0xdb: {  	[tilespmem:s19], [sflag:$0x1] =	stream.indirect.gather [hbm4b:s5+s22], $0x90, s4, s22, $0xb8;
	[tilespmem:$0x1FB80] =	vst v63  }
0xdc: {  	_ =	swait.ge [sflag:s23], $0x4800  }
0xdd: {  	[sflag:s23] =	ssyncset.done $0x0  }
0xde: {  	[sflag:s23] =	ssyncadd.s32 $0xFFFFB800  }
0xdf: {  	[tilespmem:s24], [sflag:$0x1] =	stream.indirect.gather [hbm4b:s5+s22], $0x90, s22, s22, $0xb8;
	[tilespmem:$0x1FB80] =	vst v63  }
0xe0: {  	_ = 	snop  }
0xe1: {  	[spmem:s3] =	stream.indirect.scatter.add.f32 [tilespmem:s19], [sflag:$0x2], $0x90, s21, s22, $0xb8;
	[tilespmem:$0x1FB80] =	vst v63  }
0xe2: {  	_ =	swait.ge [sflag:s20], $0x4800  }
0xe3: {  	[sflag:s20] =	ssyncset.done $0x0  }
0xe4: {  	[sflag:s20] =	ssyncadd.s32 $0xFFFFB800  }
0xe5: {  	_ =	swait.ge [sflag:s23], $0x4800  }
0xe6: {  	[sflag:s23] =	ssyncset.done $0x0  }
0xe7: {  	[sflag:s23] =	ssyncadd.s32 $0xFFFFB800  }
0xe8: {  	[tilespmem:s19], [sflag:$0x1] =	stream.indirect.gather [hbm4b:s5+s22], $0x90, s25, s22, $0xb8;
	[tilespmem:$0x1FB80] =	vst v63  }
0xe9: {  	_ = 	snop  }
0xea: {  	[spmem:s3] =	stream.indirect.scatter.add.f32 [tilespmem:s24], [sflag:$0x2], $0x90, s26, s22, $0xb8;
	[tilespmem:$0x1FB80] =	vst v63  }
0xeb: {  	_ =	swait.ge [sflag:s20], $0x4800  }
0xec: {  	[sflag:s20] =	ssyncset.done $0x0  }
0xed: {  	[sflag:s20] =	ssyncadd.s32 $0xFFFFB800  }
0xee: {  	_ =	swait.ge [sflag:s23], $0x4800  }
0xef: {  	[sflag:s23] =	ssyncset.done $0x0  }
0xf0: {  	[sflag:s23] =	ssyncadd.s32 $0xFFFFB800  }
0xf1: {  	[tilespmem:s24], [sflag:$0x1] =	stream.indirect.gather [hbm4b:s5+s22], $0x90, s28, s22, $0xb8;
	[tilespmem:$0x1FB80] =	vst v63  }
0xf2: {  	_ = 	snop  }
0xf3: {  	[spmem:s3] =	stream.indirect.scatter.add.f32 [tilespmem:s19], [sflag:$0x2], $0x90, s29, s22, $0xb8;
	[tilespmem:$0x1FB80] =	vst v63  }
0xf4: {  	_ =	swait.ge [sflag:s20], $0x4800  }
0xf5: {  	[sflag:s20] =	ssyncset.done $0x0  }
0xf6: {  	[sflag:s20] =	ssyncadd.s32 $0xFFFFB800  }
0xf7: {  	_ =	swait.ge [sflag:s23], $0x4800  }
0xf8: {  	[sflag:s23] =	ssyncset.done $0x0  }
0xf9: {  	[sflag:s23] =	ssyncadd.s32 $0xFFFFB800  }
0xfa: {  	[tilespmem:s19], [sflag:$0x1] =	stream.indirect.gather [hbm4b:s5+s22], $0x90, s30, s22, $0xb8;
	[tilespmem:$0x1FB80] =	vst v63  }
0xfb: {  	_ = 	snop  }
0xfc: {  	[spmem:s3] =	stream.indirect.scatter.add.f32 [tilespmem:s24], [sflag:$0x2], $0x90, s31, s22, $0xb8;
	[tilespmem:$0x1FB80] =	vst v63  }
0xfd: {  	_ =	swait.ge [sflag:s20], $0x4800  }
0xfe: {  	[sflag:s20] =	ssyncset.done $0x0  }
0xff: {  	[sflag:s20] =	ssyncadd.s32 $0xFFFFB800  }
0x100: {  	_ =	swait.ge [sflag:s23], $0x4800  }
0x101: {  	[sflag:s23] =	ssyncset.done $0x0  }
0x102: {  	[sflag:s23] =	ssyncadd.s32 $0xFFFFB800  }
0x103: {  	[tilespmem:s24], [sflag:$0x1] =	stream.indirect.gather [hbm4b:s5+s22], $0x90, s1, s22, $0xb8;
	[tilespmem:$0x1FB80] =	vst v63  }
0x104: {  	_ = 	snop  }
0x105: {  	[spmem:s3] =	stream.indirect.scatter.add.f32 [tilespmem:s19], [sflag:$0x2], $0x90, s0, s22, $0xb8;
	[tilespmem:$0x1FB80] =	vst v63  }
0x106: {  	_ =	swait.ge [sflag:s20], $0x4800  }
0x107: {  	[sflag:s20] =	ssyncset.done $0x0  }
0x108: {  	[sflag:s20] =	ssyncadd.s32 $0xFFFFB800  }
0x109: {  	_ =	swait.ge [sflag:s23], $0x4800  }
0x10a: {  	[sflag:s23] =	ssyncset.done $0x0  }
0x10b: {  	[sflag:s23] =	ssyncadd.s32 $0xFFFFB800  }
0x10c: {  	[tilespmem:s19], [sflag:$0x1] =	stream.indirect.gather [hbm4b:s5+s22], $0x90, s2, s22, $0xb8;
	[tilespmem:$0x1FB80] =	vst v63  }
0x10d: {  	_ = 	snop  }
0x10e: {  	[spmem:s3] =	stream.indirect.scatter.add.f32 [tilespmem:s24], [sflag:$0x2], $0x90, s11, s22, $0xb8;
	[tilespmem:$0x1FB80] =	vst v63  }
0x10f: {  	_ =	swait.ge [sflag:s20], $0x4800  }
0x110: {  	[sflag:s20] =	ssyncset.done $0x0  }
0x111: {  	[sflag:s20] =	ssyncadd.s32 $0xFFFFB800  }
0x112: {  	_ =	swait.ge [sflag:s23], $0x4800  }
0x113: {  	[sflag:s23] =	ssyncset.done $0x0  }
0x114: {  	[sflag:s23] =	ssyncadd.s32 $0xFFFFB800  }
0x115: {  	[tilespmem:s24], [sflag:$0x1] =	stream.indirect.gather [hbm4b:s5+s22], $0x90, s12, s22, $0xb8;
	[tilespmem:$0x1FB80] =	vst v63  }
0x116: {  	_ = 	snop  }
0x117: {  	[spmem:s3] =	stream.indirect.scatter.add.f32 [tilespmem:s19], [sflag:$0x2], $0x90, s13, s22, $0xb8;
	[tilespmem:$0x1FB80] =	vst v63  }
0x118: {  	_ =	swait.ge [sflag:s20], $0x4800  }
0x119: {  	[sflag:s20] =	ssyncset.done $0x0  }
0x11a: {  	[sflag:s20] =	ssyncadd.s32 $0xFFFFB800  }
0x11b: {  	_ =	swait.ge [sflag:s23], $0x4800  }
0x11c: {  	[sflag:s23] =	ssyncset.done $0x0  }
0x11d: {  	[sflag:s23] =	ssyncadd.s32 $0xFFFFB800  }
0x11e: {  	[spmem:s3] =	stream.indirect.scatter.add.f32 [tilespmem:s24], [sflag:$0x2], $0x90, s14, s22, $0xb8;
	[tilespmem:$0x1FB80] =	vst v63  }
0x11f: {  	_ =	swait.ge [sflag:s20], $0x4800  }
0x120: {  	[sflag:s20] =	ssyncset.done $0x0  }
0x121: {  	[sflag:s20] =	ssyncadd.s32 $0xFFFFB800  }
0x122: {  	[bflag:$0x0] =	sbarrier.arrive $0xFFFF  }
0x123: {  	s10 =	rddreg [dreg:$0x8]  }
0x124: {  	[tilespmem:s19], [sflag:$0x2] =	stream.linear.gather [spmem:s10], $0x4800, $0x38;
	[tilespmem:$0x1FB80] =	vst v63  }
0x125: {  	_ =	swait.ge [sflag:s20], $0x4800  }
0x126: {  	[sflag:s20] =	ssyncset.done $0x0  }
0x127: {  	s6 =	rddreg [dreg:$0x9];
	[sflag:s20] =	ssyncadd.s32 $0xFFFFB800  }
0x128: {  	[hbm4b:s6+s4] =	stream.linear.scatter [tilespmem:s19], [sflag:$0x2], $0x4800, $0x38;
	[tilespmem:$0x1FB80] =	vst v63  }
0x129: {  	_ =	swait.ge [sflag:s20], $0x4800  }
0x12a: {  	[sflag:s20] =	ssyncset.done $0x0  }
0x12b: {  	s9 =	rddreg [dreg:$0x4];
	[sflag:s20] =	ssyncadd.s32 $0xFFFFB800  }
0x12c: {  	[tilespmem:s19], [sflag:$0x2] =	stream.linear.gather [spmem:s9], $0x4800, $0x38;
	[tilespmem:$0x1FB80] =	vst v63  }
0x12d: {  	_ =	swait.ge [sflag:s20], $0x4800  }
0x12e: {  	[sflag:s20] =	ssyncset.done $0x0  }
0x12f: {  	s7 =	rddreg [dreg:$0xa];
	[sflag:s20] =	ssyncadd.s32 $0xFFFFB800  }
0x130: {  	[hbm4b:s7+s4] =	stream.linear.scatter [tilespmem:s19], [sflag:$0x2], $0x4800, $0x38;
	[tilespmem:$0x1FB80] =	vst v63  }
0x131: {  	_ =	swait.ge [sflag:s20], $0x4800  }
0x132: {  	[sflag:s20] =	ssyncset.done $0x0  }
0x133: {  	s16 =	rddreg [dreg:$0x5];
	[sflag:s20] =	ssyncadd.s32 $0xFFFFB800  }
0x134: {  	[tilespmem:s19], [sflag:$0x2] =	stream.linear.gather [spmem:s16], $0x4800, $0x38;
	[tilespmem:$0x1FB80] =	vst v63  }
0x135: {  	_ =	swait.ge [sflag:s20], $0x4800  }
0x136: {  	[sflag:s20] =	ssyncset.done $0x0  }
0x137: {  	s8 =	rddreg [dreg:$0xb];
	[sflag:s20] =	ssyncadd.s32 $0xFFFFB800  }
0x138: {  	[hbm4b:s8+s4] =	stream.linear.scatter [tilespmem:s19], [sflag:$0x2], $0x4800, $0x38;
	[tilespmem:$0x1FB80] =	vst v63  }
0x139: {  	_ =	swait.ge [sflag:s20], $0x4800  }
0x13a: {  	[sflag:s20] =	ssyncset.done $0x0  }
0x13b: {  	s8 =	rddreg [dreg:$0x6];
	[sflag:s20] =	ssyncadd.s32 $0xFFFFB800  }
0x13c: {  	[tilespmem:s19], [sflag:$0x2] =	stream.linear.gather [spmem:s8], $0x4800, $0x38;
	[tilespmem:$0x1FB80] =	vst v63  }
0x13d: {  	_ =	swait.ge [sflag:s20], $0x4800  }
0x13e: {  	[sflag:s20] =	ssyncset.done $0x0  }
0x13f: {  	s7 =	rddreg [dreg:$0xc];
	[sflag:s20] =	ssyncadd.s32 $0xFFFFB800  }
0x140: {  	[hbm4b:s7+s4] =	stream.linear.scatter [tilespmem:s19], [sflag:$0x2], $0x4800, $0x38;
	[tilespmem:$0x1FB80] =	vst v63  }
0x141: {  	_ =	swait.ge [sflag:s20], $0x4800  }
0x142: {  	[sflag:s20] =	ssyncset.done $0x0  }
0x143: {  	s6 =	rddreg [dreg:$0x7];
	[sflag:s20] =	ssyncadd.s32 $0xFFFFB800  }
0x144: {  	[tilespmem:s19], [sflag:$0x2] =	stream.linear.gather [spmem:s6], $0x4380, $0x38;
	[tilespmem:$0x1FB80] =	vst v63  }
0x145: {  	_ =	swait.ge [sflag:s20], $0x4380  }
0x146: {  	[sflag:s20] =	ssyncset.done $0x0  }
0x147: {  	s7 =	rddreg [dreg:$0xd];
	[sflag:s20] =	ssyncadd.s32 $0xFFFFBC80  }
0x148: {  	[hbm4b:s7+s4] =	stream.linear.scatter [tilespmem:s19], [sflag:$0x2], $0x4380, $0x38;
	[tilespmem:$0x1FB80] =	vst v63  }
0x149: {  	_ =	swait.ge [sflag:s20], $0x4380  }
0x14a: {  	s15 =	sadd.s32 $0x1, s15;
	s7 =	rddreg [dreg:$0xe]  }
0x14b: {  	p0 =	sne.s32 s15, s7  }
.Ltmp1:
0x14c: {  	_ = 	snop;
	(pc) =	sbr.rel @p0 .LBB2_1-.Ltmp1, $3  }
0x14d: {  	_ =	sdelay $0x1  }
0x14e: {  	[sflag:s20] =	ssyncset.done $0x0  }
0x14f: {  	[sflag:s20] =	ssyncadd.s32 $0xFFFFBC80  }
0x150: {  	_ =	sfence.sel $0x180000  }
0x151: {  	[bflag:$0x0] =	sbarrier.arrive $0xFFFF  }
0x152: {  	_ =	strace $0x90000047  }
0x153: {  	s0 =	stileid.u32;
	[bflag:$0x2] =	sbarrier.arrive $0xFFFF  }
0x154: {  	p0 =	sne.s32 s0, $0x0;
	s0 =	rddreg [dreg:$0x3]  }
0x155: {  	s0 =	sadd.s32 @!p0 $0x100000, s0  }
0x156: {  	[sflag:s0] =	ssyncadd.tile.s32 @!p0 $0x1;
	_ =	shalt  }
.Lfunc_end2:
_tile_overlayer_lowered:
.L_overlay_start_2:
0x157: {  	(tag) =	ssettag $0x2  }
0x158: {  	s0 =	rddreg [dreg:$0x0];
	s2 =	stileid.u32  }
0x159: {  	s1 =	rddreg [dreg:$0x1];
	p0 =	sne.s32 s2, $0x0  }
0x15a: {  	s3 =	rddreg [dreg:$0x2];
	[bflag:$0x3] =	sbarrier.arrive $0xFFFF;
	s2 =	simm.s32 @!p0 $0x1C02  }
0x15b: {  	[timem:s3], [sflag:s2] =	dma.local @!p0 [hbm:s0], s1  }
0x15c: {  	s0 =	simm.s32 @!p0 $0x2  }
0x15d: {  	_ =	swait.ge @!p0 [sflag:s0], s1  }
0x15e: {  	s1 =	ssub.s32 @!p0 $0x0, s1;
	[sflag:s0] =	ssyncset.done @!p0 $0x0  }
0x15f: {  	[sflag:s0] =	ssyncadd.s32 @!p0 s1  }
0x160: {  	[bflag:$0x3] =	sbarrier.arrive $0xFFFF  }
0x161: {  	_ =	shalt  }

// kernel: kernel.9.cloned.1.call-start
scs
__scs_entry_jumppad:
0x0: {  	(pc) =	sbr.rel $0x88, $3  }
0x1: {  	(tag) =	ssettag $0x0;
	lr =	simm.s32 $0x1  }
0x2: {  	[smem:$0x3F99] =	sst lr;
	_ =	strace $0xD0000000  }
0x3: {  	_ = 	snop  }
0x4: {  	_ = 	snop  }
0x5: {  	_ = 	snop  }
0x6: {  	_ = 	snop  }
0x7: {  	_ = 	snop  }
__scs_overlays_trampoline_lowered:
0x8: {  	[smem:$0x3FA8] =	sst s0  }
0x9: {  	[smem:$0x3FA9] =	sst s1  }
0xa: {  	[smem:$0x3FAA] =	sst s2  }
0xb: {  	[smem:$0x3FAB] =	sst s3  }
0xc: {  	[smem:$0x3FAC] =	sst s4  }
0xd: {  	[smem:$0x3FAD] =	sst s5  }
0xe: {  	[smem:$0x3FAE] =	sst s6  }
0xf: {  	[smem:$0x3FAF] =	sst s7  }
0x10: {  	[smem:$0x3FB0] =	sst s8  }
0x11: {  	[smem:$0x3FB1] =	sst s9;
	s0 =	simm.s32 @!p0 $0x0  }
0x12: {  	s1 =	sld [smem:$0x3F97];
	s0 =	simm.s32 @p0 $0x1  }
0x13: {  	[smem:$0x3FB2] =	sst s0;
	s0 =	simm.s32 @!p1 $0x0  }
0x14: {  	s2 =	sld [smem:$0x3F96];
	s0 =	simm.s32 @p1 $0x1  }
0x15: {  	[smem:$0x3FB3] =	sst s0;
	s0 =	simm.s32 @!p2 $0x0  }
0x16: {  	s3 =	sld [smem:$0x3FDB];
	s0 =	simm.s32 @p2 $0x1  }
0x17: {  	s4 =	simm.s32 $0x1BF5;
	[smem:$0x3FB5] =	sst s0  }
0x18: {  	s0 =	sld [smem:$0x3F98];
	_ =	swait.ge [sflag:s4], $0x0  }
0x19: {  	s7 =	sld [smem:$0x3F99]  }
0x1a: {  	s8 =	sadd.s32 $0xFFFFE003, lr  }
0x1b: {  	s9 =	sadd.s32 $0xFFFFFEF7, lr;
	s5 =	simm.s32 $0xFFFFFFFF;
	p2 =	slt.u32 s8, $0xFFFFF086  }
0x1c: {  	p1 =	slt.u32 s9, $0xF7A;
	s5 =	simm.s32 @!p2 $0x0  }
0x1d: {  	s5 =	simm.s32 @p1 $0x1;
	p0 =	seq.s32 s7, s2  }
0x1e: {  	s7 =	smul.u32 @!p0 $0xF7A, s2;
	p2 =	seq.s32 @!p0 s5, $0x0  }
0x1f: {  	s9 =	smul.u32 $0xF7A, s1;
	s8 =	simm.s32 @!p0 $0x1BF5;
	p2 =	por !p2, p0  }
0x20: {  	[sflag:s8] =	ssyncset.s32 @!p0 $0xFFFFF086;
	s6 =	sadd.s32 @!p0 s3, s7;
	s7 =	simm.s32 @!p0 $0x108  }
0x21: {  	s3 =	sadd.s32 s3, s9;
	s6 =	sadd.s32 @!p0 $0x88, s6;
	s7 =	simm.s32 @p2 $0x1082  }
0x22: {  	[simem:s7], [sflag:s8] =	dma.local @!p0 [hbm:s6], $0xF7A  }
0x23: {  	s9 =	sor.u32 $0xD0000000, s2;
	s6 =	simm.s32 $0x108;
	_ =	swait.ge @!p0 [sflag:s8], $0x0  }
0x24: {  	s3 =	sadd.s32 $0x88, s3;
	s6 =	simm.s32 @!p1 $0x1082;
	[sflag:s4] =	ssyncset.s32 $0xFFFFF086  }
0x25: {  	[simem:s6], [sflag:s4] =	dma.local [hbm:s3], $0xF7A  }
0x26: {  	[smem:$0x3F99] =	sst s1;
	(tag) =	ssettag s2;
	_ =	strace s9  }
0x27: {  	s1 =	sld [smem:$0x3FA9]  }
0x28: {  	s2 =	sld [smem:$0x3FAA]  }
0x29: {  	s4 =	sld [smem:$0x3FAC]  }
0x2a: {  	p0 =	seq.s32 s5, $0x0;
	s5 =	sld [smem:$0x3FAD]  }
0x2b: {  	s6 =	sld [smem:$0x3FAE]  }
0x2c: {  	s7 =	sld [smem:$0x3FAF]  }
0x2d: {  	s3 =	simm.s32 $0x108;
	s8 =	sld [smem:$0x3FB0]  }
0x2e: {  	s3 =	simm.s32 @!p0 $0x1082;
	s9 =	sld [smem:$0x3FB1]  }
0x2f: {  	lr =	sadd.s32 s0, s3;
	s0 =	sld [smem:$0x3FA8]  }
0x30: {  	s3 =	sld [smem:$0x3FAB]  }
0x31: {  	[smem:$0x3FB4] =	sst s10  }
0x32: {  	s10 =	sld [smem:$0x3FB2];
	_ =	sdelay $0x3  }
0x33: {  	p0 =	seq.s32 s10, $0x1;
	s10 =	sld [smem:$0x3FB4];
	_ =	sdelay $0x3  }
0x34: {  	[smem:$0x3FB4] =	sst s10  }
0x35: {  	s10 =	sld [smem:$0x3FB3];
	_ =	sdelay $0x3  }
0x36: {  	p1 =	seq.s32 s10, $0x1;
	s10 =	sld [smem:$0x3FB4];
	_ =	sdelay $0x3  }
0x37: {  	[smem:$0x3FB4] =	sst s10  }
0x38: {  	s10 =	sld [smem:$0x3FB5]  }
0x39: {  	_ = 	snop;
	(pc) =	sbr.ind lr, $3  }
0x3a: {  	_ = 	snop  }
0x3b: {  	_ = 	snop  }
0x3c: {  	p2 =	seq.s32 s10, $0x1;
	s10 =	sld [smem:$0x3FB4]  }
0x3d: {  	_ =	shalt  }
0x3e: {  	_ =	shalt  }
0x3f: {  	_ =	shalt  }
0x40: {  	_ =	shalt  }
0x41: {  	_ =	shalt  }
0x42: {  	_ =	shalt  }
0x43: {  	_ =	shalt  }
0x44: {  	_ =	shalt  }
0x45: {  	_ =	shalt  }
0x46: {  	_ =	shalt  }
0x47: {  	_ =	shalt  }
0x48: {  	_ =	shalt  }
0x49: {  	_ =	shalt  }
0x4a: {  	_ =	shalt  }
0x4b: {  	_ =	shalt  }
0x4c: {  	_ =	shalt  }
0x4d: {  	_ =	shalt  }
0x4e: {  	_ =	shalt  }
0x4f: {  	_ =	shalt  }
0x50: {  	_ =	shalt  }
0x51: {  	_ =	shalt  }
0x52: {  	_ =	shalt  }
0x53: {  	_ =	shalt  }
0x54: {  	_ =	shalt  }
0x55: {  	_ =	shalt  }
0x56: {  	_ =	shalt  }
0x57: {  	_ =	shalt  }
0x58: {  	_ =	shalt  }
0x59: {  	_ =	shalt  }
0x5a: {  	_ =	shalt  }
0x5b: {  	_ =	shalt  }
0x5c: {  	_ =	shalt  }
0x5d: {  	_ =	shalt  }
0x5e: {  	_ =	shalt  }
0x5f: {  	_ =	shalt  }
0x60: {  	_ =	shalt  }
0x61: {  	_ =	shalt  }
0x62: {  	_ =	shalt  }
0x63: {  	_ =	shalt  }
0x64: {  	_ =	shalt  }
0x65: {  	_ =	shalt  }
0x66: {  	_ =	shalt  }
0x67: {  	_ =	shalt  }
0x68: {  	_ =	shalt  }
0x69: {  	_ =	shalt  }
0x6a: {  	_ =	shalt  }
0x6b: {  	_ =	shalt  }
0x6c: {  	_ =	shalt  }
0x6d: {  	_ =	shalt  }
0x6e: {  	_ =	shalt  }
0x6f: {  	_ =	shalt  }
0x70: {  	_ =	shalt  }
0x71: {  	_ =	shalt  }
0x72: {  	_ =	shalt  }
0x73: {  	_ =	shalt  }
0x74: {  	_ =	shalt  }
0x75: {  	_ =	shalt  }
0x76: {  	_ =	shalt  }
0x77: {  	_ =	shalt  }
0x78: {  	_ =	shalt  }
0x79: {  	_ =	shalt  }
0x7a: {  	_ =	shalt  }
0x7b: {  	_ =	shalt  }
0x7c: {  	_ =	shalt  }
0x7d: {  	_ =	shalt  }
0x7e: {  	_ =	shalt  }
0x7f: {  	_ =	shalt  }
0x80: {  	_ =	shalt  }
0x81: {  	_ =	shalt  }
0x82: {  	_ =	shalt  }
0x83: {  	_ =	shalt  }
0x84: {  	_ =	shalt  }
0x85: {  	_ =	shalt  }
0x86: {  	_ =	shalt  }
0x87: {  	_ =	shalt  }
.Lfunc_end0:
.L_simem_size_0:
called_computation.1_lowered:
.L_overlay_start_0:
0x88: {  	s2 =	sld [smem:$0x3FD9]  }
0x89: {  	s3 =	sld [smem:$0x3FFE];
	_ =	sdelay $0x1  }
0x8a: {  	s1 =	srdreg.scid  }
0x8b: {  	s0 =	sand.u32 $0x1, s1  }
0x8c: {  	s17 =	sshll.u32 s0, $0xA;
	s2 =	sadd.s32 s3, s2  }
0x8d: {  	s2 =	sadd.s32 s2, s17  }
0x8e: {  	[smem:$0x3FC0] =	sst s2  }
0x8f: {  	_ = 	snop  }
0x90: {  	s2 =	sld [smem:$0x3FD0];
	(tm) =	ssettm $0x1  }
0x91: {  	s18 =	sld [smem:$0x3FFB];
	_ =	sdelay $0x3  }
0x92: {  	_ =	strace s18  }
0x93: {  	s3 =	sld [smem:$0x3FFC];
	_ =	sdelay $0x3  }
0x94: {  	_ =	strace s3  }
0x95: {  	s3 =	sld [smem:$0x3FFD];
	_ =	sdelay $0x3  }
0x96: {  	_ =	strace s3  }
0x97: {  	_ =	strace $0x8FFFFFFF  }
0x98: {  	s19 =	sld [smem:$0x3FDB];
	_ =	sdelay $0x1  }
0x99: {  	s4 =	simm.s32 $_scs_section_size  }
0x9a: {  	s5 =	simm.s32 $_size__tile_overlayer_lowered;
	s6 =	simm.s32 $_tile_overlayer_lowered  }
0x9b: {  	s22 =	simm.s32 $0x1BFF;
	s21 =	sshll.u32 s6, $0x1;
	s3 =	sadd.s32 s4, s19  }
0x9c: {  	s7 =	simm.s32 $0x0;
	s20 =	sshll.u32 s5, $0x1;
	s5 =	sadd.s32 s21, s3  }
0x9d: {  	[timem:s7], [sflag:s22] =	dma.local [hbm:s5], s20  }
0x9e: {  	_ =	swait.ge [sflag:s22], s20  }
0x9f: {  	s4 =	ssub.s32 $0x0, s20;
	[sflag:s22] =	ssyncset.done $0x0  }
0xa0: {  	[sflag:s22] =	ssyncadd.s32 s4;
	_ =	sdelay $0x1  }
0xa1: {  	s23 =	simm.s32 $0x1B8B  }
0xa2: {  	_ =	swait.ge [sflag:s23], $0x1  }
0xa3: {  	[sflag:s23] =	ssyncset.done $0x0  }
0xa4: {  	s25 =	simm.s32 $0x1B8E;
	s24 =	sld [smem:$0x3FFE];
	[sflag:s23] =	ssyncadd.s32 $0xFFFFFFFF  }
0xa5: {  	s26 =	simm.s32 $execute0_lowered;
	[smem:$0x3FD2] =	sst s25  }
0xa6: {  	s5 =	sshll.u32 s26, $0x1;
	_ =	strace $0x80000049;
	[dreg:$0x1] =	wrdreg $0xFFFFFFFF  }
0xa7: {  	s28 =	simm.s32 $_size_execute0_lowered;
	s3 =	sadd.s32 s3, s5;
	[dreg:$0x0] =	wrdreg $0x0  }
0xa8: {  	s5 =	sshll.u32 s28, $0x1;
	[dreg:$0x2] =	wrdreg s3  }
0xa9: {  	[dreg:$0x3] =	wrdreg s5  }
0xaa: {  	[dreg:$0x4] =	wrdreg $0xC0  }
0xab: {  	_ =	task [dreg:s7], $0x5FFFF  }
0xac: {  	[dreg:$0x1] =	wrdreg $0xFFFFFFFF  }
0xad: {  	[dreg:$0x0] =	wrdreg $0x60  }
0xae: {  	[dreg:$0x2] =	wrdreg s2  }
0xaf: {  	[dreg:$0x3] =	wrdreg s24  }
0xb0: {  	[dreg:$0x4] =	wrdreg $0x90000  }
0xb1: {  	[dreg:$0x5] =	wrdreg $0x9  }
0xb2: {  	_ =	task.clear_ibuf [dreg:s7], $0x6FFFF;
	_ =	strace $0x90000049  }
0xb3: {  	s29 =	simm.s32 $0x9;
	_ =	strace $0x8000004B  }
0xb4: {  	_ =	swait.ge [sflag:s29], $0x1  }
0xb5: {  	[sflag:s29] =	ssyncadd.s32 $0xFFFFFFFF  }
0xb6: {  	_ =	strace $0x9000004B  }
0xb7: {  	_ =	sfence  }
0xb8: {  	s30 =	sld [smem:$0x0];
	_ =	sdelay $0x2  }
0xb9: {  	s31 =	sshll.u32 s1, $0xD;
	s1 =	sshrl.u32 s1, $0x2  }
0xba: {  	s3 =	sand.u32 $0x4000, s31;
	s1 =	sadd.s32 s1, s30  }
0xbb: {  	s0 =	sor.u32 s3, s0;
	s1 =	sshll.u32 s1, $0x11  }
0xbc: {  	s0 =	sor.u32 s1, s0  }
0xbd: {  	s0 =	sadd.s32 $0x8F2B, s0  }
0xbe: {  	[sflag:s0] =	ssyncadd.remote.s32 $0x1  }
0xbf: {  	_ =	sfence.sel $0xFFFF  }
0xc0: {  	[dreg:$0x0] =	wrdreg $0xFFFFFFFF;
	(pc) =	sbr.abs _section_cstart, $3  }
0xc1: {  	[dreg:$0x1] =	wrdreg $0xFFFFFFFF  }
0xc2: {  	_ =	task.clear_ibuf [dreg:s7], $0x2FFFF;
	_ =	strace $0x9FFFFFFF  }
0xc3: {  	(tm) =	ssettm $0x7FFFFFFF  }
tec
execute0_lowered:
.L_overlay_start_1:
0x0: {  	(tag) =	ssettag $0x1  }
0x1: {  	s0 =	rddreg [dreg:$0x0]  }
0x2: {  	s1 =	rddreg [dreg:$0x1]  }
0x3: {  	s2 =	rddreg [dreg:$0x2];
	s8 =	stileid.u32  }
0x4: {  	s5 =	srdreg.scid;
	s3 =	simm.s32 $0x0;
	s12 =	simm.s32 $0x100  }
0x5: {  	s14 =	simm.s32 $0x880;
	s16 =	simm.s32 $0x180;
	s18 =	simm.s32 $0x900  }
0x6: {  	s19 =	simm.s32 $0x200;
	[smem:$0x7FF] =	sst s3;
	s9 =	sadd.s32 $0x1E00, s1  }
0x7: {  	s28 =	simm.s32 $0xC00;
	_ =	strace $0x8000004A;
	[dreg:$0x11] =	wrdreg s9  }
0x8: {  	s29 =	simm.s32 $0x500;
	s4 =	smul.u32 $0xA00, s8;
	[dreg:$0x6] =	wrdreg s12  }
0x9: {  	s30 =	simm.s32 $0xC80;
	s6 =	smul.u32 $0x278, s8;
	[dreg:$0x7] =	wrdreg s14  }
0xa: {  	s5 =	sand.u32 $0x1, s5;
	s8 =	smul.u32 $0x4F000, s8;
	[dreg:$0x8] =	wrdreg s16  }
0xb: {  	s31 =	simm.s32 $0x580;
	s7 =	smul.u32 $0x2780, s5;
	[dreg:$0x9] =	wrdreg s18  }
0xc: {  	s21 =	ssub.s32 $0x2, s5;
	s5 =	smul.u32 $0x27100, s5;
	[dreg:$0xa] =	wrdreg s19  }
0xd: {  	s18 =	simm.s32 $0x2;
	s19 =	simm.s32 $0x800;
	s4 =	sadd.s32 s4, s1  }
0xe: {  	s12 =	simm.s32 $0xE00;
	s22 =	sshrl.u32 s21, $0x1;
	s26 =	sadd.s32 $0x2DE00, s4  }
0xf: {  	s10 =	sadd.s32 s0, s5;
	s5 =	sadd.s32 $0x37E00, s4;
	[dreg:$0x4] =	wrdreg s26  }
0x10: {  	s23 =	ssub.s32 s21, s22;
	s21 =	simm.s32 $0x980;
	[dreg:$0x5] =	wrdreg s5  }
0x11: {  	s8 =	sshrl.u32 s8, $0x2;
	s22 =	simm.s32 $0x280;
	[dreg:$0xb] =	wrdreg s21  }
0x12: {  	s14 =	simm.s32 $0xE80;
	s8 =	sadd.s32 s8, s2;
	[dreg:$0xc] =	wrdreg s22  }
0x13: {  	s16 =	simm.s32 $0xF00;
	s24 =	sadd.s32 $0x4000, s8;
	[dreg:$0x12] =	wrdreg s8  }
0x14: {  	s6 =	sadd.s32 s6, s7;
	s25 =	sadd.s32 $0xC000, s8;
	[dreg:$0x13] =	wrdreg s24  }
0x15: {  	s0 =	simm.s32 $0xD00;
	s20 =	smax.u32 s23, $0x1;
	[dreg:$0x15] =	wrdreg s25  }
0x16: {  	s4 =	simm.s32 $0xD80;
	s23 =	simm.s32 $0xA00;
	[dreg:$0x1c] =	wrdreg s20  }
0x17: {  	s6 =	sshll.u32 s6, $0x4;
	s26 =	simm.s32 $0x380;
	[dreg:$0xd] =	wrdreg s23  }
0x18: {  	s11 =	sadd.s32 $0x8000, s8;
	s5 =	simm.s32 $0x0;
	[dreg:$0x10] =	wrdreg s26  }
0x19: {  	s9 =	sadd.s32 $0x10000, s8;
	s21 =	simm.s32 $0x1;
	[dreg:$0x1d] =	wrdreg s5  }
0x1a: {  	s22 =	simm.s32 $0x5000;
	s24 =	simm.s32 $0x300;
	[dreg:$0x16] =	wrdreg s9  }
0x1b: {  	s1 =	sadd.s32 s6, s1;
	s25 =	simm.s32 $0xA80;
	[dreg:$0xe] =	wrdreg s24  }
0x1c: {  	s7 =	smov.u32 s11;
	s20 =	simm.s32 $0x80;
	[dreg:$0xf] =	wrdreg s25  }
0x1d: {  	s23 =	simm.s32 $0xB00;
	s11 =	sadd.s32 $0x41E00, s1;
	[dreg:$0x14] =	wrdreg s7  }
0x1e: {  	s26 =	simm.s32 $0x480;
	s13 =	sadd.s32 $0x42600, s1;
	[dreg:$0x17] =	wrdreg s11  }
0x1f: {  	s6 =	simm.s32 $0xF80;
	s15 =	sadd.s32 $0x42E00, s1;
	[dreg:$0x18] =	wrdreg s13  }
0x20: {  	s17 =	sadd.s32 $0x43600, s1;
	s1 =	sadd.s32 $0x43E00, s1;
	[dreg:$0x19] =	wrdreg s15  }
0x21: {  	s24 =	simm.s32 $0x400;
	s25 =	simm.s32 $0xB80;
	[dreg:$0x1a] =	wrdreg s17  }
0x22: {  	[dreg:$0x1b] =	wrdreg s1;
	s17 =	simm.s32 $0x1000;
	s1 =	simm.s32 $0x600  }
0x23: {  	s11 =	simm.s32 $0x680;
	s13 =	simm.s32 $0x700;
	s15 =	simm.s32 $0x780  }
.LBB2_1:
0x24: {  	s5 =	rddreg [dreg:$0x11]  }
0x25: {  	[tilespmem:s17], [sflag:$0x2] =	stream.linear.gather [hbm4b:s5+s3], $0x4000, $0x38;
	[tilespmem:$0x1CC00] =	vst v63  }
0x26: {  	_ =	swait.ge [sflag:s18], $0x4000  }
0x27: {  	[sflag:s18] =	ssyncset.done $0x0  }
0x28: {  	[sflag:s18] =	ssyncadd.s32 $0xFFFFC000  }
0x29: {  	[spmem:s8] =	stream.linear.scatter [tilespmem:s17], [sflag:$0x2], $0x4000, $0x38;
	[tilespmem:$0x1CC00] =	vst v63  }
0x2a: {  	_ =	swait.ge [sflag:s18], $0x4000  }
0x2b: {  	[sflag:s18] =	ssyncset.done $0x0  }
0x2c: {  	s8 =	rddreg [dreg:$0x13];
	[sflag:s18] =	ssyncadd.s32 $0xFFFFC000  }
0x2d: {  	[spmem:s8] =	stream.linear.scatter [tilespmem:s17], [sflag:$0x2], $0x4000, $0x38;
	[tilespmem:$0x1CC00] =	vst v63  }
0x2e: {  	_ =	swait.ge [sflag:s18], $0x4000  }
0x2f: {  	[sflag:s18] =	ssyncset.done $0x0  }
0x30: {  	[sflag:s18] =	ssyncadd.s32 $0xFFFFC000  }
0x31: {  	[spmem:s7] =	stream.linear.scatter [tilespmem:s17], [sflag:$0x2], $0x4000, $0x38;
	[tilespmem:$0x1CC00] =	vst v63  }
0x32: {  	_ =	swait.ge [sflag:s18], $0x4000  }
0x33: {  	[sflag:s18] =	ssyncset.done $0x0  }
0x34: {  	s8 =	rddreg [dreg:$0x15];
	[sflag:s18] =	ssyncadd.s32 $0xFFFFC000  }
0x35: {  	[spmem:s8] =	stream.linear.scatter [tilespmem:s17], [sflag:$0x2], $0x4000, $0x38;
	[tilespmem:$0x1CC00] =	vst v63  }
0x36: {  	_ =	swait.ge [sflag:s18], $0x4000  }
0x37: {  	[sflag:s18] =	ssyncset.done $0x0  }
0x38: {  	[sflag:s18] =	ssyncadd.s32 $0xFFFFC000  }
0x39: {  	[spmem:s9] =	stream.linear.scatter [tilespmem:s17], [sflag:$0x2], $0x3C00, $0x38;
	[tilespmem:$0x1CC00] =	vst v63  }
0x3a: {  	_ =	swait.ge [sflag:s18], $0x3C00  }
0x3b: {  	[sflag:s18] =	ssyncset.done $0x0  }
0x3c: {  	[sflag:s18] =	ssyncadd.s32 $0xFFFFC400  }
0x3d: {  	[bflag:$0x0] =	sbarrier.arrive $0xFFFF  }
0x3e: {  	s7 =	rddreg [dreg:$0x5]  }
0x3f: {  	s5 =	sadd.s32 $0x0, s7  }
0x40: {  	[tilespmem:s3], [sflag:$0x2] =	stream.linear.gather [hbm4b:s5+s3], $0x800, $0x38;
	[tilespmem:$0x1CC00] =	vst v63  }
0x41: {  	_ =	swait.ge [sflag:s18], $0x800  }
0x42: {  	s8 =	rddreg [dreg:$0x4];
	[sflag:s18] =	ssyncset.done $0x0  }
0x43: {  	[sflag:s18] =	ssyncadd.s32 $0xFFFFF800;
	s5 =	sadd.s32 $0x0, s8  }
0x44: {  	[tilespmem:s19], [sflag:$0x2] =	stream.linear.gather [hbm4b:s5+s3], $0x800, $0x38;
	[tilespmem:$0x1CC00] =	vst v63  }
0x45: {  	_ =	swait.ge [sflag:s18], $0x800  }
0x46: {  	[sflag:s18] =	ssyncset.done $0x0  }
0x47: {  	[sflag:s18] =	ssyncadd.s32 $0xFFFFF800  }
0x48: {  	[tilespmem:s17], [sflag:$0x1] =	stream.indirect.gather [hbm4b:s10+s20], $0x80, s3, s20, $0xb8;
	[tilespmem:$0x1CC00] =	vst v63  }
0x49: {  	_ =	swait.ge [sflag:s21], $0x4000  }
0x4a: {  	[sflag:s21] =	ssyncset.done $0x0  }
0x4b: {  	[sflag:s21] =	ssyncadd.s32 $0xFFFFC000  }
0x4c: {  	[tilespmem:s22], [sflag:$0x1] =	stream.indirect.gather [hbm4b:s10+s20], $0x80, s20, s20, $0xb8;
	[tilespmem:$0x1CC00] =	vst v63  }
0x4d: {  	_ = 	snop  }
0x4e: {  	[spmem:s2] =	stream.indirect.scatter.add.f32 [tilespmem:s17], [sflag:$0x2], $0x80, s19, s20, $0xb8;
	[tilespmem:$0x1CC00] =	vst v63  }
0x4f: {  	_ =	swait.ge [sflag:s18], $0x4000  }
0x50: {  	[sflag:s18] =	ssyncset.done $0x0  }
0x51: {  	[sflag:s18] =	ssyncadd.s32 $0xFFFFC000  }
0x52: {  	_ =	swait.ge [sflag:s21], $0x4000  }
0x53: {  	[sflag:s21] =	ssyncset.done $0x0  }
0x54: {  	s9 =	rddreg [dreg:$0x6];
	[sflag:s21] =	ssyncadd.s32 $0xFFFFC000  }
0x55: {  	[tilespmem:s17], [sflag:$0x1] =	stream.indirect.gather [hbm4b:s10+s20], $0x80, s9, s20, $0xb8;
	[tilespmem:$0x1CC00] =	vst v63  }
0x56: {  	s7 =	rddreg [dreg:$0x7]  }
0x57: {  	[spmem:s2] =	stream.indirect.scatter.add.f32 [tilespmem:s22], [sflag:$0x2], $0x80, s7, s20, $0xb8;
	[tilespmem:$0x1CC00] =	vst v63  }
0x58: {  	_ =	swait.ge [sflag:s18], $0x4000  }
0x59: {  	[sflag:s18] =	ssyncset.done $0x0  }
0x5a: {  	[sflag:s18] =	ssyncadd.s32 $0xFFFFC000  }
0x5b: {  	_ =	swait.ge [sflag:s21], $0x4000  }
0x5c: {  	[sflag:s21] =	ssyncset.done $0x0  }
0x5d: {  	s9 =	rddreg [dreg:$0x8];
	[sflag:s21] =	ssyncadd.s32 $0xFFFFC000  }
0x5e: {  	[tilespmem:s22], [sflag:$0x1] =	stream.indirect.gather [hbm4b:s10+s20], $0x80, s9, s20, $0xb8;
	[tilespmem:$0x1CC00] =	vst v63  }
0x5f: {  	s7 =	rddreg [dreg:$0x9]  }
0x60: {  	[spmem:s2] =	stream.indirect.scatter.add.f32 [tilespmem:s17], [sflag:$0x2], $0x80, s7, s20, $0xb8;
	[tilespmem:$0x1CC00] =	vst v63  }
0x61: {  	_ =	swait.ge [sflag:s18], $0x4000  }
0x62: {  	[sflag:s18] =	ssyncset.done $0x0  }
0x63: {  	[sflag:s18] =	ssyncadd.s32 $0xFFFFC000  }
0x64: {  	_ =	swait.ge [sflag:s21], $0x4000  }
0x65: {  	[sflag:s21] =	ssyncset.done $0x0  }
0x66: {  	s9 =	rddreg [dreg:$0xa];
	[sflag:s21] =	ssyncadd.s32 $0xFFFFC000  }
0x67: {  	[tilespmem:s17], [sflag:$0x1] =	stream.indirect.gather [hbm4b:s10+s20], $0x80, s9, s20, $0xb8;
	[tilespmem:$0x1CC00] =	vst v63  }
0x68: {  	s7 =	rddreg [dreg:$0xb]  }
0x69: {  	[spmem:s2] =	stream.indirect.scatter.add.f32 [tilespmem:s22], [sflag:$0x2], $0x80, s7, s20, $0xb8;
	[tilespmem:$0x1CC00] =	vst v63  }
0x6a: {  	_ =	swait.ge [sflag:s18], $0x4000  }
0x6b: {  	[sflag:s18] =	ssyncset.done $0x0  }
0x6c: {  	[sflag:s18] =	ssyncadd.s32 $0xFFFFC000  }
0x6d: {  	_ =	swait.ge [sflag:s21], $0x4000  }
0x6e: {  	[sflag:s21] =	ssyncset.done $0x0  }
0x6f: {  	s9 =	rddreg [dreg:$0xc];
	[sflag:s21] =	ssyncadd.s32 $0xFFFFC000  }
0x70: {  	[tilespmem:s22], [sflag:$0x1] =	stream.indirect.gather [hbm4b:s10+s20], $0x80, s9, s20, $0xb8;
	[tilespmem:$0x1CC00] =	vst v63  }
0x71: {  	s7 =	rddreg [dreg:$0xd]  }
0x72: {  	[spmem:s2] =	stream.indirect.scatter.add.f32 [tilespmem:s17], [sflag:$0x2], $0x80, s7, s20, $0xb8;
	[tilespmem:$0x1CC00] =	vst v63  }
0x73: {  	_ =	swait.ge [sflag:s18], $0x4000  }
0x74: {  	[sflag:s18] =	ssyncset.done $0x0  }
0x75: {  	[sflag:s18] =	ssyncadd.s32 $0xFFFFC000  }
0x76: {  	_ =	swait.ge [sflag:s21], $0x4000  }
0x77: {  	[sflag:s21] =	ssyncset.done $0x0  }
0x78: {  	s9 =	rddreg [dreg:$0xe];
	[sflag:s21] =	ssyncadd.s32 $0xFFFFC000  }
0x79: {  	[tilespmem:s17], [sflag:$0x1] =	stream.indirect.gather [hbm4b:s10+s20], $0x80, s9, s20, $0xb8;
	[tilespmem:$0x1CC00] =	vst v63  }
0x7a: {  	s7 =	rddreg [dreg:$0xf]  }
0x7b: {  	[spmem:s2] =	stream.indirect.scatter.add.f32 [tilespmem:s22], [sflag:$0x2], $0x80, s7, s20, $0xb8;
	[tilespmem:$0x1CC00] =	vst v63  }
0x7c: {  	_ =	swait.ge [sflag:s18], $0x4000  }
0x7d: {  	[sflag:s18] =	ssyncset.done $0x0  }
0x7e: {  	[sflag:s18] =	ssyncadd.s32 $0xFFFFC000  }
0x7f: {  	_ =	swait.ge [sflag:s21], $0x4000  }
0x80: {  	[sflag:s21] =	ssyncset.done $0x0  }
0x81: {  	s9 =	rddreg [dreg:$0x10];
	[sflag:s21] =	ssyncadd.s32 $0xFFFFC000  }
0x82: {  	[tilespmem:s22], [sflag:$0x1] =	stream.indirect.gather [hbm4b:s10+s20], $0x80, s9, s20, $0xb8;
	[tilespmem:$0x1CC00] =	vst v63  }
0x83: {  	_ = 	snop  }
0x84: {  	[spmem:s2] =	stream.indirect.scatter.add.f32 [tilespmem:s17], [sflag:$0x2], $0x80, s23, s20, $0xb8;
	[tilespmem:$0x1CC00] =	vst v63  }
0x85: {  	_ =	swait.ge [sflag:s18], $0x4000  }
0x86: {  	[sflag:s18] =	ssyncset.done $0x0  }
0x87: {  	[sflag:s18] =	ssyncadd.s32 $0xFFFFC000  }
0x88: {  	_ =	swait.ge [sflag:s21], $0x4000  }
0x89: {  	[sflag:s21] =	ssyncset.done $0x0  }
0x8a: {  	[sflag:s21] =	ssyncadd.s32 $0xFFFFC000  }
0x8b: {  	[tilespmem:s17], [sflag:$0x1] =	stream.indirect.gather [hbm4b:s10+s20], $0x80, s24, s20, $0xb8;
	[tilespmem:$0x1CC00] =	vst v63  }
0x8c: {  	_ = 	snop  }
0x8d: {  	[spmem:s2] =	stream.indirect.scatter.add.f32 [tilespmem:s22], [sflag:$0x2], $0x80, s25, s20, $0xb8;
	[tilespmem:$0x1CC00] =	vst v63  }
0x8e: {  	_ =	swait.ge [sflag:s18], $0x4000  }
0x8f: {  	[sflag:s18] =	ssyncset.done $0x0  }
0x90: {  	[sflag:s18] =	ssyncadd.s32 $0xFFFFC000  }
0x91: {  	_ =	swait.ge [sflag:s21], $0x4000  }
0x92: {  	[sflag:s21] =	ssyncset.done $0x0  }
0x93: {  	[sflag:s21] =	ssyncadd.s32 $0xFFFFC000  }
0x94: {  	[tilespmem:s22], [sflag:$0x1] =	stream.indirect.gather [hbm4b:s10+s20], $0x80, s26, s20, $0xb8;
	[tilespmem:$0x1CC00] =	vst v63  }
0x95: {  	_ = 	snop  }
0x96: {  	[spmem:s2] =	stream.indirect.scatter.add.f32 [tilespmem:s17], [sflag:$0x2], $0x80, s28, s20, $0xb8;
	[tilespmem:$0x1CC00] =	vst v63  }
0x97: {  	_ =	swait.ge [sflag:s18], $0x4000  }
0x98: {  	[sflag:s18] =	ssyncset.done $0x0  }
0x99: {  	[sflag:s18] =	ssyncadd.s32 $0xFFFFC000  }
0x9a: {  	_ =	swait.ge [sflag:s21], $0x4000  }
0x9b: {  	[sflag:s21] =	ssyncset.done $0x0  }
0x9c: {  	[sflag:s21] =	ssyncadd.s32 $0xFFFFC000  }
0x9d: {  	[tilespmem:s17], [sflag:$0x1] =	stream.indirect.gather [hbm4b:s10+s20], $0x80, s29, s20, $0xb8;
	[tilespmem:$0x1CC00] =	vst v63  }
0x9e: {  	_ = 	snop  }
0x9f: {  	[spmem:s2] =	stream.indirect.scatter.add.f32 [tilespmem:s22], [sflag:$0x2], $0x80, s30, s20, $0xb8;
	[tilespmem:$0x1CC00] =	vst v63  }
0xa0: {  	_ =	swait.ge [sflag:s18], $0x4000  }
0xa1: {  	[sflag:s18] =	ssyncset.done $0x0  }
0xa2: {  	[sflag:s18] =	ssyncadd.s32 $0xFFFFC000  }
0xa3: {  	_ =	swait.ge [sflag:s21], $0x4000  }
0xa4: {  	[sflag:s21] =	ssyncset.done $0x0  }
0xa5: {  	[sflag:s21] =	ssyncadd.s32 $0xFFFFC000  }
0xa6: {  	[tilespmem:s22], [sflag:$0x1] =	stream.indirect.gather [hbm4b:s10+s20], $0x80, s31, s20, $0xb8;
	[tilespmem:$0x1CC00] =	vst v63  }
0xa7: {  	_ = 	snop  }
0xa8: {  	[spmem:s2] =	stream.indirect.scatter.add.f32 [tilespmem:s17], [sflag:$0x2], $0x80, s0, s20, $0xb8;
	[tilespmem:$0x1CC00] =	vst v63  }
0xa9: {  	_ =	swait.ge [sflag:s18], $0x4000  }
0xaa: {  	[sflag:s18] =	ssyncset.done $0x0  }
0xab: {  	[sflag:s18] =	ssyncadd.s32 $0xFFFFC000  }
0xac: {  	_ =	swait.ge [sflag:s21], $0x4000  }
0xad: {  	[sflag:s21] =	ssyncset.done $0x0  }
0xae: {  	[sflag:s21] =	ssyncadd.s32 $0xFFFFC000  }
0xaf: {  	[tilespmem:s17], [sflag:$0x1] =	stream.indirect.gather [hbm4b:s10+s20], $0x80, s1, s20, $0xb8;
	[tilespmem:$0x1CC00] =	vst v63  }
0xb0: {  	_ = 	snop  }
0xb1: {  	[spmem:s2] =	stream.indirect.scatter.add.f32 [tilespmem:s22], [sflag:$0x2], $0x80, s4, s20, $0xb8;
	[tilespmem:$0x1CC00] =	vst v63  }
0xb2: {  	_ =	swait.ge [sflag:s18], $0x4000  }
0xb3: {  	[sflag:s18] =	ssyncset.done $0x0  }
0xb4: {  	[sflag:s18] =	ssyncadd.s32 $0xFFFFC000  }
0xb5: {  	_ =	swait.ge [sflag:s21], $0x4000  }
0xb6: {  	[sflag:s21] =	ssyncset.done $0x0  }
0xb7: {  	[sflag:s21] =	ssyncadd.s32 $0xFFFFC000  }
0xb8: {  	[tilespmem:s22], [sflag:$0x1] =	stream.indirect.gather [hbm4b:s10+s20], $0x80, s11, s20, $0xb8;
	[tilespmem:$0x1CC00] =	vst v63  }
0xb9: {  	_ = 	snop  }
0xba: {  	[spmem:s2] =	stream.indirect.scatter.add.f32 [tilespmem:s17], [sflag:$0x2], $0x80, s12, s20, $0xb8;
	[tilespmem:$0x1CC00] =	vst v63  }
0xbb: {  	_ =	swait.ge [sflag:s18], $0x4000  }
0xbc: {  	[sflag:s18] =	ssyncset.done $0x0  }
0xbd: {  	[sflag:s18] =	ssyncadd.s32 $0xFFFFC000  }
0xbe: {  	_ =	swait.ge [sflag:s21], $0x4000  }
0xbf: {  	[sflag:s21] =	ssyncset.done $0x0  }
0xc0: {  	[sflag:s21] =	ssyncadd.s32 $0xFFFFC000  }
0xc1: {  	[tilespmem:s17], [sflag:$0x1] =	stream.indirect.gather [hbm4b:s10+s20], $0x80, s13, s20, $0xb8;
	[tilespmem:$0x1CC00] =	vst v63  }
0xc2: {  	_ = 	snop  }
0xc3: {  	[spmem:s2] =	stream.indirect.scatter.add.f32 [tilespmem:s22], [sflag:$0x2], $0x80, s14, s20, $0xb8;
	[tilespmem:$0x1CC00] =	vst v63  }
0xc4: {  	_ =	swait.ge [sflag:s18], $0x4000  }
0xc5: {  	[sflag:s18] =	ssyncset.done $0x0  }
0xc6: {  	[sflag:s18] =	ssyncadd.s32 $0xFFFFC000  }
0xc7: {  	_ =	swait.ge [sflag:s21], $0x4000  }
0xc8: {  	[sflag:s21] =	ssyncset.done $0x0  }
0xc9: {  	[sflag:s21] =	ssyncadd.s32 $0xFFFFC000  }
0xca: {  	[tilespmem:s22], [sflag:$0x1] =	stream.indirect.gather [hbm4b:s10+s20], $0x80, s15, s20, $0xb8;
	[tilespmem:$0x1CC00] =	vst v63  }
0xcb: {  	_ = 	snop  }
0xcc: {  	[spmem:s2] =	stream.indirect.scatter.add.f32 [tilespmem:s17], [sflag:$0x2], $0x80, s16, s20, $0xb8;
	[tilespmem:$0x1CC00] =	vst v63  }
0xcd: {  	_ =	swait.ge [sflag:s18], $0x4000  }
0xce: {  	[sflag:s18] =	ssyncset.done $0x0  }
0xcf: {  	[sflag:s18] =	ssyncadd.s32 $0xFFFFC000  }
0xd0: {  	_ =	swait.ge [sflag:s21], $0x4000  }
0xd1: {  	[sflag:s21] =	ssyncset.done $0x0  }
0xd2: {  	[sflag:s21] =	ssyncadd.s32 $0xFFFFC000  }
0xd3: {  	[spmem:s2] =	stream.indirect.scatter.add.f32 [tilespmem:s22], [sflag:$0x2], $0x80, s6, s20, $0xb8;
	[tilespmem:$0x1CC00] =	vst v63  }
0xd4: {  	s8 =	simm.s32 $0x100;
	_ =	swait.ge [sflag:s18], $0x4000  }
0xd5: {  	s9 =	simm.s32 $0x200;
	s5 =	rddreg [dreg:$0x5];
	[sflag:s18] =	ssyncset.done $0x0  }
.LBB2_2:
0xd6: {  	[sflag:s18] =	ssyncadd.s32 $0xFFFFC000;
	s5 =	sadd.s32 s8, s5  }
0xd7: {  	[tilespmem:s3], [sflag:$0x2] =	stream.linear.gather [hbm4b:s5+s3], $0x800, $0x38;
	[tilespmem:$0x1CC00] =	vst v63  }
0xd8: {  	_ =	swait.ge [sflag:s18], $0x800  }
0xd9: {  	s5 =	rddreg [dreg:$0x4];
	[sflag:s18] =	ssyncset.done $0x0  }
0xda: {  	[sflag:s18] =	ssyncadd.s32 $0xFFFFF800;
	s5 =	sadd.s32 s8, s5  }
0xdb: {  	[tilespmem:s19], [sflag:$0x2] =	stream.linear.gather [hbm4b:s5+s3], $0x800, $0x38;
	[tilespmem:$0x1CC00] =	vst v63  }
0xdc: {  	_ =	swait.ge [sflag:s18], $0x800  }
0xdd: {  	[sflag:s18] =	ssyncset.done $0x0  }
0xde: {  	[sflag:s18] =	ssyncadd.s32 $0xFFFFF800  }
0xdf: {  	[tilespmem:s17], [sflag:$0x1] =	stream.indirect.gather [hbm4b:s10+s20], $0x80, s3, s20, $0xb8;
	[tilespmem:$0x1CC00] =	vst v63  }
0xe0: {  	_ =	swait.ge [sflag:s21], $0x4000  }
0xe1: {  	[sflag:s21] =	ssyncset.done $0x0  }
0xe2: {  	[sflag:s21] =	ssyncadd.s32 $0xFFFFC000  }
0xe3: {  	[tilespmem:s22], [sflag:$0x1] =	stream.indirect.gather [hbm4b:s10+s20], $0x80, s20, s20, $0xb8;
	[tilespmem:$0x1CC00] =	vst v63  }
0xe4: {  	_ = 	snop  }
0xe5: {  	[spmem:s2] =	stream.indirect.scatter.add.f32 [tilespmem:s17], [sflag:$0x2], $0x80, s19, s20, $0xb8;
	[tilespmem:$0x1CC00] =	vst v63  }
0xe6: {  	_ =	swait.ge [sflag:s18], $0x4000  }
0xe7: {  	[sflag:s18] =	ssyncset.done $0x0  }
0xe8: {  	[sflag:s18] =	ssyncadd.s32 $0xFFFFC000  }
0xe9: {  	_ =	swait.ge [sflag:s21], $0x4000  }
0xea: {  	[sflag:s21] =	ssyncset.done $0x0  }
0xeb: {  	s7 =	smov.u32 s9;
	s5 =	rddreg [dreg:$0x6];
	[sflag:s21] =	ssyncadd.s32 $0xFFFFC000  }
0xec: {  	[tilespmem:s17], [sflag:$0x1] =	stream.indirect.gather [hbm4b:s10+s20], $0x80, s5, s20, $0xb8;
	[tilespmem:$0x1CC00] =	vst v63  }
0xed: {  	s8 =	smov.u32 s7;
	s7 =	rddreg [dreg:$0x7]  }
0xee: {  	[spmem:s2] =	stream.indirect.scatter.add.f32 [tilespmem:s22], [sflag:$0x2], $0x80, s7, s20, $0xb8;
	[tilespmem:$0x1CC00] =	vst v63  }
0xef: {  	_ =	swait.ge [sflag:s18], $0x4000  }
0xf0: {  	[sflag:s18] =	ssyncset.done $0x0  }
0xf1: {  	[sflag:s18] =	ssyncadd.s32 $0xFFFFC000  }
0xf2: {  	_ =	swait.ge [sflag:s21], $0x4000  }
0xf3: {  	[sflag:s21] =	ssyncset.done $0x0  }
0xf4: {  	s5 =	rddreg [dreg:$0x8];
	[sflag:s21] =	ssyncadd.s32 $0xFFFFC000  }
0xf5: {  	[tilespmem:s22], [sflag:$0x1] =	stream.indirect.gather [hbm4b:s10+s20], $0x80, s5, s20, $0xb8;
	[tilespmem:$0x1CC00] =	vst v63  }
0xf6: {  	s7 =	rddreg [dreg:$0x9]  }
0xf7: {  	[spmem:s2] =	stream.indirect.scatter.add.f32 [tilespmem:s17], [sflag:$0x2], $0x80, s7, s20, $0xb8;
	[tilespmem:$0x1CC00] =	vst v63  }
0xf8: {  	_ =	swait.ge [sflag:s18], $0x4000  }
0xf9: {  	[sflag:s18] =	ssyncset.done $0x0  }
0xfa: {  	[sflag:s18] =	ssyncadd.s32 $0xFFFFC000  }
0xfb: {  	_ =	swait.ge [sflag:s21], $0x4000  }
0xfc: {  	[sflag:s21] =	ssyncset.done $0x0  }
0xfd: {  	s5 =	rddreg [dreg:$0xa];
	[sflag:s21] =	ssyncadd.s32 $0xFFFFC000  }
0xfe: {  	[tilespmem:s17], [sflag:$0x1] =	stream.indirect.gather [hbm4b:s10+s20], $0x80, s5, s20, $0xb8;
	[tilespmem:$0x1CC00] =	vst v63  }
0xff: {  	s7 =	rddreg [dreg:$0xb]  }
0x100: {  	[spmem:s2] =	stream.indirect.scatter.add.f32 [tilespmem:s22], [sflag:$0x2], $0x80, s7, s20, $0xb8;
	[tilespmem:$0x1CC00] =	vst v63  }
0x101: {  	_ =	swait.ge [sflag:s18], $0x4000  }
0x102: {  	[sflag:s18] =	ssyncset.done $0x0  }
0x103: {  	[sflag:s18] =	ssyncadd.s32 $0xFFFFC000  }
0x104: {  	_ =	swait.ge [sflag:s21], $0x4000  }
0x105: {  	[sflag:s21] =	ssyncset.done $0x0  }
0x106: {  	s5 =	rddreg [dreg:$0xc];
	[sflag:s21] =	ssyncadd.s32 $0xFFFFC000  }
0x107: {  	[tilespmem:s22], [sflag:$0x1] =	stream.indirect.gather [hbm4b:s10+s20], $0x80, s5, s20, $0xb8;
	[tilespmem:$0x1CC00] =	vst v63  }
0x108: {  	s7 =	rddreg [dreg:$0xd]  }
0x109: {  	[spmem:s2] =	stream.indirect.scatter.add.f32 [tilespmem:s17], [sflag:$0x2], $0x80, s7, s20, $0xb8;
	[tilespmem:$0x1CC00] =	vst v63  }
0x10a: {  	_ =	swait.ge [sflag:s18], $0x4000  }
0x10b: {  	[sflag:s18] =	ssyncset.done $0x0  }
0x10c: {  	[sflag:s18] =	ssyncadd.s32 $0xFFFFC000  }
0x10d: {  	_ =	swait.ge [sflag:s21], $0x4000  }
0x10e: {  	[sflag:s21] =	ssyncset.done $0x0  }
0x10f: {  	s5 =	rddreg [dreg:$0xe];
	[sflag:s21] =	ssyncadd.s32 $0xFFFFC000  }
0x110: {  	[tilespmem:s17], [sflag:$0x1] =	stream.indirect.gather [hbm4b:s10+s20], $0x80, s5, s20, $0xb8;
	[tilespmem:$0x1CC00] =	vst v63  }
0x111: {  	s7 =	rddreg [dreg:$0xf]  }
0x112: {  	[spmem:s2] =	stream.indirect.scatter.add.f32 [tilespmem:s22], [sflag:$0x2], $0x80, s7, s20, $0xb8;
	[tilespmem:$0x1CC00] =	vst v63  }
0x113: {  	_ =	swait.ge [sflag:s18], $0x4000  }
0x114: {  	[sflag:s18] =	ssyncset.done $0x0  }
0x115: {  	[sflag:s18] =	ssyncadd.s32 $0xFFFFC000  }
0x116: {  	_ =	swait.ge [sflag:s21], $0x4000  }
0x117: {  	[sflag:s21] =	ssyncset.done $0x0  }
0x118: {  	s7 =	rddreg [dreg:$0x10];
	[sflag:s21] =	ssyncadd.s32 $0xFFFFC000  }
0x119: {  	[tilespmem:s22], [sflag:$0x1] =	stream.indirect.gather [hbm4b:s10+s20], $0x80, s7, s20, $0xb8;
	[tilespmem:$0x1CC00] =	vst v63  }
0x11a: {  	_ = 	snop  }
0x11b: {  	[spmem:s2] =	stream.indirect.scatter.add.f32 [tilespmem:s17], [sflag:$0x2], $0x80, s23, s20, $0xb8;
	[tilespmem:$0x1CC00] =	vst v63  }
0x11c: {  	_ =	swait.ge [sflag:s18], $0x4000  }
0x11d: {  	[sflag:s18] =	ssyncset.done $0x0  }
0x11e: {  	[sflag:s18] =	ssyncadd.s32 $0xFFFFC000  }
0x11f: {  	_ =	swait.ge [sflag:s21], $0x4000  }
0x120: {  	[sflag:s21] =	ssyncset.done $0x0  }
0x121: {  	[sflag:s21] =	ssyncadd.s32 $0xFFFFC000  }
0x122: {  	[tilespmem:s17], [sflag:$0x1] =	stream.indirect.gather [hbm4b:s10+s20], $0x80, s24, s20, $0xb8;
	[tilespmem:$0x1CC00] =	vst v63  }
0x123: {  	_ = 	snop  }
0x124: {  	[spmem:s2] =	stream.indirect.scatter.add.f32 [tilespmem:s22], [sflag:$0x2], $0x80, s25, s20, $0xb8;
	[tilespmem:$0x1CC00] =	vst v63  }
0x125: {  	_ =	swait.ge [sflag:s18], $0x4000  }
0x126: {  	[sflag:s18] =	ssyncset.done $0x0  }
0x127: {  	[sflag:s18] =	ssyncadd.s32 $0xFFFFC000  }
0x128: {  	_ =	swait.ge [sflag:s21], $0x4000  }
0x129: {  	[sflag:s21] =	ssyncset.done $0x0  }
0x12a: {  	[sflag:s21] =	ssyncadd.s32 $0xFFFFC000  }
0x12b: {  	[tilespmem:s22], [sflag:$0x1] =	stream.indirect.gather [hbm4b:s10+s20], $0x80, s26, s20, $0xb8;
	[tilespmem:$0x1CC00] =	vst v63  }
0x12c: {  	_ = 	snop  }
0x12d: {  	[spmem:s2] =	stream.indirect.scatter.add.f32 [tilespmem:s17], [sflag:$0x2], $0x80, s28, s20, $0xb8;
	[tilespmem:$0x1CC00] =	vst v63  }
0x12e: {  	_ =	swait.ge [sflag:s18], $0x4000  }
0x12f: {  	[sflag:s18] =	ssyncset.done $0x0  }
0x130: {  	[sflag:s18] =	ssyncadd.s32 $0xFFFFC000  }
0x131: {  	_ =	swait.ge [sflag:s21], $0x4000  }
0x132: {  	[sflag:s21] =	ssyncset.done $0x0  }
0x133: {  	[sflag:s21] =	ssyncadd.s32 $0xFFFFC000  }
0x134: {  	[tilespmem:s17], [sflag:$0x1] =	stream.indirect.gather [hbm4b:s10+s20], $0x80, s29, s20, $0xb8;
	[tilespmem:$0x1CC00] =	vst v63  }
0x135: {  	_ = 	snop  }
0x136: {  	[spmem:s2] =	stream.indirect.scatter.add.f32 [tilespmem:s22], [sflag:$0x2], $0x80, s30, s20, $0xb8;
	[tilespmem:$0x1CC00] =	vst v63  }
0x137: {  	_ =	swait.ge [sflag:s18], $0x4000  }
0x138: {  	[sflag:s18] =	ssyncset.done $0x0  }
0x139: {  	[sflag:s18] =	ssyncadd.s32 $0xFFFFC000  }
0x13a: {  	_ =	swait.ge [sflag:s21], $0x4000  }
0x13b: {  	[sflag:s21] =	ssyncset.done $0x0  }
0x13c: {  	[sflag:s21] =	ssyncadd.s32 $0xFFFFC000  }
0x13d: {  	[tilespmem:s22], [sflag:$0x1] =	stream.indirect.gather [hbm4b:s10+s20], $0x80, s31, s20, $0xb8;
	[tilespmem:$0x1CC00] =	vst v63  }
0x13e: {  	_ = 	snop  }
0x13f: {  	[spmem:s2] =	stream.indirect.scatter.add.f32 [tilespmem:s17], [sflag:$0x2], $0x80, s0, s20, $0xb8;
	[tilespmem:$0x1CC00] =	vst v63  }
0x140: {  	_ =	swait.ge [sflag:s18], $0x4000  }
0x141: {  	[sflag:s18] =	ssyncset.done $0x0  }
0x142: {  	[sflag:s18] =	ssyncadd.s32 $0xFFFFC000  }
0x143: {  	_ =	swait.ge [sflag:s21], $0x4000  }
0x144: {  	[sflag:s21] =	ssyncset.done $0x0  }
0x145: {  	[sflag:s21] =	ssyncadd.s32 $0xFFFFC000  }
0x146: {  	[tilespmem:s17], [sflag:$0x1] =	stream.indirect.gather [hbm4b:s10+s20], $0x80, s1, s20, $0xb8;
	[tilespmem:$0x1CC00] =	vst v63  }
0x147: {  	_ = 	snop  }
0x148: {  	[spmem:s2] =	stream.indirect.scatter.add.f32 [tilespmem:s22], [sflag:$0x2], $0x80, s4, s20, $0xb8;
	[tilespmem:$0x1CC00] =	vst v63  }
0x149: {  	_ =	swait.ge [sflag:s18], $0x4000  }
0x14a: {  	[sflag:s18] =	ssyncset.done $0x0  }
0x14b: {  	[sflag:s18] =	ssyncadd.s32 $0xFFFFC000  }
0x14c: {  	_ =	swait.ge [sflag:s21], $0x4000  }
0x14d: {  	[sflag:s21] =	ssyncset.done $0x0  }
0x14e: {  	[sflag:s21] =	ssyncadd.s32 $0xFFFFC000  }
0x14f: {  	[tilespmem:s22], [sflag:$0x1] =	stream.indirect.gather [hbm4b:s10+s20], $0x80, s11, s20, $0xb8;
	[tilespmem:$0x1CC00] =	vst v63  }
0x150: {  	_ = 	snop  }
0x151: {  	[spmem:s2] =	stream.indirect.scatter.add.f32 [tilespmem:s17], [sflag:$0x2], $0x80, s12, s20, $0xb8;
	[tilespmem:$0x1CC00] =	vst v63  }
0x152: {  	_ =	swait.ge [sflag:s18], $0x4000  }
0x153: {  	[sflag:s18] =	ssyncset.done $0x0  }
0x154: {  	[sflag:s18] =	ssyncadd.s32 $0xFFFFC000  }
0x155: {  	_ =	swait.ge [sflag:s21], $0x4000  }
0x156: {  	[sflag:s21] =	ssyncset.done $0x0  }
0x157: {  	[sflag:s21] =	ssyncadd.s32 $0xFFFFC000  }
0x158: {  	[tilespmem:s17], [sflag:$0x1] =	stream.indirect.gather [hbm4b:s10+s20], $0x80, s13, s20, $0xb8;
	[tilespmem:$0x1CC00] =	vst v63  }
0x159: {  	_ = 	snop  }
0x15a: {  	[spmem:s2] =	stream.indirect.scatter.add.f32 [tilespmem:s22], [sflag:$0x2], $0x80, s14, s20, $0xb8;
	[tilespmem:$0x1CC00] =	vst v63  }
0x15b: {  	_ =	swait.ge [sflag:s18], $0x4000  }
0x15c: {  	[sflag:s18] =	ssyncset.done $0x0  }
0x15d: {  	[sflag:s18] =	ssyncadd.s32 $0xFFFFC000  }
0x15e: {  	_ =	swait.ge [sflag:s21], $0x4000  }
0x15f: {  	[sflag:s21] =	ssyncset.done $0x0  }
0x160: {  	[sflag:s21] =	ssyncadd.s32 $0xFFFFC000  }
0x161: {  	[tilespmem:s22], [sflag:$0x1] =	stream.indirect.gather [hbm4b:s10+s20], $0x80, s15, s20, $0xb8;
	[tilespmem:$0x1CC00] =	vst v63  }
0x162: {  	_ = 	snop  }
0x163: {  	[spmem:s2] =	stream.indirect.scatter.add.f32 [tilespmem:s17], [sflag:$0x2], $0x80, s16, s20, $0xb8;
	[tilespmem:$0x1CC00] =	vst v63  }
0x164: {  	_ =	swait.ge [sflag:s18], $0x4000  }
0x165: {  	[sflag:s18] =	ssyncset.done $0x0  }
0x166: {  	[sflag:s18] =	ssyncadd.s32 $0xFFFFC000  }
0x167: {  	p0 =	sne.s32 s9, $0x900;
	_ =	swait.ge [sflag:s21], $0x4000  }
.Ltmp0:
0x168: {  	[sflag:s21] =	ssyncset.done $0x0;
	(pc) =	sbr.rel @p0 .LBB2_2-.Ltmp0, $4  }
0x169: {  	[sflag:s21] =	ssyncadd.s32 $0xFFFFC000  }
0x16a: {  	[spmem:s2] =	stream.indirect.scatter.add.f32 [tilespmem:s22], [sflag:$0x2], $0x80, s6, s20, $0xb8;
	[tilespmem:$0x1CC00] =	vst v63  }
0x16b: {  	_ =	swait.ge [sflag:s18], $0x4000  }
0x16c: {  	s9 =	sadd.s32 $0x100, s9;
	s5 =	rddreg [dreg:$0x5];
	[sflag:s18] =	ssyncset.done $0x0  }
0x16d: {  	[sflag:s18] =	ssyncadd.s32 $0xFFFFC000;
	s5 =	sadd.s32 s8, s5  }
0x16e: {  	[tilespmem:s3], [sflag:$0x2] =	stream.linear.gather [hbm4b:s5+s3], $0x800, $0x38;
	[tilespmem:$0x1CC00] =	vst v63  }
0x16f: {  	_ =	swait.ge [sflag:s18], $0x800  }
0x170: {  	s7 =	rddreg [dreg:$0x4];
	[sflag:s18] =	ssyncset.done $0x0  }
0x171: {  	[sflag:s18] =	ssyncadd.s32 $0xFFFFF800;
	s5 =	sadd.s32 s8, s7  }
0x172: {  	[tilespmem:s19], [sflag:$0x2] =	stream.linear.gather [hbm4b:s5+s3], $0x800, $0x38;
	[tilespmem:$0x1CC00] =	vst v63  }
0x173: {  	_ =	swait.ge [sflag:s18], $0x800  }
0x174: {  	[sflag:s18] =	ssyncset.done $0x0  }
0x175: {  	[sflag:s18] =	ssyncadd.s32 $0xFFFFF800  }
0x176: {  	[tilespmem:s17], [sflag:$0x1] =	stream.indirect.gather [hbm4b:s10+s20], $0x80, s3, s20, $0xb8;
	[tilespmem:$0x1CC00] =	vst v63  }
0x177: {  	_ =	swait.ge [sflag:s21], $0x4000  }
0x178: {  	[sflag:s21] =	ssyncset.done $0x0  }
0x179: {  	[sflag:s21] =	ssyncadd.s32 $0xFFFFC000  }
0x17a: {  	[tilespmem:s22], [sflag:$0x1] =	stream.indirect.gather [hbm4b:s10+s20], $0x80, s20, s20, $0xb8;
	[tilespmem:$0x1CC00] =	vst v63  }
0x17b: {  	_ = 	snop  }
0x17c: {  	[spmem:s2] =	stream.indirect.scatter.add.f32 [tilespmem:s17], [sflag:$0x2], $0x80, s19, s20, $0xb8;
	[tilespmem:$0x1CC00] =	vst v63  }
0x17d: {  	_ =	swait.ge [sflag:s18], $0x4000  }
0x17e: {  	[sflag:s18] =	ssyncset.done $0x0  }
0x17f: {  	[sflag:s18] =	ssyncadd.s32 $0xFFFFC000  }
0x180: {  	_ =	swait.ge [sflag:s21], $0x4000  }
0x181: {  	[sflag:s21] =	ssyncset.done $0x0  }
0x182: {  	s9 =	rddreg [dreg:$0x6];
	[sflag:s21] =	ssyncadd.s32 $0xFFFFC000  }
0x183: {  	[tilespmem:s17], [sflag:$0x1] =	stream.indirect.gather [hbm4b:s10+s20], $0x80, s9, s20, $0xb8;
	[tilespmem:$0x1CC00] =	vst v63  }
0x184: {  	s7 =	rddreg [dreg:$0x7]  }
0x185: {  	[spmem:s2] =	stream.indirect.scatter.add.f32 [tilespmem:s22], [sflag:$0x2], $0x80, s7, s20, $0xb8;
	[tilespmem:$0x1CC00] =	vst v63  }
0x186: {  	_ =	swait.ge [sflag:s18], $0x4000  }
0x187: {  	[sflag:s18] =	ssyncset.done $0x0  }
0x188: {  	[sflag:s18] =	ssyncadd.s32 $0xFFFFC000  }
0x189: {  	_ =	swait.ge [sflag:s21], $0x4000  }
0x18a: {  	[sflag:s21] =	ssyncset.done $0x0  }
0x18b: {  	s8 =	rddreg [dreg:$0x8];
	[sflag:s21] =	ssyncadd.s32 $0xFFFFC000  }
0x18c: {  	[tilespmem:s22], [sflag:$0x1] =	stream.indirect.gather [hbm4b:s10+s20], $0x80, s8, s20, $0xb8;
	[tilespmem:$0x1CC00] =	vst v63  }
0x18d: {  	s9 =	rddreg [dreg:$0x9]  }
0x18e: {  	[spmem:s2] =	stream.indirect.scatter.add.f32 [tilespmem:s17], [sflag:$0x2], $0x80, s9, s20, $0xb8;
	[tilespmem:$0x1CC00] =	vst v63  }
0x18f: {  	_ =	swait.ge [sflag:s18], $0x4000  }
0x190: {  	[sflag:s18] =	ssyncset.done $0x0  }
0x191: {  	[sflag:s18] =	ssyncadd.s32 $0xFFFFC000  }
0x192: {  	_ =	swait.ge [sflag:s21], $0x4000  }
0x193: {  	[sflag:s21] =	ssyncset.done $0x0  }
0x194: {  	s8 =	rddreg [dreg:$0xa];
	[sflag:s21] =	ssyncadd.s32 $0xFFFFC000  }
0x195: {  	[tilespmem:s17], [sflag:$0x1] =	stream.indirect.gather [hbm4b:s10+s20], $0x80, s8, s20, $0xb8;
	[tilespmem:$0x1CC00] =	vst v63  }
0x196: {  	s9 =	rddreg [dreg:$0xb]  }
0x197: {  	[spmem:s2] =	stream.indirect.scatter.add.f32 [tilespmem:s22], [sflag:$0x2], $0x80, s9, s20, $0xb8;
	[tilespmem:$0x1CC00] =	vst v63  }
0x198: {  	_ =	swait.ge [sflag:s18], $0x4000  }
0x199: {  	[sflag:s18] =	ssyncset.done $0x0  }
0x19a: {  	[sflag:s18] =	ssyncadd.s32 $0xFFFFC000  }
0x19b: {  	_ =	swait.ge [sflag:s21], $0x4000  }
0x19c: {  	[sflag:s21] =	ssyncset.done $0x0  }
0x19d: {  	s8 =	rddreg [dreg:$0xc];
	[sflag:s21] =	ssyncadd.s32 $0xFFFFC000  }
0x19e: {  	[tilespmem:s22], [sflag:$0x1] =	stream.indirect.gather [hbm4b:s10+s20], $0x80, s8, s20, $0xb8;
	[tilespmem:$0x1CC00] =	vst v63  }
0x19f: {  	s9 =	rddreg [dreg:$0xd]  }
0x1a0: {  	[spmem:s2] =	stream.indirect.scatter.add.f32 [tilespmem:s17], [sflag:$0x2], $0x80, s9, s20, $0xb8;
	[tilespmem:$0x1CC00] =	vst v63  }
0x1a1: {  	_ =	swait.ge [sflag:s18], $0x4000  }
0x1a2: {  	[sflag:s18] =	ssyncset.done $0x0  }
0x1a3: {  	[sflag:s18] =	ssyncadd.s32 $0xFFFFC000  }
0x1a4: {  	_ =	swait.ge [sflag:s21], $0x4000  }
0x1a5: {  	[sflag:s21] =	ssyncset.done $0x0  }
0x1a6: {  	s8 =	rddreg [dreg:$0xe];
	[sflag:s21] =	ssyncadd.s32 $0xFFFFC000  }
0x1a7: {  	[tilespmem:s17], [sflag:$0x1] =	stream.indirect.gather [hbm4b:s10+s20], $0x80, s8, s20, $0xb8;
	[tilespmem:$0x1CC00] =	vst v63  }
0x1a8: {  	s9 =	rddreg [dreg:$0xf]  }
0x1a9: {  	[spmem:s2] =	stream.indirect.scatter.add.f32 [tilespmem:s22], [sflag:$0x2], $0x80, s9, s20, $0xb8;
	[tilespmem:$0x1CC00] =	vst v63  }
0x1aa: {  	_ =	swait.ge [sflag:s18], $0x4000  }
0x1ab: {  	[sflag:s18] =	ssyncset.done $0x0  }
0x1ac: {  	[sflag:s18] =	ssyncadd.s32 $0xFFFFC000  }
0x1ad: {  	_ =	swait.ge [sflag:s21], $0x4000  }
0x1ae: {  	[sflag:s21] =	ssyncset.done $0x0  }
0x1af: {  	s7 =	rddreg [dreg:$0x10];
	[sflag:s21] =	ssyncadd.s32 $0xFFFFC000  }
0x1b0: {  	[tilespmem:s22], [sflag:$0x1] =	stream.indirect.gather [hbm4b:s10+s20], $0x80, s7, s20, $0xb8;
	[tilespmem:$0x1CC00] =	vst v63  }
0x1b1: {  	_ = 	snop  }
0x1b2: {  	[spmem:s2] =	stream.indirect.scatter.add.f32 [tilespmem:s17], [sflag:$0x2], $0x80, s23, s20, $0xb8;
	[tilespmem:$0x1CC00] =	vst v63  }
0x1b3: {  	_ =	swait.ge [sflag:s18], $0x4000  }
0x1b4: {  	[sflag:s18] =	ssyncset.done $0x0  }
0x1b5: {  	[sflag:s18] =	ssyncadd.s32 $0xFFFFC000  }
0x1b6: {  	_ =	swait.ge [sflag:s21], $0x4000  }
0x1b7: {  	[sflag:s21] =	ssyncset.done $0x0  }
0x1b8: {  	[sflag:s21] =	ssyncadd.s32 $0xFFFFC000  }
0x1b9: {  	[tilespmem:s17], [sflag:$0x1] =	stream.indirect.gather [hbm4b:s10+s20], $0x80, s24, s20, $0xb8;
	[tilespmem:$0x1CC00] =	vst v63  }
0x1ba: {  	_ = 	snop  }
0x1bb: {  	[spmem:s2] =	stream.indirect.scatter.add.f32 [tilespmem:s22], [sflag:$0x2], $0x80, s25, s20, $0xb8;
	[tilespmem:$0x1CC00] =	vst v63  }
0x1bc: {  	_ =	swait.ge [sflag:s18], $0x4000  }
0x1bd: {  	[sflag:s18] =	ssyncset.done $0x0  }
0x1be: {  	[sflag:s18] =	ssyncadd.s32 $0xFFFFC000  }
0x1bf: {  	_ =	swait.ge [sflag:s21], $0x4000  }
0x1c0: {  	[sflag:s21] =	ssyncset.done $0x0  }
0x1c1: {  	[sflag:s21] =	ssyncadd.s32 $0xFFFFC000  }
0x1c2: {  	[tilespmem:s22], [sflag:$0x1] =	stream.indirect.gather [hbm4b:s10+s20], $0x80, s26, s20, $0xb8;
	[tilespmem:$0x1CC00] =	vst v63  }
0x1c3: {  	_ = 	snop  }
0x1c4: {  	[spmem:s2] =	stream.indirect.scatter.add.f32 [tilespmem:s17], [sflag:$0x2], $0x80, s28, s20, $0xb8;
	[tilespmem:$0x1CC00] =	vst v63  }
0x1c5: {  	_ =	swait.ge [sflag:s18], $0x4000  }
0x1c6: {  	[sflag:s18] =	ssyncset.done $0x0  }
0x1c7: {  	[sflag:s18] =	ssyncadd.s32 $0xFFFFC000  }
0x1c8: {  	_ =	swait.ge [sflag:s21], $0x4000  }
0x1c9: {  	[sflag:s21] =	ssyncset.done $0x0  }
0x1ca: {  	[sflag:s21] =	ssyncadd.s32 $0xFFFFC000  }
0x1cb: {  	[tilespmem:s17], [sflag:$0x1] =	stream.indirect.gather [hbm4b:s10+s20], $0x80, s29, s20, $0xb8;
	[tilespmem:$0x1CC00] =	vst v63  }
0x1cc: {  	_ = 	snop  }
0x1cd: {  	[spmem:s2] =	stream.indirect.scatter.add.f32 [tilespmem:s22], [sflag:$0x2], $0x80, s30, s20, $0xb8;
	[tilespmem:$0x1CC00] =	vst v63  }
0x1ce: {  	_ =	swait.ge [sflag:s18], $0x4000  }
0x1cf: {  	[sflag:s18] =	ssyncset.done $0x0  }
0x1d0: {  	[sflag:s18] =	ssyncadd.s32 $0xFFFFC000  }
0x1d1: {  	_ =	swait.ge [sflag:s21], $0x4000  }
0x1d2: {  	[sflag:s21] =	ssyncset.done $0x0  }
0x1d3: {  	[sflag:s21] =	ssyncadd.s32 $0xFFFFC000  }
0x1d4: {  	[tilespmem:s22], [sflag:$0x1] =	stream.indirect.gather [hbm4b:s10+s20], $0x80, s31, s20, $0xb8;
	[tilespmem:$0x1CC00] =	vst v63  }
0x1d5: {  	_ = 	snop  }
0x1d6: {  	[spmem:s2] =	stream.indirect.scatter.add.f32 [tilespmem:s17], [sflag:$0x2], $0x80, s0, s20, $0xb8;
	[tilespmem:$0x1CC00] =	vst v63  }
0x1d7: {  	_ =	swait.ge [sflag:s18], $0x4000  }
0x1d8: {  	[sflag:s18] =	ssyncset.done $0x0  }
0x1d9: {  	[sflag:s18] =	ssyncadd.s32 $0xFFFFC000  }
0x1da: {  	_ =	swait.ge [sflag:s21], $0x4000  }
0x1db: {  	[sflag:s21] =	ssyncset.done $0x0  }
0x1dc: {  	[sflag:s21] =	ssyncadd.s32 $0xFFFFC000  }
0x1dd: {  	[tilespmem:s17], [sflag:$0x1] =	stream.indirect.gather [hbm4b:s10+s20], $0x80, s1, s20, $0xb8;
	[tilespmem:$0x1CC00] =	vst v63  }
0x1de: {  	_ = 	snop  }
0x1df: {  	[spmem:s2] =	stream.indirect.scatter.add.f32 [tilespmem:s22], [sflag:$0x2], $0x80, s4, s20, $0xb8;
	[tilespmem:$0x1CC00] =	vst v63  }
0x1e0: {  	_ =	swait.ge [sflag:s18], $0x4000  }
0x1e1: {  	[sflag:s18] =	ssyncset.done $0x0  }
0x1e2: {  	[sflag:s18] =	ssyncadd.s32 $0xFFFFC000  }
0x1e3: {  	_ =	swait.ge [sflag:s21], $0x4000  }
0x1e4: {  	[sflag:s21] =	ssyncset.done $0x0  }
0x1e5: {  	[sflag:s21] =	ssyncadd.s32 $0xFFFFC000  }
0x1e6: {  	[tilespmem:s22], [sflag:$0x1] =	stream.indirect.gather [hbm4b:s10+s20], $0x80, s11, s20, $0xb8;
	[tilespmem:$0x1CC00] =	vst v63  }
0x1e7: {  	_ = 	snop  }
0x1e8: {  	[spmem:s2] =	stream.indirect.scatter.add.f32 [tilespmem:s17], [sflag:$0x2], $0x80, s12, s20, $0xb8;
	[tilespmem:$0x1CC00] =	vst v63  }
0x1e9: {  	_ =	swait.ge [sflag:s18], $0x4000  }
0x1ea: {  	[sflag:s18] =	ssyncset.done $0x0  }
0x1eb: {  	[sflag:s18] =	ssyncadd.s32 $0xFFFFC000  }
0x1ec: {  	_ =	swait.ge [sflag:s21], $0x4000  }
0x1ed: {  	[sflag:s21] =	ssyncset.done $0x0  }
0x1ee: {  	[sflag:s21] =	ssyncadd.s32 $0xFFFFC000  }
0x1ef: {  	[tilespmem:s17], [sflag:$0x1] =	stream.indirect.gather [hbm4b:s10+s20], $0x80, s13, s20, $0xb8;
	[tilespmem:$0x1CC00] =	vst v63  }
0x1f0: {  	_ = 	snop  }
0x1f1: {  	[spmem:s2] =	stream.indirect.scatter.add.f32 [tilespmem:s22], [sflag:$0x2], $0x80, s14, s20, $0xb8;
	[tilespmem:$0x1CC00] =	vst v63  }
0x1f2: {  	_ =	swait.ge [sflag:s18], $0x4000  }
0x1f3: {  	[sflag:s18] =	ssyncset.done $0x0  }
0x1f4: {  	[sflag:s18] =	ssyncadd.s32 $0xFFFFC000  }
0x1f5: {  	_ =	swait.ge [sflag:s21], $0x4000  }
0x1f6: {  	[sflag:s21] =	ssyncset.done $0x0  }
0x1f7: {  	[sflag:s21] =	ssyncadd.s32 $0xFFFFC000  }
0x1f8: {  	[tilespmem:s22], [sflag:$0x1] =	stream.indirect.gather [hbm4b:s10+s20], $0x80, s15, s20, $0xb8;
	[tilespmem:$0x1CC00] =	vst v63  }
0x1f9: {  	_ = 	snop  }
0x1fa: {  	[spmem:s2] =	stream.indirect.scatter.add.f32 [tilespmem:s17], [sflag:$0x2], $0x80, s16, s20, $0xb8;
	[tilespmem:$0x1CC00] =	vst v63  }
0x1fb: {  	_ =	swait.ge [sflag:s18], $0x4000  }
0x1fc: {  	[sflag:s18] =	ssyncset.done $0x0  }
0x1fd: {  	[sflag:s18] =	ssyncadd.s32 $0xFFFFC000  }
0x1fe: {  	_ =	swait.ge [sflag:s21], $0x4000  }
0x1ff: {  	[sflag:s21] =	ssyncset.done $0x0  }
0x200: {  	[sflag:s21] =	ssyncadd.s32 $0xFFFFC000  }
0x201: {  	[spmem:s2] =	stream.indirect.scatter.add.f32 [tilespmem:s22], [sflag:$0x2], $0x80, s6, s20, $0xb8;
	[tilespmem:$0x1CC00] =	vst v63  }
0x202: {  	_ =	swait.ge [sflag:s18], $0x4000  }
0x203: {  	[sflag:s18] =	ssyncset.done $0x0  }
0x204: {  	[sflag:s18] =	ssyncadd.s32 $0xFFFFC000  }
0x205: {  	[bflag:$0x0] =	sbarrier.arrive $0xFFFF  }
0x206: {  	s8 =	rddreg [dreg:$0x12]  }
0x207: {  	[tilespmem:s17], [sflag:$0x2] =	stream.linear.gather [spmem:s8], $0x4000, $0x38;
	[tilespmem:$0x1CC00] =	vst v63  }
0x208: {  	_ =	swait.ge [sflag:s18], $0x4000  }
0x209: {  	[sflag:s18] =	ssyncset.done $0x0  }
0x20a: {  	s9 =	rddreg [dreg:$0x17];
	[sflag:s18] =	ssyncadd.s32 $0xFFFFC000  }
0x20b: {  	[hbm4b:s9+s3] =	stream.linear.scatter [tilespmem:s17], [sflag:$0x2], $0x4000, $0x38;
	[tilespmem:$0x1CC00] =	vst v63  }
0x20c: {  	_ =	swait.ge [sflag:s18], $0x4000  }
0x20d: {  	[sflag:s18] =	ssyncset.done $0x0  }
0x20e: {  	s7 =	rddreg [dreg:$0x13];
	[sflag:s18] =	ssyncadd.s32 $0xFFFFC000  }
0x20f: {  	[tilespmem:s17], [sflag:$0x2] =	stream.linear.gather [spmem:s7], $0x4000, $0x38;
	[tilespmem:$0x1CC00] =	vst v63  }
0x210: {  	_ =	swait.ge [sflag:s18], $0x4000  }
0x211: {  	[sflag:s18] =	ssyncset.done $0x0  }
0x212: {  	s8 =	rddreg [dreg:$0x18];
	[sflag:s18] =	ssyncadd.s32 $0xFFFFC000  }
0x213: {  	[hbm4b:s8+s3] =	stream.linear.scatter [tilespmem:s17], [sflag:$0x2], $0x4000, $0x38;
	[tilespmem:$0x1CC00] =	vst v63  }
0x214: {  	_ =	swait.ge [sflag:s18], $0x4000  }
0x215: {  	[sflag:s18] =	ssyncset.done $0x0  }
0x216: {  	s7 =	rddreg [dreg:$0x14];
	[sflag:s18] =	ssyncadd.s32 $0xFFFFC000  }
0x217: {  	[tilespmem:s17], [sflag:$0x2] =	stream.linear.gather [spmem:s7], $0x4000, $0x38;
	[tilespmem:$0x1CC00] =	vst v63  }
0x218: {  	_ =	swait.ge [sflag:s18], $0x4000  }
0x219: {  	[sflag:s18] =	ssyncset.done $0x0  }
0x21a: {  	s9 =	rddreg [dreg:$0x19];
	[sflag:s18] =	ssyncadd.s32 $0xFFFFC000  }
0x21b: {  	[hbm4b:s9+s3] =	stream.linear.scatter [tilespmem:s17], [sflag:$0x2], $0x4000, $0x38;
	[tilespmem:$0x1CC00] =	vst v63  }
0x21c: {  	_ =	swait.ge [sflag:s18], $0x4000  }
0x21d: {  	[sflag:s18] =	ssyncset.done $0x0  }
0x21e: {  	s8 =	rddreg [dreg:$0x15];
	[sflag:s18] =	ssyncadd.s32 $0xFFFFC000  }
0x21f: {  	[tilespmem:s17], [sflag:$0x2] =	stream.linear.gather [spmem:s8], $0x4000, $0x38;
	[tilespmem:$0x1CC00] =	vst v63  }
0x220: {  	_ =	swait.ge [sflag:s18], $0x4000  }
0x221: {  	[sflag:s18] =	ssyncset.done $0x0  }
0x222: {  	s9 =	rddreg [dreg:$0x1a];
	[sflag:s18] =	ssyncadd.s32 $0xFFFFC000  }
0x223: {  	[hbm4b:s9+s3] =	stream.linear.scatter [tilespmem:s17], [sflag:$0x2], $0x4000, $0x38;
	[tilespmem:$0x1CC00] =	vst v63  }
0x224: {  	_ =	swait.ge [sflag:s18], $0x4000  }
0x225: {  	[sflag:s18] =	ssyncset.done $0x0  }
0x226: {  	s9 =	rddreg [dreg:$0x16];
	[sflag:s18] =	ssyncadd.s32 $0xFFFFC000  }
0x227: {  	[tilespmem:s17], [sflag:$0x2] =	stream.linear.gather [spmem:s9], $0x3C00, $0x38;
	[tilespmem:$0x1CC00] =	vst v63  }
0x228: {  	_ =	swait.ge [sflag:s18], $0x3C00  }
0x229: {  	[sflag:s18] =	ssyncset.done $0x0  }
0x22a: {  	s8 =	rddreg [dreg:$0x1b];
	[sflag:s18] =	ssyncadd.s32 $0xFFFFC400  }
0x22b: {  	[hbm4b:s8+s3] =	stream.linear.scatter [tilespmem:s17], [sflag:$0x2], $0x3C00, $0x38;
	[tilespmem:$0x1CC00] =	vst v63  }
0x22c: {  	_ =	swait.ge [sflag:s18], $0x3C00  }
0x22d: {  	s5 =	rddreg [dreg:$0x1d]  }
0x22e: {  	s8 =	sadd.s32 $0x1, s5;
	s5 =	rddreg [dreg:$0x1c]  }
0x22f: {  	p0 =	sne.s32 s8, s5  }
.Ltmp1:
0x230: {  	_ = 	snop;
	(pc) =	sbr.rel @p0 .LBB2_1-.Ltmp1, $3  }
0x231: {  	_ =	sdelay $0x1  }
0x232: {  	[sflag:s18] =	ssyncset.done $0x0;
	[dreg:$0x1d] =	wrdreg s8  }
0x233: {  	[sflag:s18] =	ssyncadd.s32 $0xFFFFC400;
	s8 =	rddreg [dreg:$0x12]  }
0x234: {  	_ =	sfence.sel $0x180000  }
0x235: {  	[bflag:$0x0] =	sbarrier.arrive $0xFFFF  }
0x236: {  	_ =	strace $0x9000004A  }
0x237: {  	s0 =	stileid.u32;
	[bflag:$0x2] =	sbarrier.arrive $0xFFFF  }
0x238: {  	p0 =	sne.s32 s0, $0x0;
	s0 =	rddreg [dreg:$0x3]  }
0x239: {  	s0 =	sadd.s32 @!p0 $0x100000, s0  }
0x23a: {  	[sflag:s0] =	ssyncadd.tile.s32 @!p0 $0x1;
	_ =	shalt  }
.Lfunc_end2:
_tile_overlayer_lowered:
.L_overlay_start_2:
0x23b: {  	(tag) =	ssettag $0x2  }
0x23c: {  	s0 =	rddreg [dreg:$0x0];
	s2 =	stileid.u32  }
0x23d: {  	s1 =	rddreg [dreg:$0x1];
	p0 =	sne.s32 s2, $0x0  }
0x23e: {  	s3 =	rddreg [dreg:$0x2];
	[bflag:$0x3] =	sbarrier.arrive $0xFFFF;
	s2 =	simm.s32 @!p0 $0x1C02  }
0x23f: {  	[timem:s3], [sflag:s2] =	dma.local @!p0 [hbm:s0], s1  }
0x240: {  	s0 =	simm.s32 @!p0 $0x2  }
0x241: {  	_ =	swait.ge @!p0 [sflag:s0], s1  }
0x242: {  	s1 =	ssub.s32 @!p0 $0x0, s1;
	[sflag:s0] =	ssyncset.done @!p0 $0x0  }
0x243: {  	[sflag:s0] =	ssyncadd.s32 @!p0 s1  }
0x244: {  	[bflag:$0x3] =	sbarrier.arrive $0xFFFF  }
0x245: {  	_ =	shalt  }

</sc_bundles>
